<compile_context>
chip_gen: v7x
topology: tpu7x:2x2x1
jax: 0.10.2.dev20260603
libtpu: 0.0.44.dev20260713+nightly
codegen_flags: <defaults>
</compile_context>

<pallas_src>
import functools

import jax
import jax.numpy as jnp
from jax import lax
from jax.experimental import pallas as pl
from jax.experimental.pallas import tpu as pltpu
from jax.experimental.pallas import tpu_sc as plsc

N = 10000
E = 320000
D = 128
NC = 2
NS = 16
NW = NC * NS
EPW = E // NW
CH = 40
NCHUNK = EPW // CH
NB = 5
G = NCHUNK // NB
CHD = 80
NCHD = EPW // CHD
GD = NCHD // NB
NP_ = 10240
RPT = NP_ // NS
DW = 16

_sc_mesh = plsc.VectorSubcoreMesh(core_axis_name="c", subcore_axis_name="s")


def _fill_vmem(ref, nrows, width, v16):

    def row(i, carry):
        for j in range(width // 16):
            ref[i, pl.ds(j * 16, 16)] = v16
        return carry

    lax.fori_loop(0, nrows, row, 0)


def _zero_acc_rows(buf, acc, row0, sems):
    nr = buf.shape[0]
    ns = len(sems)
    _fill_vmem(buf, nr, D, jnp.zeros((16,), jnp.float32))
    nco = RPT // nr
    descs = [pltpu.async_copy(buf, acc.at[pl.ds(row0 + k * nr, nr)], sems[k % ns])
             for k in range(nco)]
    for d in descs:
        d.wait()


@functools.partial(
    pl.kernel,
    out_type=jax.ShapeDtypeStruct((NC, NP_, D), jnp.float32),
    scratch_types=(
        [pltpu.VMEM((CHD,), jnp.int32)] * NB
        + [pltpu.VMEM((CHD, D), jnp.float32)]
        + [pltpu.SemaphoreType.DMA] * (2 * NB)
        + [pltpu.VMEM_SHARED((NP_, D), jnp.float32)]
    ),
    mesh=_sc_mesh,
)
def _deg_call(dst_hbm, out_hbm, *sc):
    dsts = sc[0:NB]
    ones_v = sc[NB]
    isem = sc[NB + 1:NB + 1 + NB]
    ssem = sc[NB + 1 + NB:NB + 1 + 2 * NB]
    acc = sc[-1]
    c = lax.axis_index("c")
    s = lax.axis_index("s")
    w = s * NC + c
    row0 = s * RPT
    _zero_acc_rows(ones_v, acc, row0, ssem)
    _fill_vmem(ones_v, CHD, D, jnp.ones((16,), jnp.float32))
    plsc.subcore_barrier()

    def idx_load(k, b):
        pltpu.async_copy(dst_hbm.at[pl.ds(w * EPW + k * CHD, CHD)], dsts[b], isem[b])

    for b in range(NB):
        idx_load(b, b)

    def group(g, carry):
        sdesc = [None] * NB
        for b in range(NB):
            pltpu.make_async_copy(dst_hbm.at[pl.ds(0, CHD)], dsts[b], isem[b]).wait()
            sdesc[b] = pltpu.async_copy(ones_v, acc.at[dsts[b]], ssem[b], add=True)
        for b in range(NB):
            @pl.when(g < GD - 1)
            def _():
                sdesc[b].wait()
                idx_load((g + 1) * NB + b, b)
        return carry

    lax.fori_loop(0, GD, group, 0)
    for b in range(NB):
        pltpu.make_async_copy(out_hbm.at[c, pl.ds(0, CHD)], ones_v, ssem[b]).wait()
    plsc.subcore_barrier()
    pltpu.sync_copy(acc.at[pl.ds(row0, RPT)], out_hbm.at[c, pl.ds(row0, RPT)])


@functools.partial(
    pl.kernel,
    out_type=jax.ShapeDtypeStruct((NC, NP_, D), jnp.float32),
    scratch_types=(
        [pltpu.VMEM((CH,), jnp.int32)] * (2 * NB)
        + [pltpu.VMEM((CH, D), jnp.float32)] * NB
        + [pltpu.SemaphoreType.DMA] * (3 * NB)
        + [pltpu.VMEM_SHARED((NP_, D), jnp.float32)]
    ),
    mesh=_sc_mesh,
)
def _agg_call(g_hbm, src_hbm, dst_hbm, out_hbm, *sc):
    srcs = sc[0:NB]
    dsts = sc[NB:2 * NB]
    bufs = sc[2 * NB:3 * NB]
    isem = sc[3 * NB:4 * NB]
    gsem = sc[4 * NB:5 * NB]
    ssem = sc[5 * NB:6 * NB]
    acc = sc[-1]
    c = lax.axis_index("c")
    s = lax.axis_index("s")
    w = s * NC + c
    row0 = s * RPT
    _zero_acc_rows(bufs[0], acc, row0, ssem)
    plsc.subcore_barrier()

    def idx_load(k, b):
        base = w * EPW + k * CH
        pltpu.async_copy(src_hbm.at[pl.ds(base, CH)], srcs[b], isem[b])
        pltpu.async_copy(dst_hbm.at[pl.ds(base, CH)], dsts[b], isem[b])

    for b in range(NB):
        idx_load(b, b)

    def group(g, carry):
        gdesc, sdesc = [None] * NB, [None] * NB
        for b in range(NB):
            pltpu.make_async_copy(src_hbm.at[pl.ds(0, CH)], srcs[b], isem[b]).wait()
            pltpu.make_async_copy(src_hbm.at[pl.ds(0, CH)], dsts[b], isem[b]).wait()
            gdesc[b] = pltpu.async_copy(g_hbm.at[srcs[b]], bufs[b], gsem[b])
        for b in range(NB):
            gdesc[b].wait()
            sdesc[b] = pltpu.async_copy(bufs[b], acc.at[dsts[b]], ssem[b], add=True)
        for b in range(NB):
            @pl.when(g < G - 1)
            def _():
                sdesc[b].wait()
                idx_load((g + 1) * NB + b, b)
        return carry

    lax.fori_loop(0, G, group, 0)
    for b in range(NB):
        pltpu.make_async_copy(g_hbm.at[pl.ds(0, CH)], bufs[b], ssem[b]).wait()
    plsc.subcore_barrier()
    pltpu.sync_copy(acc.at[pl.ds(row0, RPT)], out_hbm.at[c, pl.ds(row0, RPT)])


_RB = 1000
_GRID = N // _RB


def _tc_mm_body(x_ref, w_ref, h_ref):
    h_ref[...] = jnp.dot(x_ref[...], w_ref[...], preferred_element_type=jnp.float32)


def _tc_mm(x, W1):
    return pl.pallas_call(
        _tc_mm_body,
        grid=(_GRID,),
        in_specs=[
            pl.BlockSpec((_RB, D), lambda i: (i, 0)),
            pl.BlockSpec((D, D), lambda i: (0, 0)),
        ],
        out_specs=pl.BlockSpec((_RB, D), lambda i: (i, 0)),
        out_shape=jax.ShapeDtypeStruct((N, D), jnp.float32),
    )(x, W1)


def _tc_scale_body(h_ref, deg_ref, g_ref, s_ref):
    sv = lax.rsqrt(deg_ref[0, :, :DW] + deg_ref[1, :, :DW] + 1.0)
    s_ref[...] = sv
    g_ref[...] = h_ref[...] * sv[:, 0:1]


def _tc_scale(h, deg2):
    return pl.pallas_call(
        _tc_scale_body,
        grid=(_GRID,),
        in_specs=[
            pl.BlockSpec((_RB, D), lambda i: (i, 0)),
            pl.BlockSpec((NC, _RB, D), lambda i: (0, i, 0)),
        ],
        out_specs=[
            pl.BlockSpec((_RB, D), lambda i: (i, 0)),
            pl.BlockSpec((_RB, DW), lambda i: (i, 0)),
        ],
        out_shape=[
            jax.ShapeDtypeStruct((N, D), jnp.float32),
            jax.ShapeDtypeStruct((N, DW), jnp.float32),
        ],
    )(h, deg2)


def _tc_mid_body(agg_ref, g_ref, s_ref, b_ref, w_ref, gn_ref):
    s1 = s_ref[:, 0:1]
    z = s1 * (agg_ref[0] + agg_ref[1] + g_ref[...]) + b_ref[...]
    x2 = jnp.maximum(z, 0.0)
    gn_ref[...] = s1 * jnp.dot(x2, w_ref[...], preferred_element_type=jnp.float32)


def _tc_mid(agg, g, s16, b, Wn):
    return pl.pallas_call(
        _tc_mid_body,
        grid=(_GRID,),
        in_specs=[
            pl.BlockSpec((NC, _RB, D), lambda i: (0, i, 0)),
            pl.BlockSpec((_RB, D), lambda i: (i, 0)),
            pl.BlockSpec((_RB, DW), lambda i: (i, 0)),
            pl.BlockSpec((1, D), lambda i: (0, 0)),
            pl.BlockSpec((D, D), lambda i: (0, 0)),
        ],
        out_specs=pl.BlockSpec((_RB, D), lambda i: (i, 0)),
        out_shape=jax.ShapeDtypeStruct((N, D), jnp.float32),
    )(agg, g, s16, b, Wn)


def _tc_last_body(agg_ref, g_ref, s_ref, b_ref, out_ref):
    s1 = s_ref[:, 0:1]
    out_ref[...] = s1 * (agg_ref[0] + agg_ref[1] + g_ref[...]) + b_ref[...]


def _tc_last(agg, g, s16, b):
    return pl.pallas_call(
        _tc_last_body,
        grid=(_GRID,),
        in_specs=[
            pl.BlockSpec((NC, _RB, D), lambda i: (0, i, 0)),
            pl.BlockSpec((_RB, D), lambda i: (i, 0)),
            pl.BlockSpec((_RB, DW), lambda i: (i, 0)),
            pl.BlockSpec((1, D), lambda i: (0, 0)),
        ],
        out_specs=pl.BlockSpec((_RB, D), lambda i: (i, 0)),
        out_shape=jax.ShapeDtypeStruct((N, D), jnp.float32),
    )(agg, g, s16, b)


def kernel(x, edge_index, W1, b1, W2, b2, W3, b3):
    src = edge_index[0].astype(jnp.int32)
    dst = edge_index[1].astype(jnp.int32)
    deg2 = _deg_call(dst)
    h1 = _tc_mm(x, W1)
    g1, s16 = _tc_scale(h1, deg2)
    agg1 = _agg_call(g1, src, dst)
    g2 = _tc_mid(agg1, g1, s16, b1.reshape(1, D), W2)
    agg2 = _agg_call(g2, src, dst)
    g3 = _tc_mid(agg2, g2, s16, b2.reshape(1, D), W3)
    agg3 = _agg_call(g3, src, dst)
    return _tc_last(agg3, g3, s16, b3.reshape(1, D))

# --- scband reference (transcript-rebuilt; emitter-appended) ---
"""Pipeline reference for scband-simple-gcn-53996328845858 (READ-ONLY COPY).

The authoritative reference and input builder live on the scoring server;
editing this copy changes nothing except your own understanding.
"""

import jax, jax.numpy as jnp
import numpy as np

N_NODES = 10000
N_EDGES = 320000
D_IN = 128
D_HID = 128
D_OUT = 128


def setup_inputs(seed: int = 0) -> dict:
    key = jax.random.key(seed)
    ks = jax.random.split(key, 8)
    x = jax.random.normal(ks[0], (N_NODES, D_IN), dtype=jnp.float32)
    edge_index = jax.random.randint(ks[1], (2, N_EDGES), 0, N_NODES, dtype=jnp.int64)
    W1 = jax.random.normal(ks[2], (D_IN, D_HID), dtype=jnp.float32) * 0.05
    b1 = jnp.zeros((D_HID,), dtype=jnp.float32)
    W2 = jax.random.normal(ks[3], (D_HID, D_HID), dtype=jnp.float32) * 0.05
    b2 = jnp.zeros((D_HID,), dtype=jnp.float32)
    W3 = jax.random.normal(ks[4], (D_HID, D_OUT), dtype=jnp.float32) * 0.05
    b3 = jnp.zeros((D_OUT,), dtype=jnp.float32)
    return {"x": x, "edge_index": edge_index, "W1": W1, "b1": b1, "W2": W2, "b2": b2, "W3": W3, "b3": b3}


def gcn_conv(x, edge_index, W, b, n_nodes):
    # PyG GCNConv with add_self_loops=True and symmetric normalization.
    src = edge_index[0]
    dst = edge_index[1]
    loop = jnp.arange(n_nodes, dtype=src.dtype)
    src = jnp.concatenate([src, loop])
    dst = jnp.concatenate([dst, loop])
    ones = jnp.ones(src.shape[0], dtype=jnp.float32)
    deg = jnp.zeros((n_nodes,), dtype=jnp.float32).at[dst].add(ones)
    deg_inv_sqrt = jnp.where(deg > 0, 1.0 / jnp.sqrt(deg), 0.0)
    norm = deg_inv_sqrt[src] * deg_inv_sqrt[dst]
    h = x @ W
    msg = jnp.take(h, src, axis=0) * norm[:, None]
    out = jnp.zeros((n_nodes, h.shape[1]), dtype=h.dtype).at[dst].add(msg)
    return out + b


def reference(x, edge_index, W1, b1, W2, b2, W3, b3):
    # eval-mode forward: dropout is identity
    h = gcn_conv(x, edge_index, W1, b1, N_NODES)
    h = jax.nn.relu(h)
    h = gcn_conv(h, edge_index, W2, b2, N_NODES)
    h = jax.nn.relu(h)
    out = gcn_conv(h, edge_index, W3, b3, N_NODES)
    return out

if __name__ == "__main__":
    import jax
    _d = setup_inputs()
    print(jax.jit(kernel)(*tuple(_d.values())))

</pallas_src>

<mosaic_0001>
#map = affine_map<(d0, d1) -> (0, 0)>
#map1 = affine_map<(d0, d1) -> (0)>
#map2 = affine_map<(d0, d1) -> (0, 0, 0)>
module attributes {stable_mosaic.version = 14 : i64} {
  func.func @_agg_call(%arg0: i32, %arg1: i32, %arg2: memref<10000x128xf32, #tpu.memory_space<hbm>>, %arg3: memref<320000xi32, #tpu.memory_space<hbm>>, %arg4: memref<320000xi32, #tpu.memory_space<hbm>>, %arg5: memref<2x10240x128xf32, #tpu.memory_space<hbm>>, %arg6: memref<40xi32, #tpu.memory_space<vmem>>, %arg7: memref<40xi32, #tpu.memory_space<vmem>>, %arg8: memref<40xi32, #tpu.memory_space<vmem>>, %arg9: memref<40xi32, #tpu.memory_space<vmem>>, %arg10: memref<40xi32, #tpu.memory_space<vmem>>, %arg11: memref<40xi32, #tpu.memory_space<vmem>>, %arg12: memref<40xi32, #tpu.memory_space<vmem>>, %arg13: memref<40xi32, #tpu.memory_space<vmem>>, %arg14: memref<40xi32, #tpu.memory_space<vmem>>, %arg15: memref<40xi32, #tpu.memory_space<vmem>>, %arg16: memref<40x128xf32, #tpu.memory_space<vmem>>, %arg17: memref<40x128xf32, #tpu.memory_space<vmem>>, %arg18: memref<40x128xf32, #tpu.memory_space<vmem>>, %arg19: memref<40x128xf32, #tpu.memory_space<vmem>>, %arg20: memref<40x128xf32, #tpu.memory_space<vmem>>, %arg21: memref<!tpu.dma_semaphore, #tpu.memory_space<semaphore_mem>>, %arg22: memref<!tpu.dma_semaphore, #tpu.memory_space<semaphore_mem>>, %arg23: memref<!tpu.dma_semaphore, #tpu.memory_space<semaphore_mem>>, %arg24: memref<!tpu.dma_semaphore, #tpu.memory_space<semaphore_mem>>, %arg25: memref<!tpu.dma_semaphore, #tpu.memory_space<semaphore_mem>>, %arg26: memref<!tpu.dma_semaphore, #tpu.memory_space<semaphore_mem>>, %arg27: memref<!tpu.dma_semaphore, #tpu.memory_space<semaphore_mem>>, %arg28: memref<!tpu.dma_semaphore, #tpu.memory_space<semaphore_mem>>, %arg29: memref<!tpu.dma_semaphore, #tpu.memory_space<semaphore_mem>>, %arg30: memref<!tpu.dma_semaphore, #tpu.memory_space<semaphore_mem>>, %arg31: memref<!tpu.dma_semaphore, #tpu.memory_space<semaphore_mem>>, %arg32: memref<!tpu.dma_semaphore, #tpu.memory_space<semaphore_mem>>, %arg33: memref<!tpu.dma_semaphore, #tpu.memory_space<semaphore_mem>>, %arg34: memref<!tpu.dma_semaphore, #tpu.memory_space<semaphore_mem>>, %arg35: memref<!tpu.dma_semaphore, #tpu.memory_space<semaphore_mem>>, %arg36: memref<10240x128xf32, #tpu.memory_space<vmem_shared>>) attributes {dimension_semantics = [#tpu.dimension_semantics<core_parallel>, #tpu.dimension_semantics<subcore_parallel>], iteration_bounds = array<i64: 2, 16>, scalar_prefetch = 0 : i64, scratch_operands = 31 : i64, tpu.core_type = #tpu.core_type<sc_vector_subcore>, window_params = [{transform_indices = #map}, {transform_indices = #map1}, {transform_indices = #map1}, {transform_indices = #map2}]} {
    %mul3A = arith.constant 2 : i32
    %mul3A_0 = arith.muli %arg1, %mul3A : i32
    %add3A = arith.addi %mul3A_0, %arg0 : i32
    %mul3A_1 = arith.constant 640 : i32
    %mul3A_2 = arith.muli %arg1, %mul3A_1 : i32
    %broadcast_in_dim3A = arith.constant 0.000000e+00 : f32
    %broadcast_in_dim3A_3 = vector.broadcast %broadcast_in_dim3A : f32 to vector<16xf32>
    %scan3A = arith.constant 0 : i32
    %scan3A_4 = arith.constant 0 : i32
    %scan3A_5 = arith.constant 40 : i32
    %scan3A_6 = arith.addi %scan3A_4, %scan3A_5 : i32
    %scan3A_7 = arith.constant 1 : i32
    scf.for %scan3A_244 = %scan3A_4 to %scan3A_6 step %scan3A_7  : i32 {
      %swap3A = arith.index_cast %scan3A_244 : i32 to index
      %swap3A_245 = arith.constant 0 : index
      %swap3A_246 = tpu.vector_load %arg16[%swap3A, %swap3A_245] {strides = array<i32>} : memref<40x128xf32, #tpu.memory_space<vmem>>, vector<1x16xf32>,
      %swap3A_247 = vector.shape_cast %swap3A_246 : vector<1x16xf32> to vector<16xf32>
      %swap3A_248 = vector.shape_cast %broadcast_in_dim3A_3 : vector<16xf32> to vector<1x16xf32>
      tpu.vector_store %arg16[%swap3A, %swap3A_245], %swap3A_248 {strides = array<i32>} : memref<40x128xf32, #tpu.memory_space<vmem>>, vector<1x16xf32>,
      %swap3A_249 = arith.index_cast %scan3A_244 : i32 to index
      %swap3A_250 = arith.constant 16 : index
      %swap3A_251 = tpu.vector_load %arg16[%swap3A_249, %swap3A_250] {strides = array<i32>} : memref<40x128xf32, #tpu.memory_space<vmem>>, vector<1x16xf32>,
      %swap3A_252 = vector.shape_cast %swap3A_251 : vector<1x16xf32> to vector<16xf32>
      %swap3A_253 = vector.shape_cast %broadcast_in_dim3A_3 : vector<16xf32> to vector<1x16xf32>
      tpu.vector_store %arg16[%swap3A_249, %swap3A_250], %swap3A_253 {strides = array<i32>} : memref<40x128xf32, #tpu.memory_space<vmem>>, vector<1x16xf32>,
      %swap3A_254 = arith.index_cast %scan3A_244 : i32 to index
      %swap3A_255 = arith.constant 32 : index
      %swap3A_256 = tpu.vector_load %arg16[%swap3A_254, %swap3A_255] {strides = array<i32>} : memref<40x128xf32, #tpu.memory_space<vmem>>, vector<1x16xf32>,
      %swap3A_257 = vector.shape_cast %swap3A_256 : vector<1x16xf32> to vector<16xf32>
      %swap3A_258 = vector.shape_cast %broadcast_in_dim3A_3 : vector<16xf32> to vector<1x16xf32>
      tpu.vector_store %arg16[%swap3A_254, %swap3A_255], %swap3A_258 {strides = array<i32>} : memref<40x128xf32, #tpu.memory_space<vmem>>, vector<1x16xf32>,
      %swap3A_259 = arith.index_cast %scan3A_244 : i32 to index
      %swap3A_260 = arith.constant 48 : index
      %swap3A_261 = tpu.vector_load %arg16[%swap3A_259, %swap3A_260] {strides = array<i32>} : memref<40x128xf32, #tpu.memory_space<vmem>>, vector<1x16xf32>,
      %swap3A_262 = vector.shape_cast %swap3A_261 : vector<1x16xf32> to vector<16xf32>
      %swap3A_263 = vector.shape_cast %broadcast_in_dim3A_3 : vector<16xf32> to vector<1x16xf32>
      tpu.vector_store %arg16[%swap3A_259, %swap3A_260], %swap3A_263 {strides = array<i32>} : memref<40x128xf32, #tpu.memory_space<vmem>>, vector<1x16xf32>,
      %swap3A_264 = arith.index_cast %scan3A_244 : i32 to index
      %swap3A_265 = arith.constant 64 : index
      %swap3A_266 = tpu.vector_load %arg16[%swap3A_264, %swap3A_265] {strides = array<i32>} : memref<40x128xf32, #tpu.memory_space<vmem>>, vector<1x16xf32>,
      %swap3A_267 = vector.shape_cast %swap3A_266 : vector<1x16xf32> to vector<16xf32>
      %swap3A_268 = vector.shape_cast %broadcast_in_dim3A_3 : vector<16xf32> to vector<1x16xf32>
      tpu.vector_store %arg16[%swap3A_264, %swap3A_265], %swap3A_268 {strides = array<i32>} : memref<40x128xf32, #tpu.memory_space<vmem>>, vector<1x16xf32>,
      %swap3A_269 = arith.index_cast %scan3A_244 : i32 to index
      %swap3A_270 = arith.constant 80 : index
      %swap3A_271 = tpu.vector_load %arg16[%swap3A_269, %swap3A_270] {strides = array<i32>} : memref<40x128xf32, #tpu.memory_space<vmem>>, vector<1x16xf32>,
      %swap3A_272 = vector.shape_cast %swap3A_271 : vector<1x16xf32> to vector<16xf32>
      %swap3A_273 = vector.shape_cast %broadcast_in_dim3A_3 : vector<16xf32> to vector<1x16xf32>
      tpu.vector_store %arg16[%swap3A_269, %swap3A_270], %swap3A_273 {strides = array<i32>} : memref<40x128xf32, #tpu.memory_space<vmem>>, vector<1x16xf32>,
      %swap3A_274 = arith.index_cast %scan3A_244 : i32 to index
      %swap3A_275 = arith.constant 96 : index
      %swap3A_276 = tpu.vector_load %arg16[%swap3A_274, %swap3A_275] {strides = array<i32>} : memref<40x128xf32, #tpu.memory_space<vmem>>, vector<1x16xf32>,
      %swap3A_277 = vector.shape_cast %swap3A_276 : vector<1x16xf32> to vector<16xf32>
      %swap3A_278 = vector.shape_cast %broadcast_in_dim3A_3 : vector<16xf32> to vector<1x16xf32>
      tpu.vector_store %arg16[%swap3A_274, %swap3A_275], %swap3A_278 {strides = array<i32>} : memref<40x128xf32, #tpu.memory_space<vmem>>, vector<1x16xf32>,
      %swap3A_279 = arith.index_cast %scan3A_244 : i32 to index
      %swap3A_280 = arith.constant 112 : index
      %swap3A_281 = tpu.vector_load %arg16[%swap3A_279, %swap3A_280] {strides = array<i32>} : memref<40x128xf32, #tpu.memory_space<vmem>>, vector<1x16xf32>,
      %swap3A_282 = vector.shape_cast %swap3A_281 : vector<1x16xf32> to vector<16xf32>
      %swap3A_283 = vector.shape_cast %broadcast_in_dim3A_3 : vector<16xf32> to vector<1x16xf32>
      tpu.vector_store %arg16[%swap3A_279, %swap3A_280], %swap3A_283 {strides = array<i32>} : memref<40x128xf32, #tpu.memory_space<vmem>>, vector<1x16xf32>,
    }
    %scan3A_8 = arith.constant 40 : i32
    %add3A_9 = arith.constant 0 : i32
    %add3A_10 = arith.addi %mul3A_2, %add3A_9 : i32
    %dma_start3A = arith.constant 0 : i32
    %dma_start3A_11 = tpu.memref_slice %arg36[%add3A_10, %dma_start3A] : memref<10240x128xf32, #tpu.memory_space<vmem_shared>> -> memref<40x128xf32, #tpu.memory_space<vmem_shared>>
    %dma_start3A_12 = arith.constant 0 : i32
    %dma_start3A_13 = tpu.memref_slice %arg36[%add3A_10, %dma_start3A_12] : memref<10240x128xf32, #tpu.memory_space<vmem_shared>> -> memref<40x128xf32, #tpu.memory_space<vmem_shared>>
    tpu.enqueue_dma source(%arg16 : memref<40x128xf32, #tpu.memory_space<vmem>>) target(%dma_start3A_13 : memref<40x128xf32, #tpu.memory_space<vmem_shared>>) target_semaphore(%arg31 : memref<!tpu.dma_semaphore, #tpu.memory_space<semaphore_mem>>)
    %add3A_14 = arith.constant 40 : i32
    %add3A_15 = arith.addi %mul3A_2, %add3A_14 : i32
    %dma_start3A_16 = arith.constant 0 : i32
    %dma_start3A_17 = tpu.memref_slice %arg36[%add3A_15, %dma_start3A_16] : memref<10240x128xf32, #tpu.memory_space<vmem_shared>> -> memref<40x128xf32, #tpu.memory_space<vmem_shared>>
    %dma_start3A_18 = arith.constant 0 : i32
    %dma_start3A_19 = tpu.memref_slice %arg36[%add3A_15, %dma_start3A_18] : memref<10240x128xf32, #tpu.memory_space<vmem_shared>> -> memref<40x128xf32, #tpu.memory_space<vmem_shared>>
    tpu.enqueue_dma source(%arg16 : memref<40x128xf32, #tpu.memory_space<vmem>>) target(%dma_start3A_19 : memref<40x128xf32, #tpu.memory_space<vmem_shared>>) target_semaphore(%arg32 : memref<!tpu.dma_semaphore, #tpu.memory_space<semaphore_mem>>)
    %add3A_20 = arith.constant 80 : i32
    %add3A_21 = arith.addi %mul3A_2, %add3A_20 : i32
    %dma_start3A_22 = arith.constant 0 : i32
    %dma_start3A_23 = tpu.memref_slice %arg36[%add3A_21, %dma_start3A_22] : memref<10240x128xf32, #tpu.memory_space<vmem_shared>> -> memref<40x128xf32, #tpu.memory_space<vmem_shared>>
    %dma_start3A_24 = arith.constant 0 : i32
    %dma_start3A_25 = tpu.memref_slice %arg36[%add3A_21, %dma_start3A_24] : memref<10240x128xf32, #tpu.memory_space<vmem_shared>> -> memref<40x128xf32, #tpu.memory_space<vmem_shared>>
    tpu.enqueue_dma source(%arg16 : memref<40x128xf32, #tpu.memory_space<vmem>>) target(%dma_start3A_25 : memref<40x128xf32, #tpu.memory_space<vmem_shared>>) target_semaphore(%arg33 : memref<!tpu.dma_semaphore, #tpu.memory_space<semaphore_mem>>)
    %add3A_26 = arith.constant 120 : i32
    %add3A_27 = arith.addi %mul3A_2, %add3A_26 : i32
    %dma_start3A_28 = arith.constant 0 : i32
    %dma_start3A_29 = tpu.memref_slice %arg36[%add3A_27, %dma_start3A_28] : memref<10240x128xf32, #tpu.memory_space<vmem_shared>> -> memref<40x128xf32, #tpu.memory_space<vmem_shared>>
    %dma_start3A_30 = arith.constant 0 : i32
    %dma_start3A_31 = tpu.memref_slice %arg36[%add3A_27, %dma_start3A_30] : memref<10240x128xf32, #tpu.memory_space<vmem_shared>> -> memref<40x128xf32, #tpu.memory_space<vmem_shared>>
    tpu.enqueue_dma source(%arg16 : memref<40x128xf32, #tpu.memory_space<vmem>>) target(%dma_start3A_31 : memref<40x128xf32, #tpu.memory_space<vmem_shared>>) target_semaphore(%arg34 : memref<!tpu.dma_semaphore, #tpu.memory_space<semaphore_mem>>)
    %add3A_32 = arith.constant 160 : i32
    %add3A_33 = arith.addi %mul3A_2, %add3A_32 : i32
    %dma_start3A_34 = arith.constant 0 : i32
    %dma_start3A_35 = tpu.memref_slice %arg36[%add3A_33, %dma_start3A_34] : memref<10240x128xf32, #tpu.memory_space<vmem_shared>> -> memref<40x128xf32, #tpu.memory_space<vmem_shared>>
    %dma_start3A_36 = arith.constant 0 : i32
    %dma_start3A_37 = tpu.memref_slice %arg36[%add3A_33, %dma_start3A_36] : memref<10240x128xf32, #tpu.memory_space<vmem_shared>> -> memref<40x128xf32, #tpu.memory_space<vmem_shared>>
    tpu.enqueue_dma source(%arg16 : memref<40x128xf32, #tpu.memory_space<vmem>>) target(%dma_start3A_37 : memref<40x128xf32, #tpu.memory_space<vmem_shared>>) target_semaphore(%arg35 : memref<!tpu.dma_semaphore, #tpu.memory_space<semaphore_mem>>)
    %add3A_38 = arith.constant 200 : i32
    %add3A_39 = arith.addi %mul3A_2, %add3A_38 : i32
    %dma_start3A_40 = arith.constant 0 : i32
    %dma_start3A_41 = tpu.memref_slice %arg36[%add3A_39, %dma_start3A_40] : memref<10240x128xf32, #tpu.memory_space<vmem_shared>> -> memref<40x128xf32, #tpu.memory_space<vmem_shared>>
    %dma_start3A_42 = arith.constant 0 : i32
    %dma_start3A_43 = tpu.memref_slice %arg36[%add3A_39, %dma_start3A_42] : memref<10240x128xf32, #tpu.memory_space<vmem_shared>> -> memref<40x128xf32, #tpu.memory_space<vmem_shared>>
    tpu.enqueue_dma source(%arg16 : memref<40x128xf32, #tpu.memory_space<vmem>>) target(%dma_start3A_43 : memref<40x128xf32, #tpu.memory_space<vmem_shared>>) target_semaphore(%arg31 : memref<!tpu.dma_semaphore, #tpu.memory_space<semaphore_mem>>)
    %add3A_44 = arith.constant 240 : i32
    %add3A_45 = arith.addi %mul3A_2, %add3A_44 : i32
    %dma_start3A_46 = arith.constant 0 : i32
    %dma_start3A_47 = tpu.memref_slice %arg36[%add3A_45, %dma_start3A_46] : memref<10240x128xf32, #tpu.memory_space<vmem_shared>> -> memref<40x128xf32, #tpu.memory_space<vmem_shared>>
    %dma_start3A_48 = arith.constant 0 : i32
    %dma_start3A_49 = tpu.memref_slice %arg36[%add3A_45, %dma_start3A_48] : memref<10240x128xf32, #tpu.memory_space<vmem_shared>> -> memref<40x128xf32, #tpu.memory_space<vmem_shared>>
    tpu.enqueue_dma source(%arg16 : memref<40x128xf32, #tpu.memory_space<vmem>>) target(%dma_start3A_49 : memref<40x128xf32, #tpu.memory_space<vmem_shared>>) target_semaphore(%arg32 : memref<!tpu.dma_semaphore, #tpu.memory_space<semaphore_mem>>)
    %add3A_50 = arith.constant 280 : i32
    %add3A_51 = arith.addi %mul3A_2, %add3A_50 : i32
    %dma_start3A_52 = arith.constant 0 : i32
    %dma_start3A_53 = tpu.memref_slice %arg36[%add3A_51, %dma_start3A_52] : memref<10240x128xf32, #tpu.memory_space<vmem_shared>> -> memref<40x128xf32, #tpu.memory_space<vmem_shared>>
    %dma_start3A_54 = arith.constant 0 : i32
    %dma_start3A_55 = tpu.memref_slice %arg36[%add3A_51, %dma_start3A_54] : memref<10240x128xf32, #tpu.memory_space<vmem_shared>> -> memref<40x128xf32, #tpu.memory_space<vmem_shared>>
    tpu.enqueue_dma source(%arg16 : memref<40x128xf32, #tpu.memory_space<vmem>>) target(%dma_start3A_55 : memref<40x128xf32, #tpu.memory_space<vmem_shared>>) target_semaphore(%arg33 : memref<!tpu.dma_semaphore, #tpu.memory_space<semaphore_mem>>)
    %add3A_56 = arith.constant 320 : i32
    %add3A_57 = arith.addi %mul3A_2, %add3A_56 : i32
    %dma_start3A_58 = arith.constant 0 : i32
    %dma_start3A_59 = tpu.memref_slice %arg36[%add3A_57, %dma_start3A_58] : memref<10240x128xf32, #tpu.memory_space<vmem_shared>> -> memref<40x128xf32, #tpu.memory_space<vmem_shared>>
    %dma_start3A_60 = arith.constant 0 : i32
    %dma_start3A_61 = tpu.memref_slice %arg36[%add3A_57, %dma_start3A_60] : memref<10240x128xf32, #tpu.memory_space<vmem_shared>> -> memref<40x128xf32, #tpu.memory_space<vmem_shared>>
    tpu.enqueue_dma source(%arg16 : memref<40x128xf32, #tpu.memory_space<vmem>>) target(%dma_start3A_61 : memref<40x128xf32, #tpu.memory_space<vmem_shared>>) target_semaphore(%arg34 : memref<!tpu.dma_semaphore, #tpu.memory_space<semaphore_mem>>)
    %add3A_62 = arith.constant 360 : i32
    %add3A_63 = arith.addi %mul3A_2, %add3A_62 : i32
    %dma_start3A_64 = arith.constant 0 : i32
    %dma_start3A_65 = tpu.memref_slice %arg36[%add3A_63, %dma_start3A_64] : memref<10240x128xf32, #tpu.memory_space<vmem_shared>> -> memref<40x128xf32, #tpu.memory_space<vmem_shared>>
    %dma_start3A_66 = arith.constant 0 : i32
    %dma_start3A_67 = tpu.memref_slice %arg36[%add3A_63, %dma_start3A_66] : memref<10240x128xf32, #tpu.memory_space<vmem_shared>> -> memref<40x128xf32, #tpu.memory_space<vmem_shared>>
    tpu.enqueue_dma source(%arg16 : memref<40x128xf32, #tpu.memory_space<vmem>>) target(%dma_start3A_67 : memref<40x128xf32, #tpu.memory_space<vmem_shared>>) target_semaphore(%arg35 : memref<!tpu.dma_semaphore, #tpu.memory_space<semaphore_mem>>)
    %add3A_68 = arith.constant 400 : i32
    %add3A_69 = arith.addi %mul3A_2, %add3A_68 : i32
    %dma_start3A_70 = arith.constant 0 : i32
    %dma_start3A_71 = tpu.memref_slice %arg36[%add3A_69, %dma_start3A_70] : memref<10240x128xf32, #tpu.memory_space<vmem_shared>> -> memref<40x128xf32, #tpu.memory_space<vmem_shared>>
    %dma_start3A_72 = arith.constant 0 : i32
    %dma_start3A_73 = tpu.memref_slice %arg36[%add3A_69, %dma_start3A_72] : memref<10240x128xf32, #tpu.memory_space<vmem_shared>> -> memref<40x128xf32, #tpu.memory_space<vmem_shared>>
    tpu.enqueue_dma source(%arg16 : memref<40x128xf32, #tpu.memory_space<vmem>>) target(%dma_start3A_73 : memref<40x128xf32, #tpu.memory_space<vmem_shared>>) target_semaphore(%arg31 : memref<!tpu.dma_semaphore, #tpu.memory_space<semaphore_mem>>)
    %add3A_74 = arith.constant 440 : i32
    %add3A_75 = arith.addi %mul3A_2, %add3A_74 : i32
    %dma_start3A_76 = arith.constant 0 : i32
    %dma_start3A_77 = tpu.memref_slice %arg36[%add3A_75, %dma_start3A_76] : memref<10240x128xf32, #tpu.memory_space<vmem_shared>> -> memref<40x128xf32, #tpu.memory_space<vmem_shared>>
    %dma_start3A_78 = arith.constant 0 : i32
    %dma_start3A_79 = tpu.memref_slice %arg36[%add3A_75, %dma_start3A_78] : memref<10240x128xf32, #tpu.memory_space<vmem_shared>> -> memref<40x128xf32, #tpu.memory_space<vmem_shared>>
    tpu.enqueue_dma source(%arg16 : memref<40x128xf32, #tpu.memory_space<vmem>>) target(%dma_start3A_79 : memref<40x128xf32, #tpu.memory_space<vmem_shared>>) target_semaphore(%arg32 : memref<!tpu.dma_semaphore, #tpu.memory_space<semaphore_mem>>)
    %add3A_80 = arith.constant 480 : i32
    %add3A_81 = arith.addi %mul3A_2, %add3A_80 : i32
    %dma_start3A_82 = arith.constant 0 : i32
    %dma_start3A_83 = tpu.memref_slice %arg36[%add3A_81, %dma_start3A_82] : memref<10240x128xf32, #tpu.memory_space<vmem_shared>> -> memref<40x128xf32, #tpu.memory_space<vmem_shared>>
    %dma_start3A_84 = arith.constant 0 : i32
    %dma_start3A_85 = tpu.memref_slice %arg36[%add3A_81, %dma_start3A_84] : memref<10240x128xf32, #tpu.memory_space<vmem_shared>> -> memref<40x128xf32, #tpu.memory_space<vmem_shared>>
    tpu.enqueue_dma source(%arg16 : memref<40x128xf32, #tpu.memory_space<vmem>>) target(%dma_start3A_85 : memref<40x128xf32, #tpu.memory_space<vmem_shared>>) target_semaphore(%arg33 : memref<!tpu.dma_semaphore, #tpu.memory_space<semaphore_mem>>)
    %add3A_86 = arith.constant 520 : i32
    %add3A_87 = arith.addi %mul3A_2, %add3A_86 : i32
    %dma_start3A_88 = arith.constant 0 : i32
    %dma_start3A_89 = tpu.memref_slice %arg36[%add3A_87, %dma_start3A_88] : memref<10240x128xf32, #tpu.memory_space<vmem_shared>> -> memref<40x128xf32, #tpu.memory_space<vmem_shared>>
    %dma_start3A_90 = arith.constant 0 : i32
    %dma_start3A_91 = tpu.memref_slice %arg36[%add3A_87, %dma_start3A_90] : memref<10240x128xf32, #tpu.memory_space<vmem_shared>> -> memref<40x128xf32, #tpu.memory_space<vmem_shared>>
    tpu.enqueue_dma source(%arg16 : memref<40x128xf32, #tpu.memory_space<vmem>>) target(%dma_start3A_91 : memref<40x128xf32, #tpu.memory_space<vmem_shared>>) target_semaphore(%arg34 : memref<!tpu.dma_semaphore, #tpu.memory_space<semaphore_mem>>)
    %add3A_92 = arith.constant 560 : i32
    %add3A_93 = arith.addi %mul3A_2, %add3A_92 : i32
    %dma_start3A_94 = arith.constant 0 : i32
    %dma_start3A_95 = tpu.memref_slice %arg36[%add3A_93, %dma_start3A_94] : memref<10240x128xf32, #tpu.memory_space<vmem_shared>> -> memref<40x128xf32, #tpu.memory_space<vmem_shared>>
    %dma_start3A_96 = arith.constant 0 : i32
    %dma_start3A_97 = tpu.memref_slice %arg36[%add3A_93, %dma_start3A_96] : memref<10240x128xf32, #tpu.memory_space<vmem_shared>> -> memref<40x128xf32, #tpu.memory_space<vmem_shared>>
    tpu.enqueue_dma source(%arg16 : memref<40x128xf32, #tpu.memory_space<vmem>>) target(%dma_start3A_97 : memref<40x128xf32, #tpu.memory_space<vmem_shared>>) target_semaphore(%arg35 : memref<!tpu.dma_semaphore, #tpu.memory_space<semaphore_mem>>)
    %add3A_98 = arith.constant 600 : i32
    %add3A_99 = arith.addi %mul3A_2, %add3A_98 : i32
    %dma_start3A_100 = arith.constant 0 : i32
    %dma_start3A_101 = tpu.memref_slice %arg36[%add3A_99, %dma_start3A_100] : memref<10240x128xf32, #tpu.memory_space<vmem_shared>> -> memref<40x128xf32, #tpu.memory_space<vmem_shared>>
    %dma_start3A_102 = arith.constant 0 : i32
    %dma_start3A_103 = tpu.memref_slice %arg36[%add3A_99, %dma_start3A_102] : memref<10240x128xf32, #tpu.memory_space<vmem_shared>> -> memref<40x128xf32, #tpu.memory_space<vmem_shared>>
    tpu.enqueue_dma source(%arg16 : memref<40x128xf32, #tpu.memory_space<vmem>>) target(%dma_start3A_103 : memref<40x128xf32, #tpu.memory_space<vmem_shared>>) target_semaphore(%arg31 : memref<!tpu.dma_semaphore, #tpu.memory_space<semaphore_mem>>)
    %dma_wait3A = arith.constant 0 : i32
    %dma_wait3A_104 = tpu.memref_slice %arg36[%add3A_10, %dma_wait3A] : memref<10240x128xf32, #tpu.memory_space<vmem_shared>> -> memref<40x128xf32, #tpu.memory_space<vmem_shared>>
    %dma_wait3A_105 = arith.constant 0 : i32
    %dma_wait3A_106 = tpu.memref_slice %arg36[%add3A_10, %dma_wait3A_105] : memref<10240x128xf32, #tpu.memory_space<vmem_shared>> -> memref<40x128xf32, #tpu.memory_space<vmem_shared>>
    tpu.wait_dma2 semaphore(%arg31 : memref<!tpu.dma_semaphore, #tpu.memory_space<semaphore_mem>>) src(%arg16 : memref<40x128xf32, #tpu.memory_space<vmem>>) dst(%dma_wait3A_106 : memref<40x128xf32, #tpu.memory_space<vmem_shared>>)
    %dma_wait3A_107 = arith.constant 0 : i32
    %dma_wait3A_108 = tpu.memref_slice %arg36[%add3A_15, %dma_wait3A_107] : memref<10240x128xf32, #tpu.memory_space<vmem_shared>> -> memref<40x128xf32, #tpu.memory_space<vmem_shared>>
    %dma_wait3A_109 = arith.constant 0 : i32
    %dma_wait3A_110 = tpu.memref_slice %arg36[%add3A_15, %dma_wait3A_109] : memref<10240x128xf32, #tpu.memory_space<vmem_shared>> -> memref<40x128xf32, #tpu.memory_space<vmem_shared>>
    tpu.wait_dma2 semaphore(%arg32 : memref<!tpu.dma_semaphore, #tpu.memory_space<semaphore_mem>>) src(%arg16 : memref<40x128xf32, #tpu.memory_space<vmem>>) dst(%dma_wait3A_110 : memref<40x128xf32, #tpu.memory_space<vmem_shared>>)
    %dma_wait3A_111 = arith.constant 0 : i32
    %dma_wait3A_112 = tpu.memref_slice %arg36[%add3A_21, %dma_wait3A_111] : memref<10240x128xf32, #tpu.memory_space<vmem_shared>> -> memref<40x128xf32, #tpu.memory_space<vmem_shared>>
    %dma_wait3A_113 = arith.constant 0 : i32
    %dma_wait3A_114 = tpu.memref_slice %arg36[%add3A_21, %dma_wait3A_113] : memref<10240x128xf32, #tpu.memory_space<vmem_shared>> -> memref<40x128xf32, #tpu.memory_space<vmem_shared>>
    tpu.wait_dma2 semaphore(%arg33 : memref<!tpu.dma_semaphore, #tpu.memory_space<semaphore_mem>>) src(%arg16 : memref<40x128xf32, #tpu.memory_space<vmem>>) dst(%dma_wait3A_114 : memref<40x128xf32, #tpu.memory_space<vmem_shared>>)
    %dma_wait3A_115 = arith.constant 0 : i32
    %dma_wait3A_116 = tpu.memref_slice %arg36[%add3A_27, %dma_wait3A_115] : memref<10240x128xf32, #tpu.memory_space<vmem_shared>> -> memref<40x128xf32, #tpu.memory_space<vmem_shared>>
    %dma_wait3A_117 = arith.constant 0 : i32
    %dma_wait3A_118 = tpu.memref_slice %arg36[%add3A_27, %dma_wait3A_117] : memref<10240x128xf32, #tpu.memory_space<vmem_shared>> -> memref<40x128xf32, #tpu.memory_space<vmem_shared>>
    tpu.wait_dma2 semaphore(%arg34 : memref<!tpu.dma_semaphore, #tpu.memory_space<semaphore_mem>>) src(%arg16 : memref<40x128xf32, #tpu.memory_space<vmem>>) dst(%dma_wait3A_118 : memref<40x128xf32, #tpu.memory_space<vmem_shared>>)
    %dma_wait3A_119 = arith.constant 0 : i32
    %dma_wait3A_120 = tpu.memref_slice %arg36[%add3A_33, %dma_wait3A_119] : memref<10240x128xf32, #tpu.memory_space<vmem_shared>> -> memref<40x128xf32, #tpu.memory_space<vmem_shared>>
    %dma_wait3A_121 = arith.constant 0 : i32
    %dma_wait3A_122 = tpu.memref_slice %arg36[%add3A_33, %dma_wait3A_121] : memref<10240x128xf32, #tpu.memory_space<vmem_shared>> -> memref<40x128xf32, #tpu.memory_space<vmem_shared>>
    tpu.wait_dma2 semaphore(%arg35 : memref<!tpu.dma_semaphore, #tpu.memory_space<semaphore_mem>>) src(%arg16 : memref<40x128xf32, #tpu.memory_space<vmem>>) dst(%dma_wait3A_122 : memref<40x128xf32, #tpu.memory_space<vmem_shared>>)
    %dma_wait3A_123 = arith.constant 0 : i32
    %dma_wait3A_124 = tpu.memref_slice %arg36[%add3A_39, %dma_wait3A_123] : memref<10240x128xf32, #tpu.memory_space<vmem_shared>> -> memref<40x128xf32, #tpu.memory_space<vmem_shared>>
    %dma_wait3A_125 = arith.constant 0 : i32
    %dma_wait3A_126 = tpu.memref_slice %arg36[%add3A_39, %dma_wait3A_125] : memref<10240x128xf32, #tpu.memory_space<vmem_shared>> -> memref<40x128xf32, #tpu.memory_space<vmem_shared>>
    tpu.wait_dma2 semaphore(%arg31 : memref<!tpu.dma_semaphore, #tpu.memory_space<semaphore_mem>>) src(%arg16 : memref<40x128xf32, #tpu.memory_space<vmem>>) dst(%dma_wait3A_126 : memref<40x128xf32, #tpu.memory_space<vmem_shared>>)
    %dma_wait3A_127 = arith.constant 0 : i32
    %dma_wait3A_128 = tpu.memref_slice %arg36[%add3A_45, %dma_wait3A_127] : memref<10240x128xf32, #tpu.memory_space<vmem_shared>> -> memref<40x128xf32, #tpu.memory_space<vmem_shared>>
    %dma_wait3A_129 = arith.constant 0 : i32
    %dma_wait3A_130 = tpu.memref_slice %arg36[%add3A_45, %dma_wait3A_129] : memref<10240x128xf32, #tpu.memory_space<vmem_shared>> -> memref<40x128xf32, #tpu.memory_space<vmem_shared>>
    tpu.wait_dma2 semaphore(%arg32 : memref<!tpu.dma_semaphore, #tpu.memory_space<semaphore_mem>>) src(%arg16 : memref<40x128xf32, #tpu.memory_space<vmem>>) dst(%dma_wait3A_130 : memref<40x128xf32, #tpu.memory_space<vmem_shared>>)
    %dma_wait3A_131 = arith.constant 0 : i32
    %dma_wait3A_132 = tpu.memref_slice %arg36[%add3A_51, %dma_wait3A_131] : memref<10240x128xf32, #tpu.memory_space<vmem_shared>> -> memref<40x128xf32, #tpu.memory_space<vmem_shared>>
    %dma_wait3A_133 = arith.constant 0 : i32
    %dma_wait3A_134 = tpu.memref_slice %arg36[%add3A_51, %dma_wait3A_133] : memref<10240x128xf32, #tpu.memory_space<vmem_shared>> -> memref<40x128xf32, #tpu.memory_space<vmem_shared>>
    tpu.wait_dma2 semaphore(%arg33 : memref<!tpu.dma_semaphore, #tpu.memory_space<semaphore_mem>>) src(%arg16 : memref<40x128xf32, #tpu.memory_space<vmem>>) dst(%dma_wait3A_134 : memref<40x128xf32, #tpu.memory_space<vmem_shared>>)
    %dma_wait3A_135 = arith.constant 0 : i32
    %dma_wait3A_136 = tpu.memref_slice %arg36[%add3A_57, %dma_wait3A_135] : memref<10240x128xf32, #tpu.memory_space<vmem_shared>> -> memref<40x128xf32, #tpu.memory_space<vmem_shared>>
    %dma_wait3A_137 = arith.constant 0 : i32
    %dma_wait3A_138 = tpu.memref_slice %arg36[%add3A_57, %dma_wait3A_137] : memref<10240x128xf32, #tpu.memory_space<vmem_shared>> -> memref<40x128xf32, #tpu.memory_space<vmem_shared>>
    tpu.wait_dma2 semaphore(%arg34 : memref<!tpu.dma_semaphore, #tpu.memory_space<semaphore_mem>>) src(%arg16 : memref<40x128xf32, #tpu.memory_space<vmem>>) dst(%dma_wait3A_138 : memref<40x128xf32, #tpu.memory_space<vmem_shared>>)
    %dma_wait3A_139 = arith.constant 0 : i32
    %dma_wait3A_140 = tpu.memref_slice %arg36[%add3A_63, %dma_wait3A_139] : memref<10240x128xf32, #tpu.memory_space<vmem_shared>> -> memref<40x128xf32, #tpu.memory_space<vmem_shared>>
    %dma_wait3A_141 = arith.constant 0 : i32
    %dma_wait3A_142 = tpu.memref_slice %arg36[%add3A_63, %dma_wait3A_141] : memref<10240x128xf32, #tpu.memory_space<vmem_shared>> -> memref<40x128xf32, #tpu.memory_space<vmem_shared>>
    tpu.wait_dma2 semaphore(%arg35 : memref<!tpu.dma_semaphore, #tpu.memory_space<semaphore_mem>>) src(%arg16 : memref<40x128xf32, #tpu.memory_space<vmem>>) dst(%dma_wait3A_142 : memref<40x128xf32, #tpu.memory_space<vmem_shared>>)
    %dma_wait3A_143 = arith.constant 0 : i32
    %dma_wait3A_144 = tpu.memref_slice %arg36[%add3A_69, %dma_wait3A_143] : memref<10240x128xf32, #tpu.memory_space<vmem_shared>> -> memref<40x128xf32, #tpu.memory_space<vmem_shared>>
    %dma_wait3A_145 = arith.constant 0 : i32
    %dma_wait3A_146 = tpu.memref_slice %arg36[%add3A_69, %dma_wait3A_145] : memref<10240x128xf32, #tpu.memory_space<vmem_shared>> -> memref<40x128xf32, #tpu.memory_space<vmem_shared>>
    tpu.wait_dma2 semaphore(%arg31 : memref<!tpu.dma_semaphore, #tpu.memory_space<semaphore_mem>>) src(%arg16 : memref<40x128xf32, #tpu.memory_space<vmem>>) dst(%dma_wait3A_146 : memref<40x128xf32, #tpu.memory_space<vmem_shared>>)
    %dma_wait3A_147 = arith.constant 0 : i32
    %dma_wait3A_148 = tpu.memref_slice %arg36[%add3A_75, %dma_wait3A_147] : memref<10240x128xf32, #tpu.memory_space<vmem_shared>> -> memref<40x128xf32, #tpu.memory_space<vmem_shared>>
    %dma_wait3A_149 = arith.constant 0 : i32
    %dma_wait3A_150 = tpu.memref_slice %arg36[%add3A_75, %dma_wait3A_149] : memref<10240x128xf32, #tpu.memory_space<vmem_shared>> -> memref<40x128xf32, #tpu.memory_space<vmem_shared>>
    tpu.wait_dma2 semaphore(%arg32 : memref<!tpu.dma_semaphore, #tpu.memory_space<semaphore_mem>>) src(%arg16 : memref<40x128xf32, #tpu.memory_space<vmem>>) dst(%dma_wait3A_150 : memref<40x128xf32, #tpu.memory_space<vmem_shared>>)
    %dma_wait3A_151 = arith.constant 0 : i32
    %dma_wait3A_152 = tpu.memref_slice %arg36[%add3A_81, %dma_wait3A_151] : memref<10240x128xf32, #tpu.memory_space<vmem_shared>> -> memref<40x128xf32, #tpu.memory_space<vmem_shared>>
    %dma_wait3A_153 = arith.constant 0 : i32
    %dma_wait3A_154 = tpu.memref_slice %arg36[%add3A_81, %dma_wait3A_153] : memref<10240x128xf32, #tpu.memory_space<vmem_shared>> -> memref<40x128xf32, #tpu.memory_space<vmem_shared>>
    tpu.wait_dma2 semaphore(%arg33 : memref<!tpu.dma_semaphore, #tpu.memory_space<semaphore_mem>>) src(%arg16 : memref<40x128xf32, #tpu.memory_space<vmem>>) dst(%dma_wait3A_154 : memref<40x128xf32, #tpu.memory_space<vmem_shared>>)
    %dma_wait3A_155 = arith.constant 0 : i32
    %dma_wait3A_156 = tpu.memref_slice %arg36[%add3A_87, %dma_wait3A_155] : memref<10240x128xf32, #tpu.memory_space<vmem_shared>> -> memref<40x128xf32, #tpu.memory_space<vmem_shared>>
    %dma_wait3A_157 = arith.constant 0 : i32
    %dma_wait3A_158 = tpu.memref_slice %arg36[%add3A_87, %dma_wait3A_157] : memref<10240x128xf32, #tpu.memory_space<vmem_shared>> -> memref<40x128xf32, #tpu.memory_space<vmem_shared>>
    tpu.wait_dma2 semaphore(%arg34 : memref<!tpu.dma_semaphore, #tpu.memory_space<semaphore_mem>>) src(%arg16 : memref<40x128xf32, #tpu.memory_space<vmem>>) dst(%dma_wait3A_158 : memref<40x128xf32, #tpu.memory_space<vmem_shared>>)
    %dma_wait3A_159 = arith.constant 0 : i32
    %dma_wait3A_160 = tpu.memref_slice %arg36[%add3A_93, %dma_wait3A_159] : memref<10240x128xf32, #tpu.memory_space<vmem_shared>> -> memref<40x128xf32, #tpu.memory_space<vmem_shared>>
    %dma_wait3A_161 = arith.constant 0 : i32
    %dma_wait3A_162 = tpu.memref_slice %arg36[%add3A_93, %dma_wait3A_161] : memref<10240x128xf32, #tpu.memory_space<vmem_shared>> -> memref<40x128xf32, #tpu.memory_space<vmem_shared>>
    tpu.wait_dma2 semaphore(%arg35 : memref<!tpu.dma_semaphore, #tpu.memory_space<semaphore_mem>>) src(%arg16 : memref<40x128xf32, #tpu.memory_space<vmem>>) dst(%dma_wait3A_162 : memref<40x128xf32, #tpu.memory_space<vmem_shared>>)
    %dma_wait3A_163 = arith.constant 0 : i32
    %dma_wait3A_164 = tpu.memref_slice %arg36[%add3A_99, %dma_wait3A_163] : memref<10240x128xf32, #tpu.memory_space<vmem_shared>> -> memref<40x128xf32, #tpu.memory_space<vmem_shared>>
    %dma_wait3A_165 = arith.constant 0 : i32
    %dma_wait3A_166 = tpu.memref_slice %arg36[%add3A_99, %dma_wait3A_165] : memref<10240x128xf32, #tpu.memory_space<vmem_shared>> -> memref<40x128xf32, #tpu.memory_space<vmem_shared>>
    tpu.wait_dma2 semaphore(%arg31 : memref<!tpu.dma_semaphore, #tpu.memory_space<semaphore_mem>>) src(%arg16 : memref<40x128xf32, #tpu.memory_space<vmem>>) dst(%dma_wait3A_166 : memref<40x128xf32, #tpu.memory_space<vmem_shared>>)
    %barrier3A = arith.constant 0 : index
    tpu.barrier barrier_id(%barrier3A)
    %mul3A_167 = arith.constant 10000 : i32
    %mul3A_168 = arith.muli %add3A, %mul3A_167 : i32
    %add3A_169 = arith.constant 0 : i32
    %add3A_170 = arith.addi %mul3A_168, %add3A_169 : i32
    %dma_start3A_171 = tpu.memref_slice %arg3[%add3A_170] : memref<320000xi32, #tpu.memory_space<hbm>> -> memref<40xi32, #tpu.memory_space<hbm>>
    %dma_start3A_172 = tpu.memref_slice %arg3[%add3A_170] : memref<320000xi32, #tpu.memory_space<hbm>> -> memref<40xi32, #tpu.memory_space<hbm>>
    tpu.enqueue_dma source(%dma_start3A_172 : memref<40xi32, #tpu.memory_space<hbm>>) target(%arg6 : memref<40xi32, #tpu.memory_space<vmem>>) target_semaphore(%arg21 : memref<!tpu.dma_semaphore, #tpu.memory_space<semaphore_mem>>)
    %dma_start3A_173 = tpu.memref_slice %arg4[%add3A_170] : memref<320000xi32, #tpu.memory_space<hbm>> -> memref<40xi32, #tpu.memory_space<hbm>>
    %dma_start3A_174 = tpu.memref_slice %arg4[%add3A_170] : memref<320000xi32, #tpu.memory_space<hbm>> -> memref<40xi32, #tpu.memory_space<hbm>>
    tpu.enqueue_dma source(%dma_start3A_174 : memref<40xi32, #tpu.memory_space<hbm>>) target(%arg11 : memref<40xi32, #tpu.memory_space<vmem>>) target_semaphore(%arg21 : memref<!tpu.dma_semaphore, #tpu.memory_space<semaphore_mem>>)
    %mul3A_175 = arith.constant 10000 : i32
    %mul3A_176 = arith.muli %add3A, %mul3A_175 : i32
    %add3A_177 = arith.constant 40 : i32
    %add3A_178 = arith.addi %mul3A_176, %add3A_177 : i32
    %dma_start3A_179 = tpu.memref_slice %arg3[%add3A_178] : memref<320000xi32, #tpu.memory_space<hbm>> -> memref<40xi32, #tpu.memory_space<hbm>>
    %dma_start3A_180 = tpu.memref_slice %arg3[%add3A_178] : memref<320000xi32, #tpu.memory_space<hbm>> -> memref<40xi32, #tpu.memory_space<hbm>>
    tpu.enqueue_dma source(%dma_start3A_180 : memref<40xi32, #tpu.memory_space<hbm>>) target(%arg7 : memref<40xi32, #tpu.memory_space<vmem>>) target_semaphore(%arg22 : memref<!tpu.dma_semaphore, #tpu.memory_space<semaphore_mem>>)
    %dma_start3A_181 = tpu.memref_slice %arg4[%add3A_178] : memref<320000xi32, #tpu.memory_space<hbm>> -> memref<40xi32, #tpu.memory_space<hbm>>
    %dma_start3A_182 = tpu.memref_slice %arg4[%add3A_178] : memref<320000xi32, #tpu.memory_space<hbm>> -> memref<40xi32, #tpu.memory_space<hbm>>
    tpu.enqueue_dma source(%dma_start3A_182 : memref<40xi32, #tpu.memory_space<hbm>>) target(%arg12 : memref<40xi32, #tpu.memory_space<vmem>>) target_semaphore(%arg22 : memref<!tpu.dma_semaphore, #tpu.memory_space<semaphore_mem>>)
    %mul3A_183 = arith.constant 10000 : i32
    %mul3A_184 = arith.muli %add3A, %mul3A_183 : i32
    %add3A_185 = arith.constant 80 : i32
    %add3A_186 = arith.addi %mul3A_184, %add3A_185 : i32
    %dma_start3A_187 = tpu.memref_slice %arg3[%add3A_186] : memref<320000xi32, #tpu.memory_space<hbm>> -> memref<40xi32, #tpu.memory_space<hbm>>
    %dma_start3A_188 = tpu.memref_slice %arg3[%add3A_186] : memref<320000xi32, #tpu.memory_space<hbm>> -> memref<40xi32, #tpu.memory_space<hbm>>
    tpu.enqueue_dma source(%dma_start3A_188 : memref<40xi32, #tpu.memory_space<hbm>>) target(%arg8 : memref<40xi32, #tpu.memory_space<vmem>>) target_semaphore(%arg23 : memref<!tpu.dma_semaphore, #tpu.memory_space<semaphore_mem>>)
    %dma_start3A_189 = tpu.memref_slice %arg4[%add3A_186] : memref<320000xi32, #tpu.memory_space<hbm>> -> memref<40xi32, #tpu.memory_space<hbm>>
    %dma_start3A_190 = tpu.memref_slice %arg4[%add3A_186] : memref<320000xi32, #tpu.memory_space<hbm>> -> memref<40xi32, #tpu.memory_space<hbm>>
    tpu.enqueue_dma source(%dma_start3A_190 : memref<40xi32, #tpu.memory_space<hbm>>) target(%arg13 : memref<40xi32, #tpu.memory_space<vmem>>) target_semaphore(%arg23 : memref<!tpu.dma_semaphore, #tpu.memory_space<semaphore_mem>>)
    %mul3A_191 = arith.constant 10000 : i32
    %mul3A_192 = arith.muli %add3A, %mul3A_191 : i32
    %add3A_193 = arith.constant 120 : i32
    %add3A_194 = arith.addi %mul3A_192, %add3A_193 : i32
    %dma_start3A_195 = tpu.memref_slice %arg3[%add3A_194] : memref<320000xi32, #tpu.memory_space<hbm>> -> memref<40xi32, #tpu.memory_space<hbm>>
    %dma_start3A_196 = tpu.memref_slice %arg3[%add3A_194] : memref<320000xi32, #tpu.memory_space<hbm>> -> memref<40xi32, #tpu.memory_space<hbm>>
    tpu.enqueue_dma source(%dma_start3A_196 : memref<40xi32, #tpu.memory_space<hbm>>) target(%arg9 : memref<40xi32, #tpu.memory_space<vmem>>) target_semaphore(%arg24 : memref<!tpu.dma_semaphore, #tpu.memory_space<semaphore_mem>>)
    %dma_start3A_197 = tpu.memref_slice %arg4[%add3A_194] : memref<320000xi32, #tpu.memory_space<hbm>> -> memref<40xi32, #tpu.memory_space<hbm>>
    %dma_start3A_198 = tpu.memref_slice %arg4[%add3A_194] : memref<320000xi32, #tpu.memory_space<hbm>> -> memref<40xi32, #tpu.memory_space<hbm>>
    tpu.enqueue_dma source(%dma_start3A_198 : memref<40xi32, #tpu.memory_space<hbm>>) target(%arg14 : memref<40xi32, #tpu.memory_space<vmem>>) target_semaphore(%arg24 : memref<!tpu.dma_semaphore, #tpu.memory_space<semaphore_mem>>)
    %mul3A_199 = arith.constant 10000 : i32
    %mul3A_200 = arith.muli %add3A, %mul3A_199 : i32
    %add3A_201 = arith.constant 160 : i32
    %add3A_202 = arith.addi %mul3A_200, %add3A_201 : i32
    %dma_start3A_203 = tpu.memref_slice %arg3[%add3A_202] : memref<320000xi32, #tpu.memory_space<hbm>> -> memref<40xi32, #tpu.memory_space<hbm>>
    %dma_start3A_204 = tpu.memref_slice %arg3[%add3A_202] : memref<320000xi32, #tpu.memory_space<hbm>> -> memref<40xi32, #tpu.memory_space<hbm>>
    tpu.enqueue_dma source(%dma_start3A_204 : memref<40xi32, #tpu.memory_space<hbm>>) target(%arg10 : memref<40xi32, #tpu.memory_space<vmem>>) target_semaphore(%arg25 : memref<!tpu.dma_semaphore, #tpu.memory_space<semaphore_mem>>)
    %dma_start3A_205 = tpu.memref_slice %arg4[%add3A_202] : memref<320000xi32, #tpu.memory_space<hbm>> -> memref<40xi32, #tpu.memory_space<hbm>>
    %dma_start3A_206 = tpu.memref_slice %arg4[%add3A_202] : memref<320000xi32, #tpu.memory_space<hbm>> -> memref<40xi32, #tpu.memory_space<hbm>>
    tpu.enqueue_dma source(%dma_start3A_206 : memref<40xi32, #tpu.memory_space<hbm>>) target(%arg15 : memref<40xi32, #tpu.memory_space<vmem>>) target_semaphore(%arg25 : memref<!tpu.dma_semaphore, #tpu.memory_space<semaphore_mem>>)
    %scan3A_207 = arith.constant 0 : i32
    %scan3A_208 = arith.constant 0 : i32
    %scan3A_209 = arith.constant 50 : i32
    %scan3A_210 = arith.addi %scan3A_208, %scan3A_209 : i32
    %scan3A_211 = arith.constant 1 : i32
    scf.for %scan3A_244 = %scan3A_208 to %scan3A_210 step %scan3A_211  : i32 {
      %dma_wait3A_245 = arith.constant 0 : i32
      %dma_wait3A_246 = tpu.memref_slice %arg3[%dma_wait3A_245] : memref<320000xi32, #tpu.memory_space<hbm>> -> memref<40xi32, #tpu.memory_space<hbm>>
      %dma_wait3A_247 = arith.constant 0 : i32
      %dma_wait3A_248 = tpu.memref_slice %arg3[%dma_wait3A_247] : memref<320000xi32, #tpu.memory_space<hbm>> -> memref<40xi32, #tpu.memory_space<hbm>>
      tpu.wait_dma2 semaphore(%arg21 : memref<!tpu.dma_semaphore, #tpu.memory_space<semaphore_mem>>) src(%dma_wait3A_248 : memref<40xi32, #tpu.memory_space<hbm>>) dst(%arg6 : memref<40xi32, #tpu.memory_space<vmem>>)
      %dma_wait3A_249 = arith.constant 0 : i32
      %dma_wait3A_250 = tpu.memref_slice %arg3[%dma_wait3A_249] : memref<320000xi32, #tpu.memory_space<hbm>> -> memref<40xi32, #tpu.memory_space<hbm>>
      %dma_wait3A_251 = arith.constant 0 : i32
      %dma_wait3A_252 = tpu.memref_slice %arg3[%dma_wait3A_251] : memref<320000xi32, #tpu.memory_space<hbm>> -> memref<40xi32, #tpu.memory_space<hbm>>
      tpu.wait_dma2 semaphore(%arg21 : memref<!tpu.dma_semaphore, #tpu.memory_space<semaphore_mem>>) src(%dma_wait3A_252 : memref<40xi32, #tpu.memory_space<hbm>>) dst(%arg11 : memref<40xi32, #tpu.memory_space<vmem>>)
      %dma_start3A_253 = arith.constant 0 : i32
      %dma_start3A_254 = arith.constant 0 : i32
      %dma_start3A_255 = tpu.memref_slice %arg2[%dma_start3A_253, %dma_start3A_254] : memref<10000x128xf32, #tpu.memory_space<hbm>> -> memref<10000x128xf32, #tpu.memory_space<hbm>>
      tpu.enqueue_indirect_dma source(%dma_start3A_255 : memref<10000x128xf32, #tpu.memory_space<hbm>>) target(%arg16 : memref<40x128xf32, #tpu.memory_space<vmem>>) offsets(%arg6 : memref<40xi32, #tpu.memory_space<vmem>>) semaphore(%arg26 : memref<!tpu.dma_semaphore, #tpu.memory_space<semaphore_mem>>)
      %dma_wait3A_256 = arith.constant 0 : i32
      %dma_wait3A_257 = tpu.memref_slice %arg3[%dma_wait3A_256] : memref<320000xi32, #tpu.memory_space<hbm>> -> memref<40xi32, #tpu.memory_space<hbm>>
      %dma_wait3A_258 = arith.constant 0 : i32
      %dma_wait3A_259 = tpu.memref_slice %arg3[%dma_wait3A_258] : memref<320000xi32, #tpu.memory_space<hbm>> -> memref<40xi32, #tpu.memory_space<hbm>>
      tpu.wait_dma2 semaphore(%arg22 : memref<!tpu.dma_semaphore, #tpu.memory_space<semaphore_mem>>) src(%dma_wait3A_259 : memref<40xi32, #tpu.memory_space<hbm>>) dst(%arg7 : memref<40xi32, #tpu.memory_space<vmem>>)
      %dma_wait3A_260 = arith.constant 0 : i32
      %dma_wait3A_261 = tpu.memref_slice %arg3[%dma_wait3A_260] : memref<320000xi32, #tpu.memory_space<hbm>> -> memref<40xi32, #tpu.memory_space<hbm>>
      %dma_wait3A_262 = arith.constant 0 : i32
      %dma_wait3A_263 = tpu.memref_slice %arg3[%dma_wait3A_262] : memref<320000xi32, #tpu.memory_space<hbm>> -> memref<40xi32, #tpu.memory_space<hbm>>
      tpu.wait_dma2 semaphore(%arg22 : memref<!tpu.dma_semaphore, #tpu.memory_space<semaphore_mem>>) src(%dma_wait3A_263 : memref<40xi32, #tpu.memory_space<hbm>>) dst(%arg12 : memref<40xi32, #tpu.memory_space<vmem>>)
      %dma_start3A_264 = arith.constant 0 : i32
      %dma_start3A_265 = arith.constant 0 : i32
      %dma_start3A_266 = tpu.memref_slice %arg2[%dma_start3A_264, %dma_start3A_265] : memref<10000x128xf32, #tpu.memory_space<hbm>> -> memref<10000x128xf32, #tpu.memory_space<hbm>>
      tpu.enqueue_indirect_dma source(%dma_start3A_266 : memref<10000x128xf32, #tpu.memory_space<hbm>>) target(%arg17 : memref<40x128xf32, #tpu.memory_space<vmem>>) offsets(%arg7 : memref<40xi32, #tpu.memory_space<vmem>>) semaphore(%arg27 : memref<!tpu.dma_semaphore, #tpu.memory_space<semaphore_mem>>)
      %dma_wait3A_267 = arith.constant 0 : i32
      %dma_wait3A_268 = tpu.memref_slice %arg3[%dma_wait3A_267] : memref<320000xi32, #tpu.memory_space<hbm>> -> memref<40xi32, #tpu.memory_space<hbm>>
      %dma_wait3A_269 = arith.constant 0 : i32
      %dma_wait3A_270 = tpu.memref_slice %arg3[%dma_wait3A_269] : memref<320000xi32, #tpu.memory_space<hbm>> -> memref<40xi32, #tpu.memory_space<hbm>>
      tpu.wait_dma2 semaphore(%arg23 : memref<!tpu.dma_semaphore, #tpu.memory_space<semaphore_mem>>) src(%dma_wait3A_270 : memref<40xi32, #tpu.memory_space<hbm>>) dst(%arg8 : memref<40xi32, #tpu.memory_space<vmem>>)
      %dma_wait3A_271 = arith.constant 0 : i32
      %dma_wait3A_272 = tpu.memref_slice %arg3[%dma_wait3A_271] : memref<320000xi32, #tpu.memory_space<hbm>> -> memref<40xi32, #tpu.memory_space<hbm>>
      %dma_wait3A_273 = arith.constant 0 : i32
      %dma_wait3A_274 = tpu.memref_slice %arg3[%dma_wait3A_273] : memref<320000xi32, #tpu.memory_space<hbm>> -> memref<40xi32, #tpu.memory_space<hbm>>
      tpu.wait_dma2 semaphore(%arg23 : memref<!tpu.dma_semaphore, #tpu.memory_space<semaphore_mem>>) src(%dma_wait3A_274 : memref<40xi32, #tpu.memory_space<hbm>>) dst(%arg13 : memref<40xi32, #tpu.memory_space<vmem>>)
      %dma_start3A_275 = arith.constant 0 : i32
      %dma_start3A_276 = arith.constant 0 : i32
      %dma_start3A_277 = tpu.memref_slice %arg2[%dma_start3A_275, %dma_start3A_276] : memref<10000x128xf32, #tpu.memory_space<hbm>> -> memref<10000x128xf32, #tpu.memory_space<hbm>>
      tpu.enqueue_indirect_dma source(%dma_start3A_277 : memref<10000x128xf32, #tpu.memory_space<hbm>>) target(%arg18 : memref<40x128xf32, #tpu.memory_space<vmem>>) offsets(%arg8 : memref<40xi32, #tpu.memory_space<vmem>>) semaphore(%arg28 : memref<!tpu.dma_semaphore, #tpu.memory_space<semaphore_mem>>)
      %dma_wait3A_278 = arith.constant 0 : i32
      %dma_wait3A_279 = tpu.memref_slice %arg3[%dma_wait3A_278] : memref<320000xi32, #tpu.memory_space<hbm>> -> memref<40xi32, #tpu.memory_space<hbm>>
      %dma_wait3A_280 = arith.constant 0 : i32
      %dma_wait3A_281 = tpu.memref_slice %arg3[%dma_wait3A_280] : memref<320000xi32, #tpu.memory_space<hbm>> -> memref<40xi32, #tpu.memory_space<hbm>>
      tpu.wait_dma2 semaphore(%arg24 : memref<!tpu.dma_semaphore, #tpu.memory_space<semaphore_mem>>) src(%dma_wait3A_281 : memref<40xi32, #tpu.memory_space<hbm>>) dst(%arg9 : memref<40xi32, #tpu.memory_space<vmem>>)
      %dma_wait3A_282 = arith.constant 0 : i32
      %dma_wait3A_283 = tpu.memref_slice %arg3[%dma_wait3A_282] : memref<320000xi32, #tpu.memory_space<hbm>> -> memref<40xi32, #tpu.memory_space<hbm>>
      %dma_wait3A_284 = arith.constant 0 : i32
      %dma_wait3A_285 = tpu.memref_slice %arg3[%dma_wait3A_284] : memref<320000xi32, #tpu.memory_space<hbm>> -> memref<40xi32, #tpu.memory_space<hbm>>
      tpu.wait_dma2 semaphore(%arg24 : memref<!tpu.dma_semaphore, #tpu.memory_space<semaphore_mem>>) src(%dma_wait3A_285 : memref<40xi32, #tpu.memory_space<hbm>>) dst(%arg14 : memref<40xi32, #tpu.memory_space<vmem>>)
      %dma_start3A_286 = arith.constant 0 : i32
      %dma_start3A_287 = arith.constant 0 : i32
      %dma_start3A_288 = tpu.memref_slice %arg2[%dma_start3A_286, %dma_start3A_287] : memref<10000x128xf32, #tpu.memory_space<hbm>> -> memref<10000x128xf32, #tpu.memory_space<hbm>>
      tpu.enqueue_indirect_dma source(%dma_start3A_288 : memref<10000x128xf32, #tpu.memory_space<hbm>>) target(%arg19 : memref<40x128xf32, #tpu.memory_space<vmem>>) offsets(%arg9 : memref<40xi32, #tpu.memory_space<vmem>>) semaphore(%arg29 : memref<!tpu.dma_semaphore, #tpu.memory_space<semaphore_mem>>)
      %dma_wait3A_289 = arith.constant 0 : i32
      %dma_wait3A_290 = tpu.memref_slice %arg3[%dma_wait3A_289] : memref<320000xi32, #tpu.memory_space<hbm>> -> memref<40xi32, #tpu.memory_space<hbm>>
      %dma_wait3A_291 = arith.constant 0 : i32
      %dma_wait3A_292 = tpu.memref_slice %arg3[%dma_wait3A_291] : memref<320000xi32, #tpu.memory_space<hbm>> -> memref<40xi32, #tpu.memory_space<hbm>>
      tpu.wait_dma2 semaphore(%arg25 : memref<!tpu.dma_semaphore, #tpu.memory_space<semaphore_mem>>) src(%dma_wait3A_292 : memref<40xi32, #tpu.memory_space<hbm>>) dst(%arg10 : memref<40xi32, #tpu.memory_space<vmem>>)
      %dma_wait3A_293 = arith.constant 0 : i32
      %dma_wait3A_294 = tpu.memref_slice %arg3[%dma_wait3A_293] : memref<320000xi32, #tpu.memory_space<hbm>> -> memref<40xi32, #tpu.memory_space<hbm>>
      %dma_wait3A_295 = arith.constant 0 : i32
      %dma_wait3A_296 = tpu.memref_slice %arg3[%dma_wait3A_295] : memref<320000xi32, #tpu.memory_space<hbm>> -> memref<40xi32, #tpu.memory_space<hbm>>
      tpu.wait_dma2 semaphore(%arg25 : memref<!tpu.dma_semaphore, #tpu.memory_space<semaphore_mem>>) src(%dma_wait3A_296 : memref<40xi32, #tpu.memory_space<hbm>>) dst(%arg15 : memref<40xi32, #tpu.memory_space<vmem>>)
      %dma_start3A_297 = arith.constant 0 : i32
      %dma_start3A_298 = arith.constant 0 : i32
      %dma_start3A_299 = tpu.memref_slice %arg2[%dma_start3A_297, %dma_start3A_298] : memref<10000x128xf32, #tpu.memory_space<hbm>> -> memref<10000x128xf32, #tpu.memory_space<hbm>>
      tpu.enqueue_indirect_dma source(%dma_start3A_299 : memref<10000x128xf32, #tpu.memory_space<hbm>>) target(%arg20 : memref<40x128xf32, #tpu.memory_space<vmem>>) offsets(%arg10 : memref<40xi32, #tpu.memory_space<vmem>>) semaphore(%arg30 : memref<!tpu.dma_semaphore, #tpu.memory_space<semaphore_mem>>)
      %dma_wait3A_300 = arith.constant 0 : i32
      %dma_wait3A_301 = arith.constant 0 : i32
      %dma_wait3A_302 = tpu.memref_slice %arg2[%dma_wait3A_300, %dma_wait3A_301] : memref<10000x128xf32, #tpu.memory_space<hbm>> -> memref<10000x128xf32, #tpu.memory_space<hbm>>
      tpu.wait_indirect_dma semaphore(%arg26 : memref<!tpu.dma_semaphore, #tpu.memory_space<semaphore_mem>>) src(%dma_wait3A_302 : memref<10000x128xf32, #tpu.memory_space<hbm>>) dst(%arg16 : memref<40x128xf32, #tpu.memory_space<vmem>>)
      %dma_start3A_303 = arith.constant 0 : i32
      %dma_start3A_304 = arith.constant 0 : i32
      %dma_start3A_305 = tpu.memref_slice %arg36[%dma_start3A_303, %dma_start3A_304] : memref<10240x128xf32, #tpu.memory_space<vmem_shared>> -> memref<10240x128xf32, #tpu.memory_space<vmem_shared>>
      tpu.enqueue_indirect_dma source(%arg16 : memref<40x128xf32, #tpu.memory_space<vmem>>) target(%dma_start3A_305 : memref<10240x128xf32, #tpu.memory_space<vmem_shared>>) offsets(%arg11 : memref<40xi32, #tpu.memory_space<vmem>>) semaphore(%arg31 : memref<!tpu.dma_semaphore, #tpu.memory_space<semaphore_mem>>) {add = true}
      %dma_wait3A_306 = arith.constant 0 : i32
      %dma_wait3A_307 = arith.constant 0 : i32
      %dma_wait3A_308 = tpu.memref_slice %arg2[%dma_wait3A_306, %dma_wait3A_307] : memref<10000x128xf32, #tpu.memory_space<hbm>> -> memref<10000x128xf32, #tpu.memory_space<hbm>>
      tpu.wait_indirect_dma semaphore(%arg27 : memref<!tpu.dma_semaphore, #tpu.memory_space<semaphore_mem>>) src(%dma_wait3A_308 : memref<10000x128xf32, #tpu.memory_space<hbm>>) dst(%arg17 : memref<40x128xf32, #tpu.memory_space<vmem>>)
      %dma_start3A_309 = arith.constant 0 : i32
      %dma_start3A_310 = arith.constant 0 : i32
      %dma_start3A_311 = tpu.memref_slice %arg36[%dma_start3A_309, %dma_start3A_310] : memref<10240x128xf32, #tpu.memory_space<vmem_shared>> -> memref<10240x128xf32, #tpu.memory_space<vmem_shared>>
      tpu.enqueue_indirect_dma source(%arg17 : memref<40x128xf32, #tpu.memory_space<vmem>>) target(%dma_start3A_311 : memref<10240x128xf32, #tpu.memory_space<vmem_shared>>) offsets(%arg12 : memref<40xi32, #tpu.memory_space<vmem>>) semaphore(%arg32 : memref<!tpu.dma_semaphore, #tpu.memory_space<semaphore_mem>>) {add = true}
      %dma_wait3A_312 = arith.constant 0 : i32
      %dma_wait3A_313 = arith.constant 0 : i32
      %dma_wait3A_314 = tpu.memref_slice %arg2[%dma_wait3A_312, %dma_wait3A_313] : memref<10000x128xf32, #tpu.memory_space<hbm>> -> memref<10000x128xf32, #tpu.memory_space<hbm>>
      tpu.wait_indirect_dma semaphore(%arg28 : memref<!tpu.dma_semaphore, #tpu.memory_space<semaphore_mem>>) src(%dma_wait3A_314 : memref<10000x128xf32, #tpu.memory_space<hbm>>) dst(%arg18 : memref<40x128xf32, #tpu.memory_space<vmem>>)
      %dma_start3A_315 = arith.constant 0 : i32
      %dma_start3A_316 = arith.constant 0 : i32
      %dma_start3A_317 = tpu.memref_slice %arg36[%dma_start3A_315, %dma_start3A_316] : memref<10240x128xf32, #tpu.memory_space<vmem_shared>> -> memref<10240x128xf32, #tpu.memory_space<vmem_shared>>
      tpu.enqueue_indirect_dma source(%arg18 : memref<40x128xf32, #tpu.memory_space<vmem>>) target(%dma_start3A_317 : memref<10240x128xf32, #tpu.memory_space<vmem_shared>>) offsets(%arg13 : memref<40xi32, #tpu.memory_space<vmem>>) semaphore(%arg33 : memref<!tpu.dma_semaphore, #tpu.memory_space<semaphore_mem>>) {add = true}
      %dma_wait3A_318 = arith.constant 0 : i32
      %dma_wait3A_319 = arith.constant 0 : i32
      %dma_wait3A_320 = tpu.memref_slice %arg2[%dma_wait3A_318, %dma_wait3A_319] : memref<10000x128xf32, #tpu.memory_space<hbm>> -> memref<10000x128xf32, #tpu.memory_space<hbm>>
      tpu.wait_indirect_dma semaphore(%arg29 : memref<!tpu.dma_semaphore, #tpu.memory_space<semaphore_mem>>) src(%dma_wait3A_320 : memref<10000x128xf32, #tpu.memory_space<hbm>>) dst(%arg19 : memref<40x128xf32, #tpu.memory_space<vmem>>)
      %dma_start3A_321 = arith.constant 0 : i32
      %dma_start3A_322 = arith.constant 0 : i32
      %dma_start3A_323 = tpu.memref_slice %arg36[%dma_start3A_321, %dma_start3A_322] : memref<10240x128xf32, #tpu.memory_space<vmem_shared>> -> memref<10240x128xf32, #tpu.memory_space<vmem_shared>>
      tpu.enqueue_indirect_dma source(%arg19 : memref<40x128xf32, #tpu.memory_space<vmem>>) target(%dma_start3A_323 : memref<10240x128xf32, #tpu.memory_space<vmem_shared>>) offsets(%arg14 : memref<40xi32, #tpu.memory_space<vmem>>) semaphore(%arg34 : memref<!tpu.dma_semaphore, #tpu.memory_space<semaphore_mem>>) {add = true}
      %dma_wait3A_324 = arith.constant 0 : i32
      %dma_wait3A_325 = arith.constant 0 : i32
      %dma_wait3A_326 = tpu.memref_slice %arg2[%dma_wait3A_324, %dma_wait3A_325] : memref<10000x128xf32, #tpu.memory_space<hbm>> -> memref<10000x128xf32, #tpu.memory_space<hbm>>
      tpu.wait_indirect_dma semaphore(%arg30 : memref<!tpu.dma_semaphore, #tpu.memory_space<semaphore_mem>>) src(%dma_wait3A_326 : memref<10000x128xf32, #tpu.memory_space<hbm>>) dst(%arg20 : memref<40x128xf32, #tpu.memory_space<vmem>>)
      %dma_start3A_327 = arith.constant 0 : i32
      %dma_start3A_328 = arith.constant 0 : i32
      %dma_start3A_329 = tpu.memref_slice %arg36[%dma_start3A_327, %dma_start3A_328] : memref<10240x128xf32, #tpu.memory_space<vmem_shared>> -> memref<10240x128xf32, #tpu.memory_space<vmem_shared>>
      tpu.enqueue_indirect_dma source(%arg20 : memref<40x128xf32, #tpu.memory_space<vmem>>) target(%dma_start3A_329 : memref<10240x128xf32, #tpu.memory_space<vmem_shared>>) offsets(%arg15 : memref<40xi32, #tpu.memory_space<vmem>>) semaphore(%arg35 : memref<!tpu.dma_semaphore, #tpu.memory_space<semaphore_mem>>) {add = true}
      %lt3A = arith.constant 49 : i32
      %lt3A_330 = arith.cmpi slt, %scan3A_244, %lt3A : i32
      %convert_element_type3A = arith.extui %lt3A_330 : i1 to i32
      %cond3A = arith.constant 0 : i32
      %cond3A_331 = arith.cmpi ne, %convert_element_type3A, %cond3A : i32
      scf.if %cond3A_331 {
        %dma_wait3A_352 = arith.constant 0 : i32
        %dma_wait3A_353 = arith.constant 0 : i32
        %dma_wait3A_354 = tpu.memref_slice %arg36[%dma_wait3A_352, %dma_wait3A_353] : memref<10240x128xf32, #tpu.memory_space<vmem_shared>> -> memref<10240x128xf32, #tpu.memory_space<vmem_shared>>
        tpu.wait_indirect_dma semaphore(%arg31 : memref<!tpu.dma_semaphore, #tpu.memory_space<semaphore_mem>>) src(%arg16 : memref<40x128xf32, #tpu.memory_space<vmem>>) dst(%dma_wait3A_354 : memref<10240x128xf32, #tpu.memory_space<vmem_shared>>)
        %add3A_355 = arith.constant 1 : i32
        %add3A_356 = arith.addi %scan3A_244, %add3A_355 : i32
        %mul3A_357 = arith.constant 5 : i32
        %mul3A_358 = arith.muli %add3A_356, %mul3A_357 : i32
        %add3A_359 = arith.constant 0 : i32
        %add3A_360 = arith.addi %mul3A_358, %add3A_359 : i32
        %mul3A_361 = arith.constant 10000 : i32
        %mul3A_362 = arith.muli %add3A, %mul3A_361 : i32
        %mul3A_363 = arith.constant 40 : i32
        %mul3A_364 = arith.muli %add3A_360, %mul3A_363 : i32
        %add3A_365 = arith.addi %mul3A_362, %mul3A_364 : i32
        %dma_start3A_366 = tpu.memref_slice %arg3[%add3A_365] : memref<320000xi32, #tpu.memory_space<hbm>> -> memref<40xi32, #tpu.memory_space<hbm>>
        %dma_start3A_367 = tpu.memref_slice %arg3[%add3A_365] : memref<320000xi32, #tpu.memory_space<hbm>> -> memref<40xi32, #tpu.memory_space<hbm>>
        tpu.enqueue_dma source(%dma_start3A_367 : memref<40xi32, #tpu.memory_space<hbm>>) target(%arg6 : memref<40xi32, #tpu.memory_space<vmem>>) target_semaphore(%arg21 : memref<!tpu.dma_semaphore, #tpu.memory_space<semaphore_mem>>)
        %dma_start3A_368 = tpu.memref_slice %arg4[%add3A_365] : memref<320000xi32, #tpu.memory_space<hbm>> -> memref<40xi32, #tpu.memory_space<hbm>>
        %dma_start3A_369 = tpu.memref_slice %arg4[%add3A_365] : memref<320000xi32, #tpu.memory_space<hbm>> -> memref<40xi32, #tpu.memory_space<hbm>>
        tpu.enqueue_dma source(%dma_start3A_369 : memref<40xi32, #tpu.memory_space<hbm>>) target(%arg11 : memref<40xi32, #tpu.memory_space<vmem>>) target_semaphore(%arg21 : memref<!tpu.dma_semaphore, #tpu.memory_space<semaphore_mem>>)
      } else {
      }
      %lt3A_332 = arith.constant 49 : i32
      %lt3A_333 = arith.cmpi slt, %scan3A_244, %lt3A_332 : i32
      %convert_element_type3A_334 = arith.extui %lt3A_333 : i1 to i32
      %cond3A_335 = arith.constant 0 : i32
      %cond3A_336 = arith.cmpi ne, %convert_element_type3A_334, %cond3A_335 : i32
      scf.if %cond3A_336 {
        %dma_wait3A_352 = arith.constant 0 : i32
        %dma_wait3A_353 = arith.constant 0 : i32
        %dma_wait3A_354 = tpu.memref_slice %arg36[%dma_wait3A_352, %dma_wait3A_353] : memref<10240x128xf32, #tpu.memory_space<vmem_shared>> -> memref<10240x128xf32, #tpu.memory_space<vmem_shared>>
        tpu.wait_indirect_dma semaphore(%arg32 : memref<!tpu.dma_semaphore, #tpu.memory_space<semaphore_mem>>) src(%arg17 : memref<40x128xf32, #tpu.memory_space<vmem>>) dst(%dma_wait3A_354 : memref<10240x128xf32, #tpu.memory_space<vmem_shared>>)
        %add3A_355 = arith.constant 1 : i32
        %add3A_356 = arith.addi %scan3A_244, %add3A_355 : i32
        %mul3A_357 = arith.constant 5 : i32
        %mul3A_358 = arith.muli %add3A_356, %mul3A_357 : i32
        %add3A_359 = arith.constant 1 : i32
        %add3A_360 = arith.addi %mul3A_358, %add3A_359 : i32
        %mul3A_361 = arith.constant 10000 : i32
        %mul3A_362 = arith.muli %add3A, %mul3A_361 : i32
        %mul3A_363 = arith.constant 40 : i32
        %mul3A_364 = arith.muli %add3A_360, %mul3A_363 : i32
        %add3A_365 = arith.addi %mul3A_362, %mul3A_364 : i32
        %dma_start3A_366 = tpu.memref_slice %arg3[%add3A_365] : memref<320000xi32, #tpu.memory_space<hbm>> -> memref<40xi32, #tpu.memory_space<hbm>>
        %dma_start3A_367 = tpu.memref_slice %arg3[%add3A_365] : memref<320000xi32, #tpu.memory_space<hbm>> -> memref<40xi32, #tpu.memory_space<hbm>>
        tpu.enqueue_dma source(%dma_start3A_367 : memref<40xi32, #tpu.memory_space<hbm>>) target(%arg7 : memref<40xi32, #tpu.memory_space<vmem>>) target_semaphore(%arg22 : memref<!tpu.dma_semaphore, #tpu.memory_space<semaphore_mem>>)
        %dma_start3A_368 = tpu.memref_slice %arg4[%add3A_365] : memref<320000xi32, #tpu.memory_space<hbm>> -> memref<40xi32, #tpu.memory_space<hbm>>
        %dma_start3A_369 = tpu.memref_slice %arg4[%add3A_365] : memref<320000xi32, #tpu.memory_space<hbm>> -> memref<40xi32, #tpu.memory_space<hbm>>
        tpu.enqueue_dma source(%dma_start3A_369 : memref<40xi32, #tpu.memory_space<hbm>>) target(%arg12 : memref<40xi32, #tpu.memory_space<vmem>>) target_semaphore(%arg22 : memref<!tpu.dma_semaphore, #tpu.memory_space<semaphore_mem>>)
      } else {
      }
      %lt3A_337 = arith.constant 49 : i32
      %lt3A_338 = arith.cmpi slt, %scan3A_244, %lt3A_337 : i32
      %convert_element_type3A_339 = arith.extui %lt3A_338 : i1 to i32
      %cond3A_340 = arith.constant 0 : i32
      %cond3A_341 = arith.cmpi ne, %convert_element_type3A_339, %cond3A_340 : i32
      scf.if %cond3A_341 {
        %dma_wait3A_352 = arith.constant 0 : i32
        %dma_wait3A_353 = arith.constant 0 : i32
        %dma_wait3A_354 = tpu.memref_slice %arg36[%dma_wait3A_352, %dma_wait3A_353] : memref<10240x128xf32, #tpu.memory_space<vmem_shared>> -> memref<10240x128xf32, #tpu.memory_space<vmem_shared>>
        tpu.wait_indirect_dma semaphore(%arg33 : memref<!tpu.dma_semaphore, #tpu.memory_space<semaphore_mem>>) src(%arg18 : memref<40x128xf32, #tpu.memory_space<vmem>>) dst(%dma_wait3A_354 : memref<10240x128xf32, #tpu.memory_space<vmem_shared>>)
        %add3A_355 = arith.constant 1 : i32
        %add3A_356 = arith.addi %scan3A_244, %add3A_355 : i32
        %mul3A_357 = arith.constant 5 : i32
        %mul3A_358 = arith.muli %add3A_356, %mul3A_357 : i32
        %add3A_359 = arith.constant 2 : i32
        %add3A_360 = arith.addi %mul3A_358, %add3A_359 : i32
        %mul3A_361 = arith.constant 10000 : i32
        %mul3A_362 = arith.muli %add3A, %mul3A_361 : i32
        %mul3A_363 = arith.constant 40 : i32
        %mul3A_364 = arith.muli %add3A_360, %mul3A_363 : i32
        %add3A_365 = arith.addi %mul3A_362, %mul3A_364 : i32
        %dma_start3A_366 = tpu.memref_slice %arg3[%add3A_365] : memref<320000xi32, #tpu.memory_space<hbm>> -> memref<40xi32, #tpu.memory_space<hbm>>
        %dma_start3A_367 = tpu.memref_slice %arg3[%add3A_365] : memref<320000xi32, #tpu.memory_space<hbm>> -> memref<40xi32, #tpu.memory_space<hbm>>
        tpu.enqueue_dma source(%dma_start3A_367 : memref<40xi32, #tpu.memory_space<hbm>>) target(%arg8 : memref<40xi32, #tpu.memory_space<vmem>>) target_semaphore(%arg23 : memref<!tpu.dma_semaphore, #tpu.memory_space<semaphore_mem>>)
        %dma_start3A_368 = tpu.memref_slice %arg4[%add3A_365] : memref<320000xi32, #tpu.memory_space<hbm>> -> memref<40xi32, #tpu.memory_space<hbm>>
        %dma_start3A_369 = tpu.memref_slice %arg4[%add3A_365] : memref<320000xi32, #tpu.memory_space<hbm>> -> memref<40xi32, #tpu.memory_space<hbm>>
        tpu.enqueue_dma source(%dma_start3A_369 : memref<40xi32, #tpu.memory_space<hbm>>) target(%arg13 : memref<40xi32, #tpu.memory_space<vmem>>) target_semaphore(%arg23 : memref<!tpu.dma_semaphore, #tpu.memory_space<semaphore_mem>>)
      } else {
      }
      %lt3A_342 = arith.constant 49 : i32
      %lt3A_343 = arith.cmpi slt, %scan3A_244, %lt3A_342 : i32
      %convert_element_type3A_344 = arith.extui %lt3A_343 : i1 to i32
      %cond3A_345 = arith.constant 0 : i32
      %cond3A_346 = arith.cmpi ne, %convert_element_type3A_344, %cond3A_345 : i32
      scf.if %cond3A_346 {
        %dma_wait3A_352 = arith.constant 0 : i32
        %dma_wait3A_353 = arith.constant 0 : i32
        %dma_wait3A_354 = tpu.memref_slice %arg36[%dma_wait3A_352, %dma_wait3A_353] : memref<10240x128xf32, #tpu.memory_space<vmem_shared>> -> memref<10240x128xf32, #tpu.memory_space<vmem_shared>>
        tpu.wait_indirect_dma semaphore(%arg34 : memref<!tpu.dma_semaphore, #tpu.memory_space<semaphore_mem>>) src(%arg19 : memref<40x128xf32, #tpu.memory_space<vmem>>) dst(%dma_wait3A_354 : memref<10240x128xf32, #tpu.memory_space<vmem_shared>>)
        %add3A_355 = arith.constant 1 : i32
        %add3A_356 = arith.addi %scan3A_244, %add3A_355 : i32
        %mul3A_357 = arith.constant 5 : i32
        %mul3A_358 = arith.muli %add3A_356, %mul3A_357 : i32
        %add3A_359 = arith.constant 3 : i32
        %add3A_360 = arith.addi %mul3A_358, %add3A_359 : i32
        %mul3A_361 = arith.constant 10000 : i32
        %mul3A_362 = arith.muli %add3A, %mul3A_361 : i32
        %mul3A_363 = arith.constant 40 : i32
        %mul3A_364 = arith.muli %add3A_360, %mul3A_363 : i32
        %add3A_365 = arith.addi %mul3A_362, %mul3A_364 : i32
        %dma_start3A_366 = tpu.memref_slice %arg3[%add3A_365] : memref<320000xi32, #tpu.memory_space<hbm>> -> memref<40xi32, #tpu.memory_space<hbm>>
        %dma_start3A_367 = tpu.memref_slice %arg3[%add3A_365] : memref<320000xi32, #tpu.memory_space<hbm>> -> memref<40xi32, #tpu.memory_space<hbm>>
        tpu.enqueue_dma source(%dma_start3A_367 : memref<40xi32, #tpu.memory_space<hbm>>) target(%arg9 : memref<40xi32, #tpu.memory_space<vmem>>) target_semaphore(%arg24 : memref<!tpu.dma_semaphore, #tpu.memory_space<semaphore_mem>>)
        %dma_start3A_368 = tpu.memref_slice %arg4[%add3A_365] : memref<320000xi32, #tpu.memory_space<hbm>> -> memref<40xi32, #tpu.memory_space<hbm>>
        %dma_start3A_369 = tpu.memref_slice %arg4[%add3A_365] : memref<320000xi32, #tpu.memory_space<hbm>> -> memref<40xi32, #tpu.memory_space<hbm>>
        tpu.enqueue_dma source(%dma_start3A_369 : memref<40xi32, #tpu.memory_space<hbm>>) target(%arg14 : memref<40xi32, #tpu.memory_space<vmem>>) target_semaphore(%arg24 : memref<!tpu.dma_semaphore, #tpu.memory_space<semaphore_mem>>)
      } else {
      }
      %lt3A_347 = arith.constant 49 : i32
      %lt3A_348 = arith.cmpi slt, %scan3A_244, %lt3A_347 : i32
      %convert_element_type3A_349 = arith.extui %lt3A_348 : i1 to i32
      %cond3A_350 = arith.constant 0 : i32
      %cond3A_351 = arith.cmpi ne, %convert_element_type3A_349, %cond3A_350 : i32
      scf.if %cond3A_351 {
        %dma_wait3A_352 = arith.constant 0 : i32
        %dma_wait3A_353 = arith.constant 0 : i32
        %dma_wait3A_354 = tpu.memref_slice %arg36[%dma_wait3A_352, %dma_wait3A_353] : memref<10240x128xf32, #tpu.memory_space<vmem_shared>> -> memref<10240x128xf32, #tpu.memory_space<vmem_shared>>
        tpu.wait_indirect_dma semaphore(%arg35 : memref<!tpu.dma_semaphore, #tpu.memory_space<semaphore_mem>>) src(%arg20 : memref<40x128xf32, #tpu.memory_space<vmem>>) dst(%dma_wait3A_354 : memref<10240x128xf32, #tpu.memory_space<vmem_shared>>)
        %add3A_355 = arith.constant 1 : i32
        %add3A_356 = arith.addi %scan3A_244, %add3A_355 : i32
        %mul3A_357 = arith.constant 5 : i32
        %mul3A_358 = arith.muli %add3A_356, %mul3A_357 : i32
        %add3A_359 = arith.constant 4 : i32
        %add3A_360 = arith.addi %mul3A_358, %add3A_359 : i32
        %mul3A_361 = arith.constant 10000 : i32
        %mul3A_362 = arith.muli %add3A, %mul3A_361 : i32
        %mul3A_363 = arith.constant 40 : i32
        %mul3A_364 = arith.muli %add3A_360, %mul3A_363 : i32
        %add3A_365 = arith.addi %mul3A_362, %mul3A_364 : i32
        %dma_start3A_366 = tpu.memref_slice %arg3[%add3A_365] : memref<320000xi32, #tpu.memory_space<hbm>> -> memref<40xi32, #tpu.memory_space<hbm>>
        %dma_start3A_367 = tpu.memref_slice %arg3[%add3A_365] : memref<320000xi32, #tpu.memory_space<hbm>> -> memref<40xi32, #tpu.memory_space<hbm>>
        tpu.enqueue_dma source(%dma_start3A_367 : memref<40xi32, #tpu.memory_space<hbm>>) target(%arg10 : memref<40xi32, #tpu.memory_space<vmem>>) target_semaphore(%arg25 : memref<!tpu.dma_semaphore, #tpu.memory_space<semaphore_mem>>)
        %dma_start3A_368 = tpu.memref_slice %arg4[%add3A_365] : memref<320000xi32, #tpu.memory_space<hbm>> -> memref<40xi32, #tpu.memory_space<hbm>>
        %dma_start3A_369 = tpu.memref_slice %arg4[%add3A_365] : memref<320000xi32, #tpu.memory_space<hbm>> -> memref<40xi32, #tpu.memory_space<hbm>>
        tpu.enqueue_dma source(%dma_start3A_369 : memref<40xi32, #tpu.memory_space<hbm>>) target(%arg15 : memref<40xi32, #tpu.memory_space<vmem>>) target_semaphore(%arg25 : memref<!tpu.dma_semaphore, #tpu.memory_space<semaphore_mem>>)
      } else {
      }
    }
    %scan3A_212 = arith.constant 50 : i32
    %dma_wait3A_213 = arith.constant 0 : i32
    %dma_wait3A_214 = arith.constant 0 : i32
    %dma_wait3A_215 = tpu.memref_slice %arg2[%dma_wait3A_213, %dma_wait3A_214] : memref<10000x128xf32, #tpu.memory_space<hbm>> -> memref<40x128xf32, #tpu.memory_space<hbm>>
    %dma_wait3A_216 = arith.constant 0 : i32
    %dma_wait3A_217 = arith.constant 0 : i32
    %dma_wait3A_218 = tpu.memref_slice %arg2[%dma_wait3A_216, %dma_wait3A_217] : memref<10000x128xf32, #tpu.memory_space<hbm>> -> memref<40x128xf32, #tpu.memory_space<hbm>>
    tpu.wait_dma2 semaphore(%arg31 : memref<!tpu.dma_semaphore, #tpu.memory_space<semaphore_mem>>) src(%dma_wait3A_218 : memref<40x128xf32, #tpu.memory_space<hbm>>) dst(%arg16 : memref<40x128xf32, #tpu.memory_space<vmem>>)
    %dma_wait3A_219 = arith.constant 0 : i32
    %dma_wait3A_220 = arith.constant 0 : i32
    %dma_wait3A_221 = tpu.memref_slice %arg2[%dma_wait3A_219, %dma_wait3A_220] : memref<10000x128xf32, #tpu.memory_space<hbm>> -> memref<40x128xf32, #tpu.memory_space<hbm>>
    %dma_wait3A_222 = arith.constant 0 : i32
    %dma_wait3A_223 = arith.constant 0 : i32
    %dma_wait3A_224 = tpu.memref_slice %arg2[%dma_wait3A_222, %dma_wait3A_223] : memref<10000x128xf32, #tpu.memory_space<hbm>> -> memref<40x128xf32, #tpu.memory_space<hbm>>
    tpu.wait_dma2 semaphore(%arg32 : memref<!tpu.dma_semaphore, #tpu.memory_space<semaphore_mem>>) src(%dma_wait3A_224 : memref<40x128xf32, #tpu.memory_space<hbm>>) dst(%arg17 : memref<40x128xf32, #tpu.memory_space<vmem>>)
    %dma_wait3A_225 = arith.constant 0 : i32
    %dma_wait3A_226 = arith.constant 0 : i32
    %dma_wait3A_227 = tpu.memref_slice %arg2[%dma_wait3A_225, %dma_wait3A_226] : memref<10000x128xf32, #tpu.memory_space<hbm>> -> memref<40x128xf32, #tpu.memory_space<hbm>>
    %dma_wait3A_228 = arith.constant 0 : i32
    %dma_wait3A_229 = arith.constant 0 : i32
    %dma_wait3A_230 = tpu.memref_slice %arg2[%dma_wait3A_228, %dma_wait3A_229] : memref<10000x128xf32, #tpu.memory_space<hbm>> -> memref<40x128xf32, #tpu.memory_space<hbm>>
    tpu.wait_dma2 semaphore(%arg33 : memref<!tpu.dma_semaphore, #tpu.memory_space<semaphore_mem>>) src(%dma_wait3A_230 : memref<40x128xf32, #tpu.memory_space<hbm>>) dst(%arg18 : memref<40x128xf32, #tpu.memory_space<vmem>>)
    %dma_wait3A_231 = arith.constant 0 : i32
    %dma_wait3A_232 = arith.constant 0 : i32
    %dma_wait3A_233 = tpu.memref_slice %arg2[%dma_wait3A_231, %dma_wait3A_232] : memref<10000x128xf32, #tpu.memory_space<hbm>> -> memref<40x128xf32, #tpu.memory_space<hbm>>
    %dma_wait3A_234 = arith.constant 0 : i32
    %dma_wait3A_235 = arith.constant 0 : i32
    %dma_wait3A_236 = tpu.memref_slice %arg2[%dma_wait3A_234, %dma_wait3A_235] : memref<10000x128xf32, #tpu.memory_space<hbm>> -> memref<40x128xf32, #tpu.memory_space<hbm>>
    tpu.wait_dma2 semaphore(%arg34 : memref<!tpu.dma_semaphore, #tpu.memory_space<semaphore_mem>>) src(%dma_wait3A_236 : memref<40x128xf32, #tpu.memory_space<hbm>>) dst(%arg19 : memref<40x128xf32, #tpu.memory_space<vmem>>)
    %dma_wait3A_237 = arith.constant 0 : i32
    %dma_wait3A_238 = arith.constant 0 : i32
    %dma_wait3A_239 = tpu.memref_slice %arg2[%dma_wait3A_237, %dma_wait3A_238] : memref<10000x128xf32, #tpu.memory_space<hbm>> -> memref<40x128xf32, #tpu.memory_space<hbm>>
    %dma_wait3A_240 = arith.constant 0 : i32
    %dma_wait3A_241 = arith.constant 0 : i32
    %dma_wait3A_242 = tpu.memref_slice %arg2[%dma_wait3A_240, %dma_wait3A_241] : memref<10000x128xf32, #tpu.memory_space<hbm>> -> memref<40x128xf32, #tpu.memory_space<hbm>>
    tpu.wait_dma2 semaphore(%arg35 : memref<!tpu.dma_semaphore, #tpu.memory_space<semaphore_mem>>) src(%dma_wait3A_242 : memref<40x128xf32, #tpu.memory_space<hbm>>) dst(%arg20 : memref<40x128xf32, #tpu.memory_space<vmem>>)
    %barrier3A_243 = arith.constant 0 : index
    tpu.barrier barrier_id(%barrier3A_243)
    "tpu.region"() ({
      %run_scoped3A = tpu.sem_alloc : memref<!tpu.dma_semaphore, #tpu.memory_space<semaphore_mem>>
      %dma_start3A_244 = arith.constant 0 : i32
      %dma_start3A_245 = tpu.memref_slice %arg5[%arg0, %mul3A_2, %dma_start3A_244] : memref<2x10240x128xf32, #tpu.memory_space<hbm>> -> memref<1x640x128xf32, #tpu.memory_space<hbm>>
      %dma_start3A_246 = tpu.memref_squeeze %dma_start3A_245 : memref<1x640x128xf32, #tpu.memory_space<hbm>> -> memref<640x128xf32, #tpu.memory_space<hbm>>
      %dma_start3A_247 = arith.constant 0 : i32
      %dma_start3A_248 = tpu.memref_slice %arg36[%mul3A_2, %dma_start3A_247] : memref<10240x128xf32, #tpu.memory_space<vmem_shared>> -> memref<640x128xf32, #tpu.memory_space<vmem_shared>>
      tpu.enqueue_dma source(%dma_start3A_248 : memref<640x128xf32, #tpu.memory_space<vmem_shared>>) target(%dma_start3A_246 : memref<640x128xf32, #tpu.memory_space<hbm>>) target_semaphore(%run_scoped3A : memref<!tpu.dma_semaphore, #tpu.memory_space<semaphore_mem>>)
      %dma_wait3A_249 = arith.constant 0 : i32
      %dma_wait3A_250 = tpu.memref_slice %arg5[%arg0, %mul3A_2, %dma_wait3A_249] : memref<2x10240x128xf32, #tpu.memory_space<hbm>> -> memref<1x640x128xf32, #tpu.memory_space<hbm>>
      %dma_wait3A_251 = tpu.memref_squeeze %dma_wait3A_250 : memref<1x640x128xf32, #tpu.memory_space<hbm>> -> memref<640x128xf32, #tpu.memory_space<hbm>>
      %dma_wait3A_252 = arith.constant 0 : i32
      %dma_wait3A_253 = tpu.memref_slice %arg36[%mul3A_2, %dma_wait3A_252] : memref<10240x128xf32, #tpu.memory_space<vmem_shared>> -> memref<640x128xf32, #tpu.memory_space<vmem_shared>>
      tpu.wait_dma2 semaphore(%run_scoped3A : memref<!tpu.dma_semaphore, #tpu.memory_space<semaphore_mem>>) src(%dma_wait3A_253 : memref<640x128xf32, #tpu.memory_space<vmem_shared>>) dst(%dma_wait3A_251 : memref<640x128xf32, #tpu.memory_space<hbm>>)
      tpu.yield
    }) : () -> ()
    return
  }
}

#map = affine_map<(d0, d1) -> (0)>
#map1 = affine_map<(d0, d1) -> (0, 0, 0)>
module attributes {stable_mosaic.version = 14 : i64} {
  func.func @_deg_call(%arg0: i32, %arg1: i32, %arg2: memref<320000xi32, #tpu.memory_space<hbm>>, %arg3: memref<2x10240x128xf32, #tpu.memory_space<hbm>>, %arg4: memref<80xi32, #tpu.memory_space<vmem>>, %arg5: memref<80xi32, #tpu.memory_space<vmem>>, %arg6: memref<80xi32, #tpu.memory_space<vmem>>, %arg7: memref<80xi32, #tpu.memory_space<vmem>>, %arg8: memref<80xi32, #tpu.memory_space<vmem>>, %arg9: memref<80x128xf32, #tpu.memory_space<vmem>>, %arg10: memref<!tpu.dma_semaphore, #tpu.memory_space<semaphore_mem>>, %arg11: memref<!tpu.dma_semaphore, #tpu.memory_space<semaphore_mem>>, %arg12: memref<!tpu.dma_semaphore, #tpu.memory_space<semaphore_mem>>, %arg13: memref<!tpu.dma_semaphore, #tpu.memory_space<semaphore_mem>>, %arg14: memref<!tpu.dma_semaphore, #tpu.memory_space<semaphore_mem>>, %arg15: memref<!tpu.dma_semaphore, #tpu.memory_space<semaphore_mem>>, %arg16: memref<!tpu.dma_semaphore, #tpu.memory_space<semaphore_mem>>, %arg17: memref<!tpu.dma_semaphore, #tpu.memory_space<semaphore_mem>>, %arg18: memref<!tpu.dma_semaphore, #tpu.memory_space<semaphore_mem>>, %arg19: memref<!tpu.dma_semaphore, #tpu.memory_space<semaphore_mem>>, %arg20: memref<10240x128xf32, #tpu.memory_space<vmem_shared>>) attributes {dimension_semantics = [#tpu.dimension_semantics<core_parallel>, #tpu.dimension_semantics<subcore_parallel>], iteration_bounds = array<i64: 2, 16>, scalar_prefetch = 0 : i64, scratch_operands = 17 : i64, tpu.core_type = #tpu.core_type<sc_vector_subcore>, window_params = [{transform_indices = #map}, {transform_indices = #map1}]} {
    %mul3A = arith.constant 2 : i32
    %mul3A_0 = arith.muli %arg1, %mul3A : i32
    %add3A = arith.addi %mul3A_0, %arg0 : i32
    %mul3A_1 = arith.constant 640 : i32
    %mul3A_2 = arith.muli %arg1, %mul3A_1 : i32
    %broadcast_in_dim3A = arith.constant 0.000000e+00 : f32
    %broadcast_in_dim3A_3 = vector.broadcast %broadcast_in_dim3A : f32 to vector<16xf32>
    %scan3A = arith.constant 0 : i32
    %scan3A_4 = arith.constant 0 : i32
    %scan3A_5 = arith.constant 80 : i32
    %scan3A_6 = arith.addi %scan3A_4, %scan3A_5 : i32
    %scan3A_7 = arith.constant 1 : i32
    scf.for %scan3A_172 = %scan3A_4 to %scan3A_6 step %scan3A_7  : i32 {
      %swap3A = arith.index_cast %scan3A_172 : i32 to index
      %swap3A_173 = arith.constant 0 : index
      %swap3A_174 = tpu.vector_load %arg9[%swap3A, %swap3A_173] {strides = array<i32>} : memref<80x128xf32, #tpu.memory_space<vmem>>, vector<1x16xf32>,
      %swap3A_175 = vector.shape_cast %swap3A_174 : vector<1x16xf32> to vector<16xf32>
      %swap3A_176 = vector.shape_cast %broadcast_in_dim3A_3 : vector<16xf32> to vector<1x16xf32>
      tpu.vector_store %arg9[%swap3A, %swap3A_173], %swap3A_176 {strides = array<i32>} : memref<80x128xf32, #tpu.memory_space<vmem>>, vector<1x16xf32>,
      %swap3A_177 = arith.index_cast %scan3A_172 : i32 to index
      %swap3A_178 = arith.constant 16 : index
      %swap3A_179 = tpu.vector_load %arg9[%swap3A_177, %swap3A_178] {strides = array<i32>} : memref<80x128xf32, #tpu.memory_space<vmem>>, vector<1x16xf32>,
      %swap3A_180 = vector.shape_cast %swap3A_179 : vector<1x16xf32> to vector<16xf32>
      %swap3A_181 = vector.shape_cast %broadcast_in_dim3A_3 : vector<16xf32> to vector<1x16xf32>
      tpu.vector_store %arg9[%swap3A_177, %swap3A_178], %swap3A_181 {strides = array<i32>} : memref<80x128xf32, #tpu.memory_space<vmem>>, vector<1x16xf32>,
      %swap3A_182 = arith.index_cast %scan3A_172 : i32 to index
      %swap3A_183 = arith.constant 32 : index
      %swap3A_184 = tpu.vector_load %arg9[%swap3A_182, %swap3A_183] {strides = array<i32>} : memref<80x128xf32, #tpu.memory_space<vmem>>, vector<1x16xf32>,
      %swap3A_185 = vector.shape_cast %swap3A_184 : vector<1x16xf32> to vector<16xf32>
      %swap3A_186 = vector.shape_cast %broadcast_in_dim3A_3 : vector<16xf32> to vector<1x16xf32>
      tpu.vector_store %arg9[%swap3A_182, %swap3A_183], %swap3A_186 {strides = array<i32>} : memref<80x128xf32, #tpu.memory_space<vmem>>, vector<1x16xf32>,
      %swap3A_187 = arith.index_cast %scan3A_172 : i32 to index
      %swap3A_188 = arith.constant 48 : index
      %swap3A_189 = tpu.vector_load %arg9[%swap3A_187, %swap3A_188] {strides = array<i32>} : memref<80x128xf32, #tpu.memory_space<vmem>>, vector<1x16xf32>,
      %swap3A_190 = vector.shape_cast %swap3A_189 : vector<1x16xf32> to vector<16xf32>
      %swap3A_191 = vector.shape_cast %broadcast_in_dim3A_3 : vector<16xf32> to vector<1x16xf32>
      tpu.vector_store %arg9[%swap3A_187, %swap3A_188], %swap3A_191 {strides = array<i32>} : memref<80x128xf32, #tpu.memory_space<vmem>>, vector<1x16xf32>,
      %swap3A_192 = arith.index_cast %scan3A_172 : i32 to index
      %swap3A_193 = arith.constant 64 : index
      %swap3A_194 = tpu.vector_load %arg9[%swap3A_192, %swap3A_193] {strides = array<i32>} : memref<80x128xf32, #tpu.memory_space<vmem>>, vector<1x16xf32>,
      %swap3A_195 = vector.shape_cast %swap3A_194 : vector<1x16xf32> to vector<16xf32>
      %swap3A_196 = vector.shape_cast %broadcast_in_dim3A_3 : vector<16xf32> to vector<1x16xf32>
      tpu.vector_store %arg9[%swap3A_192, %swap3A_193], %swap3A_196 {strides = array<i32>} : memref<80x128xf32, #tpu.memory_space<vmem>>, vector<1x16xf32>,
      %swap3A_197 = arith.index_cast %scan3A_172 : i32 to index
      %swap3A_198 = arith.constant 80 : index
      %swap3A_199 = tpu.vector_load %arg9[%swap3A_197, %swap3A_198] {strides = array<i32>} : memref<80x128xf32, #tpu.memory_space<vmem>>, vector<1x16xf32>,
      %swap3A_200 = vector.shape_cast %swap3A_199 : vector<1x16xf32> to vector<16xf32>
      %swap3A_201 = vector.shape_cast %broadcast_in_dim3A_3 : vector<16xf32> to vector<1x16xf32>
      tpu.vector_store %arg9[%swap3A_197, %swap3A_198], %swap3A_201 {strides = array<i32>} : memref<80x128xf32, #tpu.memory_space<vmem>>, vector<1x16xf32>,
      %swap3A_202 = arith.index_cast %scan3A_172 : i32 to index
      %swap3A_203 = arith.constant 96 : index
      %swap3A_204 = tpu.vector_load %arg9[%swap3A_202, %swap3A_203] {strides = array<i32>} : memref<80x128xf32, #tpu.memory_space<vmem>>, vector<1x16xf32>,
      %swap3A_205 = vector.shape_cast %swap3A_204 : vector<1x16xf32> to vector<16xf32>
      %swap3A_206 = vector.shape_cast %broadcast_in_dim3A_3 : vector<16xf32> to vector<1x16xf32>
      tpu.vector_store %arg9[%swap3A_202, %swap3A_203], %swap3A_206 {strides = array<i32>} : memref<80x128xf32, #tpu.memory_space<vmem>>, vector<1x16xf32>,
      %swap3A_207 = arith.index_cast %scan3A_172 : i32 to index
      %swap3A_208 = arith.constant 112 : index
      %swap3A_209 = tpu.vector_load %arg9[%swap3A_207, %swap3A_208] {strides = array<i32>} : memref<80x128xf32, #tpu.memory_space<vmem>>, vector<1x16xf32>,
      %swap3A_210 = vector.shape_cast %swap3A_209 : vector<1x16xf32> to vector<16xf32>
      %swap3A_211 = vector.shape_cast %broadcast_in_dim3A_3 : vector<16xf32> to vector<1x16xf32>
      tpu.vector_store %arg9[%swap3A_207, %swap3A_208], %swap3A_211 {strides = array<i32>} : memref<80x128xf32, #tpu.memory_space<vmem>>, vector<1x16xf32>,
    }
    %scan3A_8 = arith.constant 80 : i32
    %add3A_9 = arith.constant 0 : i32
    %add3A_10 = arith.addi %mul3A_2, %add3A_9 : i32
    %dma_start3A = arith.constant 0 : i32
    %dma_start3A_11 = tpu.memref_slice %arg20[%add3A_10, %dma_start3A] : memref<10240x128xf32, #tpu.memory_space<vmem_shared>> -> memref<80x128xf32, #tpu.memory_space<vmem_shared>>
    %dma_start3A_12 = arith.constant 0 : i32
    %dma_start3A_13 = tpu.memref_slice %arg20[%add3A_10, %dma_start3A_12] : memref<10240x128xf32, #tpu.memory_space<vmem_shared>> -> memref<80x128xf32, #tpu.memory_space<vmem_shared>>
    tpu.enqueue_dma source(%arg9 : memref<80x128xf32, #tpu.memory_space<vmem>>) target(%dma_start3A_13 : memref<80x128xf32, #tpu.memory_space<vmem_shared>>) target_semaphore(%arg15 : memref<!tpu.dma_semaphore, #tpu.memory_space<semaphore_mem>>)
    %add3A_14 = arith.constant 80 : i32
    %add3A_15 = arith.addi %mul3A_2, %add3A_14 : i32
    %dma_start3A_16 = arith.constant 0 : i32
    %dma_start3A_17 = tpu.memref_slice %arg20[%add3A_15, %dma_start3A_16] : memref<10240x128xf32, #tpu.memory_space<vmem_shared>> -> memref<80x128xf32, #tpu.memory_space<vmem_shared>>
    %dma_start3A_18 = arith.constant 0 : i32
    %dma_start3A_19 = tpu.memref_slice %arg20[%add3A_15, %dma_start3A_18] : memref<10240x128xf32, #tpu.memory_space<vmem_shared>> -> memref<80x128xf32, #tpu.memory_space<vmem_shared>>
    tpu.enqueue_dma source(%arg9 : memref<80x128xf32, #tpu.memory_space<vmem>>) target(%dma_start3A_19 : memref<80x128xf32, #tpu.memory_space<vmem_shared>>) target_semaphore(%arg16 : memref<!tpu.dma_semaphore, #tpu.memory_space<semaphore_mem>>)
    %add3A_20 = arith.constant 160 : i32
    %add3A_21 = arith.addi %mul3A_2, %add3A_20 : i32
    %dma_start3A_22 = arith.constant 0 : i32
    %dma_start3A_23 = tpu.memref_slice %arg20[%add3A_21, %dma_start3A_22] : memref<10240x128xf32, #tpu.memory_space<vmem_shared>> -> memref<80x128xf32, #tpu.memory_space<vmem_shared>>
    %dma_start3A_24 = arith.constant 0 : i32
    %dma_start3A_25 = tpu.memref_slice %arg20[%add3A_21, %dma_start3A_24] : memref<10240x128xf32, #tpu.memory_space<vmem_shared>> -> memref<80x128xf32, #tpu.memory_space<vmem_shared>>
    tpu.enqueue_dma source(%arg9 : memref<80x128xf32, #tpu.memory_space<vmem>>) target(%dma_start3A_25 : memref<80x128xf32, #tpu.memory_space<vmem_shared>>) target_semaphore(%arg17 : memref<!tpu.dma_semaphore, #tpu.memory_space<semaphore_mem>>)
    %add3A_26 = arith.constant 240 : i32
    %add3A_27 = arith.addi %mul3A_2, %add3A_26 : i32
    %dma_start3A_28 = arith.constant 0 : i32
    %dma_start3A_29 = tpu.memref_slice %arg20[%add3A_27, %dma_start3A_28] : memref<10240x128xf32, #tpu.memory_space<vmem_shared>> -> memref<80x128xf32, #tpu.memory_space<vmem_shared>>
    %dma_start3A_30 = arith.constant 0 : i32
    %dma_start3A_31 = tpu.memref_slice %arg20[%add3A_27, %dma_start3A_30] : memref<10240x128xf32, #tpu.memory_space<vmem_shared>> -> memref<80x128xf32, #tpu.memory_space<vmem_shared>>
    tpu.enqueue_dma source(%arg9 : memref<80x128xf32, #tpu.memory_space<vmem>>) target(%dma_start3A_31 : memref<80x128xf32, #tpu.memory_space<vmem_shared>>) target_semaphore(%arg18 : memref<!tpu.dma_semaphore, #tpu.memory_space<semaphore_mem>>)
    %add3A_32 = arith.constant 320 : i32
    %add3A_33 = arith.addi %mul3A_2, %add3A_32 : i32
    %dma_start3A_34 = arith.constant 0 : i32
    %dma_start3A_35 = tpu.memref_slice %arg20[%add3A_33, %dma_start3A_34] : memref<10240x128xf32, #tpu.memory_space<vmem_shared>> -> memref<80x128xf32, #tpu.memory_space<vmem_shared>>
    %dma_start3A_36 = arith.constant 0 : i32
    %dma_start3A_37 = tpu.memref_slice %arg20[%add3A_33, %dma_start3A_36] : memref<10240x128xf32, #tpu.memory_space<vmem_shared>> -> memref<80x128xf32, #tpu.memory_space<vmem_shared>>
    tpu.enqueue_dma source(%arg9 : memref<80x128xf32, #tpu.memory_space<vmem>>) target(%dma_start3A_37 : memref<80x128xf32, #tpu.memory_space<vmem_shared>>) target_semaphore(%arg19 : memref<!tpu.dma_semaphore, #tpu.memory_space<semaphore_mem>>)
    %add3A_38 = arith.constant 400 : i32
    %add3A_39 = arith.addi %mul3A_2, %add3A_38 : i32
    %dma_start3A_40 = arith.constant 0 : i32
    %dma_start3A_41 = tpu.memref_slice %arg20[%add3A_39, %dma_start3A_40] : memref<10240x128xf32, #tpu.memory_space<vmem_shared>> -> memref<80x128xf32, #tpu.memory_space<vmem_shared>>
    %dma_start3A_42 = arith.constant 0 : i32
    %dma_start3A_43 = tpu.memref_slice %arg20[%add3A_39, %dma_start3A_42] : memref<10240x128xf32, #tpu.memory_space<vmem_shared>> -> memref<80x128xf32, #tpu.memory_space<vmem_shared>>
    tpu.enqueue_dma source(%arg9 : memref<80x128xf32, #tpu.memory_space<vmem>>) target(%dma_start3A_43 : memref<80x128xf32, #tpu.memory_space<vmem_shared>>) target_semaphore(%arg15 : memref<!tpu.dma_semaphore, #tpu.memory_space<semaphore_mem>>)
    %add3A_44 = arith.constant 480 : i32
    %add3A_45 = arith.addi %mul3A_2, %add3A_44 : i32
    %dma_start3A_46 = arith.constant 0 : i32
    %dma_start3A_47 = tpu.memref_slice %arg20[%add3A_45, %dma_start3A_46] : memref<10240x128xf32, #tpu.memory_space<vmem_shared>> -> memref<80x128xf32, #tpu.memory_space<vmem_shared>>
    %dma_start3A_48 = arith.constant 0 : i32
    %dma_start3A_49 = tpu.memref_slice %arg20[%add3A_45, %dma_start3A_48] : memref<10240x128xf32, #tpu.memory_space<vmem_shared>> -> memref<80x128xf32, #tpu.memory_space<vmem_shared>>
    tpu.enqueue_dma source(%arg9 : memref<80x128xf32, #tpu.memory_space<vmem>>) target(%dma_start3A_49 : memref<80x128xf32, #tpu.memory_space<vmem_shared>>) target_semaphore(%arg16 : memref<!tpu.dma_semaphore, #tpu.memory_space<semaphore_mem>>)
    %add3A_50 = arith.constant 560 : i32
    %add3A_51 = arith.addi %mul3A_2, %add3A_50 : i32
    %dma_start3A_52 = arith.constant 0 : i32
    %dma_start3A_53 = tpu.memref_slice %arg20[%add3A_51, %dma_start3A_52] : memref<10240x128xf32, #tpu.memory_space<vmem_shared>> -> memref<80x128xf32, #tpu.memory_space<vmem_shared>>
    %dma_start3A_54 = arith.constant 0 : i32
    %dma_start3A_55 = tpu.memref_slice %arg20[%add3A_51, %dma_start3A_54] : memref<10240x128xf32, #tpu.memory_space<vmem_shared>> -> memref<80x128xf32, #tpu.memory_space<vmem_shared>>
    tpu.enqueue_dma source(%arg9 : memref<80x128xf32, #tpu.memory_space<vmem>>) target(%dma_start3A_55 : memref<80x128xf32, #tpu.memory_space<vmem_shared>>) target_semaphore(%arg17 : memref<!tpu.dma_semaphore, #tpu.memory_space<semaphore_mem>>)
    %dma_wait3A = arith.constant 0 : i32
    %dma_wait3A_56 = tpu.memref_slice %arg20[%add3A_10, %dma_wait3A] : memref<10240x128xf32, #tpu.memory_space<vmem_shared>> -> memref<80x128xf32, #tpu.memory_space<vmem_shared>>
    %dma_wait3A_57 = arith.constant 0 : i32
    %dma_wait3A_58 = tpu.memref_slice %arg20[%add3A_10, %dma_wait3A_57] : memref<10240x128xf32, #tpu.memory_space<vmem_shared>> -> memref<80x128xf32, #tpu.memory_space<vmem_shared>>
    tpu.wait_dma2 semaphore(%arg15 : memref<!tpu.dma_semaphore, #tpu.memory_space<semaphore_mem>>) src(%arg9 : memref<80x128xf32, #tpu.memory_space<vmem>>) dst(%dma_wait3A_58 : memref<80x128xf32, #tpu.memory_space<vmem_shared>>)
    %dma_wait3A_59 = arith.constant 0 : i32
    %dma_wait3A_60 = tpu.memref_slice %arg20[%add3A_15, %dma_wait3A_59] : memref<10240x128xf32, #tpu.memory_space<vmem_shared>> -> memref<80x128xf32, #tpu.memory_space<vmem_shared>>
    %dma_wait3A_61 = arith.constant 0 : i32
    %dma_wait3A_62 = tpu.memref_slice %arg20[%add3A_15, %dma_wait3A_61] : memref<10240x128xf32, #tpu.memory_space<vmem_shared>> -> memref<80x128xf32, #tpu.memory_space<vmem_shared>>
    tpu.wait_dma2 semaphore(%arg16 : memref<!tpu.dma_semaphore, #tpu.memory_space<semaphore_mem>>) src(%arg9 : memref<80x128xf32, #tpu.memory_space<vmem>>) dst(%dma_wait3A_62 : memref<80x128xf32, #tpu.memory_space<vmem_shared>>)
    %dma_wait3A_63 = arith.constant 0 : i32
    %dma_wait3A_64 = tpu.memref_slice %arg20[%add3A_21, %dma_wait3A_63] : memref<10240x128xf32, #tpu.memory_space<vmem_shared>> -> memref<80x128xf32, #tpu.memory_space<vmem_shared>>
    %dma_wait3A_65 = arith.constant 0 : i32
    %dma_wait3A_66 = tpu.memref_slice %arg20[%add3A_21, %dma_wait3A_65] : memref<10240x128xf32, #tpu.memory_space<vmem_shared>> -> memref<80x128xf32, #tpu.memory_space<vmem_shared>>
    tpu.wait_dma2 semaphore(%arg17 : memref<!tpu.dma_semaphore, #tpu.memory_space<semaphore_mem>>) src(%arg9 : memref<80x128xf32, #tpu.memory_space<vmem>>) dst(%dma_wait3A_66 : memref<80x128xf32, #tpu.memory_space<vmem_shared>>)
    %dma_wait3A_67 = arith.constant 0 : i32
    %dma_wait3A_68 = tpu.memref_slice %arg20[%add3A_27, %dma_wait3A_67] : memref<10240x128xf32, #tpu.memory_space<vmem_shared>> -> memref<80x128xf32, #tpu.memory_space<vmem_shared>>
    %dma_wait3A_69 = arith.constant 0 : i32
    %dma_wait3A_70 = tpu.memref_slice %arg20[%add3A_27, %dma_wait3A_69] : memref<10240x128xf32, #tpu.memory_space<vmem_shared>> -> memref<80x128xf32, #tpu.memory_space<vmem_shared>>
    tpu.wait_dma2 semaphore(%arg18 : memref<!tpu.dma_semaphore, #tpu.memory_space<semaphore_mem>>) src(%arg9 : memref<80x128xf32, #tpu.memory_space<vmem>>) dst(%dma_wait3A_70 : memref<80x128xf32, #tpu.memory_space<vmem_shared>>)
    %dma_wait3A_71 = arith.constant 0 : i32
    %dma_wait3A_72 = tpu.memref_slice %arg20[%add3A_33, %dma_wait3A_71] : memref<10240x128xf32, #tpu.memory_space<vmem_shared>> -> memref<80x128xf32, #tpu.memory_space<vmem_shared>>
    %dma_wait3A_73 = arith.constant 0 : i32
    %dma_wait3A_74 = tpu.memref_slice %arg20[%add3A_33, %dma_wait3A_73] : memref<10240x128xf32, #tpu.memory_space<vmem_shared>> -> memref<80x128xf32, #tpu.memory_space<vmem_shared>>
    tpu.wait_dma2 semaphore(%arg19 : memref<!tpu.dma_semaphore, #tpu.memory_space<semaphore_mem>>) src(%arg9 : memref<80x128xf32, #tpu.memory_space<vmem>>) dst(%dma_wait3A_74 : memref<80x128xf32, #tpu.memory_space<vmem_shared>>)
    %dma_wait3A_75 = arith.constant 0 : i32
    %dma_wait3A_76 = tpu.memref_slice %arg20[%add3A_39, %dma_wait3A_75] : memref<10240x128xf32, #tpu.memory_space<vmem_shared>> -> memref<80x128xf32, #tpu.memory_space<vmem_shared>>
    %dma_wait3A_77 = arith.constant 0 : i32
    %dma_wait3A_78 = tpu.memref_slice %arg20[%add3A_39, %dma_wait3A_77] : memref<10240x128xf32, #tpu.memory_space<vmem_shared>> -> memref<80x128xf32, #tpu.memory_space<vmem_shared>>
    tpu.wait_dma2 semaphore(%arg15 : memref<!tpu.dma_semaphore, #tpu.memory_space<semaphore_mem>>) src(%arg9 : memref<80x128xf32, #tpu.memory_space<vmem>>) dst(%dma_wait3A_78 : memref<80x128xf32, #tpu.memory_space<vmem_shared>>)
    %dma_wait3A_79 = arith.constant 0 : i32
    %dma_wait3A_80 = tpu.memref_slice %arg20[%add3A_45, %dma_wait3A_79] : memref<10240x128xf32, #tpu.memory_space<vmem_shared>> -> memref<80x128xf32, #tpu.memory_space<vmem_shared>>
    %dma_wait3A_81 = arith.constant 0 : i32
    %dma_wait3A_82 = tpu.memref_slice %arg20[%add3A_45, %dma_wait3A_81] : memref<10240x128xf32, #tpu.memory_space<vmem_shared>> -> memref<80x128xf32, #tpu.memory_space<vmem_shared>>
    tpu.wait_dma2 semaphore(%arg16 : memref<!tpu.dma_semaphore, #tpu.memory_space<semaphore_mem>>) src(%arg9 : memref<80x128xf32, #tpu.memory_space<vmem>>) dst(%dma_wait3A_82 : memref<80x128xf32, #tpu.memory_space<vmem_shared>>)
    %dma_wait3A_83 = arith.constant 0 : i32
    %dma_wait3A_84 = tpu.memref_slice %arg20[%add3A_51, %dma_wait3A_83] : memref<10240x128xf32, #tpu.memory_space<vmem_shared>> -> memref<80x128xf32, #tpu.memory_space<vmem_shared>>
    %dma_wait3A_85 = arith.constant 0 : i32
    %dma_wait3A_86 = tpu.memref_slice %arg20[%add3A_51, %dma_wait3A_85] : memref<10240x128xf32, #tpu.memory_space<vmem_shared>> -> memref<80x128xf32, #tpu.memory_space<vmem_shared>>
    tpu.wait_dma2 semaphore(%arg17 : memref<!tpu.dma_semaphore, #tpu.memory_space<semaphore_mem>>) src(%arg9 : memref<80x128xf32, #tpu.memory_space<vmem>>) dst(%dma_wait3A_86 : memref<80x128xf32, #tpu.memory_space<vmem_shared>>)
    %broadcast_in_dim3A_87 = arith.constant 1.000000e+00 : f32
    %broadcast_in_dim3A_88 = vector.broadcast %broadcast_in_dim3A_87 : f32 to vector<16xf32>
    %scan3A_89 = arith.constant 0 : i32
    %scan3A_90 = arith.constant 0 : i32
    %scan3A_91 = arith.constant 80 : i32
    %scan3A_92 = arith.addi %scan3A_90, %scan3A_91 : i32
    %scan3A_93 = arith.constant 1 : i32
    scf.for %scan3A_172 = %scan3A_90 to %scan3A_92 step %scan3A_93  : i32 {
      %swap3A = arith.index_cast %scan3A_172 : i32 to index
      %swap3A_173 = arith.constant 0 : index
      %swap3A_174 = tpu.vector_load %arg9[%swap3A, %swap3A_173] {strides = array<i32>} : memref<80x128xf32, #tpu.memory_space<vmem>>, vector<1x16xf32>,
      %swap3A_175 = vector.shape_cast %swap3A_174 : vector<1x16xf32> to vector<16xf32>
      %swap3A_176 = vector.shape_cast %broadcast_in_dim3A_88 : vector<16xf32> to vector<1x16xf32>
      tpu.vector_store %arg9[%swap3A, %swap3A_173], %swap3A_176 {strides = array<i32>} : memref<80x128xf32, #tpu.memory_space<vmem>>, vector<1x16xf32>,
      %swap3A_177 = arith.index_cast %scan3A_172 : i32 to index
      %swap3A_178 = arith.constant 16 : index
      %swap3A_179 = tpu.vector_load %arg9[%swap3A_177, %swap3A_178] {strides = array<i32>} : memref<80x128xf32, #tpu.memory_space<vmem>>, vector<1x16xf32>,
      %swap3A_180 = vector.shape_cast %swap3A_179 : vector<1x16xf32> to vector<16xf32>
      %swap3A_181 = vector.shape_cast %broadcast_in_dim3A_88 : vector<16xf32> to vector<1x16xf32>
      tpu.vector_store %arg9[%swap3A_177, %swap3A_178], %swap3A_181 {strides = array<i32>} : memref<80x128xf32, #tpu.memory_space<vmem>>, vector<1x16xf32>,
      %swap3A_182 = arith.index_cast %scan3A_172 : i32 to index
      %swap3A_183 = arith.constant 32 : index
      %swap3A_184 = tpu.vector_load %arg9[%swap3A_182, %swap3A_183] {strides = array<i32>} : memref<80x128xf32, #tpu.memory_space<vmem>>, vector<1x16xf32>,
      %swap3A_185 = vector.shape_cast %swap3A_184 : vector<1x16xf32> to vector<16xf32>
      %swap3A_186 = vector.shape_cast %broadcast_in_dim3A_88 : vector<16xf32> to vector<1x16xf32>
      tpu.vector_store %arg9[%swap3A_182, %swap3A_183], %swap3A_186 {strides = array<i32>} : memref<80x128xf32, #tpu.memory_space<vmem>>, vector<1x16xf32>,
      %swap3A_187 = arith.index_cast %scan3A_172 : i32 to index
      %swap3A_188 = arith.constant 48 : index
      %swap3A_189 = tpu.vector_load %arg9[%swap3A_187, %swap3A_188] {strides = array<i32>} : memref<80x128xf32, #tpu.memory_space<vmem>>, vector<1x16xf32>,
      %swap3A_190 = vector.shape_cast %swap3A_189 : vector<1x16xf32> to vector<16xf32>
      %swap3A_191 = vector.shape_cast %broadcast_in_dim3A_88 : vector<16xf32> to vector<1x16xf32>
      tpu.vector_store %arg9[%swap3A_187, %swap3A_188], %swap3A_191 {strides = array<i32>} : memref<80x128xf32, #tpu.memory_space<vmem>>, vector<1x16xf32>,
      %swap3A_192 = arith.index_cast %scan3A_172 : i32 to index
      %swap3A_193 = arith.constant 64 : index
      %swap3A_194 = tpu.vector_load %arg9[%swap3A_192, %swap3A_193] {strides = array<i32>} : memref<80x128xf32, #tpu.memory_space<vmem>>, vector<1x16xf32>,
      %swap3A_195 = vector.shape_cast %swap3A_194 : vector<1x16xf32> to vector<16xf32>
      %swap3A_196 = vector.shape_cast %broadcast_in_dim3A_88 : vector<16xf32> to vector<1x16xf32>
      tpu.vector_store %arg9[%swap3A_192, %swap3A_193], %swap3A_196 {strides = array<i32>} : memref<80x128xf32, #tpu.memory_space<vmem>>, vector<1x16xf32>,
      %swap3A_197 = arith.index_cast %scan3A_172 : i32 to index
      %swap3A_198 = arith.constant 80 : index
      %swap3A_199 = tpu.vector_load %arg9[%swap3A_197, %swap3A_198] {strides = array<i32>} : memref<80x128xf32, #tpu.memory_space<vmem>>, vector<1x16xf32>,
      %swap3A_200 = vector.shape_cast %swap3A_199 : vector<1x16xf32> to vector<16xf32>
      %swap3A_201 = vector.shape_cast %broadcast_in_dim3A_88 : vector<16xf32> to vector<1x16xf32>
      tpu.vector_store %arg9[%swap3A_197, %swap3A_198], %swap3A_201 {strides = array<i32>} : memref<80x128xf32, #tpu.memory_space<vmem>>, vector<1x16xf32>,
      %swap3A_202 = arith.index_cast %scan3A_172 : i32 to index
      %swap3A_203 = arith.constant 96 : index
      %swap3A_204 = tpu.vector_load %arg9[%swap3A_202, %swap3A_203] {strides = array<i32>} : memref<80x128xf32, #tpu.memory_space<vmem>>, vector<1x16xf32>,
      %swap3A_205 = vector.shape_cast %swap3A_204 : vector<1x16xf32> to vector<16xf32>
      %swap3A_206 = vector.shape_cast %broadcast_in_dim3A_88 : vector<16xf32> to vector<1x16xf32>
      tpu.vector_store %arg9[%swap3A_202, %swap3A_203], %swap3A_206 {strides = array<i32>} : memref<80x128xf32, #tpu.memory_space<vmem>>, vector<1x16xf32>,
      %swap3A_207 = arith.index_cast %scan3A_172 : i32 to index
      %swap3A_208 = arith.constant 112 : index
      %swap3A_209 = tpu.vector_load %arg9[%swap3A_207, %swap3A_208] {strides = array<i32>} : memref<80x128xf32, #tpu.memory_space<vmem>>, vector<1x16xf32>,
      %swap3A_210 = vector.shape_cast %swap3A_209 : vector<1x16xf32> to vector<16xf32>
      %swap3A_211 = vector.shape_cast %broadcast_in_dim3A_88 : vector<16xf32> to vector<1x16xf32>
      tpu.vector_store %arg9[%swap3A_207, %swap3A_208], %swap3A_211 {strides = array<i32>} : memref<80x128xf32, #tpu.memory_space<vmem>>, vector<1x16xf32>,
    }
    %scan3A_94 = arith.constant 80 : i32
    %barrier3A = arith.constant 0 : index
    tpu.barrier barrier_id(%barrier3A)
    %mul3A_95 = arith.constant 10000 : i32
    %mul3A_96 = arith.muli %add3A, %mul3A_95 : i32
    %add3A_97 = arith.constant 0 : i32
    %add3A_98 = arith.addi %mul3A_96, %add3A_97 : i32
    %dma_start3A_99 = tpu.memref_slice %arg2[%add3A_98] : memref<320000xi32, #tpu.memory_space<hbm>> -> memref<80xi32, #tpu.memory_space<hbm>>
    %dma_start3A_100 = tpu.memref_slice %arg2[%add3A_98] : memref<320000xi32, #tpu.memory_space<hbm>> -> memref<80xi32, #tpu.memory_space<hbm>>
    tpu.enqueue_dma source(%dma_start3A_100 : memref<80xi32, #tpu.memory_space<hbm>>) target(%arg4 : memref<80xi32, #tpu.memory_space<vmem>>) target_semaphore(%arg10 : memref<!tpu.dma_semaphore, #tpu.memory_space<semaphore_mem>>)
    %mul3A_101 = arith.constant 10000 : i32
    %mul3A_102 = arith.muli %add3A, %mul3A_101 : i32
    %add3A_103 = arith.constant 80 : i32
    %add3A_104 = arith.addi %mul3A_102, %add3A_103 : i32
    %dma_start3A_105 = tpu.memref_slice %arg2[%add3A_104] : memref<320000xi32, #tpu.memory_space<hbm>> -> memref<80xi32, #tpu.memory_space<hbm>>
    %dma_start3A_106 = tpu.memref_slice %arg2[%add3A_104] : memref<320000xi32, #tpu.memory_space<hbm>> -> memref<80xi32, #tpu.memory_space<hbm>>
    tpu.enqueue_dma source(%dma_start3A_106 : memref<80xi32, #tpu.memory_space<hbm>>) target(%arg5 : memref<80xi32, #tpu.memory_space<vmem>>) target_semaphore(%arg11 : memref<!tpu.dma_semaphore, #tpu.memory_space<semaphore_mem>>)
    %mul3A_107 = arith.constant 10000 : i32
    %mul3A_108 = arith.muli %add3A, %mul3A_107 : i32
    %add3A_109 = arith.constant 160 : i32
    %add3A_110 = arith.addi %mul3A_108, %add3A_109 : i32
    %dma_start3A_111 = tpu.memref_slice %arg2[%add3A_110] : memref<320000xi32, #tpu.memory_space<hbm>> -> memref<80xi32, #tpu.memory_space<hbm>>
    %dma_start3A_112 = tpu.memref_slice %arg2[%add3A_110] : memref<320000xi32, #tpu.memory_space<hbm>> -> memref<80xi32, #tpu.memory_space<hbm>>
    tpu.enqueue_dma source(%dma_start3A_112 : memref<80xi32, #tpu.memory_space<hbm>>) target(%arg6 : memref<80xi32, #tpu.memory_space<vmem>>) target_semaphore(%arg12 : memref<!tpu.dma_semaphore, #tpu.memory_space<semaphore_mem>>)
    %mul3A_113 = arith.constant 10000 : i32
    %mul3A_114 = arith.muli %add3A, %mul3A_113 : i32
    %add3A_115 = arith.constant 240 : i32
    %add3A_116 = arith.addi %mul3A_114, %add3A_115 : i32
    %dma_start3A_117 = tpu.memref_slice %arg2[%add3A_116] : memref<320000xi32, #tpu.memory_space<hbm>> -> memref<80xi32, #tpu.memory_space<hbm>>
    %dma_start3A_118 = tpu.memref_slice %arg2[%add3A_116] : memref<320000xi32, #tpu.memory_space<hbm>> -> memref<80xi32, #tpu.memory_space<hbm>>
    tpu.enqueue_dma source(%dma_start3A_118 : memref<80xi32, #tpu.memory_space<hbm>>) target(%arg7 : memref<80xi32, #tpu.memory_space<vmem>>) target_semaphore(%arg13 : memref<!tpu.dma_semaphore, #tpu.memory_space<semaphore_mem>>)
    %mul3A_119 = arith.constant 10000 : i32
    %mul3A_120 = arith.muli %add3A, %mul3A_119 : i32
    %add3A_121 = arith.constant 320 : i32
    %add3A_122 = arith.addi %mul3A_120, %add3A_121 : i32
    %dma_start3A_123 = tpu.memref_slice %arg2[%add3A_122] : memref<320000xi32, #tpu.memory_space<hbm>> -> memref<80xi32, #tpu.memory_space<hbm>>
    %dma_start3A_124 = tpu.memref_slice %arg2[%add3A_122] : memref<320000xi32, #tpu.memory_space<hbm>> -> memref<80xi32, #tpu.memory_space<hbm>>
    tpu.enqueue_dma source(%dma_start3A_124 : memref<80xi32, #tpu.memory_space<hbm>>) target(%arg8 : memref<80xi32, #tpu.memory_space<vmem>>) target_semaphore(%arg14 : memref<!tpu.dma_semaphore, #tpu.memory_space<semaphore_mem>>)
    %scan3A_125 = arith.constant 0 : i32
    %scan3A_126 = arith.constant 0 : i32
    %scan3A_127 = arith.constant 25 : i32
    %scan3A_128 = arith.addi %scan3A_126, %scan3A_127 : i32
    %scan3A_129 = arith.constant 1 : i32
    scf.for %scan3A_172 = %scan3A_126 to %scan3A_128 step %scan3A_129  : i32 {
      %dma_wait3A_173 = arith.constant 0 : i32
      %dma_wait3A_174 = tpu.memref_slice %arg2[%dma_wait3A_173] : memref<320000xi32, #tpu.memory_space<hbm>> -> memref<80xi32, #tpu.memory_space<hbm>>
      %dma_wait3A_175 = arith.constant 0 : i32
      %dma_wait3A_176 = tpu.memref_slice %arg2[%dma_wait3A_175] : memref<320000xi32, #tpu.memory_space<hbm>> -> memref<80xi32, #tpu.memory_space<hbm>>
      tpu.wait_dma2 semaphore(%arg10 : memref<!tpu.dma_semaphore, #tpu.memory_space<semaphore_mem>>) src(%dma_wait3A_176 : memref<80xi32, #tpu.memory_space<hbm>>) dst(%arg4 : memref<80xi32, #tpu.memory_space<vmem>>)
      %dma_start3A_177 = arith.constant 0 : i32
      %dma_start3A_178 = arith.constant 0 : i32
      %dma_start3A_179 = tpu.memref_slice %arg20[%dma_start3A_177, %dma_start3A_178] : memref<10240x128xf32, #tpu.memory_space<vmem_shared>> -> memref<10240x128xf32, #tpu.memory_space<vmem_shared>>
      tpu.enqueue_indirect_dma source(%arg9 : memref<80x128xf32, #tpu.memory_space<vmem>>) target(%dma_start3A_179 : memref<10240x128xf32, #tpu.memory_space<vmem_shared>>) offsets(%arg4 : memref<80xi32, #tpu.memory_space<vmem>>) semaphore(%arg15 : memref<!tpu.dma_semaphore, #tpu.memory_space<semaphore_mem>>) {add = true}
      %dma_wait3A_180 = arith.constant 0 : i32
      %dma_wait3A_181 = tpu.memref_slice %arg2[%dma_wait3A_180] : memref<320000xi32, #tpu.memory_space<hbm>> -> memref<80xi32, #tpu.memory_space<hbm>>
      %dma_wait3A_182 = arith.constant 0 : i32
      %dma_wait3A_183 = tpu.memref_slice %arg2[%dma_wait3A_182] : memref<320000xi32, #tpu.memory_space<hbm>> -> memref<80xi32, #tpu.memory_space<hbm>>
      tpu.wait_dma2 semaphore(%arg11 : memref<!tpu.dma_semaphore, #tpu.memory_space<semaphore_mem>>) src(%dma_wait3A_183 : memref<80xi32, #tpu.memory_space<hbm>>) dst(%arg5 : memref<80xi32, #tpu.memory_space<vmem>>)
      %dma_start3A_184 = arith.constant 0 : i32
      %dma_start3A_185 = arith.constant 0 : i32
      %dma_start3A_186 = tpu.memref_slice %arg20[%dma_start3A_184, %dma_start3A_185] : memref<10240x128xf32, #tpu.memory_space<vmem_shared>> -> memref<10240x128xf32, #tpu.memory_space<vmem_shared>>
      tpu.enqueue_indirect_dma source(%arg9 : memref<80x128xf32, #tpu.memory_space<vmem>>) target(%dma_start3A_186 : memref<10240x128xf32, #tpu.memory_space<vmem_shared>>) offsets(%arg5 : memref<80xi32, #tpu.memory_space<vmem>>) semaphore(%arg16 : memref<!tpu.dma_semaphore, #tpu.memory_space<semaphore_mem>>) {add = true}
      %dma_wait3A_187 = arith.constant 0 : i32
      %dma_wait3A_188 = tpu.memref_slice %arg2[%dma_wait3A_187] : memref<320000xi32, #tpu.memory_space<hbm>> -> memref<80xi32, #tpu.memory_space<hbm>>
      %dma_wait3A_189 = arith.constant 0 : i32
      %dma_wait3A_190 = tpu.memref_slice %arg2[%dma_wait3A_189] : memref<320000xi32, #tpu.memory_space<hbm>> -> memref<80xi32, #tpu.memory_space<hbm>>
      tpu.wait_dma2 semaphore(%arg12 : memref<!tpu.dma_semaphore, #tpu.memory_space<semaphore_mem>>) src(%dma_wait3A_190 : memref<80xi32, #tpu.memory_space<hbm>>) dst(%arg6 : memref<80xi32, #tpu.memory_space<vmem>>)
      %dma_start3A_191 = arith.constant 0 : i32
      %dma_start3A_192 = arith.constant 0 : i32
      %dma_start3A_193 = tpu.memref_slice %arg20[%dma_start3A_191, %dma_start3A_192] : memref<10240x128xf32, #tpu.memory_space<vmem_shared>> -> memref<10240x128xf32, #tpu.memory_space<vmem_shared>>
      tpu.enqueue_indirect_dma source(%arg9 : memref<80x128xf32, #tpu.memory_space<vmem>>) target(%dma_start3A_193 : memref<10240x128xf32, #tpu.memory_space<vmem_shared>>) offsets(%arg6 : memref<80xi32, #tpu.memory_space<vmem>>) semaphore(%arg17 : memref<!tpu.dma_semaphore, #tpu.memory_space<semaphore_mem>>) {add = true}
      %dma_wait3A_194 = arith.constant 0 : i32
      %dma_wait3A_195 = tpu.memref_slice %arg2[%dma_wait3A_194] : memref<320000xi32, #tpu.memory_space<hbm>> -> memref<80xi32, #tpu.memory_space<hbm>>
      %dma_wait3A_196 = arith.constant 0 : i32
      %dma_wait3A_197 = tpu.memref_slice %arg2[%dma_wait3A_196] : memref<320000xi32, #tpu.memory_space<hbm>> -> memref<80xi32, #tpu.memory_space<hbm>>
      tpu.wait_dma2 semaphore(%arg13 : memref<!tpu.dma_semaphore, #tpu.memory_space<semaphore_mem>>) src(%dma_wait3A_197 : memref<80xi32, #tpu.memory_space<hbm>>) dst(%arg7 : memref<80xi32, #tpu.memory_space<vmem>>)
      %dma_start3A_198 = arith.constant 0 : i32
      %dma_start3A_199 = arith.constant 0 : i32
      %dma_start3A_200 = tpu.memref_slice %arg20[%dma_start3A_198, %dma_start3A_199] : memref<10240x128xf32, #tpu.memory_space<vmem_shared>> -> memref<10240x128xf32, #tpu.memory_space<vmem_shared>>
      tpu.enqueue_indirect_dma source(%arg9 : memref<80x128xf32, #tpu.memory_space<vmem>>) target(%dma_start3A_200 : memref<10240x128xf32, #tpu.memory_space<vmem_shared>>) offsets(%arg7 : memref<80xi32, #tpu.memory_space<vmem>>) semaphore(%arg18 : memref<!tpu.dma_semaphore, #tpu.memory_space<semaphore_mem>>) {add = true}
      %dma_wait3A_201 = arith.constant 0 : i32
      %dma_wait3A_202 = tpu.memref_slice %arg2[%dma_wait3A_201] : memref<320000xi32, #tpu.memory_space<hbm>> -> memref<80xi32, #tpu.memory_space<hbm>>
      %dma_wait3A_203 = arith.constant 0 : i32
      %dma_wait3A_204 = tpu.memref_slice %arg2[%dma_wait3A_203] : memref<320000xi32, #tpu.memory_space<hbm>> -> memref<80xi32, #tpu.memory_space<hbm>>
      tpu.wait_dma2 semaphore(%arg14 : memref<!tpu.dma_semaphore, #tpu.memory_space<semaphore_mem>>) src(%dma_wait3A_204 : memref<80xi32, #tpu.memory_space<hbm>>) dst(%arg8 : memref<80xi32, #tpu.memory_space<vmem>>)
      %dma_start3A_205 = arith.constant 0 : i32
      %dma_start3A_206 = arith.constant 0 : i32
      %dma_start3A_207 = tpu.memref_slice %arg20[%dma_start3A_205, %dma_start3A_206] : memref<10240x128xf32, #tpu.memory_space<vmem_shared>> -> memref<10240x128xf32, #tpu.memory_space<vmem_shared>>
      tpu.enqueue_indirect_dma source(%arg9 : memref<80x128xf32, #tpu.memory_space<vmem>>) target(%dma_start3A_207 : memref<10240x128xf32, #tpu.memory_space<vmem_shared>>) offsets(%arg8 : memref<80xi32, #tpu.memory_space<vmem>>) semaphore(%arg19 : memref<!tpu.dma_semaphore, #tpu.memory_space<semaphore_mem>>) {add = true}
      %lt3A = arith.constant 24 : i32
      %lt3A_208 = arith.cmpi slt, %scan3A_172, %lt3A : i32
      %convert_element_type3A = arith.extui %lt3A_208 : i1 to i32
      %cond3A = arith.constant 0 : i32
      %cond3A_209 = arith.cmpi ne, %convert_element_type3A, %cond3A : i32
      scf.if %cond3A_209 {
        %dma_wait3A_230 = arith.constant 0 : i32
        %dma_wait3A_231 = arith.constant 0 : i32
        %dma_wait3A_232 = tpu.memref_slice %arg20[%dma_wait3A_230, %dma_wait3A_231] : memref<10240x128xf32, #tpu.memory_space<vmem_shared>> -> memref<10240x128xf32, #tpu.memory_space<vmem_shared>>
        tpu.wait_indirect_dma semaphore(%arg15 : memref<!tpu.dma_semaphore, #tpu.memory_space<semaphore_mem>>) src(%arg9 : memref<80x128xf32, #tpu.memory_space<vmem>>) dst(%dma_wait3A_232 : memref<10240x128xf32, #tpu.memory_space<vmem_shared>>)
        %add3A_233 = arith.constant 1 : i32
        %add3A_234 = arith.addi %scan3A_172, %add3A_233 : i32
        %mul3A_235 = arith.constant 5 : i32
        %mul3A_236 = arith.muli %add3A_234, %mul3A_235 : i32
        %add3A_237 = arith.constant 0 : i32
        %add3A_238 = arith.addi %mul3A_236, %add3A_237 : i32
        %mul3A_239 = arith.constant 10000 : i32
        %mul3A_240 = arith.muli %add3A, %mul3A_239 : i32
        %mul3A_241 = arith.constant 80 : i32
        %mul3A_242 = arith.muli %add3A_238, %mul3A_241 : i32
        %add3A_243 = arith.addi %mul3A_240, %mul3A_242 : i32
        %dma_start3A_244 = tpu.memref_slice %arg2[%add3A_243] : memref<320000xi32, #tpu.memory_space<hbm>> -> memref<80xi32, #tpu.memory_space<hbm>>
        %dma_start3A_245 = tpu.memref_slice %arg2[%add3A_243] : memref<320000xi32, #tpu.memory_space<hbm>> -> memref<80xi32, #tpu.memory_space<hbm>>
        tpu.enqueue_dma source(%dma_start3A_245 : memref<80xi32, #tpu.memory_space<hbm>>) target(%arg4 : memref<80xi32, #tpu.memory_space<vmem>>) target_semaphore(%arg10 : memref<!tpu.dma_semaphore, #tpu.memory_space<semaphore_mem>>)
      } else {
      }
      %lt3A_210 = arith.constant 24 : i32
      %lt3A_211 = arith.cmpi slt, %scan3A_172, %lt3A_210 : i32
      %convert_element_type3A_212 = arith.extui %lt3A_211 : i1 to i32
      %cond3A_213 = arith.constant 0 : i32
      %cond3A_214 = arith.cmpi ne, %convert_element_type3A_212, %cond3A_213 : i32
      scf.if %cond3A_214 {
        %dma_wait3A_230 = arith.constant 0 : i32
        %dma_wait3A_231 = arith.constant 0 : i32
        %dma_wait3A_232 = tpu.memref_slice %arg20[%dma_wait3A_230, %dma_wait3A_231] : memref<10240x128xf32, #tpu.memory_space<vmem_shared>> -> memref<10240x128xf32, #tpu.memory_space<vmem_shared>>
        tpu.wait_indirect_dma semaphore(%arg16 : memref<!tpu.dma_semaphore, #tpu.memory_space<semaphore_mem>>) src(%arg9 : memref<80x128xf32, #tpu.memory_space<vmem>>) dst(%dma_wait3A_232 : memref<10240x128xf32, #tpu.memory_space<vmem_shared>>)
        %add3A_233 = arith.constant 1 : i32
        %add3A_234 = arith.addi %scan3A_172, %add3A_233 : i32
        %mul3A_235 = arith.constant 5 : i32
        %mul3A_236 = arith.muli %add3A_234, %mul3A_235 : i32
        %add3A_237 = arith.constant 1 : i32
        %add3A_238 = arith.addi %mul3A_236, %add3A_237 : i32
        %mul3A_239 = arith.constant 10000 : i32
        %mul3A_240 = arith.muli %add3A, %mul3A_239 : i32
        %mul3A_241 = arith.constant 80 : i32
        %mul3A_242 = arith.muli %add3A_238, %mul3A_241 : i32
        %add3A_243 = arith.addi %mul3A_240, %mul3A_242 : i32
        %dma_start3A_244 = tpu.memref_slice %arg2[%add3A_243] : memref<320000xi32, #tpu.memory_space<hbm>> -> memref<80xi32, #tpu.memory_space<hbm>>
        %dma_start3A_245 = tpu.memref_slice %arg2[%add3A_243] : memref<320000xi32, #tpu.memory_space<hbm>> -> memref<80xi32, #tpu.memory_space<hbm>>
        tpu.enqueue_dma source(%dma_start3A_245 : memref<80xi32, #tpu.memory_space<hbm>>) target(%arg5 : memref<80xi32, #tpu.memory_space<vmem>>) target_semaphore(%arg11 : memref<!tpu.dma_semaphore, #tpu.memory_space<semaphore_mem>>)
      } else {
      }
      %lt3A_215 = arith.constant 24 : i32
      %lt3A_216 = arith.cmpi slt, %scan3A_172, %lt3A_215 : i32
      %convert_element_type3A_217 = arith.extui %lt3A_216 : i1 to i32
      %cond3A_218 = arith.constant 0 : i32
      %cond3A_219 = arith.cmpi ne, %convert_element_type3A_217, %cond3A_218 : i32
      scf.if %cond3A_219 {
        %dma_wait3A_230 = arith.constant 0 : i32
        %dma_wait3A_231 = arith.constant 0 : i32
        %dma_wait3A_232 = tpu.memref_slice %arg20[%dma_wait3A_230, %dma_wait3A_231] : memref<10240x128xf32, #tpu.memory_space<vmem_shared>> -> memref<10240x128xf32, #tpu.memory_space<vmem_shared>>
        tpu.wait_indirect_dma semaphore(%arg17 : memref<!tpu.dma_semaphore, #tpu.memory_space<semaphore_mem>>) src(%arg9 : memref<80x128xf32, #tpu.memory_space<vmem>>) dst(%dma_wait3A_232 : memref<10240x128xf32, #tpu.memory_space<vmem_shared>>)
        %add3A_233 = arith.constant 1 : i32
        %add3A_234 = arith.addi %scan3A_172, %add3A_233 : i32
        %mul3A_235 = arith.constant 5 : i32
        %mul3A_236 = arith.muli %add3A_234, %mul3A_235 : i32
        %add3A_237 = arith.constant 2 : i32
        %add3A_238 = arith.addi %mul3A_236, %add3A_237 : i32
        %mul3A_239 = arith.constant 10000 : i32
        %mul3A_240 = arith.muli %add3A, %mul3A_239 : i32
        %mul3A_241 = arith.constant 80 : i32
        %mul3A_242 = arith.muli %add3A_238, %mul3A_241 : i32
        %add3A_243 = arith.addi %mul3A_240, %mul3A_242 : i32
        %dma_start3A_244 = tpu.memref_slice %arg2[%add3A_243] : memref<320000xi32, #tpu.memory_space<hbm>> -> memref<80xi32, #tpu.memory_space<hbm>>
        %dma_start3A_245 = tpu.memref_slice %arg2[%add3A_243] : memref<320000xi32, #tpu.memory_space<hbm>> -> memref<80xi32, #tpu.memory_space<hbm>>
        tpu.enqueue_dma source(%dma_start3A_245 : memref<80xi32, #tpu.memory_space<hbm>>) target(%arg6 : memref<80xi32, #tpu.memory_space<vmem>>) target_semaphore(%arg12 : memref<!tpu.dma_semaphore, #tpu.memory_space<semaphore_mem>>)
      } else {
      }
      %lt3A_220 = arith.constant 24 : i32
      %lt3A_221 = arith.cmpi slt, %scan3A_172, %lt3A_220 : i32
      %convert_element_type3A_222 = arith.extui %lt3A_221 : i1 to i32
      %cond3A_223 = arith.constant 0 : i32
      %cond3A_224 = arith.cmpi ne, %convert_element_type3A_222, %cond3A_223 : i32
      scf.if %cond3A_224 {
        %dma_wait3A_230 = arith.constant 0 : i32
        %dma_wait3A_231 = arith.constant 0 : i32
        %dma_wait3A_232 = tpu.memref_slice %arg20[%dma_wait3A_230, %dma_wait3A_231] : memref<10240x128xf32, #tpu.memory_space<vmem_shared>> -> memref<10240x128xf32, #tpu.memory_space<vmem_shared>>
        tpu.wait_indirect_dma semaphore(%arg18 : memref<!tpu.dma_semaphore, #tpu.memory_space<semaphore_mem>>) src(%arg9 : memref<80x128xf32, #tpu.memory_space<vmem>>) dst(%dma_wait3A_232 : memref<10240x128xf32, #tpu.memory_space<vmem_shared>>)
        %add3A_233 = arith.constant 1 : i32
        %add3A_234 = arith.addi %scan3A_172, %add3A_233 : i32
        %mul3A_235 = arith.constant 5 : i32
        %mul3A_236 = arith.muli %add3A_234, %mul3A_235 : i32
        %add3A_237 = arith.constant 3 : i32
        %add3A_238 = arith.addi %mul3A_236, %add3A_237 : i32
        %mul3A_239 = arith.constant 10000 : i32
        %mul3A_240 = arith.muli %add3A, %mul3A_239 : i32
        %mul3A_241 = arith.constant 80 : i32
        %mul3A_242 = arith.muli %add3A_238, %mul3A_241 : i32
        %add3A_243 = arith.addi %mul3A_240, %mul3A_242 : i32
        %dma_start3A_244 = tpu.memref_slice %arg2[%add3A_243] : memref<320000xi32, #tpu.memory_space<hbm>> -> memref<80xi32, #tpu.memory_space<hbm>>
        %dma_start3A_245 = tpu.memref_slice %arg2[%add3A_243] : memref<320000xi32, #tpu.memory_space<hbm>> -> memref<80xi32, #tpu.memory_space<hbm>>
        tpu.enqueue_dma source(%dma_start3A_245 : memref<80xi32, #tpu.memory_space<hbm>>) target(%arg7 : memref<80xi32, #tpu.memory_space<vmem>>) target_semaphore(%arg13 : memref<!tpu.dma_semaphore, #tpu.memory_space<semaphore_mem>>)
      } else {
      }
      %lt3A_225 = arith.constant 24 : i32
      %lt3A_226 = arith.cmpi slt, %scan3A_172, %lt3A_225 : i32
      %convert_element_type3A_227 = arith.extui %lt3A_226 : i1 to i32
      %cond3A_228 = arith.constant 0 : i32
      %cond3A_229 = arith.cmpi ne, %convert_element_type3A_227, %cond3A_228 : i32
      scf.if %cond3A_229 {
        %dma_wait3A_230 = arith.constant 0 : i32
        %dma_wait3A_231 = arith.constant 0 : i32
        %dma_wait3A_232 = tpu.memref_slice %arg20[%dma_wait3A_230, %dma_wait3A_231] : memref<10240x128xf32, #tpu.memory_space<vmem_shared>> -> memref<10240x128xf32, #tpu.memory_space<vmem_shared>>
        tpu.wait_indirect_dma semaphore(%arg19 : memref<!tpu.dma_semaphore, #tpu.memory_space<semaphore_mem>>) src(%arg9 : memref<80x128xf32, #tpu.memory_space<vmem>>) dst(%dma_wait3A_232 : memref<10240x128xf32, #tpu.memory_space<vmem_shared>>)
        %add3A_233 = arith.constant 1 : i32
        %add3A_234 = arith.addi %scan3A_172, %add3A_233 : i32
        %mul3A_235 = arith.constant 5 : i32
        %mul3A_236 = arith.muli %add3A_234, %mul3A_235 : i32
        %add3A_237 = arith.constant 4 : i32
        %add3A_238 = arith.addi %mul3A_236, %add3A_237 : i32
        %mul3A_239 = arith.constant 10000 : i32
        %mul3A_240 = arith.muli %add3A, %mul3A_239 : i32
        %mul3A_241 = arith.constant 80 : i32
        %mul3A_242 = arith.muli %add3A_238, %mul3A_241 : i32
        %add3A_243 = arith.addi %mul3A_240, %mul3A_242 : i32
        %dma_start3A_244 = tpu.memref_slice %arg2[%add3A_243] : memref<320000xi32, #tpu.memory_space<hbm>> -> memref<80xi32, #tpu.memory_space<hbm>>
        %dma_start3A_245 = tpu.memref_slice %arg2[%add3A_243] : memref<320000xi32, #tpu.memory_space<hbm>> -> memref<80xi32, #tpu.memory_space<hbm>>
        tpu.enqueue_dma source(%dma_start3A_245 : memref<80xi32, #tpu.memory_space<hbm>>) target(%arg8 : memref<80xi32, #tpu.memory_space<vmem>>) target_semaphore(%arg14 : memref<!tpu.dma_semaphore, #tpu.memory_space<semaphore_mem>>)
      } else {
      }
    }
    %scan3A_130 = arith.constant 25 : i32
    %dma_wait3A_131 = arith.constant 0 : i32
    %dma_wait3A_132 = arith.constant 0 : i32
    %dma_wait3A_133 = tpu.memref_slice %arg3[%arg0, %dma_wait3A_131, %dma_wait3A_132] : memref<2x10240x128xf32, #tpu.memory_space<hbm>> -> memref<1x80x128xf32, #tpu.memory_space<hbm>>
    %dma_wait3A_134 = tpu.memref_squeeze %dma_wait3A_133 : memref<1x80x128xf32, #tpu.memory_space<hbm>> -> memref<80x128xf32, #tpu.memory_space<hbm>>
    %dma_wait3A_135 = arith.constant 0 : i32
    %dma_wait3A_136 = arith.constant 0 : i32
    %dma_wait3A_137 = tpu.memref_slice %arg3[%arg0, %dma_wait3A_135, %dma_wait3A_136] : memref<2x10240x128xf32, #tpu.memory_space<hbm>> -> memref<1x80x128xf32, #tpu.memory_space<hbm>>
    %dma_wait3A_138 = tpu.memref_squeeze %dma_wait3A_137 : memref<1x80x128xf32, #tpu.memory_space<hbm>> -> memref<80x128xf32, #tpu.memory_space<hbm>>
    tpu.wait_dma2 semaphore(%arg15 : memref<!tpu.dma_semaphore, #tpu.memory_space<semaphore_mem>>) src(%dma_wait3A_138 : memref<80x128xf32, #tpu.memory_space<hbm>>) dst(%arg9 : memref<80x128xf32, #tpu.memory_space<vmem>>)
    %dma_wait3A_139 = arith.constant 0 : i32
    %dma_wait3A_140 = arith.constant 0 : i32
    %dma_wait3A_141 = tpu.memref_slice %arg3[%arg0, %dma_wait3A_139, %dma_wait3A_140] : memref<2x10240x128xf32, #tpu.memory_space<hbm>> -> memref<1x80x128xf32, #tpu.memory_space<hbm>>
    %dma_wait3A_142 = tpu.memref_squeeze %dma_wait3A_141 : memref<1x80x128xf32, #tpu.memory_space<hbm>> -> memref<80x128xf32, #tpu.memory_space<hbm>>
    %dma_wait3A_143 = arith.constant 0 : i32
    %dma_wait3A_144 = arith.constant 0 : i32
    %dma_wait3A_145 = tpu.memref_slice %arg3[%arg0, %dma_wait3A_143, %dma_wait3A_144] : memref<2x10240x128xf32, #tpu.memory_space<hbm>> -> memref<1x80x128xf32, #tpu.memory_space<hbm>>
    %dma_wait3A_146 = tpu.memref_squeeze %dma_wait3A_145 : memref<1x80x128xf32, #tpu.memory_space<hbm>> -> memref<80x128xf32, #tpu.memory_space<hbm>>
    tpu.wait_dma2 semaphore(%arg16 : memref<!tpu.dma_semaphore, #tpu.memory_space<semaphore_mem>>) src(%dma_wait3A_146 : memref<80x128xf32, #tpu.memory_space<hbm>>) dst(%arg9 : memref<80x128xf32, #tpu.memory_space<vmem>>)
    %dma_wait3A_147 = arith.constant 0 : i32
    %dma_wait3A_148 = arith.constant 0 : i32
    %dma_wait3A_149 = tpu.memref_slice %arg3[%arg0, %dma_wait3A_147, %dma_wait3A_148] : memref<2x10240x128xf32, #tpu.memory_space<hbm>> -> memref<1x80x128xf32, #tpu.memory_space<hbm>>
    %dma_wait3A_150 = tpu.memref_squeeze %dma_wait3A_149 : memref<1x80x128xf32, #tpu.memory_space<hbm>> -> memref<80x128xf32, #tpu.memory_space<hbm>>
    %dma_wait3A_151 = arith.constant 0 : i32
    %dma_wait3A_152 = arith.constant 0 : i32
    %dma_wait3A_153 = tpu.memref_slice %arg3[%arg0, %dma_wait3A_151, %dma_wait3A_152] : memref<2x10240x128xf32, #tpu.memory_space<hbm>> -> memref<1x80x128xf32, #tpu.memory_space<hbm>>
    %dma_wait3A_154 = tpu.memref_squeeze %dma_wait3A_153 : memref<1x80x128xf32, #tpu.memory_space<hbm>> -> memref<80x128xf32, #tpu.memory_space<hbm>>
    tpu.wait_dma2 semaphore(%arg17 : memref<!tpu.dma_semaphore, #tpu.memory_space<semaphore_mem>>) src(%dma_wait3A_154 : memref<80x128xf32, #tpu.memory_space<hbm>>) dst(%arg9 : memref<80x128xf32, #tpu.memory_space<vmem>>)
    %dma_wait3A_155 = arith.constant 0 : i32
    %dma_wait3A_156 = arith.constant 0 : i32
    %dma_wait3A_157 = tpu.memref_slice %arg3[%arg0, %dma_wait3A_155, %dma_wait3A_156] : memref<2x10240x128xf32, #tpu.memory_space<hbm>> -> memref<1x80x128xf32, #tpu.memory_space<hbm>>
    %dma_wait3A_158 = tpu.memref_squeeze %dma_wait3A_157 : memref<1x80x128xf32, #tpu.memory_space<hbm>> -> memref<80x128xf32, #tpu.memory_space<hbm>>
    %dma_wait3A_159 = arith.constant 0 : i32
    %dma_wait3A_160 = arith.constant 0 : i32
    %dma_wait3A_161 = tpu.memref_slice %arg3[%arg0, %dma_wait3A_159, %dma_wait3A_160] : memref<2x10240x128xf32, #tpu.memory_space<hbm>> -> memref<1x80x128xf32, #tpu.memory_space<hbm>>
    %dma_wait3A_162 = tpu.memref_squeeze %dma_wait3A_161 : memref<1x80x128xf32, #tpu.memory_space<hbm>> -> memref<80x128xf32, #tpu.memory_space<hbm>>
    tpu.wait_dma2 semaphore(%arg18 : memref<!tpu.dma_semaphore, #tpu.memory_space<semaphore_mem>>) src(%dma_wait3A_162 : memref<80x128xf32, #tpu.memory_space<hbm>>) dst(%arg9 : memref<80x128xf32, #tpu.memory_space<vmem>>)
    %dma_wait3A_163 = arith.constant 0 : i32
    %dma_wait3A_164 = arith.constant 0 : i32
    %dma_wait3A_165 = tpu.memref_slice %arg3[%arg0, %dma_wait3A_163, %dma_wait3A_164] : memref<2x10240x128xf32, #tpu.memory_space<hbm>> -> memref<1x80x128xf32, #tpu.memory_space<hbm>>
    %dma_wait3A_166 = tpu.memref_squeeze %dma_wait3A_165 : memref<1x80x128xf32, #tpu.memory_space<hbm>> -> memref<80x128xf32, #tpu.memory_space<hbm>>
    %dma_wait3A_167 = arith.constant 0 : i32
    %dma_wait3A_168 = arith.constant 0 : i32
    %dma_wait3A_169 = tpu.memref_slice %arg3[%arg0, %dma_wait3A_167, %dma_wait3A_168] : memref<2x10240x128xf32, #tpu.memory_space<hbm>> -> memref<1x80x128xf32, #tpu.memory_space<hbm>>
    %dma_wait3A_170 = tpu.memref_squeeze %dma_wait3A_169 : memref<1x80x128xf32, #tpu.memory_space<hbm>> -> memref<80x128xf32, #tpu.memory_space<hbm>>
    tpu.wait_dma2 semaphore(%arg19 : memref<!tpu.dma_semaphore, #tpu.memory_space<semaphore_mem>>) src(%dma_wait3A_170 : memref<80x128xf32, #tpu.memory_space<hbm>>) dst(%arg9 : memref<80x128xf32, #tpu.memory_space<vmem>>)
    %barrier3A_171 = arith.constant 0 : index
    tpu.barrier barrier_id(%barrier3A_171)
    "tpu.region"() ({
      %run_scoped3A = tpu.sem_alloc : memref<!tpu.dma_semaphore, #tpu.memory_space<semaphore_mem>>
      %dma_start3A_172 = arith.constant 0 : i32
      %dma_start3A_173 = tpu.memref_slice %arg3[%arg0, %mul3A_2, %dma_start3A_172] : memref<2x10240x128xf32, #tpu.memory_space<hbm>> -> memref<1x640x128xf32, #tpu.memory_space<hbm>>
      %dma_start3A_174 = tpu.memref_squeeze %dma_start3A_173 : memref<1x640x128xf32, #tpu.memory_space<hbm>> -> memref<640x128xf32, #tpu.memory_space<hbm>>
      %dma_start3A_175 = arith.constant 0 : i32
      %dma_start3A_176 = tpu.memref_slice %arg20[%mul3A_2, %dma_start3A_175] : memref<10240x128xf32, #tpu.memory_space<vmem_shared>> -> memref<640x128xf32, #tpu.memory_space<vmem_shared>>
      tpu.enqueue_dma source(%dma_start3A_176 : memref<640x128xf32, #tpu.memory_space<vmem_shared>>) target(%dma_start3A_174 : memref<640x128xf32, #tpu.memory_space<hbm>>) target_semaphore(%run_scoped3A : memref<!tpu.dma_semaphore, #tpu.memory_space<semaphore_mem>>)
      %dma_wait3A_177 = arith.constant 0 : i32
      %dma_wait3A_178 = tpu.memref_slice %arg3[%arg0, %mul3A_2, %dma_wait3A_177] : memref<2x10240x128xf32, #tpu.memory_space<hbm>> -> memref<1x640x128xf32, #tpu.memory_space<hbm>>
      %dma_wait3A_179 = tpu.memref_squeeze %dma_wait3A_178 : memref<1x640x128xf32, #tpu.memory_space<hbm>> -> memref<640x128xf32, #tpu.memory_space<hbm>>
      %dma_wait3A_180 = arith.constant 0 : i32
      %dma_wait3A_181 = tpu.memref_slice %arg20[%mul3A_2, %dma_wait3A_180] : memref<10240x128xf32, #tpu.memory_space<vmem_shared>> -> memref<640x128xf32, #tpu.memory_space<vmem_shared>>
      tpu.wait_dma2 semaphore(%run_scoped3A : memref<!tpu.dma_semaphore, #tpu.memory_space<semaphore_mem>>) src(%dma_wait3A_181 : memref<640x128xf32, #tpu.memory_space<vmem_shared>>) dst(%dma_wait3A_179 : memref<640x128xf32, #tpu.memory_space<hbm>>)
      tpu.yield
    }) : () -> ()
    return
  }
}

#map = affine_map<(d0, d1) -> (0, 0)>
#map1 = affine_map<(d0, d1) -> (0)>
#map2 = affine_map<(d0, d1) -> (0, 0, 0)>
module attributes {stable_mosaic.version = 14 : i64} {
  func.func @_agg_call(%arg0: i32, %arg1: i32, %arg2: memref<10000x128xf32, #tpu.memory_space<hbm>>, %arg3: memref<320000xi32, #tpu.memory_space<hbm>>, %arg4: memref<320000xi32, #tpu.memory_space<hbm>>, %arg5: memref<2x10240x128xf32, #tpu.memory_space<hbm>>, %arg6: memref<40xi32, #tpu.memory_space<vmem>>, %arg7: memref<40xi32, #tpu.memory_space<vmem>>, %arg8: memref<40xi32, #tpu.memory_space<vmem>>, %arg9: memref<40xi32, #tpu.memory_space<vmem>>, %arg10: memref<40xi32, #tpu.memory_space<vmem>>, %arg11: memref<40xi32, #tpu.memory_space<vmem>>, %arg12: memref<40xi32, #tpu.memory_space<vmem>>, %arg13: memref<40xi32, #tpu.memory_space<vmem>>, %arg14: memref<40xi32, #tpu.memory_space<vmem>>, %arg15: memref<40xi32, #tpu.memory_space<vmem>>, %arg16: memref<40x128xf32, #tpu.memory_space<vmem>>, %arg17: memref<40x128xf32, #tpu.memory_space<vmem>>, %arg18: memref<40x128xf32, #tpu.memory_space<vmem>>, %arg19: memref<40x128xf32, #tpu.memory_space<vmem>>, %arg20: memref<40x128xf32, #tpu.memory_space<vmem>>, %arg21: memref<!tpu.dma_semaphore, #tpu.memory_space<semaphore_mem>>, %arg22: memref<!tpu.dma_semaphore, #tpu.memory_space<semaphore_mem>>, %arg23: memref<!tpu.dma_semaphore, #tpu.memory_space<semaphore_mem>>, %arg24: memref<!tpu.dma_semaphore, #tpu.memory_space<semaphore_mem>>, %arg25: memref<!tpu.dma_semaphore, #tpu.memory_space<semaphore_mem>>, %arg26: memref<!tpu.dma_semaphore, #tpu.memory_space<semaphore_mem>>, %arg27: memref<!tpu.dma_semaphore, #tpu.memory_space<semaphore_mem>>, %arg28: memref<!tpu.dma_semaphore, #tpu.memory_space<semaphore_mem>>, %arg29: memref<!tpu.dma_semaphore, #tpu.memory_space<semaphore_mem>>, %arg30: memref<!tpu.dma_semaphore, #tpu.memory_space<semaphore_mem>>, %arg31: memref<!tpu.dma_semaphore, #tpu.memory_space<semaphore_mem>>, %arg32: memref<!tpu.dma_semaphore, #tpu.memory_space<semaphore_mem>>, %arg33: memref<!tpu.dma_semaphore, #tpu.memory_space<semaphore_mem>>, %arg34: memref<!tpu.dma_semaphore, #tpu.memory_space<semaphore_mem>>, %arg35: memref<!tpu.dma_semaphore, #tpu.memory_space<semaphore_mem>>, %arg36: memref<10240x128xf32, #tpu.memory_space<vmem_shared>>) attributes {dimension_semantics = [#tpu.dimension_semantics<core_parallel>, #tpu.dimension_semantics<subcore_parallel>], iteration_bounds = array<i64: 2, 16>, scalar_prefetch = 0 : i64, scratch_operands = 31 : i64, tpu.core_type = #tpu.core_type<sc_vector_subcore>, window_params = [{transform_indices = #map}, {transform_indices = #map1}, {transform_indices = #map1}, {transform_indices = #map2}]} {
    %mul3A = arith.constant 2 : i32
    %mul3A_0 = arith.muli %arg1, %mul3A : i32
    %add3A = arith.addi %mul3A_0, %arg0 : i32
    %mul3A_1 = arith.constant 640 : i32
    %mul3A_2 = arith.muli %arg1, %mul3A_1 : i32
    %broadcast_in_dim3A = arith.constant 0.000000e+00 : f32
    %broadcast_in_dim3A_3 = vector.broadcast %broadcast_in_dim3A : f32 to vector<16xf32>
    %scan3A = arith.constant 0 : i32
    %scan3A_4 = arith.constant 0 : i32
    %scan3A_5 = arith.constant 40 : i32
    %scan3A_6 = arith.addi %scan3A_4, %scan3A_5 : i32
    %scan3A_7 = arith.constant 1 : i32
    scf.for %scan3A_244 = %scan3A_4 to %scan3A_6 step %scan3A_7  : i32 {
      %swap3A = arith.index_cast %scan3A_244 : i32 to index
      %swap3A_245 = arith.constant 0 : index
      %swap3A_246 = tpu.vector_load %arg16[%swap3A, %swap3A_245] {strides = array<i32>} : memref<40x128xf32, #tpu.memory_space<vmem>>, vector<1x16xf32>,
      %swap3A_247 = vector.shape_cast %swap3A_246 : vector<1x16xf32> to vector<16xf32>
      %swap3A_248 = vector.shape_cast %broadcast_in_dim3A_3 : vector<16xf32> to vector<1x16xf32>
      tpu.vector_store %arg16[%swap3A, %swap3A_245], %swap3A_248 {strides = array<i32>} : memref<40x128xf32, #tpu.memory_space<vmem>>, vector<1x16xf32>,
      %swap3A_249 = arith.index_cast %scan3A_244 : i32 to index
      %swap3A_250 = arith.constant 16 : index
      %swap3A_251 = tpu.vector_load %arg16[%swap3A_249, %swap3A_250] {strides = array<i32>} : memref<40x128xf32, #tpu.memory_space<vmem>>, vector<1x16xf32>,
      %swap3A_252 = vector.shape_cast %swap3A_251 : vector<1x16xf32> to vector<16xf32>
      %swap3A_253 = vector.shape_cast %broadcast_in_dim3A_3 : vector<16xf32> to vector<1x16xf32>
      tpu.vector_store %arg16[%swap3A_249, %swap3A_250], %swap3A_253 {strides = array<i32>} : memref<40x128xf32, #tpu.memory_space<vmem>>, vector<1x16xf32>,
      %swap3A_254 = arith.index_cast %scan3A_244 : i32 to index
      %swap3A_255 = arith.constant 32 : index
      %swap3A_256 = tpu.vector_load %arg16[%swap3A_254, %swap3A_255] {strides = array<i32>} : memref<40x128xf32, #tpu.memory_space<vmem>>, vector<1x16xf32>,
      %swap3A_257 = vector.shape_cast %swap3A_256 : vector<1x16xf32> to vector<16xf32>
      %swap3A_258 = vector.shape_cast %broadcast_in_dim3A_3 : vector<16xf32> to vector<1x16xf32>
      tpu.vector_store %arg16[%swap3A_254, %swap3A_255], %swap3A_258 {strides = array<i32>} : memref<40x128xf32, #tpu.memory_space<vmem>>, vector<1x16xf32>,
      %swap3A_259 = arith.index_cast %scan3A_244 : i32 to index
      %swap3A_260 = arith.constant 48 : index
      %swap3A_261 = tpu.vector_load %arg16[%swap3A_259, %swap3A_260] {strides = array<i32>} : memref<40x128xf32, #tpu.memory_space<vmem>>, vector<1x16xf32>,
      %swap3A_262 = vector.shape_cast %swap3A_261 : vector<1x16xf32> to vector<16xf32>
      %swap3A_263 = vector.shape_cast %broadcast_in_dim3A_3 : vector<16xf32> to vector<1x16xf32>
      tpu.vector_store %arg16[%swap3A_259, %swap3A_260], %swap3A_263 {strides = array<i32>} : memref<40x128xf32, #tpu.memory_space<vmem>>, vector<1x16xf32>,
      %swap3A_264 = arith.index_cast %scan3A_244 : i32 to index
      %swap3A_265 = arith.constant 64 : index
      %swap3A_266 = tpu.vector_load %arg16[%swap3A_264, %swap3A_265] {strides = array<i32>} : memref<40x128xf32, #tpu.memory_space<vmem>>, vector<1x16xf32>,
      %swap3A_267 = vector.shape_cast %swap3A_266 : vector<1x16xf32> to vector<16xf32>
      %swap3A_268 = vector.shape_cast %broadcast_in_dim3A_3 : vector<16xf32> to vector<1x16xf32>
      tpu.vector_store %arg16[%swap3A_264, %swap3A_265], %swap3A_268 {strides = array<i32>} : memref<40x128xf32, #tpu.memory_space<vmem>>, vector<1x16xf32>,
      %swap3A_269 = arith.index_cast %scan3A_244 : i32 to index
      %swap3A_270 = arith.constant 80 : index
      %swap3A_271 = tpu.vector_load %arg16[%swap3A_269, %swap3A_270] {strides = array<i32>} : memref<40x128xf32, #tpu.memory_space<vmem>>, vector<1x16xf32>,
      %swap3A_272 = vector.shape_cast %swap3A_271 : vector<1x16xf32> to vector<16xf32>
      %swap3A_273 = vector.shape_cast %broadcast_in_dim3A_3 : vector<16xf32> to vector<1x16xf32>
      tpu.vector_store %arg16[%swap3A_269, %swap3A_270], %swap3A_273 {strides = array<i32>} : memref<40x128xf32, #tpu.memory_space<vmem>>, vector<1x16xf32>,
      %swap3A_274 = arith.index_cast %scan3A_244 : i32 to index
      %swap3A_275 = arith.constant 96 : index
      %swap3A_276 = tpu.vector_load %arg16[%swap3A_274, %swap3A_275] {strides = array<i32>} : memref<40x128xf32, #tpu.memory_space<vmem>>, vector<1x16xf32>,
      %swap3A_277 = vector.shape_cast %swap3A_276 : vector<1x16xf32> to vector<16xf32>
      %swap3A_278 = vector.shape_cast %broadcast_in_dim3A_3 : vector<16xf32> to vector<1x16xf32>
      tpu.vector_store %arg16[%swap3A_274, %swap3A_275], %swap3A_278 {strides = array<i32>} : memref<40x128xf32, #tpu.memory_space<vmem>>, vector<1x16xf32>,
      %swap3A_279 = arith.index_cast %scan3A_244 : i32 to index
      %swap3A_280 = arith.constant 112 : index
      %swap3A_281 = tpu.vector_load %arg16[%swap3A_279, %swap3A_280] {strides = array<i32>} : memref<40x128xf32, #tpu.memory_space<vmem>>, vector<1x16xf32>,
      %swap3A_282 = vector.shape_cast %swap3A_281 : vector<1x16xf32> to vector<16xf32>
      %swap3A_283 = vector.shape_cast %broadcast_in_dim3A_3 : vector<16xf32> to vector<1x16xf32>
      tpu.vector_store %arg16[%swap3A_279, %swap3A_280], %swap3A_283 {strides = array<i32>} : memref<40x128xf32, #tpu.memory_space<vmem>>, vector<1x16xf32>,
    }
    %scan3A_8 = arith.constant 40 : i32
    %add3A_9 = arith.constant 0 : i32
    %add3A_10 = arith.addi %mul3A_2, %add3A_9 : i32
    %dma_start3A = arith.constant 0 : i32
    %dma_start3A_11 = tpu.memref_slice %arg36[%add3A_10, %dma_start3A] : memref<10240x128xf32, #tpu.memory_space<vmem_shared>> -> memref<40x128xf32, #tpu.memory_space<vmem_shared>>
    %dma_start3A_12 = arith.constant 0 : i32
    %dma_start3A_13 = tpu.memref_slice %arg36[%add3A_10, %dma_start3A_12] : memref<10240x128xf32, #tpu.memory_space<vmem_shared>> -> memref<40x128xf32, #tpu.memory_space<vmem_shared>>
    tpu.enqueue_dma source(%arg16 : memref<40x128xf32, #tpu.memory_space<vmem>>) target(%dma_start3A_13 : memref<40x128xf32, #tpu.memory_space<vmem_shared>>) target_semaphore(%arg31 : memref<!tpu.dma_semaphore, #tpu.memory_space<semaphore_mem>>)
    %add3A_14 = arith.constant 40 : i32
    %add3A_15 = arith.addi %mul3A_2, %add3A_14 : i32
    %dma_start3A_16 = arith.constant 0 : i32
    %dma_start3A_17 = tpu.memref_slice %arg36[%add3A_15, %dma_start3A_16] : memref<10240x128xf32, #tpu.memory_space<vmem_shared>> -> memref<40x128xf32, #tpu.memory_space<vmem_shared>>
    %dma_start3A_18 = arith.constant 0 : i32
    %dma_start3A_19 = tpu.memref_slice %arg36[%add3A_15, %dma_start3A_18] : memref<10240x128xf32, #tpu.memory_space<vmem_shared>> -> memref<40x128xf32, #tpu.memory_space<vmem_shared>>
    tpu.enqueue_dma source(%arg16 : memref<40x128xf32, #tpu.memory_space<vmem>>) target(%dma_start3A_19 : memref<40x128xf32, #tpu.memory_space<vmem_shared>>) target_semaphore(%arg32 : memref<!tpu.dma_semaphore, #tpu.memory_space<semaphore_mem>>)
    %add3A_20 = arith.constant 80 : i32
    %add3A_21 = arith.addi %mul3A_2, %add3A_20 : i32
    %dma_start3A_22 = arith.constant 0 : i32
    %dma_start3A_23 = tpu.memref_slice %arg36[%add3A_21, %dma_start3A_22] : memref<10240x128xf32, #tpu.memory_space<vmem_shared>> -> memref<40x128xf32, #tpu.memory_space<vmem_shared>>
    %dma_start3A_24 = arith.constant 0 : i32
    %dma_start3A_25 = tpu.memref_slice %arg36[%add3A_21, %dma_start3A_24] : memref<10240x128xf32, #tpu.memory_space<vmem_shared>> -> memref<40x128xf32, #tpu.memory_space<vmem_shared>>
    tpu.enqueue_dma source(%arg16 : memref<40x128xf32, #tpu.memory_space<vmem>>) target(%dma_start3A_25 : memref<40x128xf32, #tpu.memory_space<vmem_shared>>) target_semaphore(%arg33 : memref<!tpu.dma_semaphore, #tpu.memory_space<semaphore_mem>>)
    %add3A_26 = arith.constant 120 : i32
    %add3A_27 = arith.addi %mul3A_2, %add3A_26 : i32
    %dma_start3A_28 = arith.constant 0 : i32
    %dma_start3A_29 = tpu.memref_slice %arg36[%add3A_27, %dma_start3A_28] : memref<10240x128xf32, #tpu.memory_space<vmem_shared>> -> memref<40x128xf32, #tpu.memory_space<vmem_shared>>
    %dma_start3A_30 = arith.constant 0 : i32
    %dma_start3A_31 = tpu.memref_slice %arg36[%add3A_27, %dma_start3A_30] : memref<10240x128xf32, #tpu.memory_space<vmem_shared>> -> memref<40x128xf32, #tpu.memory_space<vmem_shared>>
    tpu.enqueue_dma source(%arg16 : memref<40x128xf32, #tpu.memory_space<vmem>>) target(%dma_start3A_31 : memref<40x128xf32, #tpu.memory_space<vmem_shared>>) target_semaphore(%arg34 : memref<!tpu.dma_semaphore, #tpu.memory_space<semaphore_mem>>)
    %add3A_32 = arith.constant 160 : i32
    %add3A_33 = arith.addi %mul3A_2, %add3A_32 : i32
    %dma_start3A_34 = arith.constant 0 : i32
    %dma_start3A_35 = tpu.memref_slice %arg36[%add3A_33, %dma_start3A_34] : memref<10240x128xf32, #tpu.memory_space<vmem_shared>> -> memref<40x128xf32, #tpu.memory_space<vmem_shared>>
    %dma_start3A_36 = arith.constant 0 : i32
    %dma_start3A_37 = tpu.memref_slice %arg36[%add3A_33, %dma_start3A_36] : memref<10240x128xf32, #tpu.memory_space<vmem_shared>> -> memref<40x128xf32, #tpu.memory_space<vmem_shared>>
    tpu.enqueue_dma source(%arg16 : memref<40x128xf32, #tpu.memory_space<vmem>>) target(%dma_start3A_37 : memref<40x128xf32, #tpu.memory_space<vmem_shared>>) target_semaphore(%arg35 : memref<!tpu.dma_semaphore, #tpu.memory_space<semaphore_mem>>)
    %add3A_38 = arith.constant 200 : i32
    %add3A_39 = arith.addi %mul3A_2, %add3A_38 : i32
    %dma_start3A_40 = arith.constant 0 : i32
    %dma_start3A_41 = tpu.memref_slice %arg36[%add3A_39, %dma_start3A_40] : memref<10240x128xf32, #tpu.memory_space<vmem_shared>> -> memref<40x128xf32, #tpu.memory_space<vmem_shared>>
    %dma_start3A_42 = arith.constant 0 : i32
    %dma_start3A_43 = tpu.memref_slice %arg36[%add3A_39, %dma_start3A_42] : memref<10240x128xf32, #tpu.memory_space<vmem_shared>> -> memref<40x128xf32, #tpu.memory_space<vmem_shared>>
    tpu.enqueue_dma source(%arg16 : memref<40x128xf32, #tpu.memory_space<vmem>>) target(%dma_start3A_43 : memref<40x128xf32, #tpu.memory_space<vmem_shared>>) target_semaphore(%arg31 : memref<!tpu.dma_semaphore, #tpu.memory_space<semaphore_mem>>)
    %add3A_44 = arith.constant 240 : i32
    %add3A_45 = arith.addi %mul3A_2, %add3A_44 : i32
    %dma_start3A_46 = arith.constant 0 : i32
    %dma_start3A_47 = tpu.memref_slice %arg36[%add3A_45, %dma_start3A_46] : memref<10240x128xf32, #tpu.memory_space<vmem_shared>> -> memref<40x128xf32, #tpu.memory_space<vmem_shared>>
    %dma_start3A_48 = arith.constant 0 : i32
    %dma_start3A_49 = tpu.memref_slice %arg36[%add3A_45, %dma_start3A_48] : memref<10240x128xf32, #tpu.memory_space<vmem_shared>> -> memref<40x128xf32, #tpu.memory_space<vmem_shared>>
    tpu.enqueue_dma source(%arg16 : memref<40x128xf32, #tpu.memory_space<vmem>>) target(%dma_start3A_49 : memref<40x128xf32, #tpu.memory_space<vmem_shared>>) target_semaphore(%arg32 : memref<!tpu.dma_semaphore, #tpu.memory_space<semaphore_mem>>)
    %add3A_50 = arith.constant 280 : i32
    %add3A_51 = arith.addi %mul3A_2, %add3A_50 : i32
    %dma_start3A_52 = arith.constant 0 : i32
    %dma_start3A_53 = tpu.memref_slice %arg36[%add3A_51, %dma_start3A_52] : memref<10240x128xf32, #tpu.memory_space<vmem_shared>> -> memref<40x128xf32, #tpu.memory_space<vmem_shared>>
    %dma_start3A_54 = arith.constant 0 : i32
    %dma_start3A_55 = tpu.memref_slice %arg36[%add3A_51, %dma_start3A_54] : memref<10240x128xf32, #tpu.memory_space<vmem_shared>> -> memref<40x128xf32, #tpu.memory_space<vmem_shared>>
    tpu.enqueue_dma source(%arg16 : memref<40x128xf32, #tpu.memory_space<vmem>>) target(%dma_start3A_55 : memref<40x128xf32, #tpu.memory_space<vmem_shared>>) target_semaphore(%arg33 : memref<!tpu.dma_semaphore, #tpu.memory_space<semaphore_mem>>)
    %add3A_56 = arith.constant 320 : i32
    %add3A_57 = arith.addi %mul3A_2, %add3A_56 : i32
    %dma_start3A_58 = arith.constant 0 : i32
    %dma_start3A_59 = tpu.memref_slice %arg36[%add3A_57, %dma_start3A_58] : memref<10240x128xf32, #tpu.memory_space<vmem_shared>> -> memref<40x128xf32, #tpu.memory_space<vmem_shared>>
    %dma_start3A_60 = arith.constant 0 : i32
    %dma_start3A_61 = tpu.memref_slice %arg36[%add3A_57, %dma_start3A_60] : memref<10240x128xf32, #tpu.memory_space<vmem_shared>> -> memref<40x128xf32, #tpu.memory_space<vmem_shared>>
    tpu.enqueue_dma source(%arg16 : memref<40x128xf32, #tpu.memory_space<vmem>>) target(%dma_start3A_61 : memref<40x128xf32, #tpu.memory_space<vmem_shared>>) target_semaphore(%arg34 : memref<!tpu.dma_semaphore, #tpu.memory_space<semaphore_mem>>)
    %add3A_62 = arith.constant 360 : i32
    %add3A_63 = arith.addi %mul3A_2, %add3A_62 : i32
    %dma_start3A_64 = arith.constant 0 : i32
    %dma_start3A_65 = tpu.memref_slice %arg36[%add3A_63, %dma_start3A_64] : memref<10240x128xf32, #tpu.memory_space<vmem_shared>> -> memref<40x128xf32, #tpu.memory_space<vmem_shared>>
    %dma_start3A_66 = arith.constant 0 : i32
    %dma_start3A_67 = tpu.memref_slice %arg36[%add3A_63, %dma_start3A_66] : memref<10240x128xf32, #tpu.memory_space<vmem_shared>> -> memref<40x128xf32, #tpu.memory_space<vmem_shared>>
    tpu.enqueue_dma source(%arg16 : memref<40x128xf32, #tpu.memory_space<vmem>>) target(%dma_start3A_67 : memref<40x128xf32, #tpu.memory_space<vmem_shared>>) target_semaphore(%arg35 : memref<!tpu.dma_semaphore, #tpu.memory_space<semaphore_mem>>)
    %add3A_68 = arith.constant 400 : i32
    %add3A_69 = arith.addi %mul3A_2, %add3A_68 : i32
    %dma_start3A_70 = arith.constant 0 : i32
    %dma_start3A_71 = tpu.memref_slice %arg36[%add3A_69, %dma_start3A_70] : memref<10240x128xf32, #tpu.memory_space<vmem_shared>> -> memref<40x128xf32, #tpu.memory_space<vmem_shared>>
    %dma_start3A_72 = arith.constant 0 : i32
    %dma_start3A_73 = tpu.memref_slice %arg36[%add3A_69, %dma_start3A_72] : memref<10240x128xf32, #tpu.memory_space<vmem_shared>> -> memref<40x128xf32, #tpu.memory_space<vmem_shared>>
    tpu.enqueue_dma source(%arg16 : memref<40x128xf32, #tpu.memory_space<vmem>>) target(%dma_start3A_73 : memref<40x128xf32, #tpu.memory_space<vmem_shared>>) target_semaphore(%arg31 : memref<!tpu.dma_semaphore, #tpu.memory_space<semaphore_mem>>)
    %add3A_74 = arith.constant 440 : i32
    %add3A_75 = arith.addi %mul3A_2, %add3A_74 : i32
    %dma_start3A_76 = arith.constant 0 : i32
    %dma_start3A_77 = tpu.memref_slice %arg36[%add3A_75, %dma_start3A_76] : memref<10240x128xf32, #tpu.memory_space<vmem_shared>> -> memref<40x128xf32, #tpu.memory_space<vmem_shared>>
    %dma_start3A_78 = arith.constant 0 : i32
    %dma_start3A_79 = tpu.memref_slice %arg36[%add3A_75, %dma_start3A_78] : memref<10240x128xf32, #tpu.memory_space<vmem_shared>> -> memref<40x128xf32, #tpu.memory_space<vmem_shared>>
    tpu.enqueue_dma source(%arg16 : memref<40x128xf32, #tpu.memory_space<vmem>>) target(%dma_start3A_79 : memref<40x128xf32, #tpu.memory_space<vmem_shared>>) target_semaphore(%arg32 : memref<!tpu.dma_semaphore, #tpu.memory_space<semaphore_mem>>)
    %add3A_80 = arith.constant 480 : i32
    %add3A_81 = arith.addi %mul3A_2, %add3A_80 : i32
    %dma_start3A_82 = arith.constant 0 : i32
    %dma_start3A_83 = tpu.memref_slice %arg36[%add3A_81, %dma_start3A_82] : memref<10240x128xf32, #tpu.memory_space<vmem_shared>> -> memref<40x128xf32, #tpu.memory_space<vmem_shared>>
    %dma_start3A_84 = arith.constant 0 : i32
    %dma_start3A_85 = tpu.memref_slice %arg36[%add3A_81, %dma_start3A_84] : memref<10240x128xf32, #tpu.memory_space<vmem_shared>> -> memref<40x128xf32, #tpu.memory_space<vmem_shared>>
    tpu.enqueue_dma source(%arg16 : memref<40x128xf32, #tpu.memory_space<vmem>>) target(%dma_start3A_85 : memref<40x128xf32, #tpu.memory_space<vmem_shared>>) target_semaphore(%arg33 : memref<!tpu.dma_semaphore, #tpu.memory_space<semaphore_mem>>)
    %add3A_86 = arith.constant 520 : i32
    %add3A_87 = arith.addi %mul3A_2, %add3A_86 : i32
    %dma_start3A_88 = arith.constant 0 : i32
    %dma_start3A_89 = tpu.memref_slice %arg36[%add3A_87, %dma_start3A_88] : memref<10240x128xf32, #tpu.memory_space<vmem_shared>> -> memref<40x128xf32, #tpu.memory_space<vmem_shared>>
    %dma_start3A_90 = arith.constant 0 : i32
    %dma_start3A_91 = tpu.memref_slice %arg36[%add3A_87, %dma_start3A_90] : memref<10240x128xf32, #tpu.memory_space<vmem_shared>> -> memref<40x128xf32, #tpu.memory_space<vmem_shared>>
    tpu.enqueue_dma source(%arg16 : memref<40x128xf32, #tpu.memory_space<vmem>>) target(%dma_start3A_91 : memref<40x128xf32, #tpu.memory_space<vmem_shared>>) target_semaphore(%arg34 : memref<!tpu.dma_semaphore, #tpu.memory_space<semaphore_mem>>)
    %add3A_92 = arith.constant 560 : i32
    %add3A_93 = arith.addi %mul3A_2, %add3A_92 : i32
    %dma_start3A_94 = arith.constant 0 : i32
    %dma_start3A_95 = tpu.memref_slice %arg36[%add3A_93, %dma_start3A_94] : memref<10240x128xf32, #tpu.memory_space<vmem_shared>> -> memref<40x128xf32, #tpu.memory_space<vmem_shared>>
    %dma_start3A_96 = arith.constant 0 : i32
    %dma_start3A_97 = tpu.memref_slice %arg36[%add3A_93, %dma_start3A_96] : memref<10240x128xf32, #tpu.memory_space<vmem_shared>> -> memref<40x128xf32, #tpu.memory_space<vmem_shared>>
    tpu.enqueue_dma source(%arg16 : memref<40x128xf32, #tpu.memory_space<vmem>>) target(%dma_start3A_97 : memref<40x128xf32, #tpu.memory_space<vmem_shared>>) target_semaphore(%arg35 : memref<!tpu.dma_semaphore, #tpu.memory_space<semaphore_mem>>)
    %add3A_98 = arith.constant 600 : i32
    %add3A_99 = arith.addi %mul3A_2, %add3A_98 : i32
    %dma_start3A_100 = arith.constant 0 : i32
    %dma_start3A_101 = tpu.memref_slice %arg36[%add3A_99, %dma_start3A_100] : memref<10240x128xf32, #tpu.memory_space<vmem_shared>> -> memref<40x128xf32, #tpu.memory_space<vmem_shared>>
    %dma_start3A_102 = arith.constant 0 : i32
    %dma_start3A_103 = tpu.memref_slice %arg36[%add3A_99, %dma_start3A_102] : memref<10240x128xf32, #tpu.memory_space<vmem_shared>> -> memref<40x128xf32, #tpu.memory_space<vmem_shared>>
    tpu.enqueue_dma source(%arg16 : memref<40x128xf32, #tpu.memory_space<vmem>>) target(%dma_start3A_103 : memref<40x128xf32, #tpu.memory_space<vmem_shared>>) target_semaphore(%arg31 : memref<!tpu.dma_semaphore, #tpu.memory_space<semaphore_mem>>)
    %dma_wait3A = arith.constant 0 : i32
    %dma_wait3A_104 = tpu.memref_slice %arg36[%add3A_10, %dma_wait3A] : memref<10240x128xf32, #tpu.memory_space<vmem_shared>> -> memref<40x128xf32, #tpu.memory_space<vmem_shared>>
    %dma_wait3A_105 = arith.constant 0 : i32
    %dma_wait3A_106 = tpu.memref_slice %arg36[%add3A_10, %dma_wait3A_105] : memref<10240x128xf32, #tpu.memory_space<vmem_shared>> -> memref<40x128xf32, #tpu.memory_space<vmem_shared>>
    tpu.wait_dma2 semaphore(%arg31 : memref<!tpu.dma_semaphore, #tpu.memory_space<semaphore_mem>>) src(%arg16 : memref<40x128xf32, #tpu.memory_space<vmem>>) dst(%dma_wait3A_106 : memref<40x128xf32, #tpu.memory_space<vmem_shared>>)
    %dma_wait3A_107 = arith.constant 0 : i32
    %dma_wait3A_108 = tpu.memref_slice %arg36[%add3A_15, %dma_wait3A_107] : memref<10240x128xf32, #tpu.memory_space<vmem_shared>> -> memref<40x128xf32, #tpu.memory_space<vmem_shared>>
    %dma_wait3A_109 = arith.constant 0 : i32
    %dma_wait3A_110 = tpu.memref_slice %arg36[%add3A_15, %dma_wait3A_109] : memref<10240x128xf32, #tpu.memory_space<vmem_shared>> -> memref<40x128xf32, #tpu.memory_space<vmem_shared>>
    tpu.wait_dma2 semaphore(%arg32 : memref<!tpu.dma_semaphore, #tpu.memory_space<semaphore_mem>>) src(%arg16 : memref<40x128xf32, #tpu.memory_space<vmem>>) dst(%dma_wait3A_110 : memref<40x128xf32, #tpu.memory_space<vmem_shared>>)
    %dma_wait3A_111 = arith.constant 0 : i32
    %dma_wait3A_112 = tpu.memref_slice %arg36[%add3A_21, %dma_wait3A_111] : memref<10240x128xf32, #tpu.memory_space<vmem_shared>> -> memref<40x128xf32, #tpu.memory_space<vmem_shared>>
    %dma_wait3A_113 = arith.constant 0 : i32
    %dma_wait3A_114 = tpu.memref_slice %arg36[%add3A_21, %dma_wait3A_113] : memref<10240x128xf32, #tpu.memory_space<vmem_shared>> -> memref<40x128xf32, #tpu.memory_space<vmem_shared>>
    tpu.wait_dma2 semaphore(%arg33 : memref<!tpu.dma_semaphore, #tpu.memory_space<semaphore_mem>>) src(%arg16 : memref<40x128xf32, #tpu.memory_space<vmem>>) dst(%dma_wait3A_114 : memref<40x128xf32, #tpu.memory_space<vmem_shared>>)
    %dma_wait3A_115 = arith.constant 0 : i32
    %dma_wait3A_116 = tpu.memref_slice %arg36[%add3A_27, %dma_wait3A_115] : memref<10240x128xf32, #tpu.memory_space<vmem_shared>> -> memref<40x128xf32, #tpu.memory_space<vmem_shared>>
    %dma_wait3A_117 = arith.constant 0 : i32
    %dma_wait3A_118 = tpu.memref_slice %arg36[%add3A_27, %dma_wait3A_117] : memref<10240x128xf32, #tpu.memory_space<vmem_shared>> -> memref<40x128xf32, #tpu.memory_space<vmem_shared>>
    tpu.wait_dma2 semaphore(%arg34 : memref<!tpu.dma_semaphore, #tpu.memory_space<semaphore_mem>>) src(%arg16 : memref<40x128xf32, #tpu.memory_space<vmem>>) dst(%dma_wait3A_118 : memref<40x128xf32, #tpu.memory_space<vmem_shared>>)
    %dma_wait3A_119 = arith.constant 0 : i32
    %dma_wait3A_120 = tpu.memref_slice %arg36[%add3A_33, %dma_wait3A_119] : memref<10240x128xf32, #tpu.memory_space<vmem_shared>> -> memref<40x128xf32, #tpu.memory_space<vmem_shared>>
    %dma_wait3A_121 = arith.constant 0 : i32
    %dma_wait3A_122 = tpu.memref_slice %arg36[%add3A_33, %dma_wait3A_121] : memref<10240x128xf32, #tpu.memory_space<vmem_shared>> -> memref<40x128xf32, #tpu.memory_space<vmem_shared>>
    tpu.wait_dma2 semaphore(%arg35 : memref<!tpu.dma_semaphore, #tpu.memory_space<semaphore_mem>>) src(%arg16 : memref<40x128xf32, #tpu.memory_space<vmem>>) dst(%dma_wait3A_122 : memref<40x128xf32, #tpu.memory_space<vmem_shared>>)
    %dma_wait3A_123 = arith.constant 0 : i32
    %dma_wait3A_124 = tpu.memref_slice %arg36[%add3A_39, %dma_wait3A_123] : memref<10240x128xf32, #tpu.memory_space<vmem_shared>> -> memref<40x128xf32, #tpu.memory_space<vmem_shared>>
    %dma_wait3A_125 = arith.constant 0 : i32
    %dma_wait3A_126 = tpu.memref_slice %arg36[%add3A_39, %dma_wait3A_125] : memref<10240x128xf32, #tpu.memory_space<vmem_shared>> -> memref<40x128xf32, #tpu.memory_space<vmem_shared>>
    tpu.wait_dma2 semaphore(%arg31 : memref<!tpu.dma_semaphore, #tpu.memory_space<semaphore_mem>>) src(%arg16 : memref<40x128xf32, #tpu.memory_space<vmem>>) dst(%dma_wait3A_126 : memref<40x128xf32, #tpu.memory_space<vmem_shared>>)
    %dma_wait3A_127 = arith.constant 0 : i32
    %dma_wait3A_128 = tpu.memref_slice %arg36[%add3A_45, %dma_wait3A_127] : memref<10240x128xf32, #tpu.memory_space<vmem_shared>> -> memref<40x128xf32, #tpu.memory_space<vmem_shared>>
    %dma_wait3A_129 = arith.constant 0 : i32
    %dma_wait3A_130 = tpu.memref_slice %arg36[%add3A_45, %dma_wait3A_129] : memref<10240x128xf32, #tpu.memory_space<vmem_shared>> -> memref<40x128xf32, #tpu.memory_space<vmem_shared>>
    tpu.wait_dma2 semaphore(%arg32 : memref<!tpu.dma_semaphore, #tpu.memory_space<semaphore_mem>>) src(%arg16 : memref<40x128xf32, #tpu.memory_space<vmem>>) dst(%dma_wait3A_130 : memref<40x128xf32, #tpu.memory_space<vmem_shared>>)
    %dma_wait3A_131 = arith.constant 0 : i32
    %dma_wait3A_132 = tpu.memref_slice %arg36[%add3A_51, %dma_wait3A_131] : memref<10240x128xf32, #tpu.memory_space<vmem_shared>> -> memref<40x128xf32, #tpu.memory_space<vmem_shared>>
    %dma_wait3A_133 = arith.constant 0 : i32
    %dma_wait3A_134 = tpu.memref_slice %arg36[%add3A_51, %dma_wait3A_133] : memref<10240x128xf32, #tpu.memory_space<vmem_shared>> -> memref<40x128xf32, #tpu.memory_space<vmem_shared>>
    tpu.wait_dma2 semaphore(%arg33 : memref<!tpu.dma_semaphore, #tpu.memory_space<semaphore_mem>>) src(%arg16 : memref<40x128xf32, #tpu.memory_space<vmem>>) dst(%dma_wait3A_134 : memref<40x128xf32, #tpu.memory_space<vmem_shared>>)
    %dma_wait3A_135 = arith.constant 0 : i32
    %dma_wait3A_136 = tpu.memref_slice %arg36[%add3A_57, %dma_wait3A_135] : memref<10240x128xf32, #tpu.memory_space<vmem_shared>> -> memref<40x128xf32, #tpu.memory_space<vmem_shared>>
    %dma_wait3A_137 = arith.constant 0 : i32
    %dma_wait3A_138 = tpu.memref_slice %arg36[%add3A_57, %dma_wait3A_137] : memref<10240x128xf32, #tpu.memory_space<vmem_shared>> -> memref<40x128xf32, #tpu.memory_space<vmem_shared>>
    tpu.wait_dma2 semaphore(%arg34 : memref<!tpu.dma_semaphore, #tpu.memory_space<semaphore_mem>>) src(%arg16 : memref<40x128xf32, #tpu.memory_space<vmem>>) dst(%dma_wait3A_138 : memref<40x128xf32, #tpu.memory_space<vmem_shared>>)
    %dma_wait3A_139 = arith.constant 0 : i32
    %dma_wait3A_140 = tpu.memref_slice %arg36[%add3A_63, %dma_wait3A_139] : memref<10240x128xf32, #tpu.memory_space<vmem_shared>> -> memref<40x128xf32, #tpu.memory_space<vmem_shared>>
    %dma_wait3A_141 = arith.constant 0 : i32
    %dma_wait3A_142 = tpu.memref_slice %arg36[%add3A_63, %dma_wait3A_141] : memref<10240x128xf32, #tpu.memory_space<vmem_shared>> -> memref<40x128xf32, #tpu.memory_space<vmem_shared>>
    tpu.wait_dma2 semaphore(%arg35 : memref<!tpu.dma_semaphore, #tpu.memory_space<semaphore_mem>>) src(%arg16 : memref<40x128xf32, #tpu.memory_space<vmem>>) dst(%dma_wait3A_142 : memref<40x128xf32, #tpu.memory_space<vmem_shared>>)
    %dma_wait3A_143 = arith.constant 0 : i32
    %dma_wait3A_144 = tpu.memref_slice %arg36[%add3A_69, %dma_wait3A_143] : memref<10240x128xf32, #tpu.memory_space<vmem_shared>> -> memref<40x128xf32, #tpu.memory_space<vmem_shared>>
    %dma_wait3A_145 = arith.constant 0 : i32
    %dma_wait3A_146 = tpu.memref_slice %arg36[%add3A_69, %dma_wait3A_145] : memref<10240x128xf32, #tpu.memory_space<vmem_shared>> -> memref<40x128xf32, #tpu.memory_space<vmem_shared>>
    tpu.wait_dma2 semaphore(%arg31 : memref<!tpu.dma_semaphore, #tpu.memory_space<semaphore_mem>>) src(%arg16 : memref<40x128xf32, #tpu.memory_space<vmem>>) dst(%dma_wait3A_146 : memref<40x128xf32, #tpu.memory_space<vmem_shared>>)
    %dma_wait3A_147 = arith.constant 0 : i32
    %dma_wait3A_148 = tpu.memref_slice %arg36[%add3A_75, %dma_wait3A_147] : memref<10240x128xf32, #tpu.memory_space<vmem_shared>> -> memref<40x128xf32, #tpu.memory_space<vmem_shared>>
    %dma_wait3A_149 = arith.constant 0 : i32
    %dma_wait3A_150 = tpu.memref_slice %arg36[%add3A_75, %dma_wait3A_149] : memref<10240x128xf32, #tpu.memory_space<vmem_shared>> -> memref<40x128xf32, #tpu.memory_space<vmem_shared>>
    tpu.wait_dma2 semaphore(%arg32 : memref<!tpu.dma_semaphore, #tpu.memory_space<semaphore_mem>>) src(%arg16 : memref<40x128xf32, #tpu.memory_space<vmem>>) dst(%dma_wait3A_150 : memref<40x128xf32, #tpu.memory_space<vmem_shared>>)
    %dma_wait3A_151 = arith.constant 0 : i32
    %dma_wait3A_152 = tpu.memref_slice %arg36[%add3A_81, %dma_wait3A_151] : memref<10240x128xf32, #tpu.memory_space<vmem_shared>> -> memref<40x128xf32, #tpu.memory_space<vmem_shared>>
    %dma_wait3A_153 = arith.constant 0 : i32
    %dma_wait3A_154 = tpu.memref_slice %arg36[%add3A_81, %dma_wait3A_153] : memref<10240x128xf32, #tpu.memory_space<vmem_shared>> -> memref<40x128xf32, #tpu.memory_space<vmem_shared>>
    tpu.wait_dma2 semaphore(%arg33 : memref<!tpu.dma_semaphore, #tpu.memory_space<semaphore_mem>>) src(%arg16 : memref<40x128xf32, #tpu.memory_space<vmem>>) dst(%dma_wait3A_154 : memref<40x128xf32, #tpu.memory_space<vmem_shared>>)
    %dma_wait3A_155 = arith.constant 0 : i32
    %dma_wait3A_156 = tpu.memref_slice %arg36[%add3A_87, %dma_wait3A_155] : memref<10240x128xf32, #tpu.memory_space<vmem_shared>> -> memref<40x128xf32, #tpu.memory_space<vmem_shared>>
    %dma_wait3A_157 = arith.constant 0 : i32
    %dma_wait3A_158 = tpu.memref_slice %arg36[%add3A_87, %dma_wait3A_157] : memref<10240x128xf32, #tpu.memory_space<vmem_shared>> -> memref<40x128xf32, #tpu.memory_space<vmem_shared>>
    tpu.wait_dma2 semaphore(%arg34 : memref<!tpu.dma_semaphore, #tpu.memory_space<semaphore_mem>>) src(%arg16 : memref<40x128xf32, #tpu.memory_space<vmem>>) dst(%dma_wait3A_158 : memref<40x128xf32, #tpu.memory_space<vmem_shared>>)
    %dma_wait3A_159 = arith.constant 0 : i32
    %dma_wait3A_160 = tpu.memref_slice %arg36[%add3A_93, %dma_wait3A_159] : memref<10240x128xf32, #tpu.memory_space<vmem_shared>> -> memref<40x128xf32, #tpu.memory_space<vmem_shared>>
    %dma_wait3A_161 = arith.constant 0 : i32
    %dma_wait3A_162 = tpu.memref_slice %arg36[%add3A_93, %dma_wait3A_161] : memref<10240x128xf32, #tpu.memory_space<vmem_shared>> -> memref<40x128xf32, #tpu.memory_space<vmem_shared>>
    tpu.wait_dma2 semaphore(%arg35 : memref<!tpu.dma_semaphore, #tpu.memory_space<semaphore_mem>>) src(%arg16 : memref<40x128xf32, #tpu.memory_space<vmem>>) dst(%dma_wait3A_162 : memref<40x128xf32, #tpu.memory_space<vmem_shared>>)
    %dma_wait3A_163 = arith.constant 0 : i32
    %dma_wait3A_164 = tpu.memref_slice %arg36[%add3A_99, %dma_wait3A_163] : memref<10240x128xf32, #tpu.memory_space<vmem_shared>> -> memref<40x128xf32, #tpu.memory_space<vmem_shared>>
    %dma_wait3A_165 = arith.constant 0 : i32
    %dma_wait3A_166 = tpu.memref_slice %arg36[%add3A_99, %dma_wait3A_165] : memref<10240x128xf32, #tpu.memory_space<vmem_shared>> -> memref<40x128xf32, #tpu.memory_space<vmem_shared>>
    tpu.wait_dma2 semaphore(%arg31 : memref<!tpu.dma_semaphore, #tpu.memory_space<semaphore_mem>>) src(%arg16 : memref<40x128xf32, #tpu.memory_space<vmem>>) dst(%dma_wait3A_166 : memref<40x128xf32, #tpu.memory_space<vmem_shared>>)
    %barrier3A = arith.constant 0 : index
    tpu.barrier barrier_id(%barrier3A)
    %mul3A_167 = arith.constant 10000 : i32
    %mul3A_168 = arith.muli %add3A, %mul3A_167 : i32
    %add3A_169 = arith.constant 0 : i32
    %add3A_170 = arith.addi %mul3A_168, %add3A_169 : i32
    %dma_start3A_171 = tpu.memref_slice %arg3[%add3A_170] : memref<320000xi32, #tpu.memory_space<hbm>> -> memref<40xi32, #tpu.memory_space<hbm>>
    %dma_start3A_172 = tpu.memref_slice %arg3[%add3A_170] : memref<320000xi32, #tpu.memory_space<hbm>> -> memref<40xi32, #tpu.memory_space<hbm>>
    tpu.enqueue_dma source(%dma_start3A_172 : memref<40xi32, #tpu.memory_space<hbm>>) target(%arg6 : memref<40xi32, #tpu.memory_space<vmem>>) target_semaphore(%arg21 : memref<!tpu.dma_semaphore, #tpu.memory_space<semaphore_mem>>)
    %dma_start3A_173 = tpu.memref_slice %arg4[%add3A_170] : memref<320000xi32, #tpu.memory_space<hbm>> -> memref<40xi32, #tpu.memory_space<hbm>>
    %dma_start3A_174 = tpu.memref_slice %arg4[%add3A_170] : memref<320000xi32, #tpu.memory_space<hbm>> -> memref<40xi32, #tpu.memory_space<hbm>>
    tpu.enqueue_dma source(%dma_start3A_174 : memref<40xi32, #tpu.memory_space<hbm>>) target(%arg11 : memref<40xi32, #tpu.memory_space<vmem>>) target_semaphore(%arg21 : memref<!tpu.dma_semaphore, #tpu.memory_space<semaphore_mem>>)
    %mul3A_175 = arith.constant 10000 : i32
    %mul3A_176 = arith.muli %add3A, %mul3A_175 : i32
    %add3A_177 = arith.constant 40 : i32
    %add3A_178 = arith.addi %mul3A_176, %add3A_177 : i32
    %dma_start3A_179 = tpu.memref_slice %arg3[%add3A_178] : memref<320000xi32, #tpu.memory_space<hbm>> -> memref<40xi32, #tpu.memory_space<hbm>>
    %dma_start3A_180 = tpu.memref_slice %arg3[%add3A_178] : memref<320000xi32, #tpu.memory_space<hbm>> -> memref<40xi32, #tpu.memory_space<hbm>>
    tpu.enqueue_dma source(%dma_start3A_180 : memref<40xi32, #tpu.memory_space<hbm>>) target(%arg7 : memref<40xi32, #tpu.memory_space<vmem>>) target_semaphore(%arg22 : memref<!tpu.dma_semaphore, #tpu.memory_space<semaphore_mem>>)
    %dma_start3A_181 = tpu.memref_slice %arg4[%add3A_178] : memref<320000xi32, #tpu.memory_space<hbm>> -> memref<40xi32, #tpu.memory_space<hbm>>
    %dma_start3A_182 = tpu.memref_slice %arg4[%add3A_178] : memref<320000xi32, #tpu.memory_space<hbm>> -> memref<40xi32, #tpu.memory_space<hbm>>
    tpu.enqueue_dma source(%dma_start3A_182 : memref<40xi32, #tpu.memory_space<hbm>>) target(%arg12 : memref<40xi32, #tpu.memory_space<vmem>>) target_semaphore(%arg22 : memref<!tpu.dma_semaphore, #tpu.memory_space<semaphore_mem>>)
    %mul3A_183 = arith.constant 10000 : i32
    %mul3A_184 = arith.muli %add3A, %mul3A_183 : i32
    %add3A_185 = arith.constant 80 : i32
    %add3A_186 = arith.addi %mul3A_184, %add3A_185 : i32
    %dma_start3A_187 = tpu.memref_slice %arg3[%add3A_186] : memref<320000xi32, #tpu.memory_space<hbm>> -> memref<40xi32, #tpu.memory_space<hbm>>
    %dma_start3A_188 = tpu.memref_slice %arg3[%add3A_186] : memref<320000xi32, #tpu.memory_space<hbm>> -> memref<40xi32, #tpu.memory_space<hbm>>
    tpu.enqueue_dma source(%dma_start3A_188 : memref<40xi32, #tpu.memory_space<hbm>>) target(%arg8 : memref<40xi32, #tpu.memory_space<vmem>>) target_semaphore(%arg23 : memref<!tpu.dma_semaphore, #tpu.memory_space<semaphore_mem>>)
    %dma_start3A_189 = tpu.memref_slice %arg4[%add3A_186] : memref<320000xi32, #tpu.memory_space<hbm>> -> memref<40xi32, #tpu.memory_space<hbm>>
    %dma_start3A_190 = tpu.memref_slice %arg4[%add3A_186] : memref<320000xi32, #tpu.memory_space<hbm>> -> memref<40xi32, #tpu.memory_space<hbm>>
    tpu.enqueue_dma source(%dma_start3A_190 : memref<40xi32, #tpu.memory_space<hbm>>) target(%arg13 : memref<40xi32, #tpu.memory_space<vmem>>) target_semaphore(%arg23 : memref<!tpu.dma_semaphore, #tpu.memory_space<semaphore_mem>>)
    %mul3A_191 = arith.constant 10000 : i32
    %mul3A_192 = arith.muli %add3A, %mul3A_191 : i32
    %add3A_193 = arith.constant 120 : i32
    %add3A_194 = arith.addi %mul3A_192, %add3A_193 : i32
    %dma_start3A_195 = tpu.memref_slice %arg3[%add3A_194] : memref<320000xi32, #tpu.memory_space<hbm>> -> memref<40xi32, #tpu.memory_space<hbm>>
    %dma_start3A_196 = tpu.memref_slice %arg3[%add3A_194] : memref<320000xi32, #tpu.memory_space<hbm>> -> memref<40xi32, #tpu.memory_space<hbm>>
    tpu.enqueue_dma source(%dma_start3A_196 : memref<40xi32, #tpu.memory_space<hbm>>) target(%arg9 : memref<40xi32, #tpu.memory_space<vmem>>) target_semaphore(%arg24 : memref<!tpu.dma_semaphore, #tpu.memory_space<semaphore_mem>>)
    %dma_start3A_197 = tpu.memref_slice %arg4[%add3A_194] : memref<320000xi32, #tpu.memory_space<hbm>> -> memref<40xi32, #tpu.memory_space<hbm>>
    %dma_start3A_198 = tpu.memref_slice %arg4[%add3A_194] : memref<320000xi32, #tpu.memory_space<hbm>> -> memref<40xi32, #tpu.memory_space<hbm>>
    tpu.enqueue_dma source(%dma_start3A_198 : memref<40xi32, #tpu.memory_space<hbm>>) target(%arg14 : memref<40xi32, #tpu.memory_space<vmem>>) target_semaphore(%arg24 : memref<!tpu.dma_semaphore, #tpu.memory_space<semaphore_mem>>)
    %mul3A_199 = arith.constant 10000 : i32
    %mul3A_200 = arith.muli %add3A, %mul3A_199 : i32
    %add3A_201 = arith.constant 160 : i32
    %add3A_202 = arith.addi %mul3A_200, %add3A_201 : i32
    %dma_start3A_203 = tpu.memref_slice %arg3[%add3A_202] : memref<320000xi32, #tpu.memory_space<hbm>> -> memref<40xi32, #tpu.memory_space<hbm>>
    %dma_start3A_204 = tpu.memref_slice %arg3[%add3A_202] : memref<320000xi32, #tpu.memory_space<hbm>> -> memref<40xi32, #tpu.memory_space<hbm>>
    tpu.enqueue_dma source(%dma_start3A_204 : memref<40xi32, #tpu.memory_space<hbm>>) target(%arg10 : memref<40xi32, #tpu.memory_space<vmem>>) target_semaphore(%arg25 : memref<!tpu.dma_semaphore, #tpu.memory_space<semaphore_mem>>)
    %dma_start3A_205 = tpu.memref_slice %arg4[%add3A_202] : memref<320000xi32, #tpu.memory_space<hbm>> -> memref<40xi32, #tpu.memory_space<hbm>>
    %dma_start3A_206 = tpu.memref_slice %arg4[%add3A_202] : memref<320000xi32, #tpu.memory_space<hbm>> -> memref<40xi32, #tpu.memory_space<hbm>>
    tpu.enqueue_dma source(%dma_start3A_206 : memref<40xi32, #tpu.memory_space<hbm>>) target(%arg15 : memref<40xi32, #tpu.memory_space<vmem>>) target_semaphore(%arg25 : memref<!tpu.dma_semaphore, #tpu.memory_space<semaphore_mem>>)
    %scan3A_207 = arith.constant 0 : i32
    %scan3A_208 = arith.constant 0 : i32
    %scan3A_209 = arith.constant 50 : i32
    %scan3A_210 = arith.addi %scan3A_208, %scan3A_209 : i32
    %scan3A_211 = arith.constant 1 : i32
    scf.for %scan3A_244 = %scan3A_208 to %scan3A_210 step %scan3A_211  : i32 {
      %dma_wait3A_245 = arith.constant 0 : i32
      %dma_wait3A_246 = tpu.memref_slice %arg3[%dma_wait3A_245] : memref<320000xi32, #tpu.memory_space<hbm>> -> memref<40xi32, #tpu.memory_space<hbm>>
      %dma_wait3A_247 = arith.constant 0 : i32
      %dma_wait3A_248 = tpu.memref_slice %arg3[%dma_wait3A_247] : memref<320000xi32, #tpu.memory_space<hbm>> -> memref<40xi32, #tpu.memory_space<hbm>>
      tpu.wait_dma2 semaphore(%arg21 : memref<!tpu.dma_semaphore, #tpu.memory_space<semaphore_mem>>) src(%dma_wait3A_248 : memref<40xi32, #tpu.memory_space<hbm>>) dst(%arg6 : memref<40xi32, #tpu.memory_space<vmem>>)
      %dma_wait3A_249 = arith.constant 0 : i32
      %dma_wait3A_250 = tpu.memref_slice %arg3[%dma_wait3A_249] : memref<320000xi32, #tpu.memory_space<hbm>> -> memref<40xi32, #tpu.memory_space<hbm>>
      %dma_wait3A_251 = arith.constant 0 : i32
      %dma_wait3A_252 = tpu.memref_slice %arg3[%dma_wait3A_251] : memref<320000xi32, #tpu.memory_space<hbm>> -> memref<40xi32, #tpu.memory_space<hbm>>
      tpu.wait_dma2 semaphore(%arg21 : memref<!tpu.dma_semaphore, #tpu.memory_space<semaphore_mem>>) src(%dma_wait3A_252 : memref<40xi32, #tpu.memory_space<hbm>>) dst(%arg11 : memref<40xi32, #tpu.memory_space<vmem>>)
      %dma_start3A_253 = arith.constant 0 : i32
      %dma_start3A_254 = arith.constant 0 : i32
      %dma_start3A_255 = tpu.memref_slice %arg2[%dma_start3A_253, %dma_start3A_254] : memref<10000x128xf32, #tpu.memory_space<hbm>> -> memref<10000x128xf32, #tpu.memory_space<hbm>>
      tpu.enqueue_indirect_dma source(%dma_start3A_255 : memref<10000x128xf32, #tpu.memory_space<hbm>>) target(%arg16 : memref<40x128xf32, #tpu.memory_space<vmem>>) offsets(%arg6 : memref<40xi32, #tpu.memory_space<vmem>>) semaphore(%arg26 : memref<!tpu.dma_semaphore, #tpu.memory_space<semaphore_mem>>)
      %dma_wait3A_256 = arith.constant 0 : i32
      %dma_wait3A_257 = tpu.memref_slice %arg3[%dma_wait3A_256] : memref<320000xi32, #tpu.memory_space<hbm>> -> memref<40xi32, #tpu.memory_space<hbm>>
      %dma_wait3A_258 = arith.constant 0 : i32
      %dma_wait3A_259 = tpu.memref_slice %arg3[%dma_wait3A_258] : memref<320000xi32, #tpu.memory_space<hbm>> -> memref<40xi32, #tpu.memory_space<hbm>>
      tpu.wait_dma2 semaphore(%arg22 : memref<!tpu.dma_semaphore, #tpu.memory_space<semaphore_mem>>) src(%dma_wait3A_259 : memref<40xi32, #tpu.memory_space<hbm>>) dst(%arg7 : memref<40xi32, #tpu.memory_space<vmem>>)
      %dma_wait3A_260 = arith.constant 0 : i32
      %dma_wait3A_261 = tpu.memref_slice %arg3[%dma_wait3A_260] : memref<320000xi32, #tpu.memory_space<hbm>> -> memref<40xi32, #tpu.memory_space<hbm>>
      %dma_wait3A_262 = arith.constant 0 : i32
      %dma_wait3A_263 = tpu.memref_slice %arg3[%dma_wait3A_262] : memref<320000xi32, #tpu.memory_space<hbm>> -> memref<40xi32, #tpu.memory_space<hbm>>
      tpu.wait_dma2 semaphore(%arg22 : memref<!tpu.dma_semaphore, #tpu.memory_space<semaphore_mem>>) src(%dma_wait3A_263 : memref<40xi32, #tpu.memory_space<hbm>>) dst(%arg12 : memref<40xi32, #tpu.memory_space<vmem>>)
      %dma_start3A_264 = arith.constant 0 : i32
      %dma_start3A_265 = arith.constant 0 : i32
      %dma_start3A_266 = tpu.memref_slice %arg2[%dma_start3A_264, %dma_start3A_265] : memref<10000x128xf32, #tpu.memory_space<hbm>> -> memref<10000x128xf32, #tpu.memory_space<hbm>>
      tpu.enqueue_indirect_dma source(%dma_start3A_266 : memref<10000x128xf32, #tpu.memory_space<hbm>>) target(%arg17 : memref<40x128xf32, #tpu.memory_space<vmem>>) offsets(%arg7 : memref<40xi32, #tpu.memory_space<vmem>>) semaphore(%arg27 : memref<!tpu.dma_semaphore, #tpu.memory_space<semaphore_mem>>)
      %dma_wait3A_267 = arith.constant 0 : i32
      %dma_wait3A_268 = tpu.memref_slice %arg3[%dma_wait3A_267] : memref<320000xi32, #tpu.memory_space<hbm>> -> memref<40xi32, #tpu.memory_space<hbm>>
      %dma_wait3A_269 = arith.constant 0 : i32
      %dma_wait3A_270 = tpu.memref_slice %arg3[%dma_wait3A_269] : memref<320000xi32, #tpu.memory_space<hbm>> -> memref<40xi32, #tpu.memory_space<hbm>>
      tpu.wait_dma2 semaphore(%arg23 : memref<!tpu.dma_semaphore, #tpu.memory_space<semaphore_mem>>) src(%dma_wait3A_270 : memref<40xi32, #tpu.memory_space<hbm>>) dst(%arg8 : memref<40xi32, #tpu.memory_space<vmem>>)
      %dma_wait3A_271 = arith.constant 0 : i32
      %dma_wait3A_272 = tpu.memref_slice %arg3[%dma_wait3A_271] : memref<320000xi32, #tpu.memory_space<hbm>> -> memref<40xi32, #tpu.memory_space<hbm>>
      %dma_wait3A_273 = arith.constant 0 : i32
      %dma_wait3A_274 = tpu.memref_slice %arg3[%dma_wait3A_273] : memref<320000xi32, #tpu.memory_space<hbm>> -> memref<40xi32, #tpu.memory_space<hbm>>
      tpu.wait_dma2 semaphore(%arg23 : memref<!tpu.dma_semaphore, #tpu.memory_space<semaphore_mem>>) src(%dma_wait3A_274 : memref<40xi32, #tpu.memory_space<hbm>>) dst(%arg13 : memref<40xi32, #tpu.memory_space<vmem>>)
      %dma_start3A_275 = arith.constant 0 : i32
      %dma_start3A_276 = arith.constant 0 : i32
      %dma_start3A_277 = tpu.memref_slice %arg2[%dma_start3A_275, %dma_start3A_276] : memref<10000x128xf32, #tpu.memory_space<hbm>> -> memref<10000x128xf32, #tpu.memory_space<hbm>>
      tpu.enqueue_indirect_dma source(%dma_start3A_277 : memref<10000x128xf32, #tpu.memory_space<hbm>>) target(%arg18 : memref<40x128xf32, #tpu.memory_space<vmem>>) offsets(%arg8 : memref<40xi32, #tpu.memory_space<vmem>>) semaphore(%arg28 : memref<!tpu.dma_semaphore, #tpu.memory_space<semaphore_mem>>)
      %dma_wait3A_278 = arith.constant 0 : i32
      %dma_wait3A_279 = tpu.memref_slice %arg3[%dma_wait3A_278] : memref<320000xi32, #tpu.memory_space<hbm>> -> memref<40xi32, #tpu.memory_space<hbm>>
      %dma_wait3A_280 = arith.constant 0 : i32
      %dma_wait3A_281 = tpu.memref_slice %arg3[%dma_wait3A_280] : memref<320000xi32, #tpu.memory_space<hbm>> -> memref<40xi32, #tpu.memory_space<hbm>>
      tpu.wait_dma2 semaphore(%arg24 : memref<!tpu.dma_semaphore, #tpu.memory_space<semaphore_mem>>) src(%dma_wait3A_281 : memref<40xi32, #tpu.memory_space<hbm>>) dst(%arg9 : memref<40xi32, #tpu.memory_space<vmem>>)
      %dma_wait3A_282 = arith.constant 0 : i32
      %dma_wait3A_283 = tpu.memref_slice %arg3[%dma_wait3A_282] : memref<320000xi32, #tpu.memory_space<hbm>> -> memref<40xi32, #tpu.memory_space<hbm>>
      %dma_wait3A_284 = arith.constant 0 : i32
      %dma_wait3A_285 = tpu.memref_slice %arg3[%dma_wait3A_284] : memref<320000xi32, #tpu.memory_space<hbm>> -> memref<40xi32, #tpu.memory_space<hbm>>
      tpu.wait_dma2 semaphore(%arg24 : memref<!tpu.dma_semaphore, #tpu.memory_space<semaphore_mem>>) src(%dma_wait3A_285 : memref<40xi32, #tpu.memory_space<hbm>>) dst(%arg14 : memref<40xi32, #tpu.memory_space<vmem>>)
      %dma_start3A_286 = arith.constant 0 : i32
      %dma_start3A_287 = arith.constant 0 : i32
      %dma_start3A_288 = tpu.memref_slice %arg2[%dma_start3A_286, %dma_start3A_287] : memref<10000x128xf32, #tpu.memory_space<hbm>> -> memref<10000x128xf32, #tpu.memory_space<hbm>>
      tpu.enqueue_indirect_dma source(%dma_start3A_288 : memref<10000x128xf32, #tpu.memory_space<hbm>>) target(%arg19 : memref<40x128xf32, #tpu.memory_space<vmem>>) offsets(%arg9 : memref<40xi32, #tpu.memory_space<vmem>>) semaphore(%arg29 : memref<!tpu.dma_semaphore, #tpu.memory_space<semaphore_mem>>)
      %dma_wait3A_289 = arith.constant 0 : i32
      %dma_wait3A_290 = tpu.memref_slice %arg3[%dma_wait3A_289] : memref<320000xi32, #tpu.memory_space<hbm>> -> memref<40xi32, #tpu.memory_space<hbm>>
      %dma_wait3A_291 = arith.constant 0 : i32
      %dma_wait3A_292 = tpu.memref_slice %arg3[%dma_wait3A_291] : memref<320000xi32, #tpu.memory_space<hbm>> -> memref<40xi32, #tpu.memory_space<hbm>>
      tpu.wait_dma2 semaphore(%arg25 : memref<!tpu.dma_semaphore, #tpu.memory_space<semaphore_mem>>) src(%dma_wait3A_292 : memref<40xi32, #tpu.memory_space<hbm>>) dst(%arg10 : memref<40xi32, #tpu.memory_space<vmem>>)
      %dma_wait3A_293 = arith.constant 0 : i32
      %dma_wait3A_294 = tpu.memref_slice %arg3[%dma_wait3A_293] : memref<320000xi32, #tpu.memory_space<hbm>> -> memref<40xi32, #tpu.memory_space<hbm>>
      %dma_wait3A_295 = arith.constant 0 : i32
      %dma_wait3A_296 = tpu.memref_slice %arg3[%dma_wait3A_295] : memref<320000xi32, #tpu.memory_space<hbm>> -> memref<40xi32, #tpu.memory_space<hbm>>
      tpu.wait_dma2 semaphore(%arg25 : memref<!tpu.dma_semaphore, #tpu.memory_space<semaphore_mem>>) src(%dma_wait3A_296 : memref<40xi32, #tpu.memory_space<hbm>>) dst(%arg15 : memref<40xi32, #tpu.memory_space<vmem>>)
      %dma_start3A_297 = arith.constant 0 : i32
      %dma_start3A_298 = arith.constant 0 : i32
      %dma_start3A_299 = tpu.memref_slice %arg2[%dma_start3A_297, %dma_start3A_298] : memref<10000x128xf32, #tpu.memory_space<hbm>> -> memref<10000x128xf32, #tpu.memory_space<hbm>>
      tpu.enqueue_indirect_dma source(%dma_start3A_299 : memref<10000x128xf32, #tpu.memory_space<hbm>>) target(%arg20 : memref<40x128xf32, #tpu.memory_space<vmem>>) offsets(%arg10 : memref<40xi32, #tpu.memory_space<vmem>>) semaphore(%arg30 : memref<!tpu.dma_semaphore, #tpu.memory_space<semaphore_mem>>)
      %dma_wait3A_300 = arith.constant 0 : i32
      %dma_wait3A_301 = arith.constant 0 : i32
      %dma_wait3A_302 = tpu.memref_slice %arg2[%dma_wait3A_300, %dma_wait3A_301] : memref<10000x128xf32, #tpu.memory_space<hbm>> -> memref<10000x128xf32, #tpu.memory_space<hbm>>
      tpu.wait_indirect_dma semaphore(%arg26 : memref<!tpu.dma_semaphore, #tpu.memory_space<semaphore_mem>>) src(%dma_wait3A_302 : memref<10000x128xf32, #tpu.memory_space<hbm>>) dst(%arg16 : memref<40x128xf32, #tpu.memory_space<vmem>>)
      %dma_start3A_303 = arith.constant 0 : i32
      %dma_start3A_304 = arith.constant 0 : i32
      %dma_start3A_305 = tpu.memref_slice %arg36[%dma_start3A_303, %dma_start3A_304] : memref<10240x128xf32, #tpu.memory_space<vmem_shared>> -> memref<10240x128xf32, #tpu.memory_space<vmem_shared>>
      tpu.enqueue_indirect_dma source(%arg16 : memref<40x128xf32, #tpu.memory_space<vmem>>) target(%dma_start3A_305 : memref<10240x128xf32, #tpu.memory_space<vmem_shared>>) offsets(%arg11 : memref<40xi32, #tpu.memory_space<vmem>>) semaphore(%arg31 : memref<!tpu.dma_semaphore, #tpu.memory_space<semaphore_mem>>) {add = true}
      %dma_wait3A_306 = arith.constant 0 : i32
      %dma_wait3A_307 = arith.constant 0 : i32
      %dma_wait3A_308 = tpu.memref_slice %arg2[%dma_wait3A_306, %dma_wait3A_307] : memref<10000x128xf32, #tpu.memory_space<hbm>> -> memref<10000x128xf32, #tpu.memory_space<hbm>>
      tpu.wait_indirect_dma semaphore(%arg27 : memref<!tpu.dma_semaphore, #tpu.memory_space<semaphore_mem>>) src(%dma_wait3A_308 : memref<10000x128xf32, #tpu.memory_space<hbm>>) dst(%arg17 : memref<40x128xf32, #tpu.memory_space<vmem>>)
      %dma_start3A_309 = arith.constant 0 : i32
      %dma_start3A_310 = arith.constant 0 : i32
      %dma_start3A_311 = tpu.memref_slice %arg36[%dma_start3A_309, %dma_start3A_310] : memref<10240x128xf32, #tpu.memory_space<vmem_shared>> -> memref<10240x128xf32, #tpu.memory_space<vmem_shared>>
      tpu.enqueue_indirect_dma source(%arg17 : memref<40x128xf32, #tpu.memory_space<vmem>>) target(%dma_start3A_311 : memref<10240x128xf32, #tpu.memory_space<vmem_shared>>) offsets(%arg12 : memref<40xi32, #tpu.memory_space<vmem>>) semaphore(%arg32 : memref<!tpu.dma_semaphore, #tpu.memory_space<semaphore_mem>>) {add = true}
      %dma_wait3A_312 = arith.constant 0 : i32
      %dma_wait3A_313 = arith.constant 0 : i32
      %dma_wait3A_314 = tpu.memref_slice %arg2[%dma_wait3A_312, %dma_wait3A_313] : memref<10000x128xf32, #tpu.memory_space<hbm>> -> memref<10000x128xf32, #tpu.memory_space<hbm>>
      tpu.wait_indirect_dma semaphore(%arg28 : memref<!tpu.dma_semaphore, #tpu.memory_space<semaphore_mem>>) src(%dma_wait3A_314 : memref<10000x128xf32, #tpu.memory_space<hbm>>) dst(%arg18 : memref<40x128xf32, #tpu.memory_space<vmem>>)
      %dma_start3A_315 = arith.constant 0 : i32
      %dma_start3A_316 = arith.constant 0 : i32
      %dma_start3A_317 = tpu.memref_slice %arg36[%dma_start3A_315, %dma_start3A_316] : memref<10240x128xf32, #tpu.memory_space<vmem_shared>> -> memref<10240x128xf32, #tpu.memory_space<vmem_shared>>
      tpu.enqueue_indirect_dma source(%arg18 : memref<40x128xf32, #tpu.memory_space<vmem>>) target(%dma_start3A_317 : memref<10240x128xf32, #tpu.memory_space<vmem_shared>>) offsets(%arg13 : memref<40xi32, #tpu.memory_space<vmem>>) semaphore(%arg33 : memref<!tpu.dma_semaphore, #tpu.memory_space<semaphore_mem>>) {add = true}
      %dma_wait3A_318 = arith.constant 0 : i32
      %dma_wait3A_319 = arith.constant 0 : i32
      %dma_wait3A_320 = tpu.memref_slice %arg2[%dma_wait3A_318, %dma_wait3A_319] : memref<10000x128xf32, #tpu.memory_space<hbm>> -> memref<10000x128xf32, #tpu.memory_space<hbm>>
      tpu.wait_indirect_dma semaphore(%arg29 : memref<!tpu.dma_semaphore, #tpu.memory_space<semaphore_mem>>) src(%dma_wait3A_320 : memref<10000x128xf32, #tpu.memory_space<hbm>>) dst(%arg19 : memref<40x128xf32, #tpu.memory_space<vmem>>)
      %dma_start3A_321 = arith.constant 0 : i32
      %dma_start3A_322 = arith.constant 0 : i32
      %dma_start3A_323 = tpu.memref_slice %arg36[%dma_start3A_321, %dma_start3A_322] : memref<10240x128xf32, #tpu.memory_space<vmem_shared>> -> memref<10240x128xf32, #tpu.memory_space<vmem_shared>>
      tpu.enqueue_indirect_dma source(%arg19 : memref<40x128xf32, #tpu.memory_space<vmem>>) target(%dma_start3A_323 : memref<10240x128xf32, #tpu.memory_space<vmem_shared>>) offsets(%arg14 : memref<40xi32, #tpu.memory_space<vmem>>) semaphore(%arg34 : memref<!tpu.dma_semaphore, #tpu.memory_space<semaphore_mem>>) {add = true}
      %dma_wait3A_324 = arith.constant 0 : i32
      %dma_wait3A_325 = arith.constant 0 : i32
      %dma_wait3A_326 = tpu.memref_slice %arg2[%dma_wait3A_324, %dma_wait3A_325] : memref<10000x128xf32, #tpu.memory_space<hbm>> -> memref<10000x128xf32, #tpu.memory_space<hbm>>
      tpu.wait_indirect_dma semaphore(%arg30 : memref<!tpu.dma_semaphore, #tpu.memory_space<semaphore_mem>>) src(%dma_wait3A_326 : memref<10000x128xf32, #tpu.memory_space<hbm>>) dst(%arg20 : memref<40x128xf32, #tpu.memory_space<vmem>>)
      %dma_start3A_327 = arith.constant 0 : i32
      %dma_start3A_328 = arith.constant 0 : i32
      %dma_start3A_329 = tpu.memref_slice %arg36[%dma_start3A_327, %dma_start3A_328] : memref<10240x128xf32, #tpu.memory_space<vmem_shared>> -> memref<10240x128xf32, #tpu.memory_space<vmem_shared>>
      tpu.enqueue_indirect_dma source(%arg20 : memref<40x128xf32, #tpu.memory_space<vmem>>) target(%dma_start3A_329 : memref<10240x128xf32, #tpu.memory_space<vmem_shared>>) offsets(%arg15 : memref<40xi32, #tpu.memory_space<vmem>>) semaphore(%arg35 : memref<!tpu.dma_semaphore, #tpu.memory_space<semaphore_mem>>) {add = true}
      %lt3A = arith.constant 49 : i32
      %lt3A_330 = arith.cmpi slt, %scan3A_244, %lt3A : i32
      %convert_element_type3A = arith.extui %lt3A_330 : i1 to i32
      %cond3A = arith.constant 0 : i32
      %cond3A_331 = arith.cmpi ne, %convert_element_type3A, %cond3A : i32
      scf.if %cond3A_331 {
        %dma_wait3A_352 = arith.constant 0 : i32
        %dma_wait3A_353 = arith.constant 0 : i32
        %dma_wait3A_354 = tpu.memref_slice %arg36[%dma_wait3A_352, %dma_wait3A_353] : memref<10240x128xf32, #tpu.memory_space<vmem_shared>> -> memref<10240x128xf32, #tpu.memory_space<vmem_shared>>
        tpu.wait_indirect_dma semaphore(%arg31 : memref<!tpu.dma_semaphore, #tpu.memory_space<semaphore_mem>>) src(%arg16 : memref<40x128xf32, #tpu.memory_space<vmem>>) dst(%dma_wait3A_354 : memref<10240x128xf32, #tpu.memory_space<vmem_shared>>)
        %add3A_355 = arith.constant 1 : i32
        %add3A_356 = arith.addi %scan3A_244, %add3A_355 : i32
        %mul3A_357 = arith.constant 5 : i32
        %mul3A_358 = arith.muli %add3A_356, %mul3A_357 : i32
        %add3A_359 = arith.constant 0 : i32
        %add3A_360 = arith.addi %mul3A_358, %add3A_359 : i32
        %mul3A_361 = arith.constant 10000 : i32
        %mul3A_362 = arith.muli %add3A, %mul3A_361 : i32
        %mul3A_363 = arith.constant 40 : i32
        %mul3A_364 = arith.muli %add3A_360, %mul3A_363 : i32
        %add3A_365 = arith.addi %mul3A_362, %mul3A_364 : i32
        %dma_start3A_366 = tpu.memref_slice %arg3[%add3A_365] : memref<320000xi32, #tpu.memory_space<hbm>> -> memref<40xi32, #tpu.memory_space<hbm>>
        %dma_start3A_367 = tpu.memref_slice %arg3[%add3A_365] : memref<320000xi32, #tpu.memory_space<hbm>> -> memref<40xi32, #tpu.memory_space<hbm>>
        tpu.enqueue_dma source(%dma_start3A_367 : memref<40xi32, #tpu.memory_space<hbm>>) target(%arg6 : memref<40xi32, #tpu.memory_space<vmem>>) target_semaphore(%arg21 : memref<!tpu.dma_semaphore, #tpu.memory_space<semaphore_mem>>)
        %dma_start3A_368 = tpu.memref_slice %arg4[%add3A_365] : memref<320000xi32, #tpu.memory_space<hbm>> -> memref<40xi32, #tpu.memory_space<hbm>>
        %dma_start3A_369 = tpu.memref_slice %arg4[%add3A_365] : memref<320000xi32, #tpu.memory_space<hbm>> -> memref<40xi32, #tpu.memory_space<hbm>>
        tpu.enqueue_dma source(%dma_start3A_369 : memref<40xi32, #tpu.memory_space<hbm>>) target(%arg11 : memref<40xi32, #tpu.memory_space<vmem>>) target_semaphore(%arg21 : memref<!tpu.dma_semaphore, #tpu.memory_space<semaphore_mem>>)
      } else {
      }
      %lt3A_332 = arith.constant 49 : i32
      %lt3A_333 = arith.cmpi slt, %scan3A_244, %lt3A_332 : i32
      %convert_element_type3A_334 = arith.extui %lt3A_333 : i1 to i32
      %cond3A_335 = arith.constant 0 : i32
      %cond3A_336 = arith.cmpi ne, %convert_element_type3A_334, %cond3A_335 : i32
      scf.if %cond3A_336 {
        %dma_wait3A_352 = arith.constant 0 : i32
        %dma_wait3A_353 = arith.constant 0 : i32
        %dma_wait3A_354 = tpu.memref_slice %arg36[%dma_wait3A_352, %dma_wait3A_353] : memref<10240x128xf32, #tpu.memory_space<vmem_shared>> -> memref<10240x128xf32, #tpu.memory_space<vmem_shared>>
        tpu.wait_indirect_dma semaphore(%arg32 : memref<!tpu.dma_semaphore, #tpu.memory_space<semaphore_mem>>) src(%arg17 : memref<40x128xf32, #tpu.memory_space<vmem>>) dst(%dma_wait3A_354 : memref<10240x128xf32, #tpu.memory_space<vmem_shared>>)
        %add3A_355 = arith.constant 1 : i32
        %add3A_356 = arith.addi %scan3A_244, %add3A_355 : i32
        %mul3A_357 = arith.constant 5 : i32
        %mul3A_358 = arith.muli %add3A_356, %mul3A_357 : i32
        %add3A_359 = arith.constant 1 : i32
        %add3A_360 = arith.addi %mul3A_358, %add3A_359 : i32
        %mul3A_361 = arith.constant 10000 : i32
        %mul3A_362 = arith.muli %add3A, %mul3A_361 : i32
        %mul3A_363 = arith.constant 40 : i32
        %mul3A_364 = arith.muli %add3A_360, %mul3A_363 : i32
        %add3A_365 = arith.addi %mul3A_362, %mul3A_364 : i32
        %dma_start3A_366 = tpu.memref_slice %arg3[%add3A_365] : memref<320000xi32, #tpu.memory_space<hbm>> -> memref<40xi32, #tpu.memory_space<hbm>>
        %dma_start3A_367 = tpu.memref_slice %arg3[%add3A_365] : memref<320000xi32, #tpu.memory_space<hbm>> -> memref<40xi32, #tpu.memory_space<hbm>>
        tpu.enqueue_dma source(%dma_start3A_367 : memref<40xi32, #tpu.memory_space<hbm>>) target(%arg7 : memref<40xi32, #tpu.memory_space<vmem>>) target_semaphore(%arg22 : memref<!tpu.dma_semaphore, #tpu.memory_space<semaphore_mem>>)
        %dma_start3A_368 = tpu.memref_slice %arg4[%add3A_365] : memref<320000xi32, #tpu.memory_space<hbm>> -> memref<40xi32, #tpu.memory_space<hbm>>
        %dma_start3A_369 = tpu.memref_slice %arg4[%add3A_365] : memref<320000xi32, #tpu.memory_space<hbm>> -> memref<40xi32, #tpu.memory_space<hbm>>
        tpu.enqueue_dma source(%dma_start3A_369 : memref<40xi32, #tpu.memory_space<hbm>>) target(%arg12 : memref<40xi32, #tpu.memory_space<vmem>>) target_semaphore(%arg22 : memref<!tpu.dma_semaphore, #tpu.memory_space<semaphore_mem>>)
      } else {
      }
      %lt3A_337 = arith.constant 49 : i32
      %lt3A_338 = arith.cmpi slt, %scan3A_244, %lt3A_337 : i32
      %convert_element_type3A_339 = arith.extui %lt3A_338 : i1 to i32
      %cond3A_340 = arith.constant 0 : i32
      %cond3A_341 = arith.cmpi ne, %convert_element_type3A_339, %cond3A_340 : i32
      scf.if %cond3A_341 {
        %dma_wait3A_352 = arith.constant 0 : i32
        %dma_wait3A_353 = arith.constant 0 : i32
        %dma_wait3A_354 = tpu.memref_slice %arg36[%dma_wait3A_352, %dma_wait3A_353] : memref<10240x128xf32, #tpu.memory_space<vmem_shared>> -> memref<10240x128xf32, #tpu.memory_space<vmem_shared>>
        tpu.wait_indirect_dma semaphore(%arg33 : memref<!tpu.dma_semaphore, #tpu.memory_space<semaphore_mem>>) src(%arg18 : memref<40x128xf32, #tpu.memory_space<vmem>>) dst(%dma_wait3A_354 : memref<10240x128xf32, #tpu.memory_space<vmem_shared>>)
        %add3A_355 = arith.constant 1 : i32
        %add3A_356 = arith.addi %scan3A_244, %add3A_355 : i32
        %mul3A_357 = arith.constant 5 : i32
        %mul3A_358 = arith.muli %add3A_356, %mul3A_357 : i32
        %add3A_359 = arith.constant 2 : i32
        %add3A_360 = arith.addi %mul3A_358, %add3A_359 : i32
        %mul3A_361 = arith.constant 10000 : i32
        %mul3A_362 = arith.muli %add3A, %mul3A_361 : i32
        %mul3A_363 = arith.constant 40 : i32
        %mul3A_364 = arith.muli %add3A_360, %mul3A_363 : i32
        %add3A_365 = arith.addi %mul3A_362, %mul3A_364 : i32
        %dma_start3A_366 = tpu.memref_slice %arg3[%add3A_365] : memref<320000xi32, #tpu.memory_space<hbm>> -> memref<40xi32, #tpu.memory_space<hbm>>
        %dma_start3A_367 = tpu.memref_slice %arg3[%add3A_365] : memref<320000xi32, #tpu.memory_space<hbm>> -> memref<40xi32, #tpu.memory_space<hbm>>
        tpu.enqueue_dma source(%dma_start3A_367 : memref<40xi32, #tpu.memory_space<hbm>>) target(%arg8 : memref<40xi32, #tpu.memory_space<vmem>>) target_semaphore(%arg23 : memref<!tpu.dma_semaphore, #tpu.memory_space<semaphore_mem>>)
        %dma_start3A_368 = tpu.memref_slice %arg4[%add3A_365] : memref<320000xi32, #tpu.memory_space<hbm>> -> memref<40xi32, #tpu.memory_space<hbm>>
        %dma_start3A_369 = tpu.memref_slice %arg4[%add3A_365] : memref<320000xi32, #tpu.memory_space<hbm>> -> memref<40xi32, #tpu.memory_space<hbm>>
        tpu.enqueue_dma source(%dma_start3A_369 : memref<40xi32, #tpu.memory_space<hbm>>) target(%arg13 : memref<40xi32, #tpu.memory_space<vmem>>) target_semaphore(%arg23 : memref<!tpu.dma_semaphore, #tpu.memory_space<semaphore_mem>>)
      } else {
      }
      %lt3A_342 = arith.constant 49 : i32
      %lt3A_343 = arith.cmpi slt, %scan3A_244, %lt3A_342 : i32
      %convert_element_type3A_344 = arith.extui %lt3A_343 : i1 to i32
      %cond3A_345 = arith.constant 0 : i32
      %cond3A_346 = arith.cmpi ne, %convert_element_type3A_344, %cond3A_345 : i32
      scf.if %cond3A_346 {
        %dma_wait3A_352 = arith.constant 0 : i32
        %dma_wait3A_353 = arith.constant 0 : i32
        %dma_wait3A_354 = tpu.memref_slice %arg36[%dma_wait3A_352, %dma_wait3A_353] : memref<10240x128xf32, #tpu.memory_space<vmem_shared>> -> memref<10240x128xf32, #tpu.memory_space<vmem_shared>>
        tpu.wait_indirect_dma semaphore(%arg34 : memref<!tpu.dma_semaphore, #tpu.memory_space<semaphore_mem>>) src(%arg19 : memref<40x128xf32, #tpu.memory_space<vmem>>) dst(%dma_wait3A_354 : memref<10240x128xf32, #tpu.memory_space<vmem_shared>>)
        %add3A_355 = arith.constant 1 : i32
        %add3A_356 = arith.addi %scan3A_244, %add3A_355 : i32
        %mul3A_357 = arith.constant 5 : i32
        %mul3A_358 = arith.muli %add3A_356, %mul3A_357 : i32
        %add3A_359 = arith.constant 3 : i32
        %add3A_360 = arith.addi %mul3A_358, %add3A_359 : i32
        %mul3A_361 = arith.constant 10000 : i32
        %mul3A_362 = arith.muli %add3A, %mul3A_361 : i32
        %mul3A_363 = arith.constant 40 : i32
        %mul3A_364 = arith.muli %add3A_360, %mul3A_363 : i32
        %add3A_365 = arith.addi %mul3A_362, %mul3A_364 : i32
        %dma_start3A_366 = tpu.memref_slice %arg3[%add3A_365] : memref<320000xi32, #tpu.memory_space<hbm>> -> memref<40xi32, #tpu.memory_space<hbm>>
        %dma_start3A_367 = tpu.memref_slice %arg3[%add3A_365] : memref<320000xi32, #tpu.memory_space<hbm>> -> memref<40xi32, #tpu.memory_space<hbm>>
        tpu.enqueue_dma source(%dma_start3A_367 : memref<40xi32, #tpu.memory_space<hbm>>) target(%arg9 : memref<40xi32, #tpu.memory_space<vmem>>) target_semaphore(%arg24 : memref<!tpu.dma_semaphore, #tpu.memory_space<semaphore_mem>>)
        %dma_start3A_368 = tpu.memref_slice %arg4[%add3A_365] : memref<320000xi32, #tpu.memory_space<hbm>> -> memref<40xi32, #tpu.memory_space<hbm>>
        %dma_start3A_369 = tpu.memref_slice %arg4[%add3A_365] : memref<320000xi32, #tpu.memory_space<hbm>> -> memref<40xi32, #tpu.memory_space<hbm>>
        tpu.enqueue_dma source(%dma_start3A_369 : memref<40xi32, #tpu.memory_space<hbm>>) target(%arg14 : memref<40xi32, #tpu.memory_space<vmem>>) target_semaphore(%arg24 : memref<!tpu.dma_semaphore, #tpu.memory_space<semaphore_mem>>)
      } else {
      }
      %lt3A_347 = arith.constant 49 : i32
      %lt3A_348 = arith.cmpi slt, %scan3A_244, %lt3A_347 : i32
      %convert_element_type3A_349 = arith.extui %lt3A_348 : i1 to i32
      %cond3A_350 = arith.constant 0 : i32
      %cond3A_351 = arith.cmpi ne, %convert_element_type3A_349, %cond3A_350 : i32
      scf.if %cond3A_351 {
        %dma_wait3A_352 = arith.constant 0 : i32
        %dma_wait3A_353 = arith.constant 0 : i32
        %dma_wait3A_354 = tpu.memref_slice %arg36[%dma_wait3A_352, %dma_wait3A_353] : memref<10240x128xf32, #tpu.memory_space<vmem_shared>> -> memref<10240x128xf32, #tpu.memory_space<vmem_shared>>
        tpu.wait_indirect_dma semaphore(%arg35 : memref<!tpu.dma_semaphore, #tpu.memory_space<semaphore_mem>>) src(%arg20 : memref<40x128xf32, #tpu.memory_space<vmem>>) dst(%dma_wait3A_354 : memref<10240x128xf32, #tpu.memory_space<vmem_shared>>)
        %add3A_355 = arith.constant 1 : i32
        %add3A_356 = arith.addi %scan3A_244, %add3A_355 : i32
        %mul3A_357 = arith.constant 5 : i32
        %mul3A_358 = arith.muli %add3A_356, %mul3A_357 : i32
        %add3A_359 = arith.constant 4 : i32
        %add3A_360 = arith.addi %mul3A_358, %add3A_359 : i32
        %mul3A_361 = arith.constant 10000 : i32
        %mul3A_362 = arith.muli %add3A, %mul3A_361 : i32
        %mul3A_363 = arith.constant 40 : i32
        %mul3A_364 = arith.muli %add3A_360, %mul3A_363 : i32
        %add3A_365 = arith.addi %mul3A_362, %mul3A_364 : i32
        %dma_start3A_366 = tpu.memref_slice %arg3[%add3A_365] : memref<320000xi32, #tpu.memory_space<hbm>> -> memref<40xi32, #tpu.memory_space<hbm>>
        %dma_start3A_367 = tpu.memref_slice %arg3[%add3A_365] : memref<320000xi32, #tpu.memory_space<hbm>> -> memref<40xi32, #tpu.memory_space<hbm>>
        tpu.enqueue_dma source(%dma_start3A_367 : memref<40xi32, #tpu.memory_space<hbm>>) target(%arg10 : memref<40xi32, #tpu.memory_space<vmem>>) target_semaphore(%arg25 : memref<!tpu.dma_semaphore, #tpu.memory_space<semaphore_mem>>)
        %dma_start3A_368 = tpu.memref_slice %arg4[%add3A_365] : memref<320000xi32, #tpu.memory_space<hbm>> -> memref<40xi32, #tpu.memory_space<hbm>>
        %dma_start3A_369 = tpu.memref_slice %arg4[%add3A_365] : memref<320000xi32, #tpu.memory_space<hbm>> -> memref<40xi32, #tpu.memory_space<hbm>>
        tpu.enqueue_dma source(%dma_start3A_369 : memref<40xi32, #tpu.memory_space<hbm>>) target(%arg15 : memref<40xi32, #tpu.memory_space<vmem>>) target_semaphore(%arg25 : memref<!tpu.dma_semaphore, #tpu.memory_space<semaphore_mem>>)
      } else {
      }
    }
    %scan3A_212 = arith.constant 50 : i32
    %dma_wait3A_213 = arith.constant 0 : i32
    %dma_wait3A_214 = arith.constant 0 : i32
    %dma_wait3A_215 = tpu.memref_slice %arg2[%dma_wait3A_213, %dma_wait3A_214] : memref<10000x128xf32, #tpu.memory_space<hbm>> -> memref<40x128xf32, #tpu.memory_space<hbm>>
    %dma_wait3A_216 = arith.constant 0 : i32
    %dma_wait3A_217 = arith.constant 0 : i32
    %dma_wait3A_218 = tpu.memref_slice %arg2[%dma_wait3A_216, %dma_wait3A_217] : memref<10000x128xf32, #tpu.memory_space<hbm>> -> memref<40x128xf32, #tpu.memory_space<hbm>>
    tpu.wait_dma2 semaphore(%arg31 : memref<!tpu.dma_semaphore, #tpu.memory_space<semaphore_mem>>) src(%dma_wait3A_218 : memref<40x128xf32, #tpu.memory_space<hbm>>) dst(%arg16 : memref<40x128xf32, #tpu.memory_space<vmem>>)
    %dma_wait3A_219 = arith.constant 0 : i32
    %dma_wait3A_220 = arith.constant 0 : i32
    %dma_wait3A_221 = tpu.memref_slice %arg2[%dma_wait3A_219, %dma_wait3A_220] : memref<10000x128xf32, #tpu.memory_space<hbm>> -> memref<40x128xf32, #tpu.memory_space<hbm>>
    %dma_wait3A_222 = arith.constant 0 : i32
    %dma_wait3A_223 = arith.constant 0 : i32
    %dma_wait3A_224 = tpu.memref_slice %arg2[%dma_wait3A_222, %dma_wait3A_223] : memref<10000x128xf32, #tpu.memory_space<hbm>> -> memref<40x128xf32, #tpu.memory_space<hbm>>
    tpu.wait_dma2 semaphore(%arg32 : memref<!tpu.dma_semaphore, #tpu.memory_space<semaphore_mem>>) src(%dma_wait3A_224 : memref<40x128xf32, #tpu.memory_space<hbm>>) dst(%arg17 : memref<40x128xf32, #tpu.memory_space<vmem>>)
    %dma_wait3A_225 = arith.constant 0 : i32
    %dma_wait3A_226 = arith.constant 0 : i32
    %dma_wait3A_227 = tpu.memref_slice %arg2[%dma_wait3A_225, %dma_wait3A_226] : memref<10000x128xf32, #tpu.memory_space<hbm>> -> memref<40x128xf32, #tpu.memory_space<hbm>>
    %dma_wait3A_228 = arith.constant 0 : i32
    %dma_wait3A_229 = arith.constant 0 : i32
    %dma_wait3A_230 = tpu.memref_slice %arg2[%dma_wait3A_228, %dma_wait3A_229] : memref<10000x128xf32, #tpu.memory_space<hbm>> -> memref<40x128xf32, #tpu.memory_space<hbm>>
    tpu.wait_dma2 semaphore(%arg33 : memref<!tpu.dma_semaphore, #tpu.memory_space<semaphore_mem>>) src(%dma_wait3A_230 : memref<40x128xf32, #tpu.memory_space<hbm>>) dst(%arg18 : memref<40x128xf32, #tpu.memory_space<vmem>>)
    %dma_wait3A_231 = arith.constant 0 : i32
    %dma_wait3A_232 = arith.constant 0 : i32
    %dma_wait3A_233 = tpu.memref_slice %arg2[%dma_wait3A_231, %dma_wait3A_232] : memref<10000x128xf32, #tpu.memory_space<hbm>> -> memref<40x128xf32, #tpu.memory_space<hbm>>
    %dma_wait3A_234 = arith.constant 0 : i32
    %dma_wait3A_235 = arith.constant 0 : i32
    %dma_wait3A_236 = tpu.memref_slice %arg2[%dma_wait3A_234, %dma_wait3A_235] : memref<10000x128xf32, #tpu.memory_space<hbm>> -> memref<40x128xf32, #tpu.memory_space<hbm>>
    tpu.wait_dma2 semaphore(%arg34 : memref<!tpu.dma_semaphore, #tpu.memory_space<semaphore_mem>>) src(%dma_wait3A_236 : memref<40x128xf32, #tpu.memory_space<hbm>>) dst(%arg19 : memref<40x128xf32, #tpu.memory_space<vmem>>)
    %dma_wait3A_237 = arith.constant 0 : i32
    %dma_wait3A_238 = arith.constant 0 : i32
    %dma_wait3A_239 = tpu.memref_slice %arg2[%dma_wait3A_237, %dma_wait3A_238] : memref<10000x128xf32, #tpu.memory_space<hbm>> -> memref<40x128xf32, #tpu.memory_space<hbm>>
    %dma_wait3A_240 = arith.constant 0 : i32
    %dma_wait3A_241 = arith.constant 0 : i32
    %dma_wait3A_242 = tpu.memref_slice %arg2[%dma_wait3A_240, %dma_wait3A_241] : memref<10000x128xf32, #tpu.memory_space<hbm>> -> memref<40x128xf32, #tpu.memory_space<hbm>>
    tpu.wait_dma2 semaphore(%arg35 : memref<!tpu.dma_semaphore, #tpu.memory_space<semaphore_mem>>) src(%dma_wait3A_242 : memref<40x128xf32, #tpu.memory_space<hbm>>) dst(%arg20 : memref<40x128xf32, #tpu.memory_space<vmem>>)
    %barrier3A_243 = arith.constant 0 : index
    tpu.barrier barrier_id(%barrier3A_243)
    "tpu.region"() ({
      %run_scoped3A = tpu.sem_alloc : memref<!tpu.dma_semaphore, #tpu.memory_space<semaphore_mem>>
      %dma_start3A_244 = arith.constant 0 : i32
      %dma_start3A_245 = tpu.memref_slice %arg5[%arg0, %mul3A_2, %dma_start3A_244] : memref<2x10240x128xf32, #tpu.memory_space<hbm>> -> memref<1x640x128xf32, #tpu.memory_space<hbm>>
      %dma_start3A_246 = tpu.memref_squeeze %dma_start3A_245 : memref<1x640x128xf32, #tpu.memory_space<hbm>> -> memref<640x128xf32, #tpu.memory_space<hbm>>
      %dma_start3A_247 = arith.constant 0 : i32
      %dma_start3A_248 = tpu.memref_slice %arg36[%mul3A_2, %dma_start3A_247] : memref<10240x128xf32, #tpu.memory_space<vmem_shared>> -> memref<640x128xf32, #tpu.memory_space<vmem_shared>>
      tpu.enqueue_dma source(%dma_start3A_248 : memref<640x128xf32, #tpu.memory_space<vmem_shared>>) target(%dma_start3A_246 : memref<640x128xf32, #tpu.memory_space<hbm>>) target_semaphore(%run_scoped3A : memref<!tpu.dma_semaphore, #tpu.memory_space<semaphore_mem>>)
      %dma_wait3A_249 = arith.constant 0 : i32
      %dma_wait3A_250 = tpu.memref_slice %arg5[%arg0, %mul3A_2, %dma_wait3A_249] : memref<2x10240x128xf32, #tpu.memory_space<hbm>> -> memref<1x640x128xf32, #tpu.memory_space<hbm>>
      %dma_wait3A_251 = tpu.memref_squeeze %dma_wait3A_250 : memref<1x640x128xf32, #tpu.memory_space<hbm>> -> memref<640x128xf32, #tpu.memory_space<hbm>>
      %dma_wait3A_252 = arith.constant 0 : i32
      %dma_wait3A_253 = tpu.memref_slice %arg36[%mul3A_2, %dma_wait3A_252] : memref<10240x128xf32, #tpu.memory_space<vmem_shared>> -> memref<640x128xf32, #tpu.memory_space<vmem_shared>>
      tpu.wait_dma2 semaphore(%run_scoped3A : memref<!tpu.dma_semaphore, #tpu.memory_space<semaphore_mem>>) src(%dma_wait3A_253 : memref<640x128xf32, #tpu.memory_space<vmem_shared>>) dst(%dma_wait3A_251 : memref<640x128xf32, #tpu.memory_space<hbm>>)
      tpu.yield
    }) : () -> ()
    return
  }
}

#map = affine_map<(d0, d1) -> (0, 0)>
#map1 = affine_map<(d0, d1) -> (0)>
#map2 = affine_map<(d0, d1) -> (0, 0, 0)>
module attributes {stable_mosaic.version = 14 : i64} {
  func.func @_agg_call(%arg0: i32, %arg1: i32, %arg2: memref<10000x128xf32, #tpu.memory_space<hbm>>, %arg3: memref<320000xi32, #tpu.memory_space<hbm>>, %arg4: memref<320000xi32, #tpu.memory_space<hbm>>, %arg5: memref<2x10240x128xf32, #tpu.memory_space<hbm>>, %arg6: memref<40xi32, #tpu.memory_space<vmem>>, %arg7: memref<40xi32, #tpu.memory_space<vmem>>, %arg8: memref<40xi32, #tpu.memory_space<vmem>>, %arg9: memref<40xi32, #tpu.memory_space<vmem>>, %arg10: memref<40xi32, #tpu.memory_space<vmem>>, %arg11: memref<40xi32, #tpu.memory_space<vmem>>, %arg12: memref<40xi32, #tpu.memory_space<vmem>>, %arg13: memref<40xi32, #tpu.memory_space<vmem>>, %arg14: memref<40xi32, #tpu.memory_space<vmem>>, %arg15: memref<40xi32, #tpu.memory_space<vmem>>, %arg16: memref<40x128xf32, #tpu.memory_space<vmem>>, %arg17: memref<40x128xf32, #tpu.memory_space<vmem>>, %arg18: memref<40x128xf32, #tpu.memory_space<vmem>>, %arg19: memref<40x128xf32, #tpu.memory_space<vmem>>, %arg20: memref<40x128xf32, #tpu.memory_space<vmem>>, %arg21: memref<!tpu.dma_semaphore, #tpu.memory_space<semaphore_mem>>, %arg22: memref<!tpu.dma_semaphore, #tpu.memory_space<semaphore_mem>>, %arg23: memref<!tpu.dma_semaphore, #tpu.memory_space<semaphore_mem>>, %arg24: memref<!tpu.dma_semaphore, #tpu.memory_space<semaphore_mem>>, %arg25: memref<!tpu.dma_semaphore, #tpu.memory_space<semaphore_mem>>, %arg26: memref<!tpu.dma_semaphore, #tpu.memory_space<semaphore_mem>>, %arg27: memref<!tpu.dma_semaphore, #tpu.memory_space<semaphore_mem>>, %arg28: memref<!tpu.dma_semaphore, #tpu.memory_space<semaphore_mem>>, %arg29: memref<!tpu.dma_semaphore, #tpu.memory_space<semaphore_mem>>, %arg30: memref<!tpu.dma_semaphore, #tpu.memory_space<semaphore_mem>>, %arg31: memref<!tpu.dma_semaphore, #tpu.memory_space<semaphore_mem>>, %arg32: memref<!tpu.dma_semaphore, #tpu.memory_space<semaphore_mem>>, %arg33: memref<!tpu.dma_semaphore, #tpu.memory_space<semaphore_mem>>, %arg34: memref<!tpu.dma_semaphore, #tpu.memory_space<semaphore_mem>>, %arg35: memref<!tpu.dma_semaphore, #tpu.memory_space<semaphore_mem>>, %arg36: memref<10240x128xf32, #tpu.memory_space<vmem_shared>>) attributes {dimension_semantics = [#tpu.dimension_semantics<core_parallel>, #tpu.dimension_semantics<subcore_parallel>], iteration_bounds = array<i64: 2, 16>, scalar_prefetch = 0 : i64, scratch_operands = 31 : i64, tpu.core_type = #tpu.core_type<sc_vector_subcore>, window_params = [{transform_indices = #map}, {transform_indices = #map1}, {transform_indices = #map1}, {transform_indices = #map2}]} {
    %mul3A = arith.constant 2 : i32
    %mul3A_0 = arith.muli %arg1, %mul3A : i32
    %add3A = arith.addi %mul3A_0, %arg0 : i32
    %mul3A_1 = arith.constant 640 : i32
    %mul3A_2 = arith.muli %arg1, %mul3A_1 : i32
    %broadcast_in_dim3A = arith.constant 0.000000e+00 : f32
    %broadcast_in_dim3A_3 = vector.broadcast %broadcast_in_dim3A : f32 to vector<16xf32>
    %scan3A = arith.constant 0 : i32
    %scan3A_4 = arith.constant 0 : i32
    %scan3A_5 = arith.constant 40 : i32
    %scan3A_6 = arith.addi %scan3A_4, %scan3A_5 : i32
    %scan3A_7 = arith.constant 1 : i32
    scf.for %scan3A_244 = %scan3A_4 to %scan3A_6 step %scan3A_7  : i32 {
      %swap3A = arith.index_cast %scan3A_244 : i32 to index
      %swap3A_245 = arith.constant 0 : index
      %swap3A_246 = tpu.vector_load %arg16[%swap3A, %swap3A_245] {strides = array<i32>} : memref<40x128xf32, #tpu.memory_space<vmem>>, vector<1x16xf32>,
      %swap3A_247 = vector.shape_cast %swap3A_246 : vector<1x16xf32> to vector<16xf32>
      %swap3A_248 = vector.shape_cast %broadcast_in_dim3A_3 : vector<16xf32> to vector<1x16xf32>
      tpu.vector_store %arg16[%swap3A, %swap3A_245], %swap3A_248 {strides = array<i32>} : memref<40x128xf32, #tpu.memory_space<vmem>>, vector<1x16xf32>,
      %swap3A_249 = arith.index_cast %scan3A_244 : i32 to index
      %swap3A_250 = arith.constant 16 : index
      %swap3A_251 = tpu.vector_load %arg16[%swap3A_249, %swap3A_250] {strides = array<i32>} : memref<40x128xf32, #tpu.memory_space<vmem>>, vector<1x16xf32>,
      %swap3A_252 = vector.shape_cast %swap3A_251 : vector<1x16xf32> to vector<16xf32>
      %swap3A_253 = vector.shape_cast %broadcast_in_dim3A_3 : vector<16xf32> to vector<1x16xf32>
      tpu.vector_store %arg16[%swap3A_249, %swap3A_250], %swap3A_253 {strides = array<i32>} : memref<40x128xf32, #tpu.memory_space<vmem>>, vector<1x16xf32>,
      %swap3A_254 = arith.index_cast %scan3A_244 : i32 to index
      %swap3A_255 = arith.constant 32 : index
      %swap3A_256 = tpu.vector_load %arg16[%swap3A_254, %swap3A_255] {strides = array<i32>} : memref<40x128xf32, #tpu.memory_space<vmem>>, vector<1x16xf32>,
      %swap3A_257 = vector.shape_cast %swap3A_256 : vector<1x16xf32> to vector<16xf32>
      %swap3A_258 = vector.shape_cast %broadcast_in_dim3A_3 : vector<16xf32> to vector<1x16xf32>
      tpu.vector_store %arg16[%swap3A_254, %swap3A_255], %swap3A_258 {strides = array<i32>} : memref<40x128xf32, #tpu.memory_space<vmem>>, vector<1x16xf32>,
      %swap3A_259 = arith.index_cast %scan3A_244 : i32 to index
      %swap3A_260 = arith.constant 48 : index
      %swap3A_261 = tpu.vector_load %arg16[%swap3A_259, %swap3A_260] {strides = array<i32>} : memref<40x128xf32, #tpu.memory_space<vmem>>, vector<1x16xf32>,
      %swap3A_262 = vector.shape_cast %swap3A_261 : vector<1x16xf32> to vector<16xf32>
      %swap3A_263 = vector.shape_cast %broadcast_in_dim3A_3 : vector<16xf32> to vector<1x16xf32>
      tpu.vector_store %arg16[%swap3A_259, %swap3A_260], %swap3A_263 {strides = array<i32>} : memref<40x128xf32, #tpu.memory_space<vmem>>, vector<1x16xf32>,
      %swap3A_264 = arith.index_cast %scan3A_244 : i32 to index
      %swap3A_265 = arith.constant 64 : index
      %swap3A_266 = tpu.vector_load %arg16[%swap3A_264, %swap3A_265] {strides = array<i32>} : memref<40x128xf32, #tpu.memory_space<vmem>>, vector<1x16xf32>,
      %swap3A_267 = vector.shape_cast %swap3A_266 : vector<1x16xf32> to vector<16xf32>
      %swap3A_268 = vector.shape_cast %broadcast_in_dim3A_3 : vector<16xf32> to vector<1x16xf32>
      tpu.vector_store %arg16[%swap3A_264, %swap3A_265], %swap3A_268 {strides = array<i32>} : memref<40x128xf32, #tpu.memory_space<vmem>>, vector<1x16xf32>,
      %swap3A_269 = arith.index_cast %scan3A_244 : i32 to index
      %swap3A_270 = arith.constant 80 : index
      %swap3A_271 = tpu.vector_load %arg16[%swap3A_269, %swap3A_270] {strides = array<i32>} : memref<40x128xf32, #tpu.memory_space<vmem>>, vector<1x16xf32>,
      %swap3A_272 = vector.shape_cast %swap3A_271 : vector<1x16xf32> to vector<16xf32>
      %swap3A_273 = vector.shape_cast %broadcast_in_dim3A_3 : vector<16xf32> to vector<1x16xf32>
      tpu.vector_store %arg16[%swap3A_269, %swap3A_270], %swap3A_273 {strides = array<i32>} : memref<40x128xf32, #tpu.memory_space<vmem>>, vector<1x16xf32>,
      %swap3A_274 = arith.index_cast %scan3A_244 : i32 to index
      %swap3A_275 = arith.constant 96 : index
      %swap3A_276 = tpu.vector_load %arg16[%swap3A_274, %swap3A_275] {strides = array<i32>} : memref<40x128xf32, #tpu.memory_space<vmem>>, vector<1x16xf32>,
      %swap3A_277 = vector.shape_cast %swap3A_276 : vector<1x16xf32> to vector<16xf32>
      %swap3A_278 = vector.shape_cast %broadcast_in_dim3A_3 : vector<16xf32> to vector<1x16xf32>
      tpu.vector_store %arg16[%swap3A_274, %swap3A_275], %swap3A_278 {strides = array<i32>} : memref<40x128xf32, #tpu.memory_space<vmem>>, vector<1x16xf32>,
      %swap3A_279 = arith.index_cast %scan3A_244 : i32 to index
      %swap3A_280 = arith.constant 112 : index
      %swap3A_281 = tpu.vector_load %arg16[%swap3A_279, %swap3A_280] {strides = array<i32>} : memref<40x128xf32, #tpu.memory_space<vmem>>, vector<1x16xf32>,
      %swap3A_282 = vector.shape_cast %swap3A_281 : vector<1x16xf32> to vector<16xf32>
      %swap3A_283 = vector.shape_cast %broadcast_in_dim3A_3 : vector<16xf32> to vector<1x16xf32>
      tpu.vector_store %arg16[%swap3A_279, %swap3A_280], %swap3A_283 {strides = array<i32>} : memref<40x128xf32, #tpu.memory_space<vmem>>, vector<1x16xf32>,
    }
    %scan3A_8 = arith.constant 40 : i32
    %add3A_9 = arith.constant 0 : i32
    %add3A_10 = arith.addi %mul3A_2, %add3A_9 : i32
    %dma_start3A = arith.constant 0 : i32
    %dma_start3A_11 = tpu.memref_slice %arg36[%add3A_10, %dma_start3A] : memref<10240x128xf32, #tpu.memory_space<vmem_shared>> -> memref<40x128xf32, #tpu.memory_space<vmem_shared>>
    %dma_start3A_12 = arith.constant 0 : i32
    %dma_start3A_13 = tpu.memref_slice %arg36[%add3A_10, %dma_start3A_12] : memref<10240x128xf32, #tpu.memory_space<vmem_shared>> -> memref<40x128xf32, #tpu.memory_space<vmem_shared>>
    tpu.enqueue_dma source(%arg16 : memref<40x128xf32, #tpu.memory_space<vmem>>) target(%dma_start3A_13 : memref<40x128xf32, #tpu.memory_space<vmem_shared>>) target_semaphore(%arg31 : memref<!tpu.dma_semaphore, #tpu.memory_space<semaphore_mem>>)
    %add3A_14 = arith.constant 40 : i32
    %add3A_15 = arith.addi %mul3A_2, %add3A_14 : i32
    %dma_start3A_16 = arith.constant 0 : i32
    %dma_start3A_17 = tpu.memref_slice %arg36[%add3A_15, %dma_start3A_16] : memref<10240x128xf32, #tpu.memory_space<vmem_shared>> -> memref<40x128xf32, #tpu.memory_space<vmem_shared>>
    %dma_start3A_18 = arith.constant 0 : i32
    %dma_start3A_19 = tpu.memref_slice %arg36[%add3A_15, %dma_start3A_18] : memref<10240x128xf32, #tpu.memory_space<vmem_shared>> -> memref<40x128xf32, #tpu.memory_space<vmem_shared>>
    tpu.enqueue_dma source(%arg16 : memref<40x128xf32, #tpu.memory_space<vmem>>) target(%dma_start3A_19 : memref<40x128xf32, #tpu.memory_space<vmem_shared>>) target_semaphore(%arg32 : memref<!tpu.dma_semaphore, #tpu.memory_space<semaphore_mem>>)
    %add3A_20 = arith.constant 80 : i32
    %add3A_21 = arith.addi %mul3A_2, %add3A_20 : i32
    %dma_start3A_22 = arith.constant 0 : i32
    %dma_start3A_23 = tpu.memref_slice %arg36[%add3A_21, %dma_start3A_22] : memref<10240x128xf32, #tpu.memory_space<vmem_shared>> -> memref<40x128xf32, #tpu.memory_space<vmem_shared>>
    %dma_start3A_24 = arith.constant 0 : i32
    %dma_start3A_25 = tpu.memref_slice %arg36[%add3A_21, %dma_start3A_24] : memref<10240x128xf32, #tpu.memory_space<vmem_shared>> -> memref<40x128xf32, #tpu.memory_space<vmem_shared>>
    tpu.enqueue_dma source(%arg16 : memref<40x128xf32, #tpu.memory_space<vmem>>) target(%dma_start3A_25 : memref<40x128xf32, #tpu.memory_space<vmem_shared>>) target_semaphore(%arg33 : memref<!tpu.dma_semaphore, #tpu.memory_space<semaphore_mem>>)
    %add3A_26 = arith.constant 120 : i32
    %add3A_27 = arith.addi %mul3A_2, %add3A_26 : i32
    %dma_start3A_28 = arith.constant 0 : i32
    %dma_start3A_29 = tpu.memref_slice %arg36[%add3A_27, %dma_start3A_28] : memref<10240x128xf32, #tpu.memory_space<vmem_shared>> -> memref<40x128xf32, #tpu.memory_space<vmem_shared>>
    %dma_start3A_30 = arith.constant 0 : i32
    %dma_start3A_31 = tpu.memref_slice %arg36[%add3A_27, %dma_start3A_30] : memref<10240x128xf32, #tpu.memory_space<vmem_shared>> -> memref<40x128xf32, #tpu.memory_space<vmem_shared>>
    tpu.enqueue_dma source(%arg16 : memref<40x128xf32, #tpu.memory_space<vmem>>) target(%dma_start3A_31 : memref<40x128xf32, #tpu.memory_space<vmem_shared>>) target_semaphore(%arg34 : memref<!tpu.dma_semaphore, #tpu.memory_space<semaphore_mem>>)
    %add3A_32 = arith.constant 160 : i32
    %add3A_33 = arith.addi %mul3A_2, %add3A_32 : i32
    %dma_start3A_34 = arith.constant 0 : i32
    %dma_start3A_35 = tpu.memref_slice %arg36[%add3A_33, %dma_start3A_34] : memref<10240x128xf32, #tpu.memory_space<vmem_shared>> -> memref<40x128xf32, #tpu.memory_space<vmem_shared>>
    %dma_start3A_36 = arith.constant 0 : i32
    %dma_start3A_37 = tpu.memref_slice %arg36[%add3A_33, %dma_start3A_36] : memref<10240x128xf32, #tpu.memory_space<vmem_shared>> -> memref<40x128xf32, #tpu.memory_space<vmem_shared>>
    tpu.enqueue_dma source(%arg16 : memref<40x128xf32, #tpu.memory_space<vmem>>) target(%dma_start3A_37 : memref<40x128xf32, #tpu.memory_space<vmem_shared>>) target_semaphore(%arg35 : memref<!tpu.dma_semaphore, #tpu.memory_space<semaphore_mem>>)
    %add3A_38 = arith.constant 200 : i32
    %add3A_39 = arith.addi %mul3A_2, %add3A_38 : i32
    %dma_start3A_40 = arith.constant 0 : i32
    %dma_start3A_41 = tpu.memref_slice %arg36[%add3A_39, %dma_start3A_40] : memref<10240x128xf32, #tpu.memory_space<vmem_shared>> -> memref<40x128xf32, #tpu.memory_space<vmem_shared>>
    %dma_start3A_42 = arith.constant 0 : i32
    %dma_start3A_43 = tpu.memref_slice %arg36[%add3A_39, %dma_start3A_42] : memref<10240x128xf32, #tpu.memory_space<vmem_shared>> -> memref<40x128xf32, #tpu.memory_space<vmem_shared>>
    tpu.enqueue_dma source(%arg16 : memref<40x128xf32, #tpu.memory_space<vmem>>) target(%dma_start3A_43 : memref<40x128xf32, #tpu.memory_space<vmem_shared>>) target_semaphore(%arg31 : memref<!tpu.dma_semaphore, #tpu.memory_space<semaphore_mem>>)
    %add3A_44 = arith.constant 240 : i32
    %add3A_45 = arith.addi %mul3A_2, %add3A_44 : i32
    %dma_start3A_46 = arith.constant 0 : i32
    %dma_start3A_47 = tpu.memref_slice %arg36[%add3A_45, %dma_start3A_46] : memref<10240x128xf32, #tpu.memory_space<vmem_shared>> -> memref<40x128xf32, #tpu.memory_space<vmem_shared>>
    %dma_start3A_48 = arith.constant 0 : i32
    %dma_start3A_49 = tpu.memref_slice %arg36[%add3A_45, %dma_start3A_48] : memref<10240x128xf32, #tpu.memory_space<vmem_shared>> -> memref<40x128xf32, #tpu.memory_space<vmem_shared>>
    tpu.enqueue_dma source(%arg16 : memref<40x128xf32, #tpu.memory_space<vmem>>) target(%dma_start3A_49 : memref<40x128xf32, #tpu.memory_space<vmem_shared>>) target_semaphore(%arg32 : memref<!tpu.dma_semaphore, #tpu.memory_space<semaphore_mem>>)
    %add3A_50 = arith.constant 280 : i32
    %add3A_51 = arith.addi %mul3A_2, %add3A_50 : i32
    %dma_start3A_52 = arith.constant 0 : i32
    %dma_start3A_53 = tpu.memref_slice %arg36[%add3A_51, %dma_start3A_52] : memref<10240x128xf32, #tpu.memory_space<vmem_shared>> -> memref<40x128xf32, #tpu.memory_space<vmem_shared>>
    %dma_start3A_54 = arith.constant 0 : i32
    %dma_start3A_55 = tpu.memref_slice %arg36[%add3A_51, %dma_start3A_54] : memref<10240x128xf32, #tpu.memory_space<vmem_shared>> -> memref<40x128xf32, #tpu.memory_space<vmem_shared>>
    tpu.enqueue_dma source(%arg16 : memref<40x128xf32, #tpu.memory_space<vmem>>) target(%dma_start3A_55 : memref<40x128xf32, #tpu.memory_space<vmem_shared>>) target_semaphore(%arg33 : memref<!tpu.dma_semaphore, #tpu.memory_space<semaphore_mem>>)
    %add3A_56 = arith.constant 320 : i32
    %add3A_57 = arith.addi %mul3A_2, %add3A_56 : i32
    %dma_start3A_58 = arith.constant 0 : i32
    %dma_start3A_59 = tpu.memref_slice %arg36[%add3A_57, %dma_start3A_58] : memref<10240x128xf32, #tpu.memory_space<vmem_shared>> -> memref<40x128xf32, #tpu.memory_space<vmem_shared>>
    %dma_start3A_60 = arith.constant 0 : i32
    %dma_start3A_61 = tpu.memref_slice %arg36[%add3A_57, %dma_start3A_60] : memref<10240x128xf32, #tpu.memory_space<vmem_shared>> -> memref<40x128xf32, #tpu.memory_space<vmem_shared>>
    tpu.enqueue_dma source(%arg16 : memref<40x128xf32, #tpu.memory_space<vmem>>) target(%dma_start3A_61 : memref<40x128xf32, #tpu.memory_space<vmem_shared>>) target_semaphore(%arg34 : memref<!tpu.dma_semaphore, #tpu.memory_space<semaphore_mem>>)
    %add3A_62 = arith.constant 360 : i32
    %add3A_63 = arith.addi %mul3A_2, %add3A_62 : i32
    %dma_start3A_64 = arith.constant 0 : i32
    %dma_start3A_65 = tpu.memref_slice %arg36[%add3A_63, %dma_start3A_64] : memref<10240x128xf32, #tpu.memory_space<vmem_shared>> -> memref<40x128xf32, #tpu.memory_space<vmem_shared>>
    %dma_start3A_66 = arith.constant 0 : i32
    %dma_start3A_67 = tpu.memref_slice %arg36[%add3A_63, %dma_start3A_66] : memref<10240x128xf32, #tpu.memory_space<vmem_shared>> -> memref<40x128xf32, #tpu.memory_space<vmem_shared>>
    tpu.enqueue_dma source(%arg16 : memref<40x128xf32, #tpu.memory_space<vmem>>) target(%dma_start3A_67 : memref<40x128xf32, #tpu.memory_space<vmem_shared>>) target_semaphore(%arg35 : memref<!tpu.dma_semaphore, #tpu.memory_space<semaphore_mem>>)
    %add3A_68 = arith.constant 400 : i32
    %add3A_69 = arith.addi %mul3A_2, %add3A_68 : i32
    %dma_start3A_70 = arith.constant 0 : i32
    %dma_start3A_71 = tpu.memref_slice %arg36[%add3A_69, %dma_start3A_70] : memref<10240x128xf32, #tpu.memory_space<vmem_shared>> -> memref<40x128xf32, #tpu.memory_space<vmem_shared>>
    %dma_start3A_72 = arith.constant 0 : i32
    %dma_start3A_73 = tpu.memref_slice %arg36[%add3A_69, %dma_start3A_72] : memref<10240x128xf32, #tpu.memory_space<vmem_shared>> -> memref<40x128xf32, #tpu.memory_space<vmem_shared>>
    tpu.enqueue_dma source(%arg16 : memref<40x128xf32, #tpu.memory_space<vmem>>) target(%dma_start3A_73 : memref<40x128xf32, #tpu.memory_space<vmem_shared>>) target_semaphore(%arg31 : memref<!tpu.dma_semaphore, #tpu.memory_space<semaphore_mem>>)
    %add3A_74 = arith.constant 440 : i32
    %add3A_75 = arith.addi %mul3A_2, %add3A_74 : i32
    %dma_start3A_76 = arith.constant 0 : i32
    %dma_start3A_77 = tpu.memref_slice %arg36[%add3A_75, %dma_start3A_76] : memref<10240x128xf32, #tpu.memory_space<vmem_shared>> -> memref<40x128xf32, #tpu.memory_space<vmem_shared>>
    %dma_start3A_78 = arith.constant 0 : i32
    %dma_start3A_79 = tpu.memref_slice %arg36[%add3A_75, %dma_start3A_78] : memref<10240x128xf32, #tpu.memory_space<vmem_shared>> -> memref<40x128xf32, #tpu.memory_space<vmem_shared>>
    tpu.enqueue_dma source(%arg16 : memref<40x128xf32, #tpu.memory_space<vmem>>) target(%dma_start3A_79 : memref<40x128xf32, #tpu.memory_space<vmem_shared>>) target_semaphore(%arg32 : memref<!tpu.dma_semaphore, #tpu.memory_space<semaphore_mem>>)
    %add3A_80 = arith.constant 480 : i32
    %add3A_81 = arith.addi %mul3A_2, %add3A_80 : i32
    %dma_start3A_82 = arith.constant 0 : i32
    %dma_start3A_83 = tpu.memref_slice %arg36[%add3A_81, %dma_start3A_82] : memref<10240x128xf32, #tpu.memory_space<vmem_shared>> -> memref<40x128xf32, #tpu.memory_space<vmem_shared>>
    %dma_start3A_84 = arith.constant 0 : i32
    %dma_start3A_85 = tpu.memref_slice %arg36[%add3A_81, %dma_start3A_84] : memref<10240x128xf32, #tpu.memory_space<vmem_shared>> -> memref<40x128xf32, #tpu.memory_space<vmem_shared>>
    tpu.enqueue_dma source(%arg16 : memref<40x128xf32, #tpu.memory_space<vmem>>) target(%dma_start3A_85 : memref<40x128xf32, #tpu.memory_space<vmem_shared>>) target_semaphore(%arg33 : memref<!tpu.dma_semaphore, #tpu.memory_space<semaphore_mem>>)
    %add3A_86 = arith.constant 520 : i32
    %add3A_87 = arith.addi %mul3A_2, %add3A_86 : i32
    %dma_start3A_88 = arith.constant 0 : i32
    %dma_start3A_89 = tpu.memref_slice %arg36[%add3A_87, %dma_start3A_88] : memref<10240x128xf32, #tpu.memory_space<vmem_shared>> -> memref<40x128xf32, #tpu.memory_space<vmem_shared>>
    %dma_start3A_90 = arith.constant 0 : i32
    %dma_start3A_91 = tpu.memref_slice %arg36[%add3A_87, %dma_start3A_90] : memref<10240x128xf32, #tpu.memory_space<vmem_shared>> -> memref<40x128xf32, #tpu.memory_space<vmem_shared>>
    tpu.enqueue_dma source(%arg16 : memref<40x128xf32, #tpu.memory_space<vmem>>) target(%dma_start3A_91 : memref<40x128xf32, #tpu.memory_space<vmem_shared>>) target_semaphore(%arg34 : memref<!tpu.dma_semaphore, #tpu.memory_space<semaphore_mem>>)
    %add3A_92 = arith.constant 560 : i32
    %add3A_93 = arith.addi %mul3A_2, %add3A_92 : i32
    %dma_start3A_94 = arith.constant 0 : i32
    %dma_start3A_95 = tpu.memref_slice %arg36[%add3A_93, %dma_start3A_94] : memref<10240x128xf32, #tpu.memory_space<vmem_shared>> -> memref<40x128xf32, #tpu.memory_space<vmem_shared>>
    %dma_start3A_96 = arith.constant 0 : i32
    %dma_start3A_97 = tpu.memref_slice %arg36[%add3A_93, %dma_start3A_96] : memref<10240x128xf32, #tpu.memory_space<vmem_shared>> -> memref<40x128xf32, #tpu.memory_space<vmem_shared>>
    tpu.enqueue_dma source(%arg16 : memref<40x128xf32, #tpu.memory_space<vmem>>) target(%dma_start3A_97 : memref<40x128xf32, #tpu.memory_space<vmem_shared>>) target_semaphore(%arg35 : memref<!tpu.dma_semaphore, #tpu.memory_space<semaphore_mem>>)
    %add3A_98 = arith.constant 600 : i32
    %add3A_99 = arith.addi %mul3A_2, %add3A_98 : i32
    %dma_start3A_100 = arith.constant 0 : i32
    %dma_start3A_101 = tpu.memref_slice %arg36[%add3A_99, %dma_start3A_100] : memref<10240x128xf32, #tpu.memory_space<vmem_shared>> -> memref<40x128xf32, #tpu.memory_space<vmem_shared>>
    %dma_start3A_102 = arith.constant 0 : i32
    %dma_start3A_103 = tpu.memref_slice %arg36[%add3A_99, %dma_start3A_102] : memref<10240x128xf32, #tpu.memory_space<vmem_shared>> -> memref<40x128xf32, #tpu.memory_space<vmem_shared>>
    tpu.enqueue_dma source(%arg16 : memref<40x128xf32, #tpu.memory_space<vmem>>) target(%dma_start3A_103 : memref<40x128xf32, #tpu.memory_space<vmem_shared>>) target_semaphore(%arg31 : memref<!tpu.dma_semaphore, #tpu.memory_space<semaphore_mem>>)
    %dma_wait3A = arith.constant 0 : i32
    %dma_wait3A_104 = tpu.memref_slice %arg36[%add3A_10, %dma_wait3A] : memref<10240x128xf32, #tpu.memory_space<vmem_shared>> -> memref<40x128xf32, #tpu.memory_space<vmem_shared>>
    %dma_wait3A_105 = arith.constant 0 : i32
    %dma_wait3A_106 = tpu.memref_slice %arg36[%add3A_10, %dma_wait3A_105] : memref<10240x128xf32, #tpu.memory_space<vmem_shared>> -> memref<40x128xf32, #tpu.memory_space<vmem_shared>>
    tpu.wait_dma2 semaphore(%arg31 : memref<!tpu.dma_semaphore, #tpu.memory_space<semaphore_mem>>) src(%arg16 : memref<40x128xf32, #tpu.memory_space<vmem>>) dst(%dma_wait3A_106 : memref<40x128xf32, #tpu.memory_space<vmem_shared>>)
    %dma_wait3A_107 = arith.constant 0 : i32
    %dma_wait3A_108 = tpu.memref_slice %arg36[%add3A_15, %dma_wait3A_107] : memref<10240x128xf32, #tpu.memory_space<vmem_shared>> -> memref<40x128xf32, #tpu.memory_space<vmem_shared>>
    %dma_wait3A_109 = arith.constant 0 : i32
    %dma_wait3A_110 = tpu.memref_slice %arg36[%add3A_15, %dma_wait3A_109] : memref<10240x128xf32, #tpu.memory_space<vmem_shared>> -> memref<40x128xf32, #tpu.memory_space<vmem_shared>>
    tpu.wait_dma2 semaphore(%arg32 : memref<!tpu.dma_semaphore, #tpu.memory_space<semaphore_mem>>) src(%arg16 : memref<40x128xf32, #tpu.memory_space<vmem>>) dst(%dma_wait3A_110 : memref<40x128xf32, #tpu.memory_space<vmem_shared>>)
    %dma_wait3A_111 = arith.constant 0 : i32
    %dma_wait3A_112 = tpu.memref_slice %arg36[%add3A_21, %dma_wait3A_111] : memref<10240x128xf32, #tpu.memory_space<vmem_shared>> -> memref<40x128xf32, #tpu.memory_space<vmem_shared>>
    %dma_wait3A_113 = arith.constant 0 : i32
    %dma_wait3A_114 = tpu.memref_slice %arg36[%add3A_21, %dma_wait3A_113] : memref<10240x128xf32, #tpu.memory_space<vmem_shared>> -> memref<40x128xf32, #tpu.memory_space<vmem_shared>>
    tpu.wait_dma2 semaphore(%arg33 : memref<!tpu.dma_semaphore, #tpu.memory_space<semaphore_mem>>) src(%arg16 : memref<40x128xf32, #tpu.memory_space<vmem>>) dst(%dma_wait3A_114 : memref<40x128xf32, #tpu.memory_space<vmem_shared>>)
    %dma_wait3A_115 = arith.constant 0 : i32
    %dma_wait3A_116 = tpu.memref_slice %arg36[%add3A_27, %dma_wait3A_115] : memref<10240x128xf32, #tpu.memory_space<vmem_shared>> -> memref<40x128xf32, #tpu.memory_space<vmem_shared>>
    %dma_wait3A_117 = arith.constant 0 : i32
    %dma_wait3A_118 = tpu.memref_slice %arg36[%add3A_27, %dma_wait3A_117] : memref<10240x128xf32, #tpu.memory_space<vmem_shared>> -> memref<40x128xf32, #tpu.memory_space<vmem_shared>>
    tpu.wait_dma2 semaphore(%arg34 : memref<!tpu.dma_semaphore, #tpu.memory_space<semaphore_mem>>) src(%arg16 : memref<40x128xf32, #tpu.memory_space<vmem>>) dst(%dma_wait3A_118 : memref<40x128xf32, #tpu.memory_space<vmem_shared>>)
    %dma_wait3A_119 = arith.constant 0 : i32
    %dma_wait3A_120 = tpu.memref_slice %arg36[%add3A_33, %dma_wait3A_119] : memref<10240x128xf32, #tpu.memory_space<vmem_shared>> -> memref<40x128xf32, #tpu.memory_space<vmem_shared>>
    %dma_wait3A_121 = arith.constant 0 : i32
    %dma_wait3A_122 = tpu.memref_slice %arg36[%add3A_33, %dma_wait3A_121] : memref<10240x128xf32, #tpu.memory_space<vmem_shared>> -> memref<40x128xf32, #tpu.memory_space<vmem_shared>>
    tpu.wait_dma2 semaphore(%arg35 : memref<!tpu.dma_semaphore, #tpu.memory_space<semaphore_mem>>) src(%arg16 : memref<40x128xf32, #tpu.memory_space<vmem>>) dst(%dma_wait3A_122 : memref<40x128xf32, #tpu.memory_space<vmem_shared>>)
    %dma_wait3A_123 = arith.constant 0 : i32
    %dma_wait3A_124 = tpu.memref_slice %arg36[%add3A_39, %dma_wait3A_123] : memref<10240x128xf32, #tpu.memory_space<vmem_shared>> -> memref<40x128xf32, #tpu.memory_space<vmem_shared>>
    %dma_wait3A_125 = arith.constant 0 : i32
    %dma_wait3A_126 = tpu.memref_slice %arg36[%add3A_39, %dma_wait3A_125] : memref<10240x128xf32, #tpu.memory_space<vmem_shared>> -> memref<40x128xf32, #tpu.memory_space<vmem_shared>>
    tpu.wait_dma2 semaphore(%arg31 : memref<!tpu.dma_semaphore, #tpu.memory_space<semaphore_mem>>) src(%arg16 : memref<40x128xf32, #tpu.memory_space<vmem>>) dst(%dma_wait3A_126 : memref<40x128xf32, #tpu.memory_space<vmem_shared>>)
    %dma_wait3A_127 = arith.constant 0 : i32
    %dma_wait3A_128 = tpu.memref_slice %arg36[%add3A_45, %dma_wait3A_127] : memref<10240x128xf32, #tpu.memory_space<vmem_shared>> -> memref<40x128xf32, #tpu.memory_space<vmem_shared>>
    %dma_wait3A_129 = arith.constant 0 : i32
    %dma_wait3A_130 = tpu.memref_slice %arg36[%add3A_45, %dma_wait3A_129] : memref<10240x128xf32, #tpu.memory_space<vmem_shared>> -> memref<40x128xf32, #tpu.memory_space<vmem_shared>>
    tpu.wait_dma2 semaphore(%arg32 : memref<!tpu.dma_semaphore, #tpu.memory_space<semaphore_mem>>) src(%arg16 : memref<40x128xf32, #tpu.memory_space<vmem>>) dst(%dma_wait3A_130 : memref<40x128xf32, #tpu.memory_space<vmem_shared>>)
    %dma_wait3A_131 = arith.constant 0 : i32
    %dma_wait3A_132 = tpu.memref_slice %arg36[%add3A_51, %dma_wait3A_131] : memref<10240x128xf32, #tpu.memory_space<vmem_shared>> -> memref<40x128xf32, #tpu.memory_space<vmem_shared>>
    %dma_wait3A_133 = arith.constant 0 : i32
    %dma_wait3A_134 = tpu.memref_slice %arg36[%add3A_51, %dma_wait3A_133] : memref<10240x128xf32, #tpu.memory_space<vmem_shared>> -> memref<40x128xf32, #tpu.memory_space<vmem_shared>>
    tpu.wait_dma2 semaphore(%arg33 : memref<!tpu.dma_semaphore, #tpu.memory_space<semaphore_mem>>) src(%arg16 : memref<40x128xf32, #tpu.memory_space<vmem>>) dst(%dma_wait3A_134 : memref<40x128xf32, #tpu.memory_space<vmem_shared>>)
    %dma_wait3A_135 = arith.constant 0 : i32
    %dma_wait3A_136 = tpu.memref_slice %arg36[%add3A_57, %dma_wait3A_135] : memref<10240x128xf32, #tpu.memory_space<vmem_shared>> -> memref<40x128xf32, #tpu.memory_space<vmem_shared>>
    %dma_wait3A_137 = arith.constant 0 : i32
    %dma_wait3A_138 = tpu.memref_slice %arg36[%add3A_57, %dma_wait3A_137] : memref<10240x128xf32, #tpu.memory_space<vmem_shared>> -> memref<40x128xf32, #tpu.memory_space<vmem_shared>>
    tpu.wait_dma2 semaphore(%arg34 : memref<!tpu.dma_semaphore, #tpu.memory_space<semaphore_mem>>) src(%arg16 : memref<40x128xf32, #tpu.memory_space<vmem>>) dst(%dma_wait3A_138 : memref<40x128xf32, #tpu.memory_space<vmem_shared>>)
    %dma_wait3A_139 = arith.constant 0 : i32
    %dma_wait3A_140 = tpu.memref_slice %arg36[%add3A_63, %dma_wait3A_139] : memref<10240x128xf32, #tpu.memory_space<vmem_shared>> -> memref<40x128xf32, #tpu.memory_space<vmem_shared>>
    %dma_wait3A_141 = arith.constant 0 : i32
    %dma_wait3A_142 = tpu.memref_slice %arg36[%add3A_63, %dma_wait3A_141] : memref<10240x128xf32, #tpu.memory_space<vmem_shared>> -> memref<40x128xf32, #tpu.memory_space<vmem_shared>>
    tpu.wait_dma2 semaphore(%arg35 : memref<!tpu.dma_semaphore, #tpu.memory_space<semaphore_mem>>) src(%arg16 : memref<40x128xf32, #tpu.memory_space<vmem>>) dst(%dma_wait3A_142 : memref<40x128xf32, #tpu.memory_space<vmem_shared>>)
    %dma_wait3A_143 = arith.constant 0 : i32
    %dma_wait3A_144 = tpu.memref_slice %arg36[%add3A_69, %dma_wait3A_143] : memref<10240x128xf32, #tpu.memory_space<vmem_shared>> -> memref<40x128xf32, #tpu.memory_space<vmem_shared>>
    %dma_wait3A_145 = arith.constant 0 : i32
    %dma_wait3A_146 = tpu.memref_slice %arg36[%add3A_69, %dma_wait3A_145] : memref<10240x128xf32, #tpu.memory_space<vmem_shared>> -> memref<40x128xf32, #tpu.memory_space<vmem_shared>>
    tpu.wait_dma2 semaphore(%arg31 : memref<!tpu.dma_semaphore, #tpu.memory_space<semaphore_mem>>) src(%arg16 : memref<40x128xf32, #tpu.memory_space<vmem>>) dst(%dma_wait3A_146 : memref<40x128xf32, #tpu.memory_space<vmem_shared>>)
    %dma_wait3A_147 = arith.constant 0 : i32
    %dma_wait3A_148 = tpu.memref_slice %arg36[%add3A_75, %dma_wait3A_147] : memref<10240x128xf32, #tpu.memory_space<vmem_shared>> -> memref<40x128xf32, #tpu.memory_space<vmem_shared>>
    %dma_wait3A_149 = arith.constant 0 : i32
    %dma_wait3A_150 = tpu.memref_slice %arg36[%add3A_75, %dma_wait3A_149] : memref<10240x128xf32, #tpu.memory_space<vmem_shared>> -> memref<40x128xf32, #tpu.memory_space<vmem_shared>>
    tpu.wait_dma2 semaphore(%arg32 : memref<!tpu.dma_semaphore, #tpu.memory_space<semaphore_mem>>) src(%arg16 : memref<40x128xf32, #tpu.memory_space<vmem>>) dst(%dma_wait3A_150 : memref<40x128xf32, #tpu.memory_space<vmem_shared>>)
    %dma_wait3A_151 = arith.constant 0 : i32
    %dma_wait3A_152 = tpu.memref_slice %arg36[%add3A_81, %dma_wait3A_151] : memref<10240x128xf32, #tpu.memory_space<vmem_shared>> -> memref<40x128xf32, #tpu.memory_space<vmem_shared>>
    %dma_wait3A_153 = arith.constant 0 : i32
    %dma_wait3A_154 = tpu.memref_slice %arg36[%add3A_81, %dma_wait3A_153] : memref<10240x128xf32, #tpu.memory_space<vmem_shared>> -> memref<40x128xf32, #tpu.memory_space<vmem_shared>>
    tpu.wait_dma2 semaphore(%arg33 : memref<!tpu.dma_semaphore, #tpu.memory_space<semaphore_mem>>) src(%arg16 : memref<40x128xf32, #tpu.memory_space<vmem>>) dst(%dma_wait3A_154 : memref<40x128xf32, #tpu.memory_space<vmem_shared>>)
    %dma_wait3A_155 = arith.constant 0 : i32
    %dma_wait3A_156 = tpu.memref_slice %arg36[%add3A_87, %dma_wait3A_155] : memref<10240x128xf32, #tpu.memory_space<vmem_shared>> -> memref<40x128xf32, #tpu.memory_space<vmem_shared>>
    %dma_wait3A_157 = arith.constant 0 : i32
    %dma_wait3A_158 = tpu.memref_slice %arg36[%add3A_87, %dma_wait3A_157] : memref<10240x128xf32, #tpu.memory_space<vmem_shared>> -> memref<40x128xf32, #tpu.memory_space<vmem_shared>>
    tpu.wait_dma2 semaphore(%arg34 : memref<!tpu.dma_semaphore, #tpu.memory_space<semaphore_mem>>) src(%arg16 : memref<40x128xf32, #tpu.memory_space<vmem>>) dst(%dma_wait3A_158 : memref<40x128xf32, #tpu.memory_space<vmem_shared>>)
    %dma_wait3A_159 = arith.constant 0 : i32
    %dma_wait3A_160 = tpu.memref_slice %arg36[%add3A_93, %dma_wait3A_159] : memref<10240x128xf32, #tpu.memory_space<vmem_shared>> -> memref<40x128xf32, #tpu.memory_space<vmem_shared>>
    %dma_wait3A_161 = arith.constant 0 : i32
    %dma_wait3A_162 = tpu.memref_slice %arg36[%add3A_93, %dma_wait3A_161] : memref<10240x128xf32, #tpu.memory_space<vmem_shared>> -> memref<40x128xf32, #tpu.memory_space<vmem_shared>>
    tpu.wait_dma2 semaphore(%arg35 : memref<!tpu.dma_semaphore, #tpu.memory_space<semaphore_mem>>) src(%arg16 : memref<40x128xf32, #tpu.memory_space<vmem>>) dst(%dma_wait3A_162 : memref<40x128xf32, #tpu.memory_space<vmem_shared>>)
    %dma_wait3A_163 = arith.constant 0 : i32
    %dma_wait3A_164 = tpu.memref_slice %arg36[%add3A_99, %dma_wait3A_163] : memref<10240x128xf32, #tpu.memory_space<vmem_shared>> -> memref<40x128xf32, #tpu.memory_space<vmem_shared>>
    %dma_wait3A_165 = arith.constant 0 : i32
    %dma_wait3A_166 = tpu.memref_slice %arg36[%add3A_99, %dma_wait3A_165] : memref<10240x128xf32, #tpu.memory_space<vmem_shared>> -> memref<40x128xf32, #tpu.memory_space<vmem_shared>>
    tpu.wait_dma2 semaphore(%arg31 : memref<!tpu.dma_semaphore, #tpu.memory_space<semaphore_mem>>) src(%arg16 : memref<40x128xf32, #tpu.memory_space<vmem>>) dst(%dma_wait3A_166 : memref<40x128xf32, #tpu.memory_space<vmem_shared>>)
    %barrier3A = arith.constant 0 : index
    tpu.barrier barrier_id(%barrier3A)
    %mul3A_167 = arith.constant 10000 : i32
    %mul3A_168 = arith.muli %add3A, %mul3A_167 : i32
    %add3A_169 = arith.constant 0 : i32
    %add3A_170 = arith.addi %mul3A_168, %add3A_169 : i32
    %dma_start3A_171 = tpu.memref_slice %arg3[%add3A_170] : memref<320000xi32, #tpu.memory_space<hbm>> -> memref<40xi32, #tpu.memory_space<hbm>>
    %dma_start3A_172 = tpu.memref_slice %arg3[%add3A_170] : memref<320000xi32, #tpu.memory_space<hbm>> -> memref<40xi32, #tpu.memory_space<hbm>>
    tpu.enqueue_dma source(%dma_start3A_172 : memref<40xi32, #tpu.memory_space<hbm>>) target(%arg6 : memref<40xi32, #tpu.memory_space<vmem>>) target_semaphore(%arg21 : memref<!tpu.dma_semaphore, #tpu.memory_space<semaphore_mem>>)
    %dma_start3A_173 = tpu.memref_slice %arg4[%add3A_170] : memref<320000xi32, #tpu.memory_space<hbm>> -> memref<40xi32, #tpu.memory_space<hbm>>
    %dma_start3A_174 = tpu.memref_slice %arg4[%add3A_170] : memref<320000xi32, #tpu.memory_space<hbm>> -> memref<40xi32, #tpu.memory_space<hbm>>
    tpu.enqueue_dma source(%dma_start3A_174 : memref<40xi32, #tpu.memory_space<hbm>>) target(%arg11 : memref<40xi32, #tpu.memory_space<vmem>>) target_semaphore(%arg21 : memref<!tpu.dma_semaphore, #tpu.memory_space<semaphore_mem>>)
    %mul3A_175 = arith.constant 10000 : i32
    %mul3A_176 = arith.muli %add3A, %mul3A_175 : i32
    %add3A_177 = arith.constant 40 : i32
    %add3A_178 = arith.addi %mul3A_176, %add3A_177 : i32
    %dma_start3A_179 = tpu.memref_slice %arg3[%add3A_178] : memref<320000xi32, #tpu.memory_space<hbm>> -> memref<40xi32, #tpu.memory_space<hbm>>
    %dma_start3A_180 = tpu.memref_slice %arg3[%add3A_178] : memref<320000xi32, #tpu.memory_space<hbm>> -> memref<40xi32, #tpu.memory_space<hbm>>
    tpu.enqueue_dma source(%dma_start3A_180 : memref<40xi32, #tpu.memory_space<hbm>>) target(%arg7 : memref<40xi32, #tpu.memory_space<vmem>>) target_semaphore(%arg22 : memref<!tpu.dma_semaphore, #tpu.memory_space<semaphore_mem>>)
    %dma_start3A_181 = tpu.memref_slice %arg4[%add3A_178] : memref<320000xi32, #tpu.memory_space<hbm>> -> memref<40xi32, #tpu.memory_space<hbm>>
    %dma_start3A_182 = tpu.memref_slice %arg4[%add3A_178] : memref<320000xi32, #tpu.memory_space<hbm>> -> memref<40xi32, #tpu.memory_space<hbm>>
    tpu.enqueue_dma source(%dma_start3A_182 : memref<40xi32, #tpu.memory_space<hbm>>) target(%arg12 : memref<40xi32, #tpu.memory_space<vmem>>) target_semaphore(%arg22 : memref<!tpu.dma_semaphore, #tpu.memory_space<semaphore_mem>>)
    %mul3A_183 = arith.constant 10000 : i32
    %mul3A_184 = arith.muli %add3A, %mul3A_183 : i32
    %add3A_185 = arith.constant 80 : i32
    %add3A_186 = arith.addi %mul3A_184, %add3A_185 : i32
    %dma_start3A_187 = tpu.memref_slice %arg3[%add3A_186] : memref<320000xi32, #tpu.memory_space<hbm>> -> memref<40xi32, #tpu.memory_space<hbm>>
    %dma_start3A_188 = tpu.memref_slice %arg3[%add3A_186] : memref<320000xi32, #tpu.memory_space<hbm>> -> memref<40xi32, #tpu.memory_space<hbm>>
    tpu.enqueue_dma source(%dma_start3A_188 : memref<40xi32, #tpu.memory_space<hbm>>) target(%arg8 : memref<40xi32, #tpu.memory_space<vmem>>) target_semaphore(%arg23 : memref<!tpu.dma_semaphore, #tpu.memory_space<semaphore_mem>>)
    %dma_start3A_189 = tpu.memref_slice %arg4[%add3A_186] : memref<320000xi32, #tpu.memory_space<hbm>> -> memref<40xi32, #tpu.memory_space<hbm>>
    %dma_start3A_190 = tpu.memref_slice %arg4[%add3A_186] : memref<320000xi32, #tpu.memory_space<hbm>> -> memref<40xi32, #tpu.memory_space<hbm>>
    tpu.enqueue_dma source(%dma_start3A_190 : memref<40xi32, #tpu.memory_space<hbm>>) target(%arg13 : memref<40xi32, #tpu.memory_space<vmem>>) target_semaphore(%arg23 : memref<!tpu.dma_semaphore, #tpu.memory_space<semaphore_mem>>)
    %mul3A_191 = arith.constant 10000 : i32
    %mul3A_192 = arith.muli %add3A, %mul3A_191 : i32
    %add3A_193 = arith.constant 120 : i32
    %add3A_194 = arith.addi %mul3A_192, %add3A_193 : i32
    %dma_start3A_195 = tpu.memref_slice %arg3[%add3A_194] : memref<320000xi32, #tpu.memory_space<hbm>> -> memref<40xi32, #tpu.memory_space<hbm>>
    %dma_start3A_196 = tpu.memref_slice %arg3[%add3A_194] : memref<320000xi32, #tpu.memory_space<hbm>> -> memref<40xi32, #tpu.memory_space<hbm>>
    tpu.enqueue_dma source(%dma_start3A_196 : memref<40xi32, #tpu.memory_space<hbm>>) target(%arg9 : memref<40xi32, #tpu.memory_space<vmem>>) target_semaphore(%arg24 : memref<!tpu.dma_semaphore, #tpu.memory_space<semaphore_mem>>)
    %dma_start3A_197 = tpu.memref_slice %arg4[%add3A_194] : memref<320000xi32, #tpu.memory_space<hbm>> -> memref<40xi32, #tpu.memory_space<hbm>>
    %dma_start3A_198 = tpu.memref_slice %arg4[%add3A_194] : memref<320000xi32, #tpu.memory_space<hbm>> -> memref<40xi32, #tpu.memory_space<hbm>>
    tpu.enqueue_dma source(%dma_start3A_198 : memref<40xi32, #tpu.memory_space<hbm>>) target(%arg14 : memref<40xi32, #tpu.memory_space<vmem>>) target_semaphore(%arg24 : memref<!tpu.dma_semaphore, #tpu.memory_space<semaphore_mem>>)
    %mul3A_199 = arith.constant 10000 : i32
    %mul3A_200 = arith.muli %add3A, %mul3A_199 : i32
    %add3A_201 = arith.constant 160 : i32
    %add3A_202 = arith.addi %mul3A_200, %add3A_201 : i32
    %dma_start3A_203 = tpu.memref_slice %arg3[%add3A_202] : memref<320000xi32, #tpu.memory_space<hbm>> -> memref<40xi32, #tpu.memory_space<hbm>>
    %dma_start3A_204 = tpu.memref_slice %arg3[%add3A_202] : memref<320000xi32, #tpu.memory_space<hbm>> -> memref<40xi32, #tpu.memory_space<hbm>>
    tpu.enqueue_dma source(%dma_start3A_204 : memref<40xi32, #tpu.memory_space<hbm>>) target(%arg10 : memref<40xi32, #tpu.memory_space<vmem>>) target_semaphore(%arg25 : memref<!tpu.dma_semaphore, #tpu.memory_space<semaphore_mem>>)
    %dma_start3A_205 = tpu.memref_slice %arg4[%add3A_202] : memref<320000xi32, #tpu.memory_space<hbm>> -> memref<40xi32, #tpu.memory_space<hbm>>
    %dma_start3A_206 = tpu.memref_slice %arg4[%add3A_202] : memref<320000xi32, #tpu.memory_space<hbm>> -> memref<40xi32, #tpu.memory_space<hbm>>
    tpu.enqueue_dma source(%dma_start3A_206 : memref<40xi32, #tpu.memory_space<hbm>>) target(%arg15 : memref<40xi32, #tpu.memory_space<vmem>>) target_semaphore(%arg25 : memref<!tpu.dma_semaphore, #tpu.memory_space<semaphore_mem>>)
    %scan3A_207 = arith.constant 0 : i32
    %scan3A_208 = arith.constant 0 : i32
    %scan3A_209 = arith.constant 50 : i32
    %scan3A_210 = arith.addi %scan3A_208, %scan3A_209 : i32
    %scan3A_211 = arith.constant 1 : i32
    scf.for %scan3A_244 = %scan3A_208 to %scan3A_210 step %scan3A_211  : i32 {
      %dma_wait3A_245 = arith.constant 0 : i32
      %dma_wait3A_246 = tpu.memref_slice %arg3[%dma_wait3A_245] : memref<320000xi32, #tpu.memory_space<hbm>> -> memref<40xi32, #tpu.memory_space<hbm>>
      %dma_wait3A_247 = arith.constant 0 : i32
      %dma_wait3A_248 = tpu.memref_slice %arg3[%dma_wait3A_247] : memref<320000xi32, #tpu.memory_space<hbm>> -> memref<40xi32, #tpu.memory_space<hbm>>
      tpu.wait_dma2 semaphore(%arg21 : memref<!tpu.dma_semaphore, #tpu.memory_space<semaphore_mem>>) src(%dma_wait3A_248 : memref<40xi32, #tpu.memory_space<hbm>>) dst(%arg6 : memref<40xi32, #tpu.memory_space<vmem>>)
      %dma_wait3A_249 = arith.constant 0 : i32
      %dma_wait3A_250 = tpu.memref_slice %arg3[%dma_wait3A_249] : memref<320000xi32, #tpu.memory_space<hbm>> -> memref<40xi32, #tpu.memory_space<hbm>>
      %dma_wait3A_251 = arith.constant 0 : i32
      %dma_wait3A_252 = tpu.memref_slice %arg3[%dma_wait3A_251] : memref<320000xi32, #tpu.memory_space<hbm>> -> memref<40xi32, #tpu.memory_space<hbm>>
      tpu.wait_dma2 semaphore(%arg21 : memref<!tpu.dma_semaphore, #tpu.memory_space<semaphore_mem>>) src(%dma_wait3A_252 : memref<40xi32, #tpu.memory_space<hbm>>) dst(%arg11 : memref<40xi32, #tpu.memory_space<vmem>>)
      %dma_start3A_253 = arith.constant 0 : i32
      %dma_start3A_254 = arith.constant 0 : i32
      %dma_start3A_255 = tpu.memref_slice %arg2[%dma_start3A_253, %dma_start3A_254] : memref<10000x128xf32, #tpu.memory_space<hbm>> -> memref<10000x128xf32, #tpu.memory_space<hbm>>
      tpu.enqueue_indirect_dma source(%dma_start3A_255 : memref<10000x128xf32, #tpu.memory_space<hbm>>) target(%arg16 : memref<40x128xf32, #tpu.memory_space<vmem>>) offsets(%arg6 : memref<40xi32, #tpu.memory_space<vmem>>) semaphore(%arg26 : memref<!tpu.dma_semaphore, #tpu.memory_space<semaphore_mem>>)
      %dma_wait3A_256 = arith.constant 0 : i32
      %dma_wait3A_257 = tpu.memref_slice %arg3[%dma_wait3A_256] : memref<320000xi32, #tpu.memory_space<hbm>> -> memref<40xi32, #tpu.memory_space<hbm>>
      %dma_wait3A_258 = arith.constant 0 : i32
      %dma_wait3A_259 = tpu.memref_slice %arg3[%dma_wait3A_258] : memref<320000xi32, #tpu.memory_space<hbm>> -> memref<40xi32, #tpu.memory_space<hbm>>
      tpu.wait_dma2 semaphore(%arg22 : memref<!tpu.dma_semaphore, #tpu.memory_space<semaphore_mem>>) src(%dma_wait3A_259 : memref<40xi32, #tpu.memory_space<hbm>>) dst(%arg7 : memref<40xi32, #tpu.memory_space<vmem>>)
      %dma_wait3A_260 = arith.constant 0 : i32
      %dma_wait3A_261 = tpu.memref_slice %arg3[%dma_wait3A_260] : memref<320000xi32, #tpu.memory_space<hbm>> -> memref<40xi32, #tpu.memory_space<hbm>>
      %dma_wait3A_262 = arith.constant 0 : i32
      %dma_wait3A_263 = tpu.memref_slice %arg3[%dma_wait3A_262] : memref<320000xi32, #tpu.memory_space<hbm>> -> memref<40xi32, #tpu.memory_space<hbm>>
      tpu.wait_dma2 semaphore(%arg22 : memref<!tpu.dma_semaphore, #tpu.memory_space<semaphore_mem>>) src(%dma_wait3A_263 : memref<40xi32, #tpu.memory_space<hbm>>) dst(%arg12 : memref<40xi32, #tpu.memory_space<vmem>>)
      %dma_start3A_264 = arith.constant 0 : i32
      %dma_start3A_265 = arith.constant 0 : i32
      %dma_start3A_266 = tpu.memref_slice %arg2[%dma_start3A_264, %dma_start3A_265] : memref<10000x128xf32, #tpu.memory_space<hbm>> -> memref<10000x128xf32, #tpu.memory_space<hbm>>
      tpu.enqueue_indirect_dma source(%dma_start3A_266 : memref<10000x128xf32, #tpu.memory_space<hbm>>) target(%arg17 : memref<40x128xf32, #tpu.memory_space<vmem>>) offsets(%arg7 : memref<40xi32, #tpu.memory_space<vmem>>) semaphore(%arg27 : memref<!tpu.dma_semaphore, #tpu.memory_space<semaphore_mem>>)
      %dma_wait3A_267 = arith.constant 0 : i32
      %dma_wait3A_268 = tpu.memref_slice %arg3[%dma_wait3A_267] : memref<320000xi32, #tpu.memory_space<hbm>> -> memref<40xi32, #tpu.memory_space<hbm>>
      %dma_wait3A_269 = arith.constant 0 : i32
      %dma_wait3A_270 = tpu.memref_slice %arg3[%dma_wait3A_269] : memref<320000xi32, #tpu.memory_space<hbm>> -> memref<40xi32, #tpu.memory_space<hbm>>
      tpu.wait_dma2 semaphore(%arg23 : memref<!tpu.dma_semaphore, #tpu.memory_space<semaphore_mem>>) src(%dma_wait3A_270 : memref<40xi32, #tpu.memory_space<hbm>>) dst(%arg8 : memref<40xi32, #tpu.memory_space<vmem>>)
      %dma_wait3A_271 = arith.constant 0 : i32
      %dma_wait3A_272 = tpu.memref_slice %arg3[%dma_wait3A_271] : memref<320000xi32, #tpu.memory_space<hbm>> -> memref<40xi32, #tpu.memory_space<hbm>>
      %dma_wait3A_273 = arith.constant 0 : i32
      %dma_wait3A_274 = tpu.memref_slice %arg3[%dma_wait3A_273] : memref<320000xi32, #tpu.memory_space<hbm>> -> memref<40xi32, #tpu.memory_space<hbm>>
      tpu.wait_dma2 semaphore(%arg23 : memref<!tpu.dma_semaphore, #tpu.memory_space<semaphore_mem>>) src(%dma_wait3A_274 : memref<40xi32, #tpu.memory_space<hbm>>) dst(%arg13 : memref<40xi32, #tpu.memory_space<vmem>>)
      %dma_start3A_275 = arith.constant 0 : i32
      %dma_start3A_276 = arith.constant 0 : i32
      %dma_start3A_277 = tpu.memref_slice %arg2[%dma_start3A_275, %dma_start3A_276] : memref<10000x128xf32, #tpu.memory_space<hbm>> -> memref<10000x128xf32, #tpu.memory_space<hbm>>
      tpu.enqueue_indirect_dma source(%dma_start3A_277 : memref<10000x128xf32, #tpu.memory_space<hbm>>) target(%arg18 : memref<40x128xf32, #tpu.memory_space<vmem>>) offsets(%arg8 : memref<40xi32, #tpu.memory_space<vmem>>) semaphore(%arg28 : memref<!tpu.dma_semaphore, #tpu.memory_space<semaphore_mem>>)
      %dma_wait3A_278 = arith.constant 0 : i32
      %dma_wait3A_279 = tpu.memref_slice %arg3[%dma_wait3A_278] : memref<320000xi32, #tpu.memory_space<hbm>> -> memref<40xi32, #tpu.memory_space<hbm>>
      %dma_wait3A_280 = arith.constant 0 : i32
      %dma_wait3A_281 = tpu.memref_slice %arg3[%dma_wait3A_280] : memref<320000xi32, #tpu.memory_space<hbm>> -> memref<40xi32, #tpu.memory_space<hbm>>
      tpu.wait_dma2 semaphore(%arg24 : memref<!tpu.dma_semaphore, #tpu.memory_space<semaphore_mem>>) src(%dma_wait3A_281 : memref<40xi32, #tpu.memory_space<hbm>>) dst(%arg9 : memref<40xi32, #tpu.memory_space<vmem>>)
      %dma_wait3A_282 = arith.constant 0 : i32
      %dma_wait3A_283 = tpu.memref_slice %arg3[%dma_wait3A_282] : memref<320000xi32, #tpu.memory_space<hbm>> -> memref<40xi32, #tpu.memory_space<hbm>>
      %dma_wait3A_284 = arith.constant 0 : i32
      %dma_wait3A_285 = tpu.memref_slice %arg3[%dma_wait3A_284] : memref<320000xi32, #tpu.memory_space<hbm>> -> memref<40xi32, #tpu.memory_space<hbm>>
      tpu.wait_dma2 semaphore(%arg24 : memref<!tpu.dma_semaphore, #tpu.memory_space<semaphore_mem>>) src(%dma_wait3A_285 : memref<40xi32, #tpu.memory_space<hbm>>) dst(%arg14 : memref<40xi32, #tpu.memory_space<vmem>>)
      %dma_start3A_286 = arith.constant 0 : i32
      %dma_start3A_287 = arith.constant 0 : i32
      %dma_start3A_288 = tpu.memref_slice %arg2[%dma_start3A_286, %dma_start3A_287] : memref<10000x128xf32, #tpu.memory_space<hbm>> -> memref<10000x128xf32, #tpu.memory_space<hbm>>
      tpu.enqueue_indirect_dma source(%dma_start3A_288 : memref<10000x128xf32, #tpu.memory_space<hbm>>) target(%arg19 : memref<40x128xf32, #tpu.memory_space<vmem>>) offsets(%arg9 : memref<40xi32, #tpu.memory_space<vmem>>) semaphore(%arg29 : memref<!tpu.dma_semaphore, #tpu.memory_space<semaphore_mem>>)
      %dma_wait3A_289 = arith.constant 0 : i32
      %dma_wait3A_290 = tpu.memref_slice %arg3[%dma_wait3A_289] : memref<320000xi32, #tpu.memory_space<hbm>> -> memref<40xi32, #tpu.memory_space<hbm>>
      %dma_wait3A_291 = arith.constant 0 : i32
      %dma_wait3A_292 = tpu.memref_slice %arg3[%dma_wait3A_291] : memref<320000xi32, #tpu.memory_space<hbm>> -> memref<40xi32, #tpu.memory_space<hbm>>
      tpu.wait_dma2 semaphore(%arg25 : memref<!tpu.dma_semaphore, #tpu.memory_space<semaphore_mem>>) src(%dma_wait3A_292 : memref<40xi32, #tpu.memory_space<hbm>>) dst(%arg10 : memref<40xi32, #tpu.memory_space<vmem>>)
      %dma_wait3A_293 = arith.constant 0 : i32
      %dma_wait3A_294 = tpu.memref_slice %arg3[%dma_wait3A_293] : memref<320000xi32, #tpu.memory_space<hbm>> -> memref<40xi32, #tpu.memory_space<hbm>>
      %dma_wait3A_295 = arith.constant 0 : i32
      %dma_wait3A_296 = tpu.memref_slice %arg3[%dma_wait3A_295] : memref<320000xi32, #tpu.memory_space<hbm>> -> memref<40xi32, #tpu.memory_space<hbm>>
      tpu.wait_dma2 semaphore(%arg25 : memref<!tpu.dma_semaphore, #tpu.memory_space<semaphore_mem>>) src(%dma_wait3A_296 : memref<40xi32, #tpu.memory_space<hbm>>) dst(%arg15 : memref<40xi32, #tpu.memory_space<vmem>>)
      %dma_start3A_297 = arith.constant 0 : i32
      %dma_start3A_298 = arith.constant 0 : i32
      %dma_start3A_299 = tpu.memref_slice %arg2[%dma_start3A_297, %dma_start3A_298] : memref<10000x128xf32, #tpu.memory_space<hbm>> -> memref<10000x128xf32, #tpu.memory_space<hbm>>
      tpu.enqueue_indirect_dma source(%dma_start3A_299 : memref<10000x128xf32, #tpu.memory_space<hbm>>) target(%arg20 : memref<40x128xf32, #tpu.memory_space<vmem>>) offsets(%arg10 : memref<40xi32, #tpu.memory_space<vmem>>) semaphore(%arg30 : memref<!tpu.dma_semaphore, #tpu.memory_space<semaphore_mem>>)
      %dma_wait3A_300 = arith.constant 0 : i32
      %dma_wait3A_301 = arith.constant 0 : i32
      %dma_wait3A_302 = tpu.memref_slice %arg2[%dma_wait3A_300, %dma_wait3A_301] : memref<10000x128xf32, #tpu.memory_space<hbm>> -> memref<10000x128xf32, #tpu.memory_space<hbm>>
      tpu.wait_indirect_dma semaphore(%arg26 : memref<!tpu.dma_semaphore, #tpu.memory_space<semaphore_mem>>) src(%dma_wait3A_302 : memref<10000x128xf32, #tpu.memory_space<hbm>>) dst(%arg16 : memref<40x128xf32, #tpu.memory_space<vmem>>)
      %dma_start3A_303 = arith.constant 0 : i32
      %dma_start3A_304 = arith.constant 0 : i32
      %dma_start3A_305 = tpu.memref_slice %arg36[%dma_start3A_303, %dma_start3A_304] : memref<10240x128xf32, #tpu.memory_space<vmem_shared>> -> memref<10240x128xf32, #tpu.memory_space<vmem_shared>>
      tpu.enqueue_indirect_dma source(%arg16 : memref<40x128xf32, #tpu.memory_space<vmem>>) target(%dma_start3A_305 : memref<10240x128xf32, #tpu.memory_space<vmem_shared>>) offsets(%arg11 : memref<40xi32, #tpu.memory_space<vmem>>) semaphore(%arg31 : memref<!tpu.dma_semaphore, #tpu.memory_space<semaphore_mem>>) {add = true}
      %dma_wait3A_306 = arith.constant 0 : i32
      %dma_wait3A_307 = arith.constant 0 : i32
      %dma_wait3A_308 = tpu.memref_slice %arg2[%dma_wait3A_306, %dma_wait3A_307] : memref<10000x128xf32, #tpu.memory_space<hbm>> -> memref<10000x128xf32, #tpu.memory_space<hbm>>
      tpu.wait_indirect_dma semaphore(%arg27 : memref<!tpu.dma_semaphore, #tpu.memory_space<semaphore_mem>>) src(%dma_wait3A_308 : memref<10000x128xf32, #tpu.memory_space<hbm>>) dst(%arg17 : memref<40x128xf32, #tpu.memory_space<vmem>>)
      %dma_start3A_309 = arith.constant 0 : i32
      %dma_start3A_310 = arith.constant 0 : i32
      %dma_start3A_311 = tpu.memref_slice %arg36[%dma_start3A_309, %dma_start3A_310] : memref<10240x128xf32, #tpu.memory_space<vmem_shared>> -> memref<10240x128xf32, #tpu.memory_space<vmem_shared>>
      tpu.enqueue_indirect_dma source(%arg17 : memref<40x128xf32, #tpu.memory_space<vmem>>) target(%dma_start3A_311 : memref<10240x128xf32, #tpu.memory_space<vmem_shared>>) offsets(%arg12 : memref<40xi32, #tpu.memory_space<vmem>>) semaphore(%arg32 : memref<!tpu.dma_semaphore, #tpu.memory_space<semaphore_mem>>) {add = true}
      %dma_wait3A_312 = arith.constant 0 : i32
      %dma_wait3A_313 = arith.constant 0 : i32
      %dma_wait3A_314 = tpu.memref_slice %arg2[%dma_wait3A_312, %dma_wait3A_313] : memref<10000x128xf32, #tpu.memory_space<hbm>> -> memref<10000x128xf32, #tpu.memory_space<hbm>>
      tpu.wait_indirect_dma semaphore(%arg28 : memref<!tpu.dma_semaphore, #tpu.memory_space<semaphore_mem>>) src(%dma_wait3A_314 : memref<10000x128xf32, #tpu.memory_space<hbm>>) dst(%arg18 : memref<40x128xf32, #tpu.memory_space<vmem>>)
      %dma_start3A_315 = arith.constant 0 : i32
      %dma_start3A_316 = arith.constant 0 : i32
      %dma_start3A_317 = tpu.memref_slice %arg36[%dma_start3A_315, %dma_start3A_316] : memref<10240x128xf32, #tpu.memory_space<vmem_shared>> -> memref<10240x128xf32, #tpu.memory_space<vmem_shared>>
      tpu.enqueue_indirect_dma source(%arg18 : memref<40x128xf32, #tpu.memory_space<vmem>>) target(%dma_start3A_317 : memref<10240x128xf32, #tpu.memory_space<vmem_shared>>) offsets(%arg13 : memref<40xi32, #tpu.memory_space<vmem>>) semaphore(%arg33 : memref<!tpu.dma_semaphore, #tpu.memory_space<semaphore_mem>>) {add = true}
      %dma_wait3A_318 = arith.constant 0 : i32
      %dma_wait3A_319 = arith.constant 0 : i32
      %dma_wait3A_320 = tpu.memref_slice %arg2[%dma_wait3A_318, %dma_wait3A_319] : memref<10000x128xf32, #tpu.memory_space<hbm>> -> memref<10000x128xf32, #tpu.memory_space<hbm>>
      tpu.wait_indirect_dma semaphore(%arg29 : memref<!tpu.dma_semaphore, #tpu.memory_space<semaphore_mem>>) src(%dma_wait3A_320 : memref<10000x128xf32, #tpu.memory_space<hbm>>) dst(%arg19 : memref<40x128xf32, #tpu.memory_space<vmem>>)
      %dma_start3A_321 = arith.constant 0 : i32
      %dma_start3A_322 = arith.constant 0 : i32
      %dma_start3A_323 = tpu.memref_slice %arg36[%dma_start3A_321, %dma_start3A_322] : memref<10240x128xf32, #tpu.memory_space<vmem_shared>> -> memref<10240x128xf32, #tpu.memory_space<vmem_shared>>
      tpu.enqueue_indirect_dma source(%arg19 : memref<40x128xf32, #tpu.memory_space<vmem>>) target(%dma_start3A_323 : memref<10240x128xf32, #tpu.memory_space<vmem_shared>>) offsets(%arg14 : memref<40xi32, #tpu.memory_space<vmem>>) semaphore(%arg34 : memref<!tpu.dma_semaphore, #tpu.memory_space<semaphore_mem>>) {add = true}
      %dma_wait3A_324 = arith.constant 0 : i32
      %dma_wait3A_325 = arith.constant 0 : i32
      %dma_wait3A_326 = tpu.memref_slice %arg2[%dma_wait3A_324, %dma_wait3A_325] : memref<10000x128xf32, #tpu.memory_space<hbm>> -> memref<10000x128xf32, #tpu.memory_space<hbm>>
      tpu.wait_indirect_dma semaphore(%arg30 : memref<!tpu.dma_semaphore, #tpu.memory_space<semaphore_mem>>) src(%dma_wait3A_326 : memref<10000x128xf32, #tpu.memory_space<hbm>>) dst(%arg20 : memref<40x128xf32, #tpu.memory_space<vmem>>)
      %dma_start3A_327 = arith.constant 0 : i32
      %dma_start3A_328 = arith.constant 0 : i32
      %dma_start3A_329 = tpu.memref_slice %arg36[%dma_start3A_327, %dma_start3A_328] : memref<10240x128xf32, #tpu.memory_space<vmem_shared>> -> memref<10240x128xf32, #tpu.memory_space<vmem_shared>>
      tpu.enqueue_indirect_dma source(%arg20 : memref<40x128xf32, #tpu.memory_space<vmem>>) target(%dma_start3A_329 : memref<10240x128xf32, #tpu.memory_space<vmem_shared>>) offsets(%arg15 : memref<40xi32, #tpu.memory_space<vmem>>) semaphore(%arg35 : memref<!tpu.dma_semaphore, #tpu.memory_space<semaphore_mem>>) {add = true}
      %lt3A = arith.constant 49 : i32
      %lt3A_330 = arith.cmpi slt, %scan3A_244, %lt3A : i32
      %convert_element_type3A = arith.extui %lt3A_330 : i1 to i32
      %cond3A = arith.constant 0 : i32
      %cond3A_331 = arith.cmpi ne, %convert_element_type3A, %cond3A : i32
      scf.if %cond3A_331 {
        %dma_wait3A_352 = arith.constant 0 : i32
        %dma_wait3A_353 = arith.constant 0 : i32
        %dma_wait3A_354 = tpu.memref_slice %arg36[%dma_wait3A_352, %dma_wait3A_353] : memref<10240x128xf32, #tpu.memory_space<vmem_shared>> -> memref<10240x128xf32, #tpu.memory_space<vmem_shared>>
        tpu.wait_indirect_dma semaphore(%arg31 : memref<!tpu.dma_semaphore, #tpu.memory_space<semaphore_mem>>) src(%arg16 : memref<40x128xf32, #tpu.memory_space<vmem>>) dst(%dma_wait3A_354 : memref<10240x128xf32, #tpu.memory_space<vmem_shared>>)
        %add3A_355 = arith.constant 1 : i32
        %add3A_356 = arith.addi %scan3A_244, %add3A_355 : i32
        %mul3A_357 = arith.constant 5 : i32
        %mul3A_358 = arith.muli %add3A_356, %mul3A_357 : i32
        %add3A_359 = arith.constant 0 : i32
        %add3A_360 = arith.addi %mul3A_358, %add3A_359 : i32
        %mul3A_361 = arith.constant 10000 : i32
        %mul3A_362 = arith.muli %add3A, %mul3A_361 : i32
        %mul3A_363 = arith.constant 40 : i32
        %mul3A_364 = arith.muli %add3A_360, %mul3A_363 : i32
        %add3A_365 = arith.addi %mul3A_362, %mul3A_364 : i32
        %dma_start3A_366 = tpu.memref_slice %arg3[%add3A_365] : memref<320000xi32, #tpu.memory_space<hbm>> -> memref<40xi32, #tpu.memory_space<hbm>>
        %dma_start3A_367 = tpu.memref_slice %arg3[%add3A_365] : memref<320000xi32, #tpu.memory_space<hbm>> -> memref<40xi32, #tpu.memory_space<hbm>>
        tpu.enqueue_dma source(%dma_start3A_367 : memref<40xi32, #tpu.memory_space<hbm>>) target(%arg6 : memref<40xi32, #tpu.memory_space<vmem>>) target_semaphore(%arg21 : memref<!tpu.dma_semaphore, #tpu.memory_space<semaphore_mem>>)
        %dma_start3A_368 = tpu.memref_slice %arg4[%add3A_365] : memref<320000xi32, #tpu.memory_space<hbm>> -> memref<40xi32, #tpu.memory_space<hbm>>
        %dma_start3A_369 = tpu.memref_slice %arg4[%add3A_365] : memref<320000xi32, #tpu.memory_space<hbm>> -> memref<40xi32, #tpu.memory_space<hbm>>
        tpu.enqueue_dma source(%dma_start3A_369 : memref<40xi32, #tpu.memory_space<hbm>>) target(%arg11 : memref<40xi32, #tpu.memory_space<vmem>>) target_semaphore(%arg21 : memref<!tpu.dma_semaphore, #tpu.memory_space<semaphore_mem>>)
      } else {
      }
      %lt3A_332 = arith.constant 49 : i32
      %lt3A_333 = arith.cmpi slt, %scan3A_244, %lt3A_332 : i32
      %convert_element_type3A_334 = arith.extui %lt3A_333 : i1 to i32
      %cond3A_335 = arith.constant 0 : i32
      %cond3A_336 = arith.cmpi ne, %convert_element_type3A_334, %cond3A_335 : i32
      scf.if %cond3A_336 {
        %dma_wait3A_352 = arith.constant 0 : i32
        %dma_wait3A_353 = arith.constant 0 : i32
        %dma_wait3A_354 = tpu.memref_slice %arg36[%dma_wait3A_352, %dma_wait3A_353] : memref<10240x128xf32, #tpu.memory_space<vmem_shared>> -> memref<10240x128xf32, #tpu.memory_space<vmem_shared>>
        tpu.wait_indirect_dma semaphore(%arg32 : memref<!tpu.dma_semaphore, #tpu.memory_space<semaphore_mem>>) src(%arg17 : memref<40x128xf32, #tpu.memory_space<vmem>>) dst(%dma_wait3A_354 : memref<10240x128xf32, #tpu.memory_space<vmem_shared>>)
        %add3A_355 = arith.constant 1 : i32
        %add3A_356 = arith.addi %scan3A_244, %add3A_355 : i32
        %mul3A_357 = arith.constant 5 : i32
        %mul3A_358 = arith.muli %add3A_356, %mul3A_357 : i32
        %add3A_359 = arith.constant 1 : i32
        %add3A_360 = arith.addi %mul3A_358, %add3A_359 : i32
        %mul3A_361 = arith.constant 10000 : i32
        %mul3A_362 = arith.muli %add3A, %mul3A_361 : i32
        %mul3A_363 = arith.constant 40 : i32
        %mul3A_364 = arith.muli %add3A_360, %mul3A_363 : i32
        %add3A_365 = arith.addi %mul3A_362, %mul3A_364 : i32
        %dma_start3A_366 = tpu.memref_slice %arg3[%add3A_365] : memref<320000xi32, #tpu.memory_space<hbm>> -> memref<40xi32, #tpu.memory_space<hbm>>
        %dma_start3A_367 = tpu.memref_slice %arg3[%add3A_365] : memref<320000xi32, #tpu.memory_space<hbm>> -> memref<40xi32, #tpu.memory_space<hbm>>
        tpu.enqueue_dma source(%dma_start3A_367 : memref<40xi32, #tpu.memory_space<hbm>>) target(%arg7 : memref<40xi32, #tpu.memory_space<vmem>>) target_semaphore(%arg22 : memref<!tpu.dma_semaphore, #tpu.memory_space<semaphore_mem>>)
        %dma_start3A_368 = tpu.memref_slice %arg4[%add3A_365] : memref<320000xi32, #tpu.memory_space<hbm>> -> memref<40xi32, #tpu.memory_space<hbm>>
        %dma_start3A_369 = tpu.memref_slice %arg4[%add3A_365] : memref<320000xi32, #tpu.memory_space<hbm>> -> memref<40xi32, #tpu.memory_space<hbm>>
        tpu.enqueue_dma source(%dma_start3A_369 : memref<40xi32, #tpu.memory_space<hbm>>) target(%arg12 : memref<40xi32, #tpu.memory_space<vmem>>) target_semaphore(%arg22 : memref<!tpu.dma_semaphore, #tpu.memory_space<semaphore_mem>>)
      } else {
      }
      %lt3A_337 = arith.constant 49 : i32
      %lt3A_338 = arith.cmpi slt, %scan3A_244, %lt3A_337 : i32
      %convert_element_type3A_339 = arith.extui %lt3A_338 : i1 to i32
      %cond3A_340 = arith.constant 0 : i32
      %cond3A_341 = arith.cmpi ne, %convert_element_type3A_339, %cond3A_340 : i32
      scf.if %cond3A_341 {
        %dma_wait3A_352 = arith.constant 0 : i32
        %dma_wait3A_353 = arith.constant 0 : i32
        %dma_wait3A_354 = tpu.memref_slice %arg36[%dma_wait3A_352, %dma_wait3A_353] : memref<10240x128xf32, #tpu.memory_space<vmem_shared>> -> memref<10240x128xf32, #tpu.memory_space<vmem_shared>>
        tpu.wait_indirect_dma semaphore(%arg33 : memref<!tpu.dma_semaphore, #tpu.memory_space<semaphore_mem>>) src(%arg18 : memref<40x128xf32, #tpu.memory_space<vmem>>) dst(%dma_wait3A_354 : memref<10240x128xf32, #tpu.memory_space<vmem_shared>>)
        %add3A_355 = arith.constant 1 : i32
        %add3A_356 = arith.addi %scan3A_244, %add3A_355 : i32
        %mul3A_357 = arith.constant 5 : i32
        %mul3A_358 = arith.muli %add3A_356, %mul3A_357 : i32
        %add3A_359 = arith.constant 2 : i32
        %add3A_360 = arith.addi %mul3A_358, %add3A_359 : i32
        %mul3A_361 = arith.constant 10000 : i32
        %mul3A_362 = arith.muli %add3A, %mul3A_361 : i32
        %mul3A_363 = arith.constant 40 : i32
        %mul3A_364 = arith.muli %add3A_360, %mul3A_363 : i32
        %add3A_365 = arith.addi %mul3A_362, %mul3A_364 : i32
        %dma_start3A_366 = tpu.memref_slice %arg3[%add3A_365] : memref<320000xi32, #tpu.memory_space<hbm>> -> memref<40xi32, #tpu.memory_space<hbm>>
        %dma_start3A_367 = tpu.memref_slice %arg3[%add3A_365] : memref<320000xi32, #tpu.memory_space<hbm>> -> memref<40xi32, #tpu.memory_space<hbm>>
        tpu.enqueue_dma source(%dma_start3A_367 : memref<40xi32, #tpu.memory_space<hbm>>) target(%arg8 : memref<40xi32, #tpu.memory_space<vmem>>) target_semaphore(%arg23 : memref<!tpu.dma_semaphore, #tpu.memory_space<semaphore_mem>>)
        %dma_start3A_368 = tpu.memref_slice %arg4[%add3A_365] : memref<320000xi32, #tpu.memory_space<hbm>> -> memref<40xi32, #tpu.memory_space<hbm>>
        %dma_start3A_369 = tpu.memref_slice %arg4[%add3A_365] : memref<320000xi32, #tpu.memory_space<hbm>> -> memref<40xi32, #tpu.memory_space<hbm>>
        tpu.enqueue_dma source(%dma_start3A_369 : memref<40xi32, #tpu.memory_space<hbm>>) target(%arg13 : memref<40xi32, #tpu.memory_space<vmem>>) target_semaphore(%arg23 : memref<!tpu.dma_semaphore, #tpu.memory_space<semaphore_mem>>)
      } else {
      }
      %lt3A_342 = arith.constant 49 : i32
      %lt3A_343 = arith.cmpi slt, %scan3A_244, %lt3A_342 : i32
      %convert_element_type3A_344 = arith.extui %lt3A_343 : i1 to i32
      %cond3A_345 = arith.constant 0 : i32
      %cond3A_346 = arith.cmpi ne, %convert_element_type3A_344, %cond3A_345 : i32
      scf.if %cond3A_346 {
        %dma_wait3A_352 = arith.constant 0 : i32
        %dma_wait3A_353 = arith.constant 0 : i32
        %dma_wait3A_354 = tpu.memref_slice %arg36[%dma_wait3A_352, %dma_wait3A_353] : memref<10240x128xf32, #tpu.memory_space<vmem_shared>> -> memref<10240x128xf32, #tpu.memory_space<vmem_shared>>
        tpu.wait_indirect_dma semaphore(%arg34 : memref<!tpu.dma_semaphore, #tpu.memory_space<semaphore_mem>>) src(%arg19 : memref<40x128xf32, #tpu.memory_space<vmem>>) dst(%dma_wait3A_354 : memref<10240x128xf32, #tpu.memory_space<vmem_shared>>)
        %add3A_355 = arith.constant 1 : i32
        %add3A_356 = arith.addi %scan3A_244, %add3A_355 : i32
        %mul3A_357 = arith.constant 5 : i32
        %mul3A_358 = arith.muli %add3A_356, %mul3A_357 : i32
        %add3A_359 = arith.constant 3 : i32
        %add3A_360 = arith.addi %mul3A_358, %add3A_359 : i32
        %mul3A_361 = arith.constant 10000 : i32
        %mul3A_362 = arith.muli %add3A, %mul3A_361 : i32
        %mul3A_363 = arith.constant 40 : i32
        %mul3A_364 = arith.muli %add3A_360, %mul3A_363 : i32
        %add3A_365 = arith.addi %mul3A_362, %mul3A_364 : i32
        %dma_start3A_366 = tpu.memref_slice %arg3[%add3A_365] : memref<320000xi32, #tpu.memory_space<hbm>> -> memref<40xi32, #tpu.memory_space<hbm>>
        %dma_start3A_367 = tpu.memref_slice %arg3[%add3A_365] : memref<320000xi32, #tpu.memory_space<hbm>> -> memref<40xi32, #tpu.memory_space<hbm>>
        tpu.enqueue_dma source(%dma_start3A_367 : memref<40xi32, #tpu.memory_space<hbm>>) target(%arg9 : memref<40xi32, #tpu.memory_space<vmem>>) target_semaphore(%arg24 : memref<!tpu.dma_semaphore, #tpu.memory_space<semaphore_mem>>)
        %dma_start3A_368 = tpu.memref_slice %arg4[%add3A_365] : memref<320000xi32, #tpu.memory_space<hbm>> -> memref<40xi32, #tpu.memory_space<hbm>>
        %dma_start3A_369 = tpu.memref_slice %arg4[%add3A_365] : memref<320000xi32, #tpu.memory_space<hbm>> -> memref<40xi32, #tpu.memory_space<hbm>>
        tpu.enqueue_dma source(%dma_start3A_369 : memref<40xi32, #tpu.memory_space<hbm>>) target(%arg14 : memref<40xi32, #tpu.memory_space<vmem>>) target_semaphore(%arg24 : memref<!tpu.dma_semaphore, #tpu.memory_space<semaphore_mem>>)
      } else {
      }
      %lt3A_347 = arith.constant 49 : i32
      %lt3A_348 = arith.cmpi slt, %scan3A_244, %lt3A_347 : i32
      %convert_element_type3A_349 = arith.extui %lt3A_348 : i1 to i32
      %cond3A_350 = arith.constant 0 : i32
      %cond3A_351 = arith.cmpi ne, %convert_element_type3A_349, %cond3A_350 : i32
      scf.if %cond3A_351 {
        %dma_wait3A_352 = arith.constant 0 : i32
        %dma_wait3A_353 = arith.constant 0 : i32
        %dma_wait3A_354 = tpu.memref_slice %arg36[%dma_wait3A_352, %dma_wait3A_353] : memref<10240x128xf32, #tpu.memory_space<vmem_shared>> -> memref<10240x128xf32, #tpu.memory_space<vmem_shared>>
        tpu.wait_indirect_dma semaphore(%arg35 : memref<!tpu.dma_semaphore, #tpu.memory_space<semaphore_mem>>) src(%arg20 : memref<40x128xf32, #tpu.memory_space<vmem>>) dst(%dma_wait3A_354 : memref<10240x128xf32, #tpu.memory_space<vmem_shared>>)
        %add3A_355 = arith.constant 1 : i32
        %add3A_356 = arith.addi %scan3A_244, %add3A_355 : i32
        %mul3A_357 = arith.constant 5 : i32
        %mul3A_358 = arith.muli %add3A_356, %mul3A_357 : i32
        %add3A_359 = arith.constant 4 : i32
        %add3A_360 = arith.addi %mul3A_358, %add3A_359 : i32
        %mul3A_361 = arith.constant 10000 : i32
        %mul3A_362 = arith.muli %add3A, %mul3A_361 : i32
        %mul3A_363 = arith.constant 40 : i32
        %mul3A_364 = arith.muli %add3A_360, %mul3A_363 : i32
        %add3A_365 = arith.addi %mul3A_362, %mul3A_364 : i32
        %dma_start3A_366 = tpu.memref_slice %arg3[%add3A_365] : memref<320000xi32, #tpu.memory_space<hbm>> -> memref<40xi32, #tpu.memory_space<hbm>>
        %dma_start3A_367 = tpu.memref_slice %arg3[%add3A_365] : memref<320000xi32, #tpu.memory_space<hbm>> -> memref<40xi32, #tpu.memory_space<hbm>>
        tpu.enqueue_dma source(%dma_start3A_367 : memref<40xi32, #tpu.memory_space<hbm>>) target(%arg10 : memref<40xi32, #tpu.memory_space<vmem>>) target_semaphore(%arg25 : memref<!tpu.dma_semaphore, #tpu.memory_space<semaphore_mem>>)
        %dma_start3A_368 = tpu.memref_slice %arg4[%add3A_365] : memref<320000xi32, #tpu.memory_space<hbm>> -> memref<40xi32, #tpu.memory_space<hbm>>
        %dma_start3A_369 = tpu.memref_slice %arg4[%add3A_365] : memref<320000xi32, #tpu.memory_space<hbm>> -> memref<40xi32, #tpu.memory_space<hbm>>
        tpu.enqueue_dma source(%dma_start3A_369 : memref<40xi32, #tpu.memory_space<hbm>>) target(%arg15 : memref<40xi32, #tpu.memory_space<vmem>>) target_semaphore(%arg25 : memref<!tpu.dma_semaphore, #tpu.memory_space<semaphore_mem>>)
      } else {
      }
    }
    %scan3A_212 = arith.constant 50 : i32
    %dma_wait3A_213 = arith.constant 0 : i32
    %dma_wait3A_214 = arith.constant 0 : i32
    %dma_wait3A_215 = tpu.memref_slice %arg2[%dma_wait3A_213, %dma_wait3A_214] : memref<10000x128xf32, #tpu.memory_space<hbm>> -> memref<40x128xf32, #tpu.memory_space<hbm>>
    %dma_wait3A_216 = arith.constant 0 : i32
    %dma_wait3A_217 = arith.constant 0 : i32
    %dma_wait3A_218 = tpu.memref_slice %arg2[%dma_wait3A_216, %dma_wait3A_217] : memref<10000x128xf32, #tpu.memory_space<hbm>> -> memref<40x128xf32, #tpu.memory_space<hbm>>
    tpu.wait_dma2 semaphore(%arg31 : memref<!tpu.dma_semaphore, #tpu.memory_space<semaphore_mem>>) src(%dma_wait3A_218 : memref<40x128xf32, #tpu.memory_space<hbm>>) dst(%arg16 : memref<40x128xf32, #tpu.memory_space<vmem>>)
    %dma_wait3A_219 = arith.constant 0 : i32
    %dma_wait3A_220 = arith.constant 0 : i32
    %dma_wait3A_221 = tpu.memref_slice %arg2[%dma_wait3A_219, %dma_wait3A_220] : memref<10000x128xf32, #tpu.memory_space<hbm>> -> memref<40x128xf32, #tpu.memory_space<hbm>>
    %dma_wait3A_222 = arith.constant 0 : i32
    %dma_wait3A_223 = arith.constant 0 : i32
    %dma_wait3A_224 = tpu.memref_slice %arg2[%dma_wait3A_222, %dma_wait3A_223] : memref<10000x128xf32, #tpu.memory_space<hbm>> -> memref<40x128xf32, #tpu.memory_space<hbm>>
    tpu.wait_dma2 semaphore(%arg32 : memref<!tpu.dma_semaphore, #tpu.memory_space<semaphore_mem>>) src(%dma_wait3A_224 : memref<40x128xf32, #tpu.memory_space<hbm>>) dst(%arg17 : memref<40x128xf32, #tpu.memory_space<vmem>>)
    %dma_wait3A_225 = arith.constant 0 : i32
    %dma_wait3A_226 = arith.constant 0 : i32
    %dma_wait3A_227 = tpu.memref_slice %arg2[%dma_wait3A_225, %dma_wait3A_226] : memref<10000x128xf32, #tpu.memory_space<hbm>> -> memref<40x128xf32, #tpu.memory_space<hbm>>
    %dma_wait3A_228 = arith.constant 0 : i32
    %dma_wait3A_229 = arith.constant 0 : i32
    %dma_wait3A_230 = tpu.memref_slice %arg2[%dma_wait3A_228, %dma_wait3A_229] : memref<10000x128xf32, #tpu.memory_space<hbm>> -> memref<40x128xf32, #tpu.memory_space<hbm>>
    tpu.wait_dma2 semaphore(%arg33 : memref<!tpu.dma_semaphore, #tpu.memory_space<semaphore_mem>>) src(%dma_wait3A_230 : memref<40x128xf32, #tpu.memory_space<hbm>>) dst(%arg18 : memref<40x128xf32, #tpu.memory_space<vmem>>)
    %dma_wait3A_231 = arith.constant 0 : i32
    %dma_wait3A_232 = arith.constant 0 : i32
    %dma_wait3A_233 = tpu.memref_slice %arg2[%dma_wait3A_231, %dma_wait3A_232] : memref<10000x128xf32, #tpu.memory_space<hbm>> -> memref<40x128xf32, #tpu.memory_space<hbm>>
    %dma_wait3A_234 = arith.constant 0 : i32
    %dma_wait3A_235 = arith.constant 0 : i32
    %dma_wait3A_236 = tpu.memref_slice %arg2[%dma_wait3A_234, %dma_wait3A_235] : memref<10000x128xf32, #tpu.memory_space<hbm>> -> memref<40x128xf32, #tpu.memory_space<hbm>>
    tpu.wait_dma2 semaphore(%arg34 : memref<!tpu.dma_semaphore, #tpu.memory_space<semaphore_mem>>) src(%dma_wait3A_236 : memref<40x128xf32, #tpu.memory_space<hbm>>) dst(%arg19 : memref<40x128xf32, #tpu.memory_space<vmem>>)
    %dma_wait3A_237 = arith.constant 0 : i32
    %dma_wait3A_238 = arith.constant 0 : i32
    %dma_wait3A_239 = tpu.memref_slice %arg2[%dma_wait3A_237, %dma_wait3A_238] : memref<10000x128xf32, #tpu.memory_space<hbm>> -> memref<40x128xf32, #tpu.memory_space<hbm>>
    %dma_wait3A_240 = arith.constant 0 : i32
    %dma_wait3A_241 = arith.constant 0 : i32
    %dma_wait3A_242 = tpu.memref_slice %arg2[%dma_wait3A_240, %dma_wait3A_241] : memref<10000x128xf32, #tpu.memory_space<hbm>> -> memref<40x128xf32, #tpu.memory_space<hbm>>
    tpu.wait_dma2 semaphore(%arg35 : memref<!tpu.dma_semaphore, #tpu.memory_space<semaphore_mem>>) src(%dma_wait3A_242 : memref<40x128xf32, #tpu.memory_space<hbm>>) dst(%arg20 : memref<40x128xf32, #tpu.memory_space<vmem>>)
    %barrier3A_243 = arith.constant 0 : index
    tpu.barrier barrier_id(%barrier3A_243)
    "tpu.region"() ({
      %run_scoped3A = tpu.sem_alloc : memref<!tpu.dma_semaphore, #tpu.memory_space<semaphore_mem>>
      %dma_start3A_244 = arith.constant 0 : i32
      %dma_start3A_245 = tpu.memref_slice %arg5[%arg0, %mul3A_2, %dma_start3A_244] : memref<2x10240x128xf32, #tpu.memory_space<hbm>> -> memref<1x640x128xf32, #tpu.memory_space<hbm>>
      %dma_start3A_246 = tpu.memref_squeeze %dma_start3A_245 : memref<1x640x128xf32, #tpu.memory_space<hbm>> -> memref<640x128xf32, #tpu.memory_space<hbm>>
      %dma_start3A_247 = arith.constant 0 : i32
      %dma_start3A_248 = tpu.memref_slice %arg36[%mul3A_2, %dma_start3A_247] : memref<10240x128xf32, #tpu.memory_space<vmem_shared>> -> memref<640x128xf32, #tpu.memory_space<vmem_shared>>
      tpu.enqueue_dma source(%dma_start3A_248 : memref<640x128xf32, #tpu.memory_space<vmem_shared>>) target(%dma_start3A_246 : memref<640x128xf32, #tpu.memory_space<hbm>>) target_semaphore(%run_scoped3A : memref<!tpu.dma_semaphore, #tpu.memory_space<semaphore_mem>>)
      %dma_wait3A_249 = arith.constant 0 : i32
      %dma_wait3A_250 = tpu.memref_slice %arg5[%arg0, %mul3A_2, %dma_wait3A_249] : memref<2x10240x128xf32, #tpu.memory_space<hbm>> -> memref<1x640x128xf32, #tpu.memory_space<hbm>>
      %dma_wait3A_251 = tpu.memref_squeeze %dma_wait3A_250 : memref<1x640x128xf32, #tpu.memory_space<hbm>> -> memref<640x128xf32, #tpu.memory_space<hbm>>
      %dma_wait3A_252 = arith.constant 0 : i32
      %dma_wait3A_253 = tpu.memref_slice %arg36[%mul3A_2, %dma_wait3A_252] : memref<10240x128xf32, #tpu.memory_space<vmem_shared>> -> memref<640x128xf32, #tpu.memory_space<vmem_shared>>
      tpu.wait_dma2 semaphore(%run_scoped3A : memref<!tpu.dma_semaphore, #tpu.memory_space<semaphore_mem>>) src(%dma_wait3A_253 : memref<640x128xf32, #tpu.memory_space<vmem_shared>>) dst(%dma_wait3A_251 : memref<640x128xf32, #tpu.memory_space<hbm>>)
      tpu.yield
    }) : () -> ()
    return
  }
}

module attributes {stable_mosaic.version = 14 : i64} {
  func.func @_tc_mid_body(%arg0: i32, %arg1: memref<2x1000x128xf32, #tpu.memory_space<vmem>>, %arg2: memref<1000x128xf32, #tpu.memory_space<vmem>>, %arg3: memref<1000x16xf32, #tpu.memory_space<vmem>>, %arg4: memref<1x128xf32, #tpu.memory_space<vmem>>, %arg5: memref<128x128xf32, #tpu.memory_space<vmem>>, %arg6: memref<1000x128xf32, #tpu.memory_space<vmem>>) attributes {dimension_semantics = [#tpu.dimension_semantics<arbitrary>], iteration_bounds = array<i64: 10>, scalar_prefetch = 0 : i64, scratch_operands = 0 : i64, tpu.core_type = #tpu.core_type<tc>, window_params = [{transform_indices = @transform_0, window_bounds = array<i64: 2, 1000, 128>}, {transform_indices = @transform_1, window_bounds = array<i64: 1000, 128>}, {transform_indices = @transform_2, window_bounds = array<i64: 1000, 16>}, {pipeline_mode = #tpu.pipeline_mode<synchronous>, transform_indices = @transform_3, window_bounds = array<i64: 1, 128>}, {pipeline_mode = #tpu.pipeline_mode<synchronous>, transform_indices = @transform_4, window_bounds = array<i64: 128, 128>}, {transform_indices = @transform_5, window_bounds = array<i64: 1000, 128>}]} {
    %get3A = arith.constant 0 : index
    %get3A_0 = arith.constant 0 : index
    %get3A_1 = vector.load %arg3[%get3A, %get3A_0] : memref<1000x16xf32, #tpu.memory_space<vmem>>, vector<1000x1xf32>
    %get3A_2 = arith.constant 0 : index
    %get3A_3 = arith.constant 0 : index
    %get3A_4 = arith.constant 0 : index
    %get3A_5 = vector.load %arg1[%get3A_2, %get3A_3, %get3A_4] : memref<2x1000x128xf32, #tpu.memory_space<vmem>>, vector<1x1000x128xf32>
    %get3A_6 = vector.shape_cast %get3A_5 : vector<1x1000x128xf32> to vector<1000x128xf32>
    %get3A_7 = arith.constant 1 : index
    %get3A_8 = arith.constant 0 : index
    %get3A_9 = arith.constant 0 : index
    %get3A_10 = vector.load %arg1[%get3A_7, %get3A_8, %get3A_9] : memref<2x1000x128xf32, #tpu.memory_space<vmem>>, vector<1x1000x128xf32>
    %get3A_11 = vector.shape_cast %get3A_10 : vector<1x1000x128xf32> to vector<1000x128xf32>
    %add3A = arith.addf %get3A_6, %get3A_11 : vector<1000x128xf32>
    %get3A_12 = arith.constant 0 : index
    %get3A_13 = arith.constant 0 : index
    %get3A_14 = vector.load %arg2[%get3A_12, %get3A_13] : memref<1000x128xf32, #tpu.memory_space<vmem>>, vector<1000x128xf32>
    %add3A_15 = arith.addf %add3A, %get3A_14 : vector<1000x128xf32>
    %mul3A = vector.broadcast %get3A_1 : vector<1000x1xf32> to vector<1000x128xf32>
    %mul3A_16 = arith.mulf %mul3A, %add3A_15 : vector<1000x128xf32>
    %get3A_17 = arith.constant 0 : index
    %get3A_18 = arith.constant 0 : index
    %get3A_19 = vector.load %arg4[%get3A_17, %get3A_18] : memref<1x128xf32, #tpu.memory_space<vmem>>, vector<1x128xf32>
    %add3A_20 = vector.broadcast %get3A_19 : vector<1x128xf32> to vector<1000x128xf32>
    %add3A_21 = arith.addf %mul3A_16, %add3A_20 : vector<1000x128xf32>
    %max3A = arith.constant 0.000000e+00 : f32
    %max3A_22 = vector.broadcast %max3A : f32 to vector<1000x128xf32>
    %max3A_23 = arith.maximumf %add3A_21, %max3A_22 : vector<1000x128xf32>
    %get3A_24 = arith.constant 0 : index
    %get3A_25 = arith.constant 0 : index
    %get3A_26 = vector.load %arg5[%get3A_24, %get3A_25] : memref<128x128xf32, #tpu.memory_space<vmem>>, vector<128x128xf32>
    %dot_general3A = arith.constant dense<0.000000e+00> : vector<1000x128xf32>
    %dot_general3A_27 = tpu.matmul %max3A_23, %get3A_26, %dot_general3A {dimension_numbers = #tpu.dot_dimension_numbers<[1], [0], [0], [1], [0, 0, 1, 1], [], []>, transpose_lhs_hint = false} : vector<1000x128xf32>, vector<128x128xf32>, vector<1000x128xf32> -> vector<1000x128xf32>
    %mul3A_28 = vector.broadcast %get3A_1 : vector<1000x1xf32> to vector<1000x128xf32>
    %mul3A_29 = arith.mulf %mul3A_28, %dot_general3A_27 : vector<1000x128xf32>
    %swap3A = arith.constant 0 : index
    %swap3A_30 = arith.constant 0 : index
    %swap3A_31 = vector.load %arg6[%swap3A, %swap3A_30] : memref<1000x128xf32, #tpu.memory_space<vmem>>, vector<1000x128xf32>
    tpu.vector_store %arg6[%swap3A, %swap3A_30], %mul3A_29 {strides = array<i32>} : memref<1000x128xf32, #tpu.memory_space<vmem>>, vector<1000x128xf32>,
    return
  }
  func.func @transform_0(%arg0: i32) -> (i32, i32, i32) {
    %c0_i32 = arith.constant 0 : i32
    %c0_i32_0 = arith.constant 0 : i32
    %c0_i32_1 = arith.constant 0 : i32
    return %c0_i32, %arg0, %c0_i32_0 : i32, i32, i32
  }
  func.func @transform_1(%arg0: i32) -> (i32, i32) {
    %c0_i32 = arith.constant 0 : i32
    %c0_i32_0 = arith.constant 0 : i32
    return %arg0, %c0_i32 : i32, i32
  }
  func.func @transform_2(%arg0: i32) -> (i32, i32) {
    %c0_i32 = arith.constant 0 : i32
    %c0_i32_0 = arith.constant 0 : i32
    return %arg0, %c0_i32 : i32, i32
  }
  func.func @transform_3(%arg0: i32) -> (i32, i32) {
    %c0_i32 = arith.constant 0 : i32
    %c0_i32_0 = arith.constant 0 : i32
    %c0_i32_1 = arith.constant 0 : i32
    return %c0_i32, %c0_i32_0 : i32, i32
  }
  func.func @transform_4(%arg0: i32) -> (i32, i32) {
    %c0_i32 = arith.constant 0 : i32
    %c0_i32_0 = arith.constant 0 : i32
    %c0_i32_1 = arith.constant 0 : i32
    return %c0_i32, %c0_i32_0 : i32, i32
  }
  func.func @transform_5(%arg0: i32) -> (i32, i32) {
    %c0_i32 = arith.constant 0 : i32
    %c0_i32_0 = arith.constant 0 : i32
    return %arg0, %c0_i32 : i32, i32
  }
}

module attributes {stable_mosaic.version = 14 : i64} {
  func.func @_tc_scale_body(%arg0: i32, %arg1: memref<1000x128xf32, #tpu.memory_space<vmem>>, %arg2: memref<2x1000x128xf32, #tpu.memory_space<vmem>>, %arg3: memref<1000x128xf32, #tpu.memory_space<vmem>>, %arg4: memref<1000x16xf32, #tpu.memory_space<vmem>>) attributes {dimension_semantics = [#tpu.dimension_semantics<arbitrary>], iteration_bounds = array<i64: 10>, scalar_prefetch = 0 : i64, scratch_operands = 0 : i64, tpu.core_type = #tpu.core_type<tc>, window_params = [{transform_indices = @transform_0, window_bounds = array<i64: 1000, 128>}, {transform_indices = @transform_1, window_bounds = array<i64: 2, 1000, 128>}, {transform_indices = @transform_2, window_bounds = array<i64: 1000, 128>}, {transform_indices = @transform_3, window_bounds = array<i64: 1000, 16>}]} {
    %get3A = arith.constant 0 : index
    %get3A_0 = arith.constant 0 : index
    %get3A_1 = arith.constant 0 : index
    %get3A_2 = vector.load %arg2[%get3A, %get3A_0, %get3A_1] : memref<2x1000x128xf32, #tpu.memory_space<vmem>>, vector<1x1000x16xf32>
    %get3A_3 = vector.shape_cast %get3A_2 : vector<1x1000x16xf32> to vector<1000x16xf32>
    %get3A_4 = arith.constant 1 : index
    %get3A_5 = arith.constant 0 : index
    %get3A_6 = arith.constant 0 : index
    %get3A_7 = vector.load %arg2[%get3A_4, %get3A_5, %get3A_6] : memref<2x1000x128xf32, #tpu.memory_space<vmem>>, vector<1x1000x16xf32>
    %get3A_8 = vector.shape_cast %get3A_7 : vector<1x1000x16xf32> to vector<1000x16xf32>
    %add3A = arith.addf %get3A_3, %get3A_8 : vector<1000x16xf32>
    %add3A_9 = arith.constant 1.000000e+00 : f32
    %add3A_10 = vector.broadcast %add3A_9 : f32 to vector<1000x16xf32>
    %add3A_11 = arith.addf %add3A, %add3A_10 : vector<1000x16xf32>
    %rsqrt3A = math.rsqrt %add3A_11 : vector<1000x16xf32>
    %swap3A = arith.constant 0 : index
    %swap3A_12 = arith.constant 0 : index
    %swap3A_13 = vector.load %arg4[%swap3A, %swap3A_12] : memref<1000x16xf32, #tpu.memory_space<vmem>>, vector<1000x16xf32>
    tpu.vector_store %arg4[%swap3A, %swap3A_12], %rsqrt3A {strides = array<i32>} : memref<1000x16xf32, #tpu.memory_space<vmem>>, vector<1000x16xf32>,
    %get3A_14 = arith.constant 0 : index
    %get3A_15 = arith.constant 0 : index
    %get3A_16 = vector.load %arg1[%get3A_14, %get3A_15] : memref<1000x128xf32, #tpu.memory_space<vmem>>, vector<1000x128xf32>
    %slice3A = vector.extract_strided_slice %rsqrt3A {offsets = [0, 0], sizes = [1000, 1], strides = [1, 1]} : vector<1000x16xf32> to vector<1000x1xf32>
    %mul3A = vector.broadcast %slice3A : vector<1000x1xf32> to vector<1000x128xf32>
    %mul3A_17 = arith.mulf %get3A_16, %mul3A : vector<1000x128xf32>
    %swap3A_18 = arith.constant 0 : index
    %swap3A_19 = arith.constant 0 : index
    %swap3A_20 = vector.load %arg3[%swap3A_18, %swap3A_19] : memref<1000x128xf32, #tpu.memory_space<vmem>>, vector<1000x128xf32>
    tpu.vector_store %arg3[%swap3A_18, %swap3A_19], %mul3A_17 {strides = array<i32>} : memref<1000x128xf32, #tpu.memory_space<vmem>>, vector<1000x128xf32>,
    return
  }
  func.func @transform_0(%arg0: i32) -> (i32, i32) {
    %c0_i32 = arith.constant 0 : i32
    %c0_i32_0 = arith.constant 0 : i32
    return %arg0, %c0_i32 : i32, i32
  }
  func.func @transform_1(%arg0: i32) -> (i32, i32, i32) {
    %c0_i32 = arith.constant 0 : i32
    %c0_i32_0 = arith.constant 0 : i32
    %c0_i32_1 = arith.constant 0 : i32
    return %c0_i32, %arg0, %c0_i32_0 : i32, i32, i32
  }
  func.func @transform_2(%arg0: i32) -> (i32, i32) {
    %c0_i32 = arith.constant 0 : i32
    %c0_i32_0 = arith.constant 0 : i32
    return %arg0, %c0_i32 : i32, i32
  }
  func.func @transform_3(%arg0: i32) -> (i32, i32) {
    %c0_i32 = arith.constant 0 : i32
    %c0_i32_0 = arith.constant 0 : i32
    return %arg0, %c0_i32 : i32, i32
  }
}

module attributes {stable_mosaic.version = 14 : i64} {
  func.func @_tc_mm_body(%arg0: i32, %arg1: memref<1000x128xf32, #tpu.memory_space<vmem>>, %arg2: memref<128x128xf32, #tpu.memory_space<vmem>>, %arg3: memref<1000x128xf32, #tpu.memory_space<vmem>>) attributes {dimension_semantics = [#tpu.dimension_semantics<arbitrary>], iteration_bounds = array<i64: 10>, scalar_prefetch = 0 : i64, scratch_operands = 0 : i64, tpu.core_type = #tpu.core_type<tc>, window_params = [{transform_indices = @transform_0, window_bounds = array<i64: 1000, 128>}, {pipeline_mode = #tpu.pipeline_mode<synchronous>, transform_indices = @transform_1, window_bounds = array<i64: 128, 128>}, {transform_indices = @transform_2, window_bounds = array<i64: 1000, 128>}]} {
    %get3A = arith.constant 0 : index
    %get3A_0 = arith.constant 0 : index
    %get3A_1 = vector.load %arg1[%get3A, %get3A_0] : memref<1000x128xf32, #tpu.memory_space<vmem>>, vector<1000x128xf32>
    %get3A_2 = arith.constant 0 : index
    %get3A_3 = arith.constant 0 : index
    %get3A_4 = vector.load %arg2[%get3A_2, %get3A_3] : memref<128x128xf32, #tpu.memory_space<vmem>>, vector<128x128xf32>
    %dot_general3A = arith.constant dense<0.000000e+00> : vector<1000x128xf32>
    %dot_general3A_5 = tpu.matmul %get3A_1, %get3A_4, %dot_general3A {dimension_numbers = #tpu.dot_dimension_numbers<[1], [0], [0], [1], [0, 0, 1, 1], [], []>, transpose_lhs_hint = false} : vector<1000x128xf32>, vector<128x128xf32>, vector<1000x128xf32> -> vector<1000x128xf32>
    %swap3A = arith.constant 0 : index
    %swap3A_6 = arith.constant 0 : index
    %swap3A_7 = vector.load %arg3[%swap3A, %swap3A_6] : memref<1000x128xf32, #tpu.memory_space<vmem>>, vector<1000x128xf32>
    tpu.vector_store %arg3[%swap3A, %swap3A_6], %dot_general3A_5 {strides = array<i32>} : memref<1000x128xf32, #tpu.memory_space<vmem>>, vector<1000x128xf32>,
    return
  }
  func.func @transform_0(%arg0: i32) -> (i32, i32) {
    %c0_i32 = arith.constant 0 : i32
    %c0_i32_0 = arith.constant 0 : i32
    return %arg0, %c0_i32 : i32, i32
  }
  func.func @transform_1(%arg0: i32) -> (i32, i32) {
    %c0_i32 = arith.constant 0 : i32
    %c0_i32_0 = arith.constant 0 : i32
    %c0_i32_1 = arith.constant 0 : i32
    return %c0_i32, %c0_i32_0 : i32, i32
  }
  func.func @transform_2(%arg0: i32) -> (i32, i32) {
    %c0_i32 = arith.constant 0 : i32
    %c0_i32_0 = arith.constant 0 : i32
    return %arg0, %c0_i32 : i32, i32
  }
}

module attributes {stable_mosaic.version = 14 : i64} {
  func.func @_tc_last_body(%arg0: i32, %arg1: memref<2x1000x128xf32, #tpu.memory_space<vmem>>, %arg2: memref<1000x128xf32, #tpu.memory_space<vmem>>, %arg3: memref<1000x16xf32, #tpu.memory_space<vmem>>, %arg4: memref<1x128xf32, #tpu.memory_space<vmem>>, %arg5: memref<1000x128xf32, #tpu.memory_space<vmem>>) attributes {dimension_semantics = [#tpu.dimension_semantics<arbitrary>], iteration_bounds = array<i64: 10>, scalar_prefetch = 0 : i64, scratch_operands = 0 : i64, tpu.core_type = #tpu.core_type<tc>, window_params = [{transform_indices = @transform_0, window_bounds = array<i64: 2, 1000, 128>}, {transform_indices = @transform_1, window_bounds = array<i64: 1000, 128>}, {transform_indices = @transform_2, window_bounds = array<i64: 1000, 16>}, {pipeline_mode = #tpu.pipeline_mode<synchronous>, transform_indices = @transform_3, window_bounds = array<i64: 1, 128>}, {transform_indices = @transform_4, window_bounds = array<i64: 1000, 128>}]} {
    %get3A = arith.constant 0 : index
    %get3A_0 = arith.constant 0 : index
    %get3A_1 = vector.load %arg3[%get3A, %get3A_0] : memref<1000x16xf32, #tpu.memory_space<vmem>>, vector<1000x1xf32>
    %get3A_2 = arith.constant 0 : index
    %get3A_3 = arith.constant 0 : index
    %get3A_4 = arith.constant 0 : index
    %get3A_5 = vector.load %arg1[%get3A_2, %get3A_3, %get3A_4] : memref<2x1000x128xf32, #tpu.memory_space<vmem>>, vector<1x1000x128xf32>
    %get3A_6 = vector.shape_cast %get3A_5 : vector<1x1000x128xf32> to vector<1000x128xf32>
    %get3A_7 = arith.constant 1 : index
    %get3A_8 = arith.constant 0 : index
    %get3A_9 = arith.constant 0 : index
    %get3A_10 = vector.load %arg1[%get3A_7, %get3A_8, %get3A_9] : memref<2x1000x128xf32, #tpu.memory_space<vmem>>, vector<1x1000x128xf32>
    %get3A_11 = vector.shape_cast %get3A_10 : vector<1x1000x128xf32> to vector<1000x128xf32>
    %add3A = arith.addf %get3A_6, %get3A_11 : vector<1000x128xf32>
    %get3A_12 = arith.constant 0 : index
    %get3A_13 = arith.constant 0 : index
    %get3A_14 = vector.load %arg2[%get3A_12, %get3A_13] : memref<1000x128xf32, #tpu.memory_space<vmem>>, vector<1000x128xf32>
    %add3A_15 = arith.addf %add3A, %get3A_14 : vector<1000x128xf32>
    %mul3A = vector.broadcast %get3A_1 : vector<1000x1xf32> to vector<1000x128xf32>
    %mul3A_16 = arith.mulf %mul3A, %add3A_15 : vector<1000x128xf32>
    %get3A_17 = arith.constant 0 : index
    %get3A_18 = arith.constant 0 : index
    %get3A_19 = vector.load %arg4[%get3A_17, %get3A_18] : memref<1x128xf32, #tpu.memory_space<vmem>>, vector<1x128xf32>
    %add3A_20 = vector.broadcast %get3A_19 : vector<1x128xf32> to vector<1000x128xf32>
    %add3A_21 = arith.addf %mul3A_16, %add3A_20 : vector<1000x128xf32>
    %swap3A = arith.constant 0 : index
    %swap3A_22 = arith.constant 0 : index
    %swap3A_23 = vector.load %arg5[%swap3A, %swap3A_22] : memref<1000x128xf32, #tpu.memory_space<vmem>>, vector<1000x128xf32>
    tpu.vector_store %arg5[%swap3A, %swap3A_22], %add3A_21 {strides = array<i32>} : memref<1000x128xf32, #tpu.memory_space<vmem>>, vector<1000x128xf32>,
    return
  }
  func.func @transform_0(%arg0: i32) -> (i32, i32, i32) {
    %c0_i32 = arith.constant 0 : i32
    %c0_i32_0 = arith.constant 0 : i32
    %c0_i32_1 = arith.constant 0 : i32
    return %c0_i32, %arg0, %c0_i32_0 : i32, i32, i32
  }
  func.func @transform_1(%arg0: i32) -> (i32, i32) {
    %c0_i32 = arith.constant 0 : i32
    %c0_i32_0 = arith.constant 0 : i32
    return %arg0, %c0_i32 : i32, i32
  }
  func.func @transform_2(%arg0: i32) -> (i32, i32) {
    %c0_i32 = arith.constant 0 : i32
    %c0_i32_0 = arith.constant 0 : i32
    return %arg0, %c0_i32 : i32, i32
  }
  func.func @transform_3(%arg0: i32) -> (i32, i32) {
    %c0_i32 = arith.constant 0 : i32
    %c0_i32_0 = arith.constant 0 : i32
    %c0_i32_1 = arith.constant 0 : i32
    return %c0_i32, %c0_i32_0 : i32, i32
  }
  func.func @transform_4(%arg0: i32) -> (i32, i32) {
    %c0_i32 = arith.constant 0 : i32
    %c0_i32_0 = arith.constant 0 : i32
    return %arg0, %c0_i32 : i32, i32
  }
}

</mosaic_0001>

<sc_bundles>
// kernel: kernel.11.cloned.1.call-start
scs
__scs_entry_jumppad:
0x0: {  	(pc) =	sbr.rel $0x88, $3  }
0x1: {  	(tag) =	ssettag $0x0;
	lr =	simm.s32 $0x1  }
0x2: {  	[smem:$0x3F99] =	sst lr;
	_ =	strace $0xD0000000  }
0x3: {  	_ = 	snop  }
0x4: {  	_ = 	snop  }
0x5: {  	_ = 	snop  }
0x6: {  	_ = 	snop  }
0x7: {  	_ = 	snop  }
__scs_overlays_trampoline_lowered:
0x8: {  	[smem:$0x3FA8] =	sst s0  }
0x9: {  	[smem:$0x3FA9] =	sst s1  }
0xa: {  	[smem:$0x3FAA] =	sst s2  }
0xb: {  	[smem:$0x3FAB] =	sst s3  }
0xc: {  	[smem:$0x3FAC] =	sst s4  }
0xd: {  	[smem:$0x3FAD] =	sst s5  }
0xe: {  	[smem:$0x3FAE] =	sst s6  }
0xf: {  	[smem:$0x3FAF] =	sst s7  }
0x10: {  	[smem:$0x3FB0] =	sst s8  }
0x11: {  	[smem:$0x3FB1] =	sst s9;
	s0 =	simm.s32 @!p0 $0x0  }
0x12: {  	s1 =	sld [smem:$0x3F97];
	s0 =	simm.s32 @p0 $0x1  }
0x13: {  	[smem:$0x3FB2] =	sst s0;
	s0 =	simm.s32 @!p1 $0x0  }
0x14: {  	s2 =	sld [smem:$0x3F96];
	s0 =	simm.s32 @p1 $0x1  }
0x15: {  	[smem:$0x3FB3] =	sst s0;
	s0 =	simm.s32 @!p2 $0x0  }
0x16: {  	s3 =	sld [smem:$0x3FDB];
	s0 =	simm.s32 @p2 $0x1  }
0x17: {  	s4 =	simm.s32 $0x1BF5;
	[smem:$0x3FB5] =	sst s0  }
0x18: {  	s0 =	sld [smem:$0x3F98];
	_ =	swait.ge [sflag:s4], $0x0  }
0x19: {  	s7 =	sld [smem:$0x3F99]  }
0x1a: {  	s8 =	sadd.s32 $0xFFFFE003, lr  }
0x1b: {  	s9 =	sadd.s32 $0xFFFFFEF7, lr;
	s5 =	simm.s32 $0xFFFFFFFF;
	p2 =	slt.u32 s8, $0xFFFFF086  }
0x1c: {  	p1 =	slt.u32 s9, $0xF7A;
	s5 =	simm.s32 @!p2 $0x0  }
0x1d: {  	s5 =	simm.s32 @p1 $0x1;
	p0 =	seq.s32 s7, s2  }
0x1e: {  	s7 =	smul.u32 @!p0 $0xF7A, s2;
	p2 =	seq.s32 @!p0 s5, $0x0  }
0x1f: {  	s9 =	smul.u32 $0xF7A, s1;
	s8 =	simm.s32 @!p0 $0x1BF5;
	p2 =	por !p2, p0  }
0x20: {  	[sflag:s8] =	ssyncset.s32 @!p0 $0xFFFFF086;
	s6 =	sadd.s32 @!p0 s3, s7;
	s7 =	simm.s32 @!p0 $0x108  }
0x21: {  	s3 =	sadd.s32 s3, s9;
	s6 =	sadd.s32 @!p0 $0x88, s6;
	s7 =	simm.s32 @p2 $0x1082  }
0x22: {  	[simem:s7], [sflag:s8] =	dma.local @!p0 [hbm:s6], $0xF7A  }
0x23: {  	s9 =	sor.u32 $0xD0000000, s2;
	s6 =	simm.s32 $0x108;
	_ =	swait.ge @!p0 [sflag:s8], $0x0  }
0x24: {  	s3 =	sadd.s32 $0x88, s3;
	s6 =	simm.s32 @!p1 $0x1082;
	[sflag:s4] =	ssyncset.s32 $0xFFFFF086  }
0x25: {  	[simem:s6], [sflag:s4] =	dma.local [hbm:s3], $0xF7A  }
0x26: {  	[smem:$0x3F99] =	sst s1;
	(tag) =	ssettag s2;
	_ =	strace s9  }
0x27: {  	s1 =	sld [smem:$0x3FA9]  }
0x28: {  	s2 =	sld [smem:$0x3FAA]  }
0x29: {  	s4 =	sld [smem:$0x3FAC]  }
0x2a: {  	p0 =	seq.s32 s5, $0x0;
	s5 =	sld [smem:$0x3FAD]  }
0x2b: {  	s6 =	sld [smem:$0x3FAE]  }
0x2c: {  	s7 =	sld [smem:$0x3FAF]  }
0x2d: {  	s3 =	simm.s32 $0x108;
	s8 =	sld [smem:$0x3FB0]  }
0x2e: {  	s3 =	simm.s32 @!p0 $0x1082;
	s9 =	sld [smem:$0x3FB1]  }
0x2f: {  	lr =	sadd.s32 s0, s3;
	s0 =	sld [smem:$0x3FA8]  }
0x30: {  	s3 =	sld [smem:$0x3FAB]  }
0x31: {  	[smem:$0x3FB4] =	sst s10  }
0x32: {  	s10 =	sld [smem:$0x3FB2];
	_ =	sdelay $0x3  }
0x33: {  	p0 =	seq.s32 s10, $0x1;
	s10 =	sld [smem:$0x3FB4];
	_ =	sdelay $0x3  }
0x34: {  	[smem:$0x3FB4] =	sst s10  }
0x35: {  	s10 =	sld [smem:$0x3FB3];
	_ =	sdelay $0x3  }
0x36: {  	p1 =	seq.s32 s10, $0x1;
	s10 =	sld [smem:$0x3FB4];
	_ =	sdelay $0x3  }
0x37: {  	[smem:$0x3FB4] =	sst s10  }
0x38: {  	s10 =	sld [smem:$0x3FB5]  }
0x39: {  	_ = 	snop;
	(pc) =	sbr.ind lr, $3  }
0x3a: {  	_ = 	snop  }
0x3b: {  	_ = 	snop  }
0x3c: {  	p2 =	seq.s32 s10, $0x1;
	s10 =	sld [smem:$0x3FB4]  }
0x3d: {  	_ =	shalt  }
0x3e: {  	_ =	shalt  }
0x3f: {  	_ =	shalt  }
0x40: {  	_ =	shalt  }
0x41: {  	_ =	shalt  }
0x42: {  	_ =	shalt  }
0x43: {  	_ =	shalt  }
0x44: {  	_ =	shalt  }
0x45: {  	_ =	shalt  }
0x46: {  	_ =	shalt  }
0x47: {  	_ =	shalt  }
0x48: {  	_ =	shalt  }
0x49: {  	_ =	shalt  }
0x4a: {  	_ =	shalt  }
0x4b: {  	_ =	shalt  }
0x4c: {  	_ =	shalt  }
0x4d: {  	_ =	shalt  }
0x4e: {  	_ =	shalt  }
0x4f: {  	_ =	shalt  }
0x50: {  	_ =	shalt  }
0x51: {  	_ =	shalt  }
0x52: {  	_ =	shalt  }
0x53: {  	_ =	shalt  }
0x54: {  	_ =	shalt  }
0x55: {  	_ =	shalt  }
0x56: {  	_ =	shalt  }
0x57: {  	_ =	shalt  }
0x58: {  	_ =	shalt  }
0x59: {  	_ =	shalt  }
0x5a: {  	_ =	shalt  }
0x5b: {  	_ =	shalt  }
0x5c: {  	_ =	shalt  }
0x5d: {  	_ =	shalt  }
0x5e: {  	_ =	shalt  }
0x5f: {  	_ =	shalt  }
0x60: {  	_ =	shalt  }
0x61: {  	_ =	shalt  }
0x62: {  	_ =	shalt  }
0x63: {  	_ =	shalt  }
0x64: {  	_ =	shalt  }
0x65: {  	_ =	shalt  }
0x66: {  	_ =	shalt  }
0x67: {  	_ =	shalt  }
0x68: {  	_ =	shalt  }
0x69: {  	_ =	shalt  }
0x6a: {  	_ =	shalt  }
0x6b: {  	_ =	shalt  }
0x6c: {  	_ =	shalt  }
0x6d: {  	_ =	shalt  }
0x6e: {  	_ =	shalt  }
0x6f: {  	_ =	shalt  }
0x70: {  	_ =	shalt  }
0x71: {  	_ =	shalt  }
0x72: {  	_ =	shalt  }
0x73: {  	_ =	shalt  }
0x74: {  	_ =	shalt  }
0x75: {  	_ =	shalt  }
0x76: {  	_ =	shalt  }
0x77: {  	_ =	shalt  }
0x78: {  	_ =	shalt  }
0x79: {  	_ =	shalt  }
0x7a: {  	_ =	shalt  }
0x7b: {  	_ =	shalt  }
0x7c: {  	_ =	shalt  }
0x7d: {  	_ =	shalt  }
0x7e: {  	_ =	shalt  }
0x7f: {  	_ =	shalt  }
0x80: {  	_ =	shalt  }
0x81: {  	_ =	shalt  }
0x82: {  	_ =	shalt  }
0x83: {  	_ =	shalt  }
0x84: {  	_ =	shalt  }
0x85: {  	_ =	shalt  }
0x86: {  	_ =	shalt  }
0x87: {  	_ =	shalt  }
.Lfunc_end0:
.L_simem_size_0:
called_computation_lowered:
.L_overlay_start_0:
0x88: {  	s2 =	sld [smem:$0x3FD9]  }
0x89: {  	s3 =	sld [smem:$0x3FFE];
	_ =	sdelay $0x1  }
0x8a: {  	s1 =	srdreg.scid  }
0x8b: {  	s0 =	sand.u32 $0x1, s1  }
0x8c: {  	s16 =	sshll.u32 s0, $0xA;
	s2 =	sadd.s32 s3, s2  }
0x8d: {  	s2 =	sadd.s32 s2, s16  }
0x8e: {  	[smem:$0x3FC0] =	sst s2  }
0x8f: {  	_ = 	snop  }
0x90: {  	(tm) =	ssettm $0x1  }
0x91: {  	s17 =	sld [smem:$0x3FFB];
	_ =	sdelay $0x3  }
0x92: {  	_ =	strace s17  }
0x93: {  	s2 =	sld [smem:$0x3FFC];
	_ =	sdelay $0x3  }
0x94: {  	_ =	strace s2  }
0x95: {  	s2 =	sld [smem:$0x3FFD];
	_ =	sdelay $0x3  }
0x96: {  	_ =	strace s2  }
0x97: {  	_ =	strace $0x8FFFFFFF  }
0x98: {  	s18 =	sld [smem:$0x3FDB];
	_ =	sdelay $0x1  }
0x99: {  	s19 =	simm.s32 $_scs_section_size  }
0x9a: {  	s4 =	simm.s32 $_size__tile_overlayer_lowered;
	s5 =	simm.s32 $_tile_overlayer_lowered  }
0x9b: {  	s22 =	simm.s32 $0x1BFF;
	s21 =	sshll.u32 s5, $0x1;
	s2 =	sadd.s32 s19, s18  }
0x9c: {  	s6 =	simm.s32 $0x0;
	s20 =	sshll.u32 s4, $0x1;
	s4 =	sadd.s32 s21, s2  }
0x9d: {  	[timem:s6], [sflag:s22] =	dma.local [hbm:s4], s20  }
0x9e: {  	_ =	swait.ge [sflag:s22], s20  }
0x9f: {  	s3 =	ssub.s32 $0x0, s20;
	[sflag:s22] =	ssyncset.done $0x0  }
0xa0: {  	[sflag:s22] =	ssyncadd.s32 s3;
	_ =	sdelay $0x1  }
0xa1: {  	s23 =	simm.s32 $0x1B8B  }
0xa2: {  	_ =	swait.ge [sflag:s23], $0x1  }
0xa3: {  	[sflag:s23] =	ssyncset.done $0x0  }
0xa4: {  	s25 =	simm.s32 $0x1B8E;
	s24 =	sld [smem:$0x3FFE];
	[sflag:s23] =	ssyncadd.s32 $0xFFFFFFFF  }
0xa5: {  	s26 =	simm.s32 $execute0_lowered;
	[smem:$0x3FD2] =	sst s25  }
0xa6: {  	s4 =	sshll.u32 s26, $0x1;
	_ =	strace $0x80000046;
	[dreg:$0x1] =	wrdreg $0xFFFFFFFF  }
0xa7: {  	s28 =	simm.s32 $_size_execute0_lowered;
	s2 =	sadd.s32 s2, s4;
	[dreg:$0x0] =	wrdreg $0x0  }
0xa8: {  	s4 =	sshll.u32 s28, $0x1;
	[dreg:$0x2] =	wrdreg s2  }
0xa9: {  	[dreg:$0x3] =	wrdreg s4  }
0xaa: {  	[dreg:$0x4] =	wrdreg $0xC0  }
0xab: {  	_ =	task [dreg:s6], $0x5FFFF  }
0xac: {  	[dreg:$0x1] =	wrdreg $0xFFFFFFFF  }
0xad: {  	[dreg:$0x0] =	wrdreg $0x60  }
0xae: {  	[dreg:$0x2] =	wrdreg s24  }
0xaf: {  	[dreg:$0x3] =	wrdreg $0x2A800  }
0xb0: {  	[dreg:$0x4] =	wrdreg $0x9  }
0xb1: {  	_ =	task.clear_ibuf [dreg:s6], $0x5FFFF;
	_ =	strace $0x90000046  }
0xb2: {  	s29 =	simm.s32 $0x9;
	_ =	strace $0x80000048  }
0xb3: {  	_ =	swait.ge [sflag:s29], $0x1  }
0xb4: {  	[sflag:s29] =	ssyncadd.s32 $0xFFFFFFFF  }
0xb5: {  	_ =	strace $0x90000048  }
0xb6: {  	_ =	sfence  }
0xb7: {  	s30 =	sld [smem:$0x0];
	_ =	sdelay $0x2  }
0xb8: {  	s31 =	sshll.u32 s1, $0xD;
	s1 =	sshrl.u32 s1, $0x2  }
0xb9: {  	s3 =	sand.u32 $0x4000, s31;
	s1 =	sadd.s32 s1, s30  }
0xba: {  	s0 =	sor.u32 s3, s0;
	s1 =	sshll.u32 s1, $0x11  }
0xbb: {  	s0 =	sor.u32 s1, s0  }
0xbc: {  	s0 =	sadd.s32 $0x8F2B, s0  }
0xbd: {  	[sflag:s0] =	ssyncadd.remote.s32 $0x1  }
0xbe: {  	_ =	sfence.sel $0xFFFF  }
0xbf: {  	[dreg:$0x0] =	wrdreg $0xFFFFFFFF;
	(pc) =	sbr.abs _section_cstart, $3  }
0xc0: {  	[dreg:$0x1] =	wrdreg $0xFFFFFFFF  }
0xc1: {  	_ =	task.clear_ibuf [dreg:s6], $0x2FFFF;
	_ =	strace $0x9FFFFFFF  }
0xc2: {  	(tm) =	ssettm $0x7FFFFFFF  }
0xc3: {  	_ =	shalt  }
tec
execute0_lowered:
.L_overlay_start_1:
0x0: {  	(tag) =	ssettag $0x1  }
0x1: {  	s0 =	srdreg.scid;
	s5 =	rddreg [dreg:$0x0]  }
0x2: {  	s10 =	stileid.u32;
	s2 =	rddreg [dreg:$0x1];
	s3 =	simm.s32 $0x0  }
0x3: {  	s28 =	simm.s32 $0x7;
	s29 =	simm.s32 $0x8;
	s4 =	smul.u32 $0x14000, s10  }
0x4: {  	s30 =	simm.s32 $0x9;
	s31 =	simm.s32 $0xA;
	s6 =	smul.u32 $0x50000, s10  }
0x5: {  	s0 =	sand.u32 $0x1, s0;
	[smem:$0x7FF] =	sst s3;
	s11 =	smul.u32 $0x4E20, s10  }
0x6: {  	s22 =	sshll.u32 s10, $0x1;
	s10 =	simm.s32 $0x2;
	s1 =	smul.u32 $0x140000, s0  }
0x7: {  	_ =	strace $0x80000047;
	s7 =	ssub.s32 $0x2, s0;
	s9 =	sor.u32 s0, s22  }
0x8: {  	s0 =	smul.u32 $0x2710, s0;
	s6 =	sshrl.u32 s6, $0x2;
	s8 =	sshrl.u32 s7, $0x1  }
0x9: {  	s25 =	smul.u32 $0x2710, s9;
	s1 =	sadd.s32 s4, s1;
	s4 =	sadd.s32 $0xCA00, s5  }
0xa: {  	s23 =	ssub.s32 s7, s8;
	s0 =	sadd.s32 s0, s11;
	s1 =	sshrl.u32 s1, $0x3  }
0xb: {  	s1 =	sadd.s32 s1, s5;
	s5 =	sadd.s32 s6, s2;
	s6 =	smax.u32 s23, $0x1  }
0xc: {  	s8 =	simm.s32 $0x1;
	s24 =	sadd.s32 $0x2800, s5;
	[dreg:$0xf] =	wrdreg s6  }
0xd: {  	s11 =	simm.s32 $0x3;
	s26 =	sadd.s32 $0x5000, s5;
	[dreg:$0x3] =	wrdreg s24  }
0xe: {  	s7 =	sshrl.u32 s25, $0x3;
	s9 =	sadd.s32 $0x7800, s5;
	[dreg:$0x4] =	wrdreg s26  }
0xf: {  	s19 =	sadd.s32 $0x2D0, s0;
	s12 =	sadd.s32 $0xA000, s5;
	[dreg:$0x5] =	wrdreg s9  }
0x10: {  	s22 =	sadd.s32 $0x280, s0;
	s13 =	sadd.s32 $0xC800, s5;
	[dreg:$0x6] =	wrdreg s12  }
0x11: {  	s21 =	sshrl.u32 s19, $0x3;
	s14 =	sadd.s32 $0xF000, s5;
	[dreg:$0x7] =	wrdreg s13  }
0x12: {  	s23 =	sadd.s32 $0x230, s0;
	s15 =	sadd.s32 $0x11800, s5;
	[dreg:$0x8] =	wrdreg s14  }
0x13: {  	s1 =	sadd.s32 $0x16800, s1;
	s25 =	sshrl.u32 s23, $0x3;
	[dreg:$0x9] =	wrdreg s15  }
0x14: {  	s6 =	simm.s32 $0x180;
	s12 =	sadd.s32 s4, s7;
	[dreg:$0xe] =	wrdreg s1  }
0x15: {  	s1 =	sshrl.u32 s22, $0x3;
	s24 =	sadd.s32 $0x1E0, s0;
	s22 =	sadd.s32 s25, s4  }
0x16: {  	s25 =	simm.s32 $0x280;
	s7 =	simm.s32 $0x200;
	s9 =	simm.s32 $0x50  }
0x17: {  	s13 =	simm.s32 $0x4;
	s14 =	simm.s32 $0x5;
	s16 =	sadd.s32 $0xA, s12  }
0x18: {  	s15 =	simm.s32 $0xB;
	s17 =	sadd.s32 $0x14, s12;
	[dreg:$0xa] =	wrdreg s16  }
.Ltmp0:
0x19: {  	s18 =	sadd.s32 $0x1E, s12;
	[dreg:$0xb] =	wrdreg s17;
	(pc) =	sbr.rel .LBB2_1-.Ltmp0, $4  }
0x1a: {  	s20 =	sadd.s32 $0x28, s12;
	s26 =	sshrl.u32 s24, $0x3;
	[dreg:$0xc] =	wrdreg s18  }
0x1b: {  	[dreg:$0xd] =	wrdreg s20;
	s20 =	sadd.s32 s21, s4;
	s21 =	sadd.s32 s1, s4  }
0x1c: {  	s23 =	sadd.s32 s26, s4;
	s18 =	sadd.s32 $0x190, s0;
	s26 =	simm.s32 $0x6  }
0x1d: {  	v0 =	vimm.f32 $0.0e+00;
	v1 =	vimm.f32 $1.000000000e+00;
	s1 =	simm.s32 $0x80;
	s0 =	simm.s32 $0x100;
	s16 =	simm.s32 $0x0  }
.LBB2_8:
0x1e: {  	_ =	swait.ge [sflag:s28], $0x2800  }
0x1f: {  	[sflag:s28] =	ssyncset.done $0x0  }
0x20: {  	[sflag:s28] =	ssyncadd.s32 $0xFFFFD800  }
0x21: {  	_ =	swait.ge [sflag:s29], $0x2800  }
0x22: {  	[sflag:s29] =	ssyncset.done $0x0  }
0x23: {  	[sflag:s29] =	ssyncadd.s32 $0xFFFFD800  }
0x24: {  	_ =	swait.ge [sflag:s30], $0x2800  }
0x25: {  	[sflag:s30] =	ssyncset.done $0x0  }
0x26: {  	[sflag:s30] =	ssyncadd.s32 $0xFFFFD800  }
0x27: {  	_ =	swait.ge [sflag:s31], $0x2800  }
0x28: {  	[sflag:s31] =	ssyncset.done $0x0  }
0x29: {  	s17 =	stileid.u32;
	[sflag:s31] =	ssyncadd.s32 $0xFFFFD800  }
0x2a: {  	s17 =	sshll.u32 s17, $0x6;
	[bflag:$0x0] =	sbarrier.arrive $0xFFFF  }
0x2b: {  	s19 =	sshrl.u32 s5, $0x3;
	s17 =	sor.u32 $0x1C0B, s17;
	s24 =	rddreg [dreg:$0xe]  }
0x2c: {  	[hbm:s24], [sflag:s17] =	dma.local [spmem:s19], $0x2800  }
0x2d: {  	_ =	swait.ge [sflag:s15], $0x2800  }
0x2e: {  	s16 =	sadd.s32 $0x1, s16;
	s24 =	rddreg [dreg:$0xf]  }
0x2f: {  	p0 =	sne.s32 s16, s24  }
.Ltmp1:
0x30: {  	_ = 	snop;
	(pc) =	sbr.rel @!p0 .LBB2_9-.Ltmp1, $3  }
0x31: {  	_ =	sdelay $0x1  }
0x32: {  	[sflag:s15] =	ssyncset.done $0x0  }
0x33: {  	[sflag:s15] =	ssyncadd.s32 $0xFFFFD800  }
.LBB2_1:
0x34: {  	s17 =	simm.s32 $0x0;
	s24 =	simm.s32 $0x200  }
.LBB2_2:
0x35: {  	p0 =	sne.s32 s24, $0x9E00;
	[tilespmem:s17+$0x2F0] =	vst v0  }
0x36: {  	[tilespmem:s17+$0x280] =	vst v0  }
0x37: {  	[tilespmem:s17+$0x290] =	vst v0  }
.Ltmp2:
0x38: {  	[tilespmem:s17+$0x2A0] =	vst v0;
	(pc) =	sbr.rel @p0 .LBB2_2-.Ltmp2, $4  }
0x39: {  	[tilespmem:s17+$0x2B0] =	vst v0  }
0x3a: {  	[tilespmem:s17+$0x2C0] =	vst v0  }
0x3b: {  	[tilespmem:s17+$0x2D0] =	vst v0  }
0x3c: {  	[tilespmem:s17+$0x2E0] =	vst v0;
	s17 =	sshra.s32 s24, $0x2;
	s24 =	sadd.s32 $0x200, s24  }
0x3d: {  	[tilespmem:s17+$0x2F0] =	vst v0  }
0x3e: {  	[tilespmem:s17+$0x280] =	vst v0  }
0x3f: {  	[tilespmem:s17+$0x290] =	vst v0  }
0x40: {  	[tilespmem:s17+$0x2A0] =	vst v0  }
0x41: {  	[tilespmem:s17+$0x2B0] =	vst v0  }
0x42: {  	[tilespmem:s17+$0x2C0] =	vst v0  }
0x43: {  	[tilespmem:s17+$0x2D0] =	vst v0  }
0x44: {  	[tilespmem:s17+$0x2E0] =	vst v0  }
0x45: {  	[spmem:s5] =	stream.linear.scatter [tilespmem:s25], [sflag:$0x6], $0x2800, $0x38;
	[tilespmem:$0x16A80] =	vst v63  }
0x46: {  	s24 =	rddreg [dreg:$0x3]  }
0x47: {  	[spmem:s24] =	stream.linear.scatter [tilespmem:s25], [sflag:$0x7], $0x2800, $0x38;
	[tilespmem:$0x16A80] =	vst v63  }
0x48: {  	s19 =	rddreg [dreg:$0x4]  }
0x49: {  	[spmem:s19] =	stream.linear.scatter [tilespmem:s25], [sflag:$0x8], $0x2800, $0x38;
	[tilespmem:$0x16A80] =	vst v63  }
0x4a: {  	s24 =	rddreg [dreg:$0x5]  }
0x4b: {  	[spmem:s24] =	stream.linear.scatter [tilespmem:s25], [sflag:$0x9], $0x2800, $0x38;
	[tilespmem:$0x16A80] =	vst v63  }
0x4c: {  	s19 =	rddreg [dreg:$0x6]  }
0x4d: {  	[spmem:s19] =	stream.linear.scatter [tilespmem:s25], [sflag:$0xA], $0x2800, $0x38;
	[tilespmem:$0x16A80] =	vst v63  }
0x4e: {  	s24 =	rddreg [dreg:$0x7]  }
0x4f: {  	[spmem:s24] =	stream.linear.scatter [tilespmem:s25], [sflag:$0x6], $0x2800, $0x38;
	[tilespmem:$0x16A80] =	vst v63  }
0x50: {  	s19 =	rddreg [dreg:$0x8]  }
0x51: {  	[spmem:s19] =	stream.linear.scatter [tilespmem:s25], [sflag:$0x7], $0x2800, $0x38;
	[tilespmem:$0x16A80] =	vst v63  }
0x52: {  	s24 =	rddreg [dreg:$0x9]  }
0x53: {  	[spmem:s24] =	stream.linear.scatter [tilespmem:s25], [sflag:$0x8], $0x2800, $0x38;
	[tilespmem:$0x16A80] =	vst v63  }
0x54: {  	_ =	swait.ge [sflag:s26], $0x2800  }
0x55: {  	[sflag:s26] =	ssyncset.done $0x0  }
0x56: {  	[sflag:s26] =	ssyncadd.s32 $0xFFFFD800  }
0x57: {  	_ =	swait.ge [sflag:s28], $0x2800  }
0x58: {  	[sflag:s28] =	ssyncset.done $0x0  }
0x59: {  	[sflag:s28] =	ssyncadd.s32 $0xFFFFD800  }
0x5a: {  	_ =	swait.ge [sflag:s29], $0x2800  }
0x5b: {  	[sflag:s29] =	ssyncset.done $0x0  }
0x5c: {  	[sflag:s29] =	ssyncadd.s32 $0xFFFFD800  }
0x5d: {  	_ =	swait.ge [sflag:s30], $0x2800  }
0x5e: {  	[sflag:s30] =	ssyncset.done $0x0  }
0x5f: {  	[sflag:s30] =	ssyncadd.s32 $0xFFFFD800  }
0x60: {  	_ =	swait.ge [sflag:s31], $0x2800  }
0x61: {  	[sflag:s31] =	ssyncset.done $0x0  }
0x62: {  	[sflag:s31] =	ssyncadd.s32 $0xFFFFD800  }
0x63: {  	_ =	swait.ge [sflag:s26], $0x2800  }
0x64: {  	[sflag:s26] =	ssyncset.done $0x0  }
0x65: {  	[sflag:s26] =	ssyncadd.s32 $0xFFFFD800  }
0x66: {  	_ =	swait.ge [sflag:s28], $0x2800  }
0x67: {  	[sflag:s28] =	ssyncset.done $0x0  }
0x68: {  	[sflag:s28] =	ssyncadd.s32 $0xFFFFD800  }
0x69: {  	_ =	swait.ge [sflag:s29], $0x2800  }
0x6a: {  	[sflag:s29] =	ssyncset.done $0x0  }
0x6b: {  	s17 =	simm.s32 $0x0;
	s24 =	simm.s32 $0x200;
	[sflag:s29] =	ssyncadd.s32 $0xFFFFD800  }
.LBB2_4:
0x6c: {  	p0 =	sne.s32 s24, $0x9E00;
	[tilespmem:s17+$0x2F0] =	vst v1  }
0x6d: {  	[tilespmem:s17+$0x280] =	vst v1  }
0x6e: {  	[tilespmem:s17+$0x290] =	vst v1  }
.Ltmp3:
0x6f: {  	[tilespmem:s17+$0x2A0] =	vst v1;
	(pc) =	sbr.rel @p0 .LBB2_4-.Ltmp3, $4  }
0x70: {  	[tilespmem:s17+$0x2B0] =	vst v1  }
0x71: {  	[tilespmem:s17+$0x2C0] =	vst v1  }
0x72: {  	[tilespmem:s17+$0x2D0] =	vst v1  }
0x73: {  	[tilespmem:s17+$0x2E0] =	vst v1;
	s17 =	sshra.s32 s24, $0x2;
	s24 =	sadd.s32 $0x200, s24  }
0x74: {  	[tilespmem:s17+$0x2F0] =	vst v1  }
0x75: {  	[tilespmem:s17+$0x280] =	vst v1  }
0x76: {  	[tilespmem:s17+$0x290] =	vst v1  }
0x77: {  	[tilespmem:s17+$0x2A0] =	vst v1  }
0x78: {  	[tilespmem:s17+$0x2B0] =	vst v1  }
0x79: {  	[tilespmem:s17+$0x2C0] =	vst v1  }
0x7a: {  	[tilespmem:s17+$0x2D0] =	vst v1  }
0x7b: {  	[tilespmem:s17+$0x2E0] =	vst v1  }
0x7c: {  	s17 =	simm.s32 $0x0;
	[bflag:$0x0] =	sbarrier.arrive $0xFFFF  }
0x7d: {  	[tilespmem:s17], [sflag:$0x1] =	stream.linear.gather [hbm4b:s12+s17], $0x50, $0x38;
	[tilespmem:$0x16A80] =	vst v63  }
0x7e: {  	s19 =	rddreg [dreg:$0xa]  }
0x7f: {  	[tilespmem:s1], [sflag:$0x2] =	stream.linear.gather [hbm4b:s19+s17], $0x50, $0x38;
	[tilespmem:$0x16A80] =	vst v63  }
0x80: {  	s24 =	rddreg [dreg:$0xb]  }
0x81: {  	[tilespmem:s0], [sflag:$0x3] =	stream.linear.gather [hbm4b:s24+s17], $0x50, $0x38;
	[tilespmem:$0x16A80] =	vst v63  }
0x82: {  	s24 =	rddreg [dreg:$0xc]  }
0x83: {  	[tilespmem:s6], [sflag:$0x4] =	stream.linear.gather [hbm4b:s24+s17], $0x50, $0x38;
	[tilespmem:$0x16A80] =	vst v63  }
0x84: {  	s24 =	rddreg [dreg:$0xd]  }
0x85: {  	[tilespmem:s7], [sflag:$0x5] =	stream.linear.gather [hbm4b:s24+s17], $0x50, $0x38;
	[tilespmem:$0x16A80] =	vst v63  }
0x86: {  	s24 =	smov.u32 s18  }
.LBB2_6:
0x87: {  	_ =	swait.ge [sflag:s8], $0x50  }
0x88: {  	[sflag:s8] =	ssyncset.done $0x0  }
0x89: {  	[sflag:s8] =	ssyncadd.s32 $0xFFFFFFB0  }
0x8a: {  	[spmem:s2] =	stream.indirect.scatter.add.f32 [tilespmem:s25], [sflag:$0x6], $0x80, s3, s9, $0xb8;
	[tilespmem:$0x16A80] =	vst v63  }
0x8b: {  	_ =	swait.ge [sflag:s10], $0x50  }
0x8c: {  	[sflag:s10] =	ssyncset.done $0x0  }
0x8d: {  	[sflag:s10] =	ssyncadd.s32 $0xFFFFFFB0  }
0x8e: {  	[spmem:s2] =	stream.indirect.scatter.add.f32 [tilespmem:s25], [sflag:$0x7], $0x80, s1, s9, $0xb8;
	[tilespmem:$0x16A80] =	vst v63  }
0x8f: {  	_ =	swait.ge [sflag:s11], $0x50  }
0x90: {  	[sflag:s11] =	ssyncset.done $0x0  }
0x91: {  	[sflag:s11] =	ssyncadd.s32 $0xFFFFFFB0  }
0x92: {  	[spmem:s2] =	stream.indirect.scatter.add.f32 [tilespmem:s25], [sflag:$0x8], $0x80, s0, s9, $0xb8;
	[tilespmem:$0x16A80] =	vst v63  }
0x93: {  	_ =	swait.ge [sflag:s13], $0x50  }
0x94: {  	[sflag:s13] =	ssyncset.done $0x0  }
0x95: {  	[sflag:s13] =	ssyncadd.s32 $0xFFFFFFB0  }
0x96: {  	[spmem:s2] =	stream.indirect.scatter.add.f32 [tilespmem:s25], [sflag:$0x9], $0x80, s6, s9, $0xb8;
	[tilespmem:$0x16A80] =	vst v63  }
0x97: {  	_ =	swait.ge [sflag:s14], $0x50  }
0x98: {  	p0 =	seq.s32 s17, $0x4B0;
	[sflag:s14] =	ssyncset.done $0x0  }
.Ltmp4:
0x99: {  	[sflag:s14] =	ssyncadd.s32 $0xFFFFFFB0;
	(pc) =	sbr.rel @p0 .LBB2_8-.Ltmp4, $4  }
0x9a: {  	[spmem:s2] =	stream.indirect.scatter.add.f32 [tilespmem:s25], [sflag:$0xA], $0x80, s7, s9, $0xb8;
	[tilespmem:$0x16A80] =	vst v63  }
0x9b: {  	_ =	swait.ge [sflag:s26], $0x2800  }
0x9c: {  	[sflag:s26] =	ssyncset.done $0x0  }
0x9d: {  	[sflag:s26] =	ssyncadd.s32 $0xFFFFD800  }
0x9e: {  	s19 =	sshrl.u32 s24, $0x3  }
0x9f: {  	s19 =	sadd.s32 s4, s19  }
0xa0: {  	[tilespmem:s3], [sflag:$0x1] =	stream.linear.gather [hbm4b:s19+s3], $0x50, $0x38;
	[tilespmem:$0x16A80] =	vst v63  }
0xa1: {  	_ =	swait.ge [sflag:s28], $0x2800  }
0xa2: {  	[sflag:s28] =	ssyncset.done $0x0  }
0xa3: {  	s19 =	sadd.s32 s17, s23;
	[sflag:s28] =	ssyncadd.s32 $0xFFFFD800  }
0xa4: {  	[tilespmem:s1], [sflag:$0x2] =	stream.linear.gather [hbm4b:s19+s3], $0x50, $0x38;
	[tilespmem:$0x16A80] =	vst v63  }
0xa5: {  	_ =	swait.ge [sflag:s29], $0x2800  }
0xa6: {  	[sflag:s29] =	ssyncset.done $0x0  }
0xa7: {  	s19 =	sadd.s32 s17, s22;
	[sflag:s29] =	ssyncadd.s32 $0xFFFFD800  }
0xa8: {  	[tilespmem:s0], [sflag:$0x3] =	stream.linear.gather [hbm4b:s19+s3], $0x50, $0x38;
	[tilespmem:$0x16A80] =	vst v63  }
0xa9: {  	_ =	swait.ge [sflag:s30], $0x2800  }
0xaa: {  	[sflag:s30] =	ssyncset.done $0x0  }
0xab: {  	s19 =	sadd.s32 s17, s21;
	[sflag:s30] =	ssyncadd.s32 $0xFFFFD800  }
0xac: {  	[tilespmem:s6], [sflag:$0x4] =	stream.linear.gather [hbm4b:s19+s3], $0x50, $0x38;
	[tilespmem:$0x16A80] =	vst v63  }
.Ltmp5:
0xad: {  	_ = 	snop;
	(pc) =	sbr.rel .LBB2_6-.Ltmp5, $4  }
0xae: {  	_ =	swait.ge [sflag:s31], $0x2800  }
0xaf: {  	s24 =	sadd.s32 $0x190, s24;
	[sflag:s31] =	ssyncset.done $0x0  }
0xb0: {  	s19 =	sadd.s32 s17, s20;
	s17 =	sadd.s32 $0x32, s17;
	[sflag:s31] =	ssyncadd.s32 $0xFFFFD800  }
0xb1: {  	[tilespmem:s7], [sflag:$0x5] =	stream.linear.gather [hbm4b:s19+s3], $0x50, $0x38;
	[tilespmem:$0x16A80] =	vst v63  }
.LBB2_9:
0xb2: {  	_ =	sfence.sel $0x180000  }
0xb3: {  	[bflag:$0x0] =	sbarrier.arrive $0xFFFF  }
0xb4: {  	_ =	strace $0x90000047  }
0xb5: {  	s0 =	stileid.u32;
	[bflag:$0x2] =	sbarrier.arrive $0xFFFF  }
0xb6: {  	p0 =	sne.s32 s0, $0x0;
	s0 =	rddreg [dreg:$0x2]  }
0xb7: {  	s0 =	sadd.s32 @!p0 $0x100000, s0  }
0xb8: {  	[sflag:s0] =	ssyncadd.tile.s32 @!p0 $0x1;
	_ =	shalt  }
.Lfunc_end2:
_tile_overlayer_lowered:
.L_overlay_start_2:
0xb9: {  	(tag) =	ssettag $0x2  }
0xba: {  	s0 =	rddreg [dreg:$0x0];
	s2 =	stileid.u32  }
0xbb: {  	s1 =	rddreg [dreg:$0x1];
	p0 =	sne.s32 s2, $0x0  }
0xbc: {  	s3 =	rddreg [dreg:$0x2];
	[bflag:$0x3] =	sbarrier.arrive $0xFFFF;
	s2 =	simm.s32 @!p0 $0x1C0B  }
0xbd: {  	[timem:s3], [sflag:s2] =	dma.local @!p0 [hbm:s0], s1  }
0xbe: {  	s0 =	simm.s32 @!p0 $0xB  }
0xbf: {  	_ =	swait.ge @!p0 [sflag:s0], s1  }
0xc0: {  	s1 =	ssub.s32 @!p0 $0x0, s1;
	[sflag:s0] =	ssyncset.done @!p0 $0x0  }
0xc1: {  	[sflag:s0] =	ssyncadd.s32 @!p0 s1  }
0xc2: {  	[bflag:$0x3] =	sbarrier.arrive $0xFFFF  }
0xc3: {  	_ =	shalt  }

// kernel: kernel.14.cloned.1.call-start
scs
__scs_entry_jumppad:
0x0: {  	(pc) =	sbr.rel $0x88, $3  }
0x1: {  	(tag) =	ssettag $0x0;
	lr =	simm.s32 $0x1  }
0x2: {  	[smem:$0x3F99] =	sst lr;
	_ =	strace $0xD0000000  }
0x3: {  	_ = 	snop  }
0x4: {  	_ = 	snop  }
0x5: {  	_ = 	snop  }
0x6: {  	_ = 	snop  }
0x7: {  	_ = 	snop  }
__scs_overlays_trampoline_lowered:
0x8: {  	[smem:$0x3FA8] =	sst s0  }
0x9: {  	[smem:$0x3FA9] =	sst s1  }
0xa: {  	[smem:$0x3FAA] =	sst s2  }
0xb: {  	[smem:$0x3FAB] =	sst s3  }
0xc: {  	[smem:$0x3FAC] =	sst s4  }
0xd: {  	[smem:$0x3FAD] =	sst s5  }
0xe: {  	[smem:$0x3FAE] =	sst s6  }
0xf: {  	[smem:$0x3FAF] =	sst s7  }
0x10: {  	[smem:$0x3FB0] =	sst s8  }
0x11: {  	[smem:$0x3FB1] =	sst s9;
	s0 =	simm.s32 @!p0 $0x0  }
0x12: {  	s1 =	sld [smem:$0x3F97];
	s0 =	simm.s32 @p0 $0x1  }
0x13: {  	[smem:$0x3FB2] =	sst s0;
	s0 =	simm.s32 @!p1 $0x0  }
0x14: {  	s2 =	sld [smem:$0x3F96];
	s0 =	simm.s32 @p1 $0x1  }
0x15: {  	[smem:$0x3FB3] =	sst s0;
	s0 =	simm.s32 @!p2 $0x0  }
0x16: {  	s3 =	sld [smem:$0x3FDB];
	s0 =	simm.s32 @p2 $0x1  }
0x17: {  	s4 =	simm.s32 $0x1BF5;
	[smem:$0x3FB5] =	sst s0  }
0x18: {  	s0 =	sld [smem:$0x3F98];
	_ =	swait.ge [sflag:s4], $0x0  }
0x19: {  	s7 =	sld [smem:$0x3F99]  }
0x1a: {  	s8 =	sadd.s32 $0xFFFFE003, lr  }
0x1b: {  	s9 =	sadd.s32 $0xFFFFFEF7, lr;
	s5 =	simm.s32 $0xFFFFFFFF;
	p2 =	slt.u32 s8, $0xFFFFF086  }
0x1c: {  	p1 =	slt.u32 s9, $0xF7A;
	s5 =	simm.s32 @!p2 $0x0  }
0x1d: {  	s5 =	simm.s32 @p1 $0x1;
	p0 =	seq.s32 s7, s2  }
0x1e: {  	s7 =	smul.u32 @!p0 $0xF7A, s2;
	p2 =	seq.s32 @!p0 s5, $0x0  }
0x1f: {  	s9 =	smul.u32 $0xF7A, s1;
	s8 =	simm.s32 @!p0 $0x1BF5;
	p2 =	por !p2, p0  }
0x20: {  	[sflag:s8] =	ssyncset.s32 @!p0 $0xFFFFF086;
	s6 =	sadd.s32 @!p0 s3, s7;
	s7 =	simm.s32 @!p0 $0x108  }
0x21: {  	s3 =	sadd.s32 s3, s9;
	s6 =	sadd.s32 @!p0 $0x88, s6;
	s7 =	simm.s32 @p2 $0x1082  }
0x22: {  	[simem:s7], [sflag:s8] =	dma.local @!p0 [hbm:s6], $0xF7A  }
0x23: {  	s9 =	sor.u32 $0xD0000000, s2;
	s6 =	simm.s32 $0x108;
	_ =	swait.ge @!p0 [sflag:s8], $0x0  }
0x24: {  	s3 =	sadd.s32 $0x88, s3;
	s6 =	simm.s32 @!p1 $0x1082;
	[sflag:s4] =	ssyncset.s32 $0xFFFFF086  }
0x25: {  	[simem:s6], [sflag:s4] =	dma.local [hbm:s3], $0xF7A  }
0x26: {  	[smem:$0x3F99] =	sst s1;
	(tag) =	ssettag s2;
	_ =	strace s9  }
0x27: {  	s1 =	sld [smem:$0x3FA9]  }
0x28: {  	s2 =	sld [smem:$0x3FAA]  }
0x29: {  	s4 =	sld [smem:$0x3FAC]  }
0x2a: {  	p0 =	seq.s32 s5, $0x0;
	s5 =	sld [smem:$0x3FAD]  }
0x2b: {  	s6 =	sld [smem:$0x3FAE]  }
0x2c: {  	s7 =	sld [smem:$0x3FAF]  }
0x2d: {  	s3 =	simm.s32 $0x108;
	s8 =	sld [smem:$0x3FB0]  }
0x2e: {  	s3 =	simm.s32 @!p0 $0x1082;
	s9 =	sld [smem:$0x3FB1]  }
0x2f: {  	lr =	sadd.s32 s0, s3;
	s0 =	sld [smem:$0x3FA8]  }
0x30: {  	s3 =	sld [smem:$0x3FAB]  }
0x31: {  	[smem:$0x3FB4] =	sst s10  }
0x32: {  	s10 =	sld [smem:$0x3FB2];
	_ =	sdelay $0x3  }
0x33: {  	p0 =	seq.s32 s10, $0x1;
	s10 =	sld [smem:$0x3FB4];
	_ =	sdelay $0x3  }
0x34: {  	[smem:$0x3FB4] =	sst s10  }
0x35: {  	s10 =	sld [smem:$0x3FB3];
	_ =	sdelay $0x3  }
0x36: {  	p1 =	seq.s32 s10, $0x1;
	s10 =	sld [smem:$0x3FB4];
	_ =	sdelay $0x3  }
0x37: {  	[smem:$0x3FB4] =	sst s10  }
0x38: {  	s10 =	sld [smem:$0x3FB5]  }
0x39: {  	_ = 	snop;
	(pc) =	sbr.ind lr, $3  }
0x3a: {  	_ = 	snop  }
0x3b: {  	_ = 	snop  }
0x3c: {  	p2 =	seq.s32 s10, $0x1;
	s10 =	sld [smem:$0x3FB4]  }
0x3d: {  	_ =	shalt  }
0x3e: {  	_ =	shalt  }
0x3f: {  	_ =	shalt  }
0x40: {  	_ =	shalt  }
0x41: {  	_ =	shalt  }
0x42: {  	_ =	shalt  }
0x43: {  	_ =	shalt  }
0x44: {  	_ =	shalt  }
0x45: {  	_ =	shalt  }
0x46: {  	_ =	shalt  }
0x47: {  	_ =	shalt  }
0x48: {  	_ =	shalt  }
0x49: {  	_ =	shalt  }
0x4a: {  	_ =	shalt  }
0x4b: {  	_ =	shalt  }
0x4c: {  	_ =	shalt  }
0x4d: {  	_ =	shalt  }
0x4e: {  	_ =	shalt  }
0x4f: {  	_ =	shalt  }
0x50: {  	_ =	shalt  }
0x51: {  	_ =	shalt  }
0x52: {  	_ =	shalt  }
0x53: {  	_ =	shalt  }
0x54: {  	_ =	shalt  }
0x55: {  	_ =	shalt  }
0x56: {  	_ =	shalt  }
0x57: {  	_ =	shalt  }
0x58: {  	_ =	shalt  }
0x59: {  	_ =	shalt  }
0x5a: {  	_ =	shalt  }
0x5b: {  	_ =	shalt  }
0x5c: {  	_ =	shalt  }
0x5d: {  	_ =	shalt  }
0x5e: {  	_ =	shalt  }
0x5f: {  	_ =	shalt  }
0x60: {  	_ =	shalt  }
0x61: {  	_ =	shalt  }
0x62: {  	_ =	shalt  }
0x63: {  	_ =	shalt  }
0x64: {  	_ =	shalt  }
0x65: {  	_ =	shalt  }
0x66: {  	_ =	shalt  }
0x67: {  	_ =	shalt  }
0x68: {  	_ =	shalt  }
0x69: {  	_ =	shalt  }
0x6a: {  	_ =	shalt  }
0x6b: {  	_ =	shalt  }
0x6c: {  	_ =	shalt  }
0x6d: {  	_ =	shalt  }
0x6e: {  	_ =	shalt  }
0x6f: {  	_ =	shalt  }
0x70: {  	_ =	shalt  }
0x71: {  	_ =	shalt  }
0x72: {  	_ =	shalt  }
0x73: {  	_ =	shalt  }
0x74: {  	_ =	shalt  }
0x75: {  	_ =	shalt  }
0x76: {  	_ =	shalt  }
0x77: {  	_ =	shalt  }
0x78: {  	_ =	shalt  }
0x79: {  	_ =	shalt  }
0x7a: {  	_ =	shalt  }
0x7b: {  	_ =	shalt  }
0x7c: {  	_ =	shalt  }
0x7d: {  	_ =	shalt  }
0x7e: {  	_ =	shalt  }
0x7f: {  	_ =	shalt  }
0x80: {  	_ =	shalt  }
0x81: {  	_ =	shalt  }
0x82: {  	_ =	shalt  }
0x83: {  	_ =	shalt  }
0x84: {  	_ =	shalt  }
0x85: {  	_ =	shalt  }
0x86: {  	_ =	shalt  }
0x87: {  	_ =	shalt  }
.Lfunc_end0:
.L_simem_size_0:
called_computation.1_lowered:
.L_overlay_start_0:
0x88: {  	s2 =	sld [smem:$0x3FD9]  }
0x89: {  	s3 =	sld [smem:$0x3FFE];
	_ =	sdelay $0x1  }
0x8a: {  	s1 =	srdreg.scid  }
0x8b: {  	s0 =	sand.u32 $0x1, s1  }
0x8c: {  	s17 =	sshll.u32 s0, $0xA;
	s2 =	sadd.s32 s3, s2  }
0x8d: {  	s2 =	sadd.s32 s2, s17  }
0x8e: {  	[smem:$0x3FC0] =	sst s2  }
0x8f: {  	_ = 	snop  }
0x90: {  	s2 =	sld [smem:$0x3FD0];
	(tm) =	ssettm $0x1  }
0x91: {  	s18 =	sld [smem:$0x3FFB];
	_ =	sdelay $0x3  }
0x92: {  	_ =	strace s18  }
0x93: {  	s3 =	sld [smem:$0x3FFC];
	_ =	sdelay $0x3  }
0x94: {  	_ =	strace s3  }
0x95: {  	s3 =	sld [smem:$0x3FFD];
	_ =	sdelay $0x3  }
0x96: {  	_ =	strace s3  }
0x97: {  	_ =	strace $0x8FFFFFFF  }
0x98: {  	s19 =	sld [smem:$0x3FDB];
	_ =	sdelay $0x1  }
0x99: {  	s4 =	simm.s32 $_scs_section_size  }
0x9a: {  	s5 =	simm.s32 $_size__tile_overlayer_lowered;
	s6 =	simm.s32 $_tile_overlayer_lowered  }
0x9b: {  	s22 =	simm.s32 $0x1BFF;
	s21 =	sshll.u32 s6, $0x1;
	s3 =	sadd.s32 s4, s19  }
0x9c: {  	s7 =	simm.s32 $0x0;
	s20 =	sshll.u32 s5, $0x1;
	s5 =	sadd.s32 s21, s3  }
0x9d: {  	[timem:s7], [sflag:s22] =	dma.local [hbm:s5], s20  }
0x9e: {  	_ =	swait.ge [sflag:s22], s20  }
0x9f: {  	s4 =	ssub.s32 $0x0, s20;
	[sflag:s22] =	ssyncset.done $0x0  }
0xa0: {  	[sflag:s22] =	ssyncadd.s32 s4;
	_ =	sdelay $0x1  }
0xa1: {  	s23 =	simm.s32 $0x1B8B  }
0xa2: {  	_ =	swait.ge [sflag:s23], $0x1  }
0xa3: {  	[sflag:s23] =	ssyncset.done $0x0  }
0xa4: {  	s25 =	simm.s32 $0x1B8E;
	s24 =	sld [smem:$0x3FFE];
	[sflag:s23] =	ssyncadd.s32 $0xFFFFFFFF  }
0xa5: {  	s26 =	simm.s32 $execute0_lowered;
	[smem:$0x3FD2] =	sst s25  }
0xa6: {  	s5 =	sshll.u32 s26, $0x1;
	_ =	strace $0x80000049;
	[dreg:$0x1] =	wrdreg $0xFFFFFFFF  }
0xa7: {  	s28 =	simm.s32 $_size_execute0_lowered;
	s3 =	sadd.s32 s3, s5;
	[dreg:$0x0] =	wrdreg $0x0  }
0xa8: {  	s5 =	sshll.u32 s28, $0x1;
	[dreg:$0x2] =	wrdreg s3  }
0xa9: {  	[dreg:$0x3] =	wrdreg s5  }
0xaa: {  	[dreg:$0x4] =	wrdreg $0xC0  }
0xab: {  	_ =	task [dreg:s7], $0x5FFFF  }
0xac: {  	[dreg:$0x1] =	wrdreg $0xFFFFFFFF  }
0xad: {  	[dreg:$0x0] =	wrdreg $0x60  }
0xae: {  	[dreg:$0x2] =	wrdreg s2  }
0xaf: {  	[dreg:$0x3] =	wrdreg s24  }
0xb0: {  	[dreg:$0x4] =	wrdreg $0x69000  }
0xb1: {  	[dreg:$0x5] =	wrdreg $0x9  }
0xb2: {  	_ =	task.clear_ibuf [dreg:s7], $0x6FFFF;
	_ =	strace $0x90000049  }
0xb3: {  	s29 =	simm.s32 $0x9;
	_ =	strace $0x8000004B  }
0xb4: {  	_ =	swait.ge [sflag:s29], $0x1  }
0xb5: {  	[sflag:s29] =	ssyncadd.s32 $0xFFFFFFFF  }
0xb6: {  	_ =	strace $0x9000004B  }
0xb7: {  	_ =	sfence  }
0xb8: {  	s30 =	sld [smem:$0x0];
	_ =	sdelay $0x2  }
0xb9: {  	s31 =	sshll.u32 s1, $0xD;
	s1 =	sshrl.u32 s1, $0x2  }
0xba: {  	s3 =	sand.u32 $0x4000, s31;
	s1 =	sadd.s32 s1, s30  }
0xbb: {  	s0 =	sor.u32 s3, s0;
	s1 =	sshll.u32 s1, $0x11  }
0xbc: {  	s0 =	sor.u32 s1, s0  }
0xbd: {  	s0 =	sadd.s32 $0x8F2B, s0  }
0xbe: {  	[sflag:s0] =	ssyncadd.remote.s32 $0x1  }
0xbf: {  	_ =	sfence.sel $0xFFFF  }
0xc0: {  	[dreg:$0x0] =	wrdreg $0xFFFFFFFF;
	(pc) =	sbr.abs _section_cstart, $3  }
0xc1: {  	[dreg:$0x1] =	wrdreg $0xFFFFFFFF  }
0xc2: {  	_ =	task.clear_ibuf [dreg:s7], $0x2FFFF;
	_ =	strace $0x9FFFFFFF  }
0xc3: {  	(tm) =	ssettm $0x7FFFFFFF  }
tec
execute0_lowered:
.L_overlay_start_1:
0x0: {  	(tag) =	ssettag $0x1  }
0x1: {  	s1 =	rddreg [dreg:$0x0]  }
0x2: {  	s0 =	rddreg [dreg:$0x1]  }
0x3: {  	s2 =	rddreg [dreg:$0x2];
	s3 =	srdreg.scid  }
0x4: {  	s4 =	simm.s32 $0x0;
	s10 =	stileid.u32;
	s3 =	sand.u32 $0x1, s3  }
0x5: {  	[smem:$0x7FF] =	sst s4;
	s6 =	smul.u32 $0x14000, s10;
	s11 =	sadd.s32 $0x2C00, s0  }
0x6: {  	s12 =	sadd.s32 $0xCA00, s0;
	s20 =	sshll.u32 s10, $0x1;
	s8 =	smul.u32 $0x50000, s10  }
0x7: {  	s5 =	smul.u32 $0x140000, s3;
	_ =	strace $0x8000004A;
	[dreg:$0x5] =	wrdreg s12  }
0x8: {  	s14 =	smul.u32 $0x4E20, s10;
	s7 =	ssub.s32 $0x2, s3;
	[dreg:$0x4] =	wrdreg s11  }
0x9: {  	s9 =	sshrl.u32 s7, $0x1;
	s21 =	sshrl.u32 s8, $0x2;
	s5 =	sadd.s32 s6, s5  }
0xa: {  	s6 =	sor.u32 s3, s20;
	s13 =	sadd.s32 s21, s2;
	s3 =	smul.u32 $0x2710, s3  }
0xb: {  	s5 =	sshrl.u32 s5, $0x3;
	s6 =	smul.u32 $0x2710, s6;
	[dreg:$0x6] =	wrdreg s13  }
0xc: {  	s0 =	sadd.s32 s5, s0;
	s3 =	sadd.s32 s3, s14;
	s14 =	sadd.s32 $0x3C00, s13  }
0xd: {  	s5 =	ssub.s32 s7, s9;
	s0 =	sadd.s32 $0x16800, s0;
	[dreg:$0x1e] =	wrdreg s14  }
0xe: {  	s22 =	sshrl.u32 s6, $0x3;
	s5 =	smax.u32 s5, $0x1;
	[dreg:$0x11] =	wrdreg s0  }
0xf: {  	s23 =	sadd.s32 $0x28, s6;
	s10 =	sadd.s32 $0xC8, s3;
	[dreg:$0x12] =	wrdreg s5  }
0x10: {  	s19 =	sadd.s32 $0x168, s3;
	s24 =	sadd.s32 s11, s22;
	[dreg:$0x1b] =	wrdreg s10  }
0x11: {  	s25 =	sadd.s32 s12, s22;
	s8 =	sshrl.u32 s23, $0x3;
	[dreg:$0x7] =	wrdreg s24  }
0x12: {  	s20 =	sshrl.u32 s19, $0x3;
	s19 =	sadd.s32 $0xA000, s13;
	[dreg:$0x8] =	wrdreg s25  }
0x13: {  	s30 =	simm.s32 $0xB;
	s26 =	sadd.s32 s11, s8;
	[smem:$0x7F6] =	sst s19  }
0x14: {  	s15 =	sadd.s32 $0xA, s22;
	s8 =	sadd.s32 s12, s8;
	[dreg:$0x9] =	wrdreg s26  }
0x15: {  	s6 =	sadd.s32 $0x78, s6;
	s16 =	sadd.s32 s11, s15;
	[dreg:$0xa] =	wrdreg s8  }
0x16: {  	s6 =	sshrl.u32 s6, $0x3;
	s9 =	sadd.s32 s12, s15;
	[dreg:$0xb] =	wrdreg s16  }
0x17: {  	s31 =	simm.s32 $0xC;
	s17 =	sadd.s32 s11, s6;
	[dreg:$0xc] =	wrdreg s9  }
0x18: {  	s7 =	sadd.s32 $0x14, s22;
	s6 =	sadd.s32 s12, s6;
	[dreg:$0xd] =	wrdreg s17  }
0x19: {  	s29 =	simm.s32 $0xE;
	s18 =	sadd.s32 s11, s7;
	[dreg:$0xe] =	wrdreg s6  }
0x1a: {  	s28 =	simm.s32 $0x8;
	s7 =	sadd.s32 s12, s7;
	[dreg:$0xf] =	wrdreg s18  }
0x1b: {  	s14 =	simm.s32 $0x300;
	s21 =	sadd.s32 s20, s12;
	[dreg:$0x10] =	wrdreg s7  }
0x1c: {  	s22 =	sadd.s32 $0x140, s3;
	s0 =	sadd.s32 s20, s11;
	[dreg:$0x13] =	wrdreg s21  }
0x1d: {  	s23 =	sshrl.u32 s22, $0x3;
	s15 =	sadd.s32 $0x5000, s13;
	[dreg:$0x14] =	wrdreg s0  }
0x1e: {  	s24 =	sadd.s32 $0x118, s3;
	s20 =	sadd.s32 $0xB400, s13;
	[dreg:$0x1f] =	wrdreg s15  }
0x1f: {  	s22 =	sadd.s32 $0xDC00, s13;
	s25 =	sadd.s32 s23, s12;
	[smem:$0x7F7] =	sst s20  }
0x20: {  	s5 =	sshrl.u32 s24, $0x3;
	s26 =	sadd.s32 $0xF0, s3;
	[smem:$0x7F9] =	sst s22  }
0x21: {  	s0 =	sadd.s32 s23, s11;
	s16 =	sadd.s32 $0x6400, s13;
	[dreg:$0x15] =	wrdreg s25  }
0x22: {  	s17 =	sadd.s32 $0x7800, s13;
	s18 =	sadd.s32 $0x8C00, s13;
	[dreg:$0x16] =	wrdreg s0  }
0x23: {  	s21 =	sadd.s32 $0xC800, s13;
	s23 =	sadd.s32 $0xF000, s13;
	[smem:$0x7F3] =	sst s16  }
0x24: {  	s24 =	sadd.s32 $0x10400, s13;
	s3 =	simm.s32 $0xF;
	[smem:$0x7F4] =	sst s17  }
0x25: {  	s15 =	simm.s32 $0x100;
	s20 =	simm.s32 $0x400;
	[smem:$0x7F5] =	sst s18  }
0x26: {  	s22 =	simm.s32 $0x200;
	s6 =	simm.s32 $0x3;
	[smem:$0x7F8] =	sst s21  }
0x27: {  	s7 =	sshrl.u32 s26, $0x3;
	s8 =	sadd.s32 s5, s12;
	[smem:$0x7FA] =	sst s23  }
0x28: {  	s5 =	sadd.s32 s5, s11;
	[smem:$0x7FB] =	sst s24;
	s25 =	sadd.s32 $0x11800, s13  }
0x29: {  	s26 =	sadd.s32 $0x12C00, s13;
	s16 =	simm.s32 $0x380;
	s24 =	simm.s32 $0x480  }
0x2a: {  	s17 =	simm.s32 $0x1;
	s18 =	simm.s32 $0x28;
	[dreg:$0x17] =	wrdreg s8  }
0x2b: {  	s21 =	simm.s32 $0x4;
	s23 =	simm.s32 $0x5;
	[dreg:$0x18] =	wrdreg s5  }
0x2c: {  	s9 =	sadd.s32 s7, s12;
	s0 =	sadd.s32 s7, s11;
	[smem:$0x7FC] =	sst s25  }
0x2d: {  	s11 =	sadd.s32 $0x1400, s13;
	s12 =	sadd.s32 $0x2800, s13;
	[smem:$0x7FD] =	sst s26  }
.Ltmp0:
0x2e: {  	s13 =	simm.s32 $0x280;
	[dreg:$0x19] =	wrdreg s9;
	(pc) =	sbr.rel .LBB2_1-.Ltmp0, $4  }
0x2f: {  	s5 =	simm.s32 $0x180;
	s7 =	simm.s32 $0x2;
	[dreg:$0x1a] =	wrdreg s0  }
0x30: {  	s26 =	simm.s32 $0x7;
	s8 =	simm.s32 $0x9;
	[dreg:$0x1c] =	wrdreg s11  }
0x31: {  	s25 =	simm.s32 $0x1900;
	[dreg:$0x1d] =	wrdreg s12;
	s0 =	simm.s32 $0xD  }
0x32: {  	v0 =	vimm.f32 $0.0e+00;
	s12 =	simm.s32 $0x80;
	s9 =	simm.s32 $0xA;
	s11 =	simm.s32 $0x0  }
.LBB2_6:
0x33: {  	_ =	swait.ge [sflag:s31], $0x1400  }
0x34: {  	[sflag:s31] =	ssyncset.done $0x0  }
0x35: {  	[sflag:s31] =	ssyncadd.s32 $0xFFFFEC00  }
0x36: {  	_ =	swait.ge [sflag:s0], $0x1400  }
0x37: {  	[sflag:s0] =	ssyncset.done $0x0  }
0x38: {  	[sflag:s0] =	ssyncadd.s32 $0xFFFFEC00  }
0x39: {  	_ =	swait.ge [sflag:s29], $0x1400  }
0x3a: {  	[sflag:s29] =	ssyncset.done $0x0  }
0x3b: {  	[sflag:s29] =	ssyncadd.s32 $0xFFFFEC00  }
0x3c: {  	_ =	swait.ge [sflag:s3], $0x1400  }
0x3d: {  	[sflag:s3] =	ssyncset.done $0x0  }
0x3e: {  	[sflag:s3] =	ssyncadd.s32 $0xFFFFEC00  }
0x3f: {  	s10 =	stileid.u32;
	[bflag:$0x0] =	sbarrier.arrive $0xFFFF  }
0x40: {  	s5 =	simm.s32 $0x10;
	s10 =	sshll.u32 s10, $0x6;
	s11 =	rddreg [dreg:$0x6]  }
0x41: {  	s10 =	sor.u32 $0x1C10, s10;
	s12 =	rddreg [dreg:$0x11];
	s11 =	sshrl.u32 s11, $0x3  }
0x42: {  	[hbm:s12], [sflag:s10] =	dma.local [spmem:s11], $0x2800  }
0x43: {  	_ =	swait.ge [sflag:s5], $0x2800  }
0x44: {  	s22 =	sld [smem:$0x7F2];
	_ =	sdelay $0x2  }
0x45: {  	s24 =	rddreg [dreg:$0x12];
	s11 =	sadd.s32 $0x1, s22  }
0x46: {  	p0 =	sne.s32 s11, s24  }
.Ltmp1:
0x47: {  	_ = 	snop;
	(pc) =	sbr.rel @!p0 .LBB2_7-.Ltmp1, $4  }
0x48: {  	s14 =	simm.s32 $0x300  }
0x49: {  	s15 =	simm.s32 $0x100;
	s16 =	simm.s32 $0x380;
	[sflag:s5] =	ssyncset.done $0x0  }
0x4a: {  	s20 =	simm.s32 $0x400;
	s12 =	simm.s32 $0x80;
	[sflag:s5] =	ssyncadd.s32 $0xFFFFD800  }
0x4b: {  	s5 =	simm.s32 $0x180;
	s22 =	simm.s32 $0x200;
	s24 =	simm.s32 $0x480  }
.LBB2_1:
0x4c: {  	[smem:$0x7F2] =	sst s11;
	s10 =	simm.s32 $0x0;
	s11 =	simm.s32 $0x200  }
.LBB2_2:
0x4d: {  	p0 =	sne.s32 s11, $0x4E00;
	[tilespmem:s10+$0x570] =	vst v0  }
0x4e: {  	[tilespmem:s10+$0x500] =	vst v0  }
0x4f: {  	[tilespmem:s10+$0x510] =	vst v0  }
.Ltmp2:
0x50: {  	[tilespmem:s10+$0x520] =	vst v0;
	(pc) =	sbr.rel @p0 .LBB2_2-.Ltmp2, $4  }
0x51: {  	[tilespmem:s10+$0x530] =	vst v0  }
0x52: {  	[tilespmem:s10+$0x540] =	vst v0  }
0x53: {  	[tilespmem:s10+$0x550] =	vst v0  }
0x54: {  	[tilespmem:s10+$0x560] =	vst v0;
	s10 =	sshra.s32 s11, $0x2;
	s11 =	sadd.s32 $0x200, s11  }
0x55: {  	[tilespmem:s10+$0x570] =	vst v0  }
0x56: {  	[tilespmem:s10+$0x500] =	vst v0  }
0x57: {  	[tilespmem:s10+$0x510] =	vst v0  }
0x58: {  	[tilespmem:s10+$0x520] =	vst v0  }
0x59: {  	[tilespmem:s10+$0x530] =	vst v0  }
0x5a: {  	[tilespmem:s10+$0x540] =	vst v0  }
0x5b: {  	[tilespmem:s10+$0x550] =	vst v0  }
0x5c: {  	[tilespmem:s10+$0x560] =	vst v0;
	s19 =	rddreg [dreg:$0x6];
	s11 =	simm.s32 $0x500  }
0x5d: {  	[spmem:s19] =	stream.linear.scatter [tilespmem:s11], [sflag:$0xB], $0x1400, $0x38;
	[tilespmem:$0x1A900] =	vst v63  }
0x5e: {  	s19 =	rddreg [dreg:$0x1c]  }
0x5f: {  	[spmem:s19] =	stream.linear.scatter [tilespmem:s11], [sflag:$0xC], $0x1400, $0x38;
	[tilespmem:$0x1A900] =	vst v63  }
0x60: {  	s19 =	rddreg [dreg:$0x1d]  }
0x61: {  	[spmem:s19] =	stream.linear.scatter [tilespmem:s11], [sflag:$0xD], $0x1400, $0x38;
	[tilespmem:$0x1A900] =	vst v63  }
0x62: {  	s19 =	rddreg [dreg:$0x1e]  }
0x63: {  	[spmem:s19] =	stream.linear.scatter [tilespmem:s11], [sflag:$0xE], $0x1400, $0x38;
	[tilespmem:$0x1A900] =	vst v63  }
0x64: {  	s19 =	rddreg [dreg:$0x1f]  }
0x65: {  	[spmem:s19] =	stream.linear.scatter [tilespmem:s11], [sflag:$0xF], $0x1400, $0x38;
	[tilespmem:$0x1A900] =	vst v63  }
0x66: {  	s19 =	sld [smem:$0x7F3];
	_ =	sdelay $0x2  }
0x67: {  	[spmem:s19] =	stream.linear.scatter [tilespmem:s11], [sflag:$0xB], $0x1400, $0x38;
	[tilespmem:$0x1A900] =	vst v63  }
0x68: {  	s19 =	sld [smem:$0x7F4];
	_ =	sdelay $0x2  }
0x69: {  	[spmem:s19] =	stream.linear.scatter [tilespmem:s11], [sflag:$0xC], $0x1400, $0x38;
	[tilespmem:$0x1A900] =	vst v63  }
0x6a: {  	s19 =	sld [smem:$0x7F5];
	_ =	sdelay $0x2  }
0x6b: {  	[spmem:s19] =	stream.linear.scatter [tilespmem:s11], [sflag:$0xD], $0x1400, $0x38;
	[tilespmem:$0x1A900] =	vst v63  }
0x6c: {  	s19 =	sld [smem:$0x7F6];
	_ =	sdelay $0x2  }
0x6d: {  	[spmem:s19] =	stream.linear.scatter [tilespmem:s11], [sflag:$0xE], $0x1400, $0x38;
	[tilespmem:$0x1A900] =	vst v63  }
0x6e: {  	s19 =	sld [smem:$0x7F7];
	_ =	sdelay $0x2  }
0x6f: {  	[spmem:s19] =	stream.linear.scatter [tilespmem:s11], [sflag:$0xF], $0x1400, $0x38;
	[tilespmem:$0x1A900] =	vst v63  }
0x70: {  	s19 =	sld [smem:$0x7F8];
	_ =	sdelay $0x2  }
0x71: {  	[spmem:s19] =	stream.linear.scatter [tilespmem:s11], [sflag:$0xB], $0x1400, $0x38;
	[tilespmem:$0x1A900] =	vst v63  }
0x72: {  	s19 =	sld [smem:$0x7F9];
	_ =	sdelay $0x2  }
0x73: {  	[spmem:s19] =	stream.linear.scatter [tilespmem:s11], [sflag:$0xC], $0x1400, $0x38;
	[tilespmem:$0x1A900] =	vst v63  }
0x74: {  	s19 =	sld [smem:$0x7FA];
	_ =	sdelay $0x2  }
0x75: {  	[spmem:s19] =	stream.linear.scatter [tilespmem:s11], [sflag:$0xD], $0x1400, $0x38;
	[tilespmem:$0x1A900] =	vst v63  }
0x76: {  	s19 =	sld [smem:$0x7FB];
	_ =	sdelay $0x2  }
0x77: {  	[spmem:s19] =	stream.linear.scatter [tilespmem:s11], [sflag:$0xE], $0x1400, $0x38;
	[tilespmem:$0x1A900] =	vst v63  }
0x78: {  	s19 =	sld [smem:$0x7FC];
	_ =	sdelay $0x2  }
0x79: {  	[spmem:s19] =	stream.linear.scatter [tilespmem:s11], [sflag:$0xF], $0x1400, $0x38;
	[tilespmem:$0x1A900] =	vst v63  }
0x7a: {  	s19 =	sld [smem:$0x7FD];
	_ =	sdelay $0x2  }
0x7b: {  	[spmem:s19] =	stream.linear.scatter [tilespmem:s11], [sflag:$0xB], $0x1400, $0x38;
	[tilespmem:$0x1A900] =	vst v63  }
0x7c: {  	_ =	swait.ge [sflag:s30], $0x1400  }
0x7d: {  	[sflag:s30] =	ssyncset.done $0x0  }
0x7e: {  	[sflag:s30] =	ssyncadd.s32 $0xFFFFEC00  }
0x7f: {  	_ =	swait.ge [sflag:s31], $0x1400  }
0x80: {  	[sflag:s31] =	ssyncset.done $0x0  }
0x81: {  	[sflag:s31] =	ssyncadd.s32 $0xFFFFEC00  }
0x82: {  	_ =	swait.ge [sflag:s0], $0x1400  }
0x83: {  	[sflag:s0] =	ssyncset.done $0x0  }
0x84: {  	[sflag:s0] =	ssyncadd.s32 $0xFFFFEC00  }
0x85: {  	_ =	swait.ge [sflag:s29], $0x1400  }
0x86: {  	[sflag:s29] =	ssyncset.done $0x0  }
0x87: {  	[sflag:s29] =	ssyncadd.s32 $0xFFFFEC00  }
0x88: {  	_ =	swait.ge [sflag:s3], $0x1400  }
0x89: {  	[sflag:s3] =	ssyncset.done $0x0  }
0x8a: {  	[sflag:s3] =	ssyncadd.s32 $0xFFFFEC00  }
0x8b: {  	_ =	swait.ge [sflag:s30], $0x1400  }
0x8c: {  	[sflag:s30] =	ssyncset.done $0x0  }
0x8d: {  	[sflag:s30] =	ssyncadd.s32 $0xFFFFEC00  }
0x8e: {  	_ =	swait.ge [sflag:s31], $0x1400  }
0x8f: {  	[sflag:s31] =	ssyncset.done $0x0  }
0x90: {  	[sflag:s31] =	ssyncadd.s32 $0xFFFFEC00  }
0x91: {  	_ =	swait.ge [sflag:s0], $0x1400  }
0x92: {  	[sflag:s0] =	ssyncset.done $0x0  }
0x93: {  	[sflag:s0] =	ssyncadd.s32 $0xFFFFEC00  }
0x94: {  	_ =	swait.ge [sflag:s29], $0x1400  }
0x95: {  	[sflag:s29] =	ssyncset.done $0x0  }
0x96: {  	[sflag:s29] =	ssyncadd.s32 $0xFFFFEC00  }
0x97: {  	_ =	swait.ge [sflag:s3], $0x1400  }
0x98: {  	[sflag:s3] =	ssyncset.done $0x0  }
0x99: {  	[sflag:s3] =	ssyncadd.s32 $0xFFFFEC00  }
0x9a: {  	_ =	swait.ge [sflag:s30], $0x1400  }
0x9b: {  	[sflag:s30] =	ssyncset.done $0x0  }
0x9c: {  	[sflag:s30] =	ssyncadd.s32 $0xFFFFEC00  }
0x9d: {  	_ =	swait.ge [sflag:s31], $0x1400  }
0x9e: {  	[sflag:s31] =	ssyncset.done $0x0  }
0x9f: {  	[sflag:s31] =	ssyncadd.s32 $0xFFFFEC00  }
0xa0: {  	_ =	swait.ge [sflag:s0], $0x1400  }
0xa1: {  	[sflag:s0] =	ssyncset.done $0x0  }
0xa2: {  	[sflag:s0] =	ssyncadd.s32 $0xFFFFEC00  }
0xa3: {  	_ =	swait.ge [sflag:s29], $0x1400  }
0xa4: {  	[sflag:s29] =	ssyncset.done $0x0  }
0xa5: {  	[sflag:s29] =	ssyncadd.s32 $0xFFFFEC00  }
0xa6: {  	_ =	swait.ge [sflag:s3], $0x1400  }
0xa7: {  	[sflag:s3] =	ssyncset.done $0x0  }
0xa8: {  	[sflag:s3] =	ssyncadd.s32 $0xFFFFEC00  }
0xa9: {  	_ =	swait.ge [sflag:s30], $0x1400  }
0xaa: {  	[sflag:s30] =	ssyncset.done $0x0  }
0xab: {  	[sflag:s30] =	ssyncadd.s32 $0xFFFFEC00  }
0xac: {  	[bflag:$0x0] =	sbarrier.arrive $0xFFFF  }
0xad: {  	s19 =	rddreg [dreg:$0x7]  }
0xae: {  	s10 =	simm.s32 $0x0;
	s11 =	rddreg [dreg:$0x1b]  }
0xaf: {  	[tilespmem:s10], [sflag:$0x1] =	stream.linear.gather [hbm4b:s19+s10], $0x28, $0x38;
	[tilespmem:$0x1A900] =	vst v63  }
0xb0: {  	s19 =	rddreg [dreg:$0x8]  }
0xb1: {  	[tilespmem:s13], [sflag:$0x1] =	stream.linear.gather [hbm4b:s19+s10], $0x28, $0x38;
	[tilespmem:$0x1A900] =	vst v63  }
0xb2: {  	s19 =	rddreg [dreg:$0x9]  }
0xb3: {  	[tilespmem:s12], [sflag:$0x2] =	stream.linear.gather [hbm4b:s19+s10], $0x28, $0x38;
	[tilespmem:$0x1A900] =	vst v63  }
0xb4: {  	s19 =	rddreg [dreg:$0xa]  }
0xb5: {  	[tilespmem:s14], [sflag:$0x2] =	stream.linear.gather [hbm4b:s19+s10], $0x28, $0x38;
	[tilespmem:$0x1A900] =	vst v63  }
0xb6: {  	s19 =	rddreg [dreg:$0xb]  }
0xb7: {  	[tilespmem:s15], [sflag:$0x3] =	stream.linear.gather [hbm4b:s19+s10], $0x28, $0x38;
	[tilespmem:$0x1A900] =	vst v63  }
0xb8: {  	s19 =	rddreg [dreg:$0xc]  }
0xb9: {  	[tilespmem:s16], [sflag:$0x3] =	stream.linear.gather [hbm4b:s19+s10], $0x28, $0x38;
	[tilespmem:$0x1A900] =	vst v63  }
0xba: {  	s19 =	rddreg [dreg:$0xd]  }
0xbb: {  	[tilespmem:s5], [sflag:$0x4] =	stream.linear.gather [hbm4b:s19+s10], $0x28, $0x38;
	[tilespmem:$0x1A900] =	vst v63  }
0xbc: {  	s19 =	rddreg [dreg:$0xe]  }
0xbd: {  	[tilespmem:s20], [sflag:$0x4] =	stream.linear.gather [hbm4b:s19+s10], $0x28, $0x38;
	[tilespmem:$0x1A900] =	vst v63  }
0xbe: {  	s19 =	rddreg [dreg:$0xf]  }
0xbf: {  	[tilespmem:s22], [sflag:$0x5] =	stream.linear.gather [hbm4b:s19+s10], $0x28, $0x38;
	[tilespmem:$0x1A900] =	vst v63  }
0xc0: {  	s19 =	rddreg [dreg:$0x10]  }
0xc1: {  	[tilespmem:s24], [sflag:$0x5] =	stream.linear.gather [hbm4b:s19+s10], $0x28, $0x38;
	[tilespmem:$0x1A900] =	vst v63  }
.LBB2_4:
0xc2: {  	_ =	swait.ge [sflag:s17], $0x28  }
0xc3: {  	[sflag:s17] =	ssyncset.done $0x0  }
0xc4: {  	[sflag:s17] =	ssyncadd.s32 $0xFFFFFFD8  }
0xc5: {  	_ =	swait.ge [sflag:s17], $0x28  }
0xc6: {  	[sflag:s17] =	ssyncset.done $0x0  }
0xc7: {  	s19 =	simm.s32 $0x500;
	[sflag:s17] =	ssyncadd.s32 $0xFFFFFFD8  }
0xc8: {  	[tilespmem:s19], [sflag:$0x6] =	stream.indirect.gather [hbm4b:s1+s18], $0x80, s4, s18, $0xb8;
	[tilespmem:$0x1A900] =	vst v63  }
0xc9: {  	_ =	swait.ge [sflag:s7], $0x28  }
0xca: {  	[sflag:s7] =	ssyncset.done $0x0  }
0xcb: {  	[sflag:s7] =	ssyncadd.s32 $0xFFFFFFD8  }
0xcc: {  	_ =	swait.ge [sflag:s7], $0x28  }
0xcd: {  	[sflag:s7] =	ssyncset.done $0x0  }
0xce: {  	[sflag:s7] =	ssyncadd.s32 $0xFFFFFFD8  }
0xcf: {  	[tilespmem:s25], [sflag:$0x7] =	stream.indirect.gather [hbm4b:s1+s18], $0x80, s12, s18, $0xb8;
	[tilespmem:$0x1A900] =	vst v63  }
0xd0: {  	_ =	swait.ge [sflag:s6], $0x28  }
0xd1: {  	[sflag:s6] =	ssyncset.done $0x0  }
0xd2: {  	[sflag:s6] =	ssyncadd.s32 $0xFFFFFFD8  }
0xd3: {  	_ =	swait.ge [sflag:s6], $0x28  }
0xd4: {  	[sflag:s6] =	ssyncset.done $0x0  }
0xd5: {  	s12 =	simm.s32 $0x2D00;
	[sflag:s6] =	ssyncadd.s32 $0xFFFFFFD8  }
0xd6: {  	[tilespmem:s12], [sflag:$0x8] =	stream.indirect.gather [hbm4b:s1+s18], $0x80, s15, s18, $0xb8;
	[tilespmem:$0x1A900] =	vst v63  }
0xd7: {  	_ =	swait.ge [sflag:s21], $0x28  }
0xd8: {  	[sflag:s21] =	ssyncset.done $0x0  }
0xd9: {  	[sflag:s21] =	ssyncadd.s32 $0xFFFFFFD8  }
0xda: {  	_ =	swait.ge [sflag:s21], $0x28  }
0xdb: {  	[sflag:s21] =	ssyncset.done $0x0  }
0xdc: {  	s15 =	simm.s32 $0x4100;
	[sflag:s21] =	ssyncadd.s32 $0xFFFFFFD8  }
0xdd: {  	[tilespmem:s15], [sflag:$0x9] =	stream.indirect.gather [hbm4b:s1+s18], $0x80, s5, s18, $0xb8;
	[tilespmem:$0x1A900] =	vst v63  }
0xde: {  	_ =	swait.ge [sflag:s23], $0x28  }
0xdf: {  	[sflag:s23] =	ssyncset.done $0x0  }
0xe0: {  	[sflag:s23] =	ssyncadd.s32 $0xFFFFFFD8  }
0xe1: {  	_ =	swait.ge [sflag:s23], $0x28  }
0xe2: {  	[sflag:s23] =	ssyncset.done $0x0  }
0xe3: {  	s5 =	simm.s32 $0x5500;
	[sflag:s23] =	ssyncadd.s32 $0xFFFFFFD8  }
0xe4: {  	[tilespmem:s5], [sflag:$0xA] =	stream.indirect.gather [hbm4b:s1+s18], $0x80, s22, s18, $0xb8;
	[tilespmem:$0x1A900] =	vst v63  }
0xe5: {  	s22 =	simm.s32 $0x6  }
0xe6: {  	_ =	swait.ge [sflag:s22], $0x1400  }
0xe7: {  	[sflag:s22] =	ssyncset.done $0x0  }
0xe8: {  	[sflag:s22] =	ssyncadd.s32 $0xFFFFEC00  }
0xe9: {  	[spmem:s2] =	stream.indirect.scatter.add.f32 [tilespmem:s19], [sflag:$0xB], $0x80, s13, s18, $0xb8;
	[tilespmem:$0x1A900] =	vst v63  }
0xea: {  	_ =	swait.ge [sflag:s26], $0x1400  }
0xeb: {  	[sflag:s26] =	ssyncset.done $0x0  }
0xec: {  	[sflag:s26] =	ssyncadd.s32 $0xFFFFEC00  }
0xed: {  	[spmem:s2] =	stream.indirect.scatter.add.f32 [tilespmem:s25], [sflag:$0xC], $0x80, s14, s18, $0xb8;
	[tilespmem:$0x1A900] =	vst v63  }
0xee: {  	_ =	swait.ge [sflag:s28], $0x1400  }
0xef: {  	[sflag:s28] =	ssyncset.done $0x0  }
0xf0: {  	[sflag:s28] =	ssyncadd.s32 $0xFFFFEC00  }
0xf1: {  	[spmem:s2] =	stream.indirect.scatter.add.f32 [tilespmem:s12], [sflag:$0xD], $0x80, s16, s18, $0xb8;
	[tilespmem:$0x1A900] =	vst v63  }
0xf2: {  	_ =	swait.ge [sflag:s8], $0x1400  }
0xf3: {  	[sflag:s8] =	ssyncset.done $0x0  }
0xf4: {  	[sflag:s8] =	ssyncadd.s32 $0xFFFFEC00  }
0xf5: {  	[spmem:s2] =	stream.indirect.scatter.add.f32 [tilespmem:s15], [sflag:$0xE], $0x80, s20, s18, $0xb8;
	[tilespmem:$0x1A900] =	vst v63  }
0xf6: {  	_ =	swait.ge [sflag:s9], $0x1400  }
0xf7: {  	p0 =	seq.s32 s10, $0x4C9;
	s22 =	simm.s32 $0x400;
	[sflag:s9] =	ssyncset.done $0x0  }
.Ltmp3:
0xf8: {  	s19 =	simm.s32 $0x480;
	[sflag:s9] =	ssyncadd.s32 $0xFFFFEC00;
	(pc) =	sbr.rel @p0 .LBB2_6-.Ltmp3, $4  }
0xf9: {  	[spmem:s2] =	stream.indirect.scatter.add.f32 [tilespmem:s5], [sflag:$0xF], $0x80, s24, s18, $0xb8;
	[tilespmem:$0x1A900] =	vst v63  }
0xfa: {  	s14 =	simm.s32 $0x80;
	s16 =	simm.s32 $0x100;
	_ =	swait.ge [sflag:s30], $0x1400  }
0xfb: {  	s20 =	simm.s32 $0x180;
	s15 =	simm.s32 $0x300;
	[sflag:s30] =	ssyncset.done $0x0  }
0xfc: {  	s24 =	simm.s32 $0x200;
	s5 =	simm.s32 $0x380;
	[sflag:s30] =	ssyncadd.s32 $0xFFFFEC00  }
0xfd: {  	s12 =	sshrl.u32 s11, $0x3;
	s13 =	rddreg [dreg:$0x4]  }
0xfe: {  	s13 =	sadd.s32 s13, s12  }
0xff: {  	[tilespmem:s4], [sflag:$0x1] =	stream.linear.gather [hbm4b:s13+s4], $0x28, $0x38;
	[tilespmem:$0x1A900] =	vst v63  }
0x100: {  	s13 =	rddreg [dreg:$0x5]  }
0x101: {  	s12 =	sadd.s32 s13, s12;
	s13 =	simm.s32 $0x280  }
0x102: {  	[tilespmem:s13], [sflag:$0x1] =	stream.linear.gather [hbm4b:s12+s4], $0x28, $0x38;
	[tilespmem:$0x1A900] =	vst v63  }
0x103: {  	_ =	swait.ge [sflag:s31], $0x1400  }
0x104: {  	[sflag:s31] =	ssyncset.done $0x0;
	s12 =	rddreg [dreg:$0x1a]  }
0x105: {  	[sflag:s31] =	ssyncadd.s32 $0xFFFFEC00;
	s12 =	sadd.s32 s10, s12  }
0x106: {  	[tilespmem:s14], [sflag:$0x2] =	stream.linear.gather [hbm4b:s12+s4], $0x28, $0x38;
	[tilespmem:$0x1A900] =	vst v63  }
0x107: {  	s14 =	rddreg [dreg:$0x19]  }
0x108: {  	s12 =	sadd.s32 s10, s14  }
0x109: {  	[tilespmem:s15], [sflag:$0x2] =	stream.linear.gather [hbm4b:s12+s4], $0x28, $0x38;
	[tilespmem:$0x1A900] =	vst v63  }
0x10a: {  	_ =	swait.ge [sflag:s0], $0x1400  }
0x10b: {  	[sflag:s0] =	ssyncset.done $0x0;
	s14 =	rddreg [dreg:$0x18]  }
0x10c: {  	s15 =	rddreg [dreg:$0x17];
	[sflag:s0] =	ssyncadd.s32 $0xFFFFEC00;
	s12 =	sadd.s32 s10, s14  }
0x10d: {  	[tilespmem:s16], [sflag:$0x3] =	stream.linear.gather [hbm4b:s12+s4], $0x28, $0x38;
	[tilespmem:$0x1A900] =	vst v63  }
0x10e: {  	s12 =	sadd.s32 s10, s15  }
0x10f: {  	[tilespmem:s5], [sflag:$0x3] =	stream.linear.gather [hbm4b:s12+s4], $0x28, $0x38;
	[tilespmem:$0x1A900] =	vst v63  }
0x110: {  	_ =	swait.ge [sflag:s29], $0x1400  }
0x111: {  	[sflag:s29] =	ssyncset.done $0x0;
	s16 =	rddreg [dreg:$0x16]  }
0x112: {  	[sflag:s29] =	ssyncadd.s32 $0xFFFFEC00;
	s12 =	sadd.s32 s10, s16  }
0x113: {  	[tilespmem:s20], [sflag:$0x4] =	stream.linear.gather [hbm4b:s12+s4], $0x28, $0x38;
	[tilespmem:$0x1A900] =	vst v63  }
0x114: {  	s20 =	rddreg [dreg:$0x15]  }
0x115: {  	s12 =	sadd.s32 s10, s20  }
0x116: {  	[tilespmem:s22], [sflag:$0x4] =	stream.linear.gather [hbm4b:s12+s4], $0x28, $0x38;
	[tilespmem:$0x1A900] =	vst v63  }
0x117: {  	_ =	swait.ge [sflag:s3], $0x1400  }
0x118: {  	[sflag:s3] =	ssyncset.done $0x0;
	s22 =	rddreg [dreg:$0x14]  }
0x119: {  	s11 =	sadd.s32 $0xC8, s11;
	[sflag:s3] =	ssyncadd.s32 $0xFFFFEC00;
	s12 =	sadd.s32 s10, s22  }
0x11a: {  	[tilespmem:s24], [sflag:$0x5] =	stream.linear.gather [hbm4b:s12+s4], $0x28, $0x38;
	[tilespmem:$0x1A900] =	vst v63  }
.Ltmp4:
0x11b: {  	s14 =	simm.s32 $0x300;
	s15 =	simm.s32 $0x100;
	(pc) =	sbr.rel .LBB2_4-.Ltmp4, $4  }
0x11c: {  	s5 =	simm.s32 $0x180;
	s16 =	simm.s32 $0x380;
	s24 =	rddreg [dreg:$0x13]  }
0x11d: {  	s20 =	simm.s32 $0x400;
	s22 =	simm.s32 $0x200;
	s12 =	sadd.s32 s10, s24  }
0x11e: {  	[tilespmem:s19], [sflag:$0x5] =	stream.linear.gather [hbm4b:s12+s4], $0x28, $0x38;
	[tilespmem:$0x1A900] =	vst v63  }
0x11f: {  	s10 =	sadd.s32 $0x19, s10;
	s24 =	simm.s32 $0x480;
	s12 =	simm.s32 $0x80  }
.LBB2_7:
0x120: {  	_ =	sfence.sel $0x180000  }
0x121: {  	[bflag:$0x0] =	sbarrier.arrive $0xFFFF  }
0x122: {  	_ =	strace $0x9000004A  }
0x123: {  	s0 =	stileid.u32;
	[bflag:$0x2] =	sbarrier.arrive $0xFFFF  }
0x124: {  	p0 =	sne.s32 s0, $0x0;
	s0 =	rddreg [dreg:$0x3]  }
0x125: {  	s0 =	sadd.s32 @!p0 $0x100000, s0  }
0x126: {  	[sflag:s0] =	ssyncadd.tile.s32 @!p0 $0x1;
	_ =	shalt  }
.Lfunc_end2:
_tile_overlayer_lowered:
.L_overlay_start_2:
0x127: {  	(tag) =	ssettag $0x2  }
0x128: {  	s0 =	rddreg [dreg:$0x0];
	s2 =	stileid.u32  }
0x129: {  	s1 =	rddreg [dreg:$0x1];
	p0 =	sne.s32 s2, $0x0  }
0x12a: {  	s3 =	rddreg [dreg:$0x2];
	[bflag:$0x3] =	sbarrier.arrive $0xFFFF;
	s2 =	simm.s32 @!p0 $0x1C10  }
0x12b: {  	[timem:s3], [sflag:s2] =	dma.local @!p0 [hbm:s0], s1  }
0x12c: {  	s0 =	simm.s32 @!p0 $0x10  }
0x12d: {  	_ =	swait.ge @!p0 [sflag:s0], s1  }
0x12e: {  	s1 =	ssub.s32 @!p0 $0x0, s1;
	[sflag:s0] =	ssyncset.done @!p0 $0x0  }
0x12f: {  	[sflag:s0] =	ssyncadd.s32 @!p0 s1  }
0x130: {  	[bflag:$0x3] =	sbarrier.arrive $0xFFFF  }
0x131: {  	_ =	shalt  }

// kernel: kernel.17.cloned.1.call-start
scs
__scs_entry_jumppad:
0x0: {  	(pc) =	sbr.rel $0x88, $3  }
0x1: {  	(tag) =	ssettag $0x0;
	lr =	simm.s32 $0x1  }
0x2: {  	[smem:$0x3F99] =	sst lr;
	_ =	strace $0xD0000000  }
0x3: {  	_ = 	snop  }
0x4: {  	_ = 	snop  }
0x5: {  	_ = 	snop  }
0x6: {  	_ = 	snop  }
0x7: {  	_ = 	snop  }
__scs_overlays_trampoline_lowered:
0x8: {  	[smem:$0x3FA8] =	sst s0  }
0x9: {  	[smem:$0x3FA9] =	sst s1  }
0xa: {  	[smem:$0x3FAA] =	sst s2  }
0xb: {  	[smem:$0x3FAB] =	sst s3  }
0xc: {  	[smem:$0x3FAC] =	sst s4  }
0xd: {  	[smem:$0x3FAD] =	sst s5  }
0xe: {  	[smem:$0x3FAE] =	sst s6  }
0xf: {  	[smem:$0x3FAF] =	sst s7  }
0x10: {  	[smem:$0x3FB0] =	sst s8  }
0x11: {  	[smem:$0x3FB1] =	sst s9;
	s0 =	simm.s32 @!p0 $0x0  }
0x12: {  	s1 =	sld [smem:$0x3F97];
	s0 =	simm.s32 @p0 $0x1  }
0x13: {  	[smem:$0x3FB2] =	sst s0;
	s0 =	simm.s32 @!p1 $0x0  }
0x14: {  	s2 =	sld [smem:$0x3F96];
	s0 =	simm.s32 @p1 $0x1  }
0x15: {  	[smem:$0x3FB3] =	sst s0;
	s0 =	simm.s32 @!p2 $0x0  }
0x16: {  	s3 =	sld [smem:$0x3FDB];
	s0 =	simm.s32 @p2 $0x1  }
0x17: {  	s4 =	simm.s32 $0x1BF5;
	[smem:$0x3FB5] =	sst s0  }
0x18: {  	s0 =	sld [smem:$0x3F98];
	_ =	swait.ge [sflag:s4], $0x0  }
0x19: {  	s7 =	sld [smem:$0x3F99]  }
0x1a: {  	s8 =	sadd.s32 $0xFFFFE003, lr  }
0x1b: {  	s9 =	sadd.s32 $0xFFFFFEF7, lr;
	s5 =	simm.s32 $0xFFFFFFFF;
	p2 =	slt.u32 s8, $0xFFFFF086  }
0x1c: {  	p1 =	slt.u32 s9, $0xF7A;
	s5 =	simm.s32 @!p2 $0x0  }
0x1d: {  	s5 =	simm.s32 @p1 $0x1;
	p0 =	seq.s32 s7, s2  }
0x1e: {  	s7 =	smul.u32 @!p0 $0xF7A, s2;
	p2 =	seq.s32 @!p0 s5, $0x0  }
0x1f: {  	s9 =	smul.u32 $0xF7A, s1;
	s8 =	simm.s32 @!p0 $0x1BF5;
	p2 =	por !p2, p0  }
0x20: {  	[sflag:s8] =	ssyncset.s32 @!p0 $0xFFFFF086;
	s6 =	sadd.s32 @!p0 s3, s7;
	s7 =	simm.s32 @!p0 $0x108  }
0x21: {  	s3 =	sadd.s32 s3, s9;
	s6 =	sadd.s32 @!p0 $0x88, s6;
	s7 =	simm.s32 @p2 $0x1082  }
0x22: {  	[simem:s7], [sflag:s8] =	dma.local @!p0 [hbm:s6], $0xF7A  }
0x23: {  	s9 =	sor.u32 $0xD0000000, s2;
	s6 =	simm.s32 $0x108;
	_ =	swait.ge @!p0 [sflag:s8], $0x0  }
0x24: {  	s3 =	sadd.s32 $0x88, s3;
	s6 =	simm.s32 @!p1 $0x1082;
	[sflag:s4] =	ssyncset.s32 $0xFFFFF086  }
0x25: {  	[simem:s6], [sflag:s4] =	dma.local [hbm:s3], $0xF7A  }
0x26: {  	[smem:$0x3F99] =	sst s1;
	(tag) =	ssettag s2;
	_ =	strace s9  }
0x27: {  	s1 =	sld [smem:$0x3FA9]  }
0x28: {  	s2 =	sld [smem:$0x3FAA]  }
0x29: {  	s4 =	sld [smem:$0x3FAC]  }
0x2a: {  	p0 =	seq.s32 s5, $0x0;
	s5 =	sld [smem:$0x3FAD]  }
0x2b: {  	s6 =	sld [smem:$0x3FAE]  }
0x2c: {  	s7 =	sld [smem:$0x3FAF]  }
0x2d: {  	s3 =	simm.s32 $0x108;
	s8 =	sld [smem:$0x3FB0]  }
0x2e: {  	s3 =	simm.s32 @!p0 $0x1082;
	s9 =	sld [smem:$0x3FB1]  }
0x2f: {  	lr =	sadd.s32 s0, s3;
	s0 =	sld [smem:$0x3FA8]  }
0x30: {  	s3 =	sld [smem:$0x3FAB]  }
0x31: {  	[smem:$0x3FB4] =	sst s10  }
0x32: {  	s10 =	sld [smem:$0x3FB2];
	_ =	sdelay $0x3  }
0x33: {  	p0 =	seq.s32 s10, $0x1;
	s10 =	sld [smem:$0x3FB4];
	_ =	sdelay $0x3  }
0x34: {  	[smem:$0x3FB4] =	sst s10  }
0x35: {  	s10 =	sld [smem:$0x3FB3];
	_ =	sdelay $0x3  }
0x36: {  	p1 =	seq.s32 s10, $0x1;
	s10 =	sld [smem:$0x3FB4];
	_ =	sdelay $0x3  }
0x37: {  	[smem:$0x3FB4] =	sst s10  }
0x38: {  	s10 =	sld [smem:$0x3FB5]  }
0x39: {  	_ = 	snop;
	(pc) =	sbr.ind lr, $3  }
0x3a: {  	_ = 	snop  }
0x3b: {  	_ = 	snop  }
0x3c: {  	p2 =	seq.s32 s10, $0x1;
	s10 =	sld [smem:$0x3FB4]  }
0x3d: {  	_ =	shalt  }
0x3e: {  	_ =	shalt  }
0x3f: {  	_ =	shalt  }
0x40: {  	_ =	shalt  }
0x41: {  	_ =	shalt  }
0x42: {  	_ =	shalt  }
0x43: {  	_ =	shalt  }
0x44: {  	_ =	shalt  }
0x45: {  	_ =	shalt  }
0x46: {  	_ =	shalt  }
0x47: {  	_ =	shalt  }
0x48: {  	_ =	shalt  }
0x49: {  	_ =	shalt  }
0x4a: {  	_ =	shalt  }
0x4b: {  	_ =	shalt  }
0x4c: {  	_ =	shalt  }
0x4d: {  	_ =	shalt  }
0x4e: {  	_ =	shalt  }
0x4f: {  	_ =	shalt  }
0x50: {  	_ =	shalt  }
0x51: {  	_ =	shalt  }
0x52: {  	_ =	shalt  }
0x53: {  	_ =	shalt  }
0x54: {  	_ =	shalt  }
0x55: {  	_ =	shalt  }
0x56: {  	_ =	shalt  }
0x57: {  	_ =	shalt  }
0x58: {  	_ =	shalt  }
0x59: {  	_ =	shalt  }
0x5a: {  	_ =	shalt  }
0x5b: {  	_ =	shalt  }
0x5c: {  	_ =	shalt  }
0x5d: {  	_ =	shalt  }
0x5e: {  	_ =	shalt  }
0x5f: {  	_ =	shalt  }
0x60: {  	_ =	shalt  }
0x61: {  	_ =	shalt  }
0x62: {  	_ =	shalt  }
0x63: {  	_ =	shalt  }
0x64: {  	_ =	shalt  }
0x65: {  	_ =	shalt  }
0x66: {  	_ =	shalt  }
0x67: {  	_ =	shalt  }
0x68: {  	_ =	shalt  }
0x69: {  	_ =	shalt  }
0x6a: {  	_ =	shalt  }
0x6b: {  	_ =	shalt  }
0x6c: {  	_ =	shalt  }
0x6d: {  	_ =	shalt  }
0x6e: {  	_ =	shalt  }
0x6f: {  	_ =	shalt  }
0x70: {  	_ =	shalt  }
0x71: {  	_ =	shalt  }
0x72: {  	_ =	shalt  }
0x73: {  	_ =	shalt  }
0x74: {  	_ =	shalt  }
0x75: {  	_ =	shalt  }
0x76: {  	_ =	shalt  }
0x77: {  	_ =	shalt  }
0x78: {  	_ =	shalt  }
0x79: {  	_ =	shalt  }
0x7a: {  	_ =	shalt  }
0x7b: {  	_ =	shalt  }
0x7c: {  	_ =	shalt  }
0x7d: {  	_ =	shalt  }
0x7e: {  	_ =	shalt  }
0x7f: {  	_ =	shalt  }
0x80: {  	_ =	shalt  }
0x81: {  	_ =	shalt  }
0x82: {  	_ =	shalt  }
0x83: {  	_ =	shalt  }
0x84: {  	_ =	shalt  }
0x85: {  	_ =	shalt  }
0x86: {  	_ =	shalt  }
0x87: {  	_ =	shalt  }
.Lfunc_end0:
.L_simem_size_0:
called_computation.2_lowered:
.L_overlay_start_0:
0x88: {  	s2 =	sld [smem:$0x3FD9]  }
0x89: {  	s3 =	sld [smem:$0x3FFE];
	_ =	sdelay $0x1  }
0x8a: {  	s1 =	srdreg.scid  }
0x8b: {  	s0 =	sand.u32 $0x1, s1  }
0x8c: {  	s17 =	sshll.u32 s0, $0xA;
	s2 =	sadd.s32 s3, s2  }
0x8d: {  	s2 =	sadd.s32 s2, s17  }
0x8e: {  	[smem:$0x3FC0] =	sst s2  }
0x8f: {  	_ = 	snop  }
0x90: {  	s2 =	sld [smem:$0x3FD0];
	(tm) =	ssettm $0x1  }
0x91: {  	s18 =	sld [smem:$0x3FFB];
	_ =	sdelay $0x3  }
0x92: {  	_ =	strace s18  }
0x93: {  	s3 =	sld [smem:$0x3FFC];
	_ =	sdelay $0x3  }
0x94: {  	_ =	strace s3  }
0x95: {  	s3 =	sld [smem:$0x3FFD];
	_ =	sdelay $0x3  }
0x96: {  	_ =	strace s3  }
0x97: {  	_ =	strace $0x8FFFFFFF  }
0x98: {  	s19 =	sld [smem:$0x3FDB];
	_ =	sdelay $0x1  }
0x99: {  	s4 =	simm.s32 $_scs_section_size  }
0x9a: {  	s5 =	simm.s32 $_size__tile_overlayer_lowered;
	s6 =	simm.s32 $_tile_overlayer_lowered  }
0x9b: {  	s22 =	simm.s32 $0x1BFF;
	s21 =	sshll.u32 s6, $0x1;
	s3 =	sadd.s32 s4, s19  }
0x9c: {  	s7 =	simm.s32 $0x0;
	s20 =	sshll.u32 s5, $0x1;
	s5 =	sadd.s32 s21, s3  }
0x9d: {  	[timem:s7], [sflag:s22] =	dma.local [hbm:s5], s20  }
0x9e: {  	_ =	swait.ge [sflag:s22], s20  }
0x9f: {  	s4 =	ssub.s32 $0x0, s20;
	[sflag:s22] =	ssyncset.done $0x0  }
0xa0: {  	[sflag:s22] =	ssyncadd.s32 s4;
	_ =	sdelay $0x1  }
0xa1: {  	s23 =	simm.s32 $0x1B8B  }
0xa2: {  	_ =	swait.ge [sflag:s23], $0x1  }
0xa3: {  	[sflag:s23] =	ssyncset.done $0x0  }
0xa4: {  	s25 =	simm.s32 $0x1B8E;
	s24 =	sld [smem:$0x3FFE];
	[sflag:s23] =	ssyncadd.s32 $0xFFFFFFFF  }
0xa5: {  	s26 =	simm.s32 $execute0_lowered;
	[smem:$0x3FD2] =	sst s25  }
0xa6: {  	s5 =	sshll.u32 s26, $0x1;
	_ =	strace $0x8000004C;
	[dreg:$0x1] =	wrdreg $0xFFFFFFFF  }
0xa7: {  	s28 =	simm.s32 $_size_execute0_lowered;
	s3 =	sadd.s32 s3, s5;
	[dreg:$0x0] =	wrdreg $0x0  }
0xa8: {  	s5 =	sshll.u32 s28, $0x1;
	[dreg:$0x2] =	wrdreg s3  }
0xa9: {  	[dreg:$0x3] =	wrdreg s5  }
0xaa: {  	[dreg:$0x4] =	wrdreg $0xC0  }
0xab: {  	_ =	task [dreg:s7], $0x5FFFF  }
0xac: {  	[dreg:$0x1] =	wrdreg $0xFFFFFFFF  }
0xad: {  	[dreg:$0x0] =	wrdreg $0x60  }
0xae: {  	[dreg:$0x2] =	wrdreg s2  }
0xaf: {  	[dreg:$0x3] =	wrdreg s24  }
0xb0: {  	[dreg:$0x4] =	wrdreg $0x69000  }
0xb1: {  	[dreg:$0x5] =	wrdreg $0x9  }
0xb2: {  	_ =	task.clear_ibuf [dreg:s7], $0x6FFFF;
	_ =	strace $0x9000004C  }
0xb3: {  	s29 =	simm.s32 $0x9;
	_ =	strace $0x8000004E  }
0xb4: {  	_ =	swait.ge [sflag:s29], $0x1  }
0xb5: {  	[sflag:s29] =	ssyncadd.s32 $0xFFFFFFFF  }
0xb6: {  	_ =	strace $0x9000004E  }
0xb7: {  	_ =	sfence  }
0xb8: {  	s30 =	sld [smem:$0x0];
	_ =	sdelay $0x2  }
0xb9: {  	s31 =	sshll.u32 s1, $0xD;
	s1 =	sshrl.u32 s1, $0x2  }
0xba: {  	s3 =	sand.u32 $0x4000, s31;
	s1 =	sadd.s32 s1, s30  }
0xbb: {  	s0 =	sor.u32 s3, s0;
	s1 =	sshll.u32 s1, $0x11  }
0xbc: {  	s0 =	sor.u32 s1, s0  }
0xbd: {  	s0 =	sadd.s32 $0x8F2B, s0  }
0xbe: {  	[sflag:s0] =	ssyncadd.remote.s32 $0x1  }
0xbf: {  	_ =	sfence.sel $0xFFFF  }
0xc0: {  	[dreg:$0x0] =	wrdreg $0xFFFFFFFF;
	(pc) =	sbr.abs _section_cstart, $3  }
0xc1: {  	[dreg:$0x1] =	wrdreg $0xFFFFFFFF  }
0xc2: {  	_ =	task.clear_ibuf [dreg:s7], $0x2FFFF;
	_ =	strace $0x9FFFFFFF  }
0xc3: {  	(tm) =	ssettm $0x7FFFFFFF  }
tec
execute0_lowered:
.L_overlay_start_1:
0x0: {  	(tag) =	ssettag $0x1  }
0x1: {  	s1 =	rddreg [dreg:$0x0]  }
0x2: {  	s0 =	rddreg [dreg:$0x1]  }
0x3: {  	s2 =	rddreg [dreg:$0x2];
	s3 =	srdreg.scid  }
0x4: {  	s4 =	simm.s32 $0x0;
	s10 =	stileid.u32;
	s3 =	sand.u32 $0x1, s3  }
0x5: {  	[smem:$0x7FF] =	sst s4;
	s6 =	smul.u32 $0x14000, s10;
	s11 =	sadd.s32 $0x2C00, s0  }
0x6: {  	s12 =	sadd.s32 $0xCA00, s0;
	s20 =	sshll.u32 s10, $0x1;
	s8 =	smul.u32 $0x50000, s10  }
0x7: {  	s5 =	smul.u32 $0x140000, s3;
	_ =	strace $0x8000004D;
	[dreg:$0x5] =	wrdreg s12  }
0x8: {  	s14 =	smul.u32 $0x4E20, s10;
	s7 =	ssub.s32 $0x2, s3;
	[dreg:$0x4] =	wrdreg s11  }
0x9: {  	s9 =	sshrl.u32 s7, $0x1;
	s21 =	sshrl.u32 s8, $0x2;
	s5 =	sadd.s32 s6, s5  }
0xa: {  	s6 =	sor.u32 s3, s20;
	s13 =	sadd.s32 s21, s2;
	s3 =	smul.u32 $0x2710, s3  }
0xb: {  	s5 =	sshrl.u32 s5, $0x3;
	s6 =	smul.u32 $0x2710, s6;
	[dreg:$0x6] =	wrdreg s13  }
0xc: {  	s0 =	sadd.s32 s5, s0;
	s3 =	sadd.s32 s3, s14;
	s14 =	sadd.s32 $0x3C00, s13  }
0xd: {  	s5 =	ssub.s32 s7, s9;
	s0 =	sadd.s32 $0x16800, s0;
	[dreg:$0x1e] =	wrdreg s14  }
0xe: {  	s22 =	sshrl.u32 s6, $0x3;
	s5 =	smax.u32 s5, $0x1;
	[dreg:$0x11] =	wrdreg s0  }
0xf: {  	s23 =	sadd.s32 $0x28, s6;
	s10 =	sadd.s32 $0xC8, s3;
	[dreg:$0x12] =	wrdreg s5  }
0x10: {  	s19 =	sadd.s32 $0x168, s3;
	s24 =	sadd.s32 s11, s22;
	[dreg:$0x1b] =	wrdreg s10  }
0x11: {  	s25 =	sadd.s32 s12, s22;
	s8 =	sshrl.u32 s23, $0x3;
	[dreg:$0x7] =	wrdreg s24  }
0x12: {  	s20 =	sshrl.u32 s19, $0x3;
	s19 =	sadd.s32 $0xA000, s13;
	[dreg:$0x8] =	wrdreg s25  }
0x13: {  	s30 =	simm.s32 $0xB;
	s26 =	sadd.s32 s11, s8;
	[smem:$0x7F6] =	sst s19  }
0x14: {  	s15 =	sadd.s32 $0xA, s22;
	s8 =	sadd.s32 s12, s8;
	[dreg:$0x9] =	wrdreg s26  }
0x15: {  	s6 =	sadd.s32 $0x78, s6;
	s16 =	sadd.s32 s11, s15;
	[dreg:$0xa] =	wrdreg s8  }
0x16: {  	s6 =	sshrl.u32 s6, $0x3;
	s9 =	sadd.s32 s12, s15;
	[dreg:$0xb] =	wrdreg s16  }
0x17: {  	s31 =	simm.s32 $0xC;
	s17 =	sadd.s32 s11, s6;
	[dreg:$0xc] =	wrdreg s9  }
0x18: {  	s7 =	sadd.s32 $0x14, s22;
	s6 =	sadd.s32 s12, s6;
	[dreg:$0xd] =	wrdreg s17  }
0x19: {  	s29 =	simm.s32 $0xE;
	s18 =	sadd.s32 s11, s7;
	[dreg:$0xe] =	wrdreg s6  }
0x1a: {  	s28 =	simm.s32 $0x8;
	s7 =	sadd.s32 s12, s7;
	[dreg:$0xf] =	wrdreg s18  }
0x1b: {  	s14 =	simm.s32 $0x300;
	s21 =	sadd.s32 s20, s12;
	[dreg:$0x10] =	wrdreg s7  }
0x1c: {  	s22 =	sadd.s32 $0x140, s3;
	s0 =	sadd.s32 s20, s11;
	[dreg:$0x13] =	wrdreg s21  }
0x1d: {  	s23 =	sshrl.u32 s22, $0x3;
	s15 =	sadd.s32 $0x5000, s13;
	[dreg:$0x14] =	wrdreg s0  }
0x1e: {  	s24 =	sadd.s32 $0x118, s3;
	s20 =	sadd.s32 $0xB400, s13;
	[dreg:$0x1f] =	wrdreg s15  }
0x1f: {  	s22 =	sadd.s32 $0xDC00, s13;
	s25 =	sadd.s32 s23, s12;
	[smem:$0x7F7] =	sst s20  }
0x20: {  	s5 =	sshrl.u32 s24, $0x3;
	s26 =	sadd.s32 $0xF0, s3;
	[smem:$0x7F9] =	sst s22  }
0x21: {  	s0 =	sadd.s32 s23, s11;
	s16 =	sadd.s32 $0x6400, s13;
	[dreg:$0x15] =	wrdreg s25  }
0x22: {  	s17 =	sadd.s32 $0x7800, s13;
	s18 =	sadd.s32 $0x8C00, s13;
	[dreg:$0x16] =	wrdreg s0  }
0x23: {  	s21 =	sadd.s32 $0xC800, s13;
	s23 =	sadd.s32 $0xF000, s13;
	[smem:$0x7F3] =	sst s16  }
0x24: {  	s24 =	sadd.s32 $0x10400, s13;
	s3 =	simm.s32 $0xF;
	[smem:$0x7F4] =	sst s17  }
0x25: {  	s15 =	simm.s32 $0x100;
	s20 =	simm.s32 $0x400;
	[smem:$0x7F5] =	sst s18  }
0x26: {  	s22 =	simm.s32 $0x200;
	s6 =	simm.s32 $0x3;
	[smem:$0x7F8] =	sst s21  }
0x27: {  	s7 =	sshrl.u32 s26, $0x3;
	s8 =	sadd.s32 s5, s12;
	[smem:$0x7FA] =	sst s23  }
0x28: {  	s5 =	sadd.s32 s5, s11;
	[smem:$0x7FB] =	sst s24;
	s25 =	sadd.s32 $0x11800, s13  }
0x29: {  	s26 =	sadd.s32 $0x12C00, s13;
	s16 =	simm.s32 $0x380;
	s24 =	simm.s32 $0x480  }
0x2a: {  	s17 =	simm.s32 $0x1;
	s18 =	simm.s32 $0x28;
	[dreg:$0x17] =	wrdreg s8  }
0x2b: {  	s21 =	simm.s32 $0x4;
	s23 =	simm.s32 $0x5;
	[dreg:$0x18] =	wrdreg s5  }
0x2c: {  	s9 =	sadd.s32 s7, s12;
	s0 =	sadd.s32 s7, s11;
	[smem:$0x7FC] =	sst s25  }
0x2d: {  	s11 =	sadd.s32 $0x1400, s13;
	s12 =	sadd.s32 $0x2800, s13;
	[smem:$0x7FD] =	sst s26  }
.Ltmp0:
0x2e: {  	s13 =	simm.s32 $0x280;
	[dreg:$0x19] =	wrdreg s9;
	(pc) =	sbr.rel .LBB2_1-.Ltmp0, $4  }
0x2f: {  	s5 =	simm.s32 $0x180;
	s7 =	simm.s32 $0x2;
	[dreg:$0x1a] =	wrdreg s0  }
0x30: {  	s26 =	simm.s32 $0x7;
	s8 =	simm.s32 $0x9;
	[dreg:$0x1c] =	wrdreg s11  }
0x31: {  	s25 =	simm.s32 $0x1900;
	[dreg:$0x1d] =	wrdreg s12;
	s0 =	simm.s32 $0xD  }
0x32: {  	v0 =	vimm.f32 $0.0e+00;
	s12 =	simm.s32 $0x80;
	s9 =	simm.s32 $0xA;
	s11 =	simm.s32 $0x0  }
.LBB2_6:
0x33: {  	_ =	swait.ge [sflag:s31], $0x1400  }
0x34: {  	[sflag:s31] =	ssyncset.done $0x0  }
0x35: {  	[sflag:s31] =	ssyncadd.s32 $0xFFFFEC00  }
0x36: {  	_ =	swait.ge [sflag:s0], $0x1400  }
0x37: {  	[sflag:s0] =	ssyncset.done $0x0  }
0x38: {  	[sflag:s0] =	ssyncadd.s32 $0xFFFFEC00  }
0x39: {  	_ =	swait.ge [sflag:s29], $0x1400  }
0x3a: {  	[sflag:s29] =	ssyncset.done $0x0  }
0x3b: {  	[sflag:s29] =	ssyncadd.s32 $0xFFFFEC00  }
0x3c: {  	_ =	swait.ge [sflag:s3], $0x1400  }
0x3d: {  	[sflag:s3] =	ssyncset.done $0x0  }
0x3e: {  	[sflag:s3] =	ssyncadd.s32 $0xFFFFEC00  }
0x3f: {  	s10 =	stileid.u32;
	[bflag:$0x0] =	sbarrier.arrive $0xFFFF  }
0x40: {  	s5 =	simm.s32 $0x10;
	s10 =	sshll.u32 s10, $0x6;
	s11 =	rddreg [dreg:$0x6]  }
0x41: {  	s10 =	sor.u32 $0x1C10, s10;
	s12 =	rddreg [dreg:$0x11];
	s11 =	sshrl.u32 s11, $0x3  }
0x42: {  	[hbm:s12], [sflag:s10] =	dma.local [spmem:s11], $0x2800  }
0x43: {  	_ =	swait.ge [sflag:s5], $0x2800  }
0x44: {  	s22 =	sld [smem:$0x7F2];
	_ =	sdelay $0x2  }
0x45: {  	s24 =	rddreg [dreg:$0x12];
	s11 =	sadd.s32 $0x1, s22  }
0x46: {  	p0 =	sne.s32 s11, s24  }
.Ltmp1:
0x47: {  	_ = 	snop;
	(pc) =	sbr.rel @!p0 .LBB2_7-.Ltmp1, $4  }
0x48: {  	s14 =	simm.s32 $0x300  }
0x49: {  	s15 =	simm.s32 $0x100;
	s16 =	simm.s32 $0x380;
	[sflag:s5] =	ssyncset.done $0x0  }
0x4a: {  	s20 =	simm.s32 $0x400;
	s12 =	simm.s32 $0x80;
	[sflag:s5] =	ssyncadd.s32 $0xFFFFD800  }
0x4b: {  	s5 =	simm.s32 $0x180;
	s22 =	simm.s32 $0x200;
	s24 =	simm.s32 $0x480  }
.LBB2_1:
0x4c: {  	[smem:$0x7F2] =	sst s11;
	s10 =	simm.s32 $0x0;
	s11 =	simm.s32 $0x200  }
.LBB2_2:
0x4d: {  	p0 =	sne.s32 s11, $0x4E00;
	[tilespmem:s10+$0x570] =	vst v0  }
0x4e: {  	[tilespmem:s10+$0x500] =	vst v0  }
0x4f: {  	[tilespmem:s10+$0x510] =	vst v0  }
.Ltmp2:
0x50: {  	[tilespmem:s10+$0x520] =	vst v0;
	(pc) =	sbr.rel @p0 .LBB2_2-.Ltmp2, $4  }
0x51: {  	[tilespmem:s10+$0x530] =	vst v0  }
0x52: {  	[tilespmem:s10+$0x540] =	vst v0  }
0x53: {  	[tilespmem:s10+$0x550] =	vst v0  }
0x54: {  	[tilespmem:s10+$0x560] =	vst v0;
	s10 =	sshra.s32 s11, $0x2;
	s11 =	sadd.s32 $0x200, s11  }
0x55: {  	[tilespmem:s10+$0x570] =	vst v0  }
0x56: {  	[tilespmem:s10+$0x500] =	vst v0  }
0x57: {  	[tilespmem:s10+$0x510] =	vst v0  }
0x58: {  	[tilespmem:s10+$0x520] =	vst v0  }
0x59: {  	[tilespmem:s10+$0x530] =	vst v0  }
0x5a: {  	[tilespmem:s10+$0x540] =	vst v0  }
0x5b: {  	[tilespmem:s10+$0x550] =	vst v0  }
0x5c: {  	[tilespmem:s10+$0x560] =	vst v0;
	s19 =	rddreg [dreg:$0x6];
	s11 =	simm.s32 $0x500  }
0x5d: {  	[spmem:s19] =	stream.linear.scatter [tilespmem:s11], [sflag:$0xB], $0x1400, $0x38;
	[tilespmem:$0x1A900] =	vst v63  }
0x5e: {  	s19 =	rddreg [dreg:$0x1c]  }
0x5f: {  	[spmem:s19] =	stream.linear.scatter [tilespmem:s11], [sflag:$0xC], $0x1400, $0x38;
	[tilespmem:$0x1A900] =	vst v63  }
0x60: {  	s19 =	rddreg [dreg:$0x1d]  }
0x61: {  	[spmem:s19] =	stream.linear.scatter [tilespmem:s11], [sflag:$0xD], $0x1400, $0x38;
	[tilespmem:$0x1A900] =	vst v63  }
0x62: {  	s19 =	rddreg [dreg:$0x1e]  }
0x63: {  	[spmem:s19] =	stream.linear.scatter [tilespmem:s11], [sflag:$0xE], $0x1400, $0x38;
	[tilespmem:$0x1A900] =	vst v63  }
0x64: {  	s19 =	rddreg [dreg:$0x1f]  }
0x65: {  	[spmem:s19] =	stream.linear.scatter [tilespmem:s11], [sflag:$0xF], $0x1400, $0x38;
	[tilespmem:$0x1A900] =	vst v63  }
0x66: {  	s19 =	sld [smem:$0x7F3];
	_ =	sdelay $0x2  }
0x67: {  	[spmem:s19] =	stream.linear.scatter [tilespmem:s11], [sflag:$0xB], $0x1400, $0x38;
	[tilespmem:$0x1A900] =	vst v63  }
0x68: {  	s19 =	sld [smem:$0x7F4];
	_ =	sdelay $0x2  }
0x69: {  	[spmem:s19] =	stream.linear.scatter [tilespmem:s11], [sflag:$0xC], $0x1400, $0x38;
	[tilespmem:$0x1A900] =	vst v63  }
0x6a: {  	s19 =	sld [smem:$0x7F5];
	_ =	sdelay $0x2  }
0x6b: {  	[spmem:s19] =	stream.linear.scatter [tilespmem:s11], [sflag:$0xD], $0x1400, $0x38;
	[tilespmem:$0x1A900] =	vst v63  }
0x6c: {  	s19 =	sld [smem:$0x7F6];
	_ =	sdelay $0x2  }
0x6d: {  	[spmem:s19] =	stream.linear.scatter [tilespmem:s11], [sflag:$0xE], $0x1400, $0x38;
	[tilespmem:$0x1A900] =	vst v63  }
0x6e: {  	s19 =	sld [smem:$0x7F7];
	_ =	sdelay $0x2  }
0x6f: {  	[spmem:s19] =	stream.linear.scatter [tilespmem:s11], [sflag:$0xF], $0x1400, $0x38;
	[tilespmem:$0x1A900] =	vst v63  }
0x70: {  	s19 =	sld [smem:$0x7F8];
	_ =	sdelay $0x2  }
0x71: {  	[spmem:s19] =	stream.linear.scatter [tilespmem:s11], [sflag:$0xB], $0x1400, $0x38;
	[tilespmem:$0x1A900] =	vst v63  }
0x72: {  	s19 =	sld [smem:$0x7F9];
	_ =	sdelay $0x2  }
0x73: {  	[spmem:s19] =	stream.linear.scatter [tilespmem:s11], [sflag:$0xC], $0x1400, $0x38;
	[tilespmem:$0x1A900] =	vst v63  }
0x74: {  	s19 =	sld [smem:$0x7FA];
	_ =	sdelay $0x2  }
0x75: {  	[spmem:s19] =	stream.linear.scatter [tilespmem:s11], [sflag:$0xD], $0x1400, $0x38;
	[tilespmem:$0x1A900] =	vst v63  }
0x76: {  	s19 =	sld [smem:$0x7FB];
	_ =	sdelay $0x2  }
0x77: {  	[spmem:s19] =	stream.linear.scatter [tilespmem:s11], [sflag:$0xE], $0x1400, $0x38;
	[tilespmem:$0x1A900] =	vst v63  }
0x78: {  	s19 =	sld [smem:$0x7FC];
	_ =	sdelay $0x2  }
0x79: {  	[spmem:s19] =	stream.linear.scatter [tilespmem:s11], [sflag:$0xF], $0x1400, $0x38;
	[tilespmem:$0x1A900] =	vst v63  }
0x7a: {  	s19 =	sld [smem:$0x7FD];
	_ =	sdelay $0x2  }
0x7b: {  	[spmem:s19] =	stream.linear.scatter [tilespmem:s11], [sflag:$0xB], $0x1400, $0x38;
	[tilespmem:$0x1A900] =	vst v63  }
0x7c: {  	_ =	swait.ge [sflag:s30], $0x1400  }
0x7d: {  	[sflag:s30] =	ssyncset.done $0x0  }
0x7e: {  	[sflag:s30] =	ssyncadd.s32 $0xFFFFEC00  }
0x7f: {  	_ =	swait.ge [sflag:s31], $0x1400  }
0x80: {  	[sflag:s31] =	ssyncset.done $0x0  }
0x81: {  	[sflag:s31] =	ssyncadd.s32 $0xFFFFEC00  }
0x82: {  	_ =	swait.ge [sflag:s0], $0x1400  }
0x83: {  	[sflag:s0] =	ssyncset.done $0x0  }
0x84: {  	[sflag:s0] =	ssyncadd.s32 $0xFFFFEC00  }
0x85: {  	_ =	swait.ge [sflag:s29], $0x1400  }
0x86: {  	[sflag:s29] =	ssyncset.done $0x0  }
0x87: {  	[sflag:s29] =	ssyncadd.s32 $0xFFFFEC00  }
0x88: {  	_ =	swait.ge [sflag:s3], $0x1400  }
0x89: {  	[sflag:s3] =	ssyncset.done $0x0  }
0x8a: {  	[sflag:s3] =	ssyncadd.s32 $0xFFFFEC00  }
0x8b: {  	_ =	swait.ge [sflag:s30], $0x1400  }
0x8c: {  	[sflag:s30] =	ssyncset.done $0x0  }
0x8d: {  	[sflag:s30] =	ssyncadd.s32 $0xFFFFEC00  }
0x8e: {  	_ =	swait.ge [sflag:s31], $0x1400  }
0x8f: {  	[sflag:s31] =	ssyncset.done $0x0  }
0x90: {  	[sflag:s31] =	ssyncadd.s32 $0xFFFFEC00  }
0x91: {  	_ =	swait.ge [sflag:s0], $0x1400  }
0x92: {  	[sflag:s0] =	ssyncset.done $0x0  }
0x93: {  	[sflag:s0] =	ssyncadd.s32 $0xFFFFEC00  }
0x94: {  	_ =	swait.ge [sflag:s29], $0x1400  }
0x95: {  	[sflag:s29] =	ssyncset.done $0x0  }
0x96: {  	[sflag:s29] =	ssyncadd.s32 $0xFFFFEC00  }
0x97: {  	_ =	swait.ge [sflag:s3], $0x1400  }
0x98: {  	[sflag:s3] =	ssyncset.done $0x0  }
0x99: {  	[sflag:s3] =	ssyncadd.s32 $0xFFFFEC00  }
0x9a: {  	_ =	swait.ge [sflag:s30], $0x1400  }
0x9b: {  	[sflag:s30] =	ssyncset.done $0x0  }
0x9c: {  	[sflag:s30] =	ssyncadd.s32 $0xFFFFEC00  }
0x9d: {  	_ =	swait.ge [sflag:s31], $0x1400  }
0x9e: {  	[sflag:s31] =	ssyncset.done $0x0  }
0x9f: {  	[sflag:s31] =	ssyncadd.s32 $0xFFFFEC00  }
0xa0: {  	_ =	swait.ge [sflag:s0], $0x1400  }
0xa1: {  	[sflag:s0] =	ssyncset.done $0x0  }
0xa2: {  	[sflag:s0] =	ssyncadd.s32 $0xFFFFEC00  }
0xa3: {  	_ =	swait.ge [sflag:s29], $0x1400  }
0xa4: {  	[sflag:s29] =	ssyncset.done $0x0  }
0xa5: {  	[sflag:s29] =	ssyncadd.s32 $0xFFFFEC00  }
0xa6: {  	_ =	swait.ge [sflag:s3], $0x1400  }
0xa7: {  	[sflag:s3] =	ssyncset.done $0x0  }
0xa8: {  	[sflag:s3] =	ssyncadd.s32 $0xFFFFEC00  }
0xa9: {  	_ =	swait.ge [sflag:s30], $0x1400  }
0xaa: {  	[sflag:s30] =	ssyncset.done $0x0  }
0xab: {  	[sflag:s30] =	ssyncadd.s32 $0xFFFFEC00  }
0xac: {  	[bflag:$0x0] =	sbarrier.arrive $0xFFFF  }
0xad: {  	s19 =	rddreg [dreg:$0x7]  }
0xae: {  	s10 =	simm.s32 $0x0;
	s11 =	rddreg [dreg:$0x1b]  }
0xaf: {  	[tilespmem:s10], [sflag:$0x1] =	stream.linear.gather [hbm4b:s19+s10], $0x28, $0x38;
	[tilespmem:$0x1A900] =	vst v63  }
0xb0: {  	s19 =	rddreg [dreg:$0x8]  }
0xb1: {  	[tilespmem:s13], [sflag:$0x1] =	stream.linear.gather [hbm4b:s19+s10], $0x28, $0x38;
	[tilespmem:$0x1A900] =	vst v63  }
0xb2: {  	s19 =	rddreg [dreg:$0x9]  }
0xb3: {  	[tilespmem:s12], [sflag:$0x2] =	stream.linear.gather [hbm4b:s19+s10], $0x28, $0x38;
	[tilespmem:$0x1A900] =	vst v63  }
0xb4: {  	s19 =	rddreg [dreg:$0xa]  }
0xb5: {  	[tilespmem:s14], [sflag:$0x2] =	stream.linear.gather [hbm4b:s19+s10], $0x28, $0x38;
	[tilespmem:$0x1A900] =	vst v63  }
0xb6: {  	s19 =	rddreg [dreg:$0xb]  }
0xb7: {  	[tilespmem:s15], [sflag:$0x3] =	stream.linear.gather [hbm4b:s19+s10], $0x28, $0x38;
	[tilespmem:$0x1A900] =	vst v63  }
0xb8: {  	s19 =	rddreg [dreg:$0xc]  }
0xb9: {  	[tilespmem:s16], [sflag:$0x3] =	stream.linear.gather [hbm4b:s19+s10], $0x28, $0x38;
	[tilespmem:$0x1A900] =	vst v63  }
0xba: {  	s19 =	rddreg [dreg:$0xd]  }
0xbb: {  	[tilespmem:s5], [sflag:$0x4] =	stream.linear.gather [hbm4b:s19+s10], $0x28, $0x38;
	[tilespmem:$0x1A900] =	vst v63  }
0xbc: {  	s19 =	rddreg [dreg:$0xe]  }
0xbd: {  	[tilespmem:s20], [sflag:$0x4] =	stream.linear.gather [hbm4b:s19+s10], $0x28, $0x38;
	[tilespmem:$0x1A900] =	vst v63  }
0xbe: {  	s19 =	rddreg [dreg:$0xf]  }
0xbf: {  	[tilespmem:s22], [sflag:$0x5] =	stream.linear.gather [hbm4b:s19+s10], $0x28, $0x38;
	[tilespmem:$0x1A900] =	vst v63  }
0xc0: {  	s19 =	rddreg [dreg:$0x10]  }
0xc1: {  	[tilespmem:s24], [sflag:$0x5] =	stream.linear.gather [hbm4b:s19+s10], $0x28, $0x38;
	[tilespmem:$0x1A900] =	vst v63  }
.LBB2_4:
0xc2: {  	_ =	swait.ge [sflag:s17], $0x28  }
0xc3: {  	[sflag:s17] =	ssyncset.done $0x0  }
0xc4: {  	[sflag:s17] =	ssyncadd.s32 $0xFFFFFFD8  }
0xc5: {  	_ =	swait.ge [sflag:s17], $0x28  }
0xc6: {  	[sflag:s17] =	ssyncset.done $0x0  }
0xc7: {  	s19 =	simm.s32 $0x500;
	[sflag:s17] =	ssyncadd.s32 $0xFFFFFFD8  }
0xc8: {  	[tilespmem:s19], [sflag:$0x6] =	stream.indirect.gather [hbm4b:s1+s18], $0x80, s4, s18, $0xb8;
	[tilespmem:$0x1A900] =	vst v63  }
0xc9: {  	_ =	swait.ge [sflag:s7], $0x28  }
0xca: {  	[sflag:s7] =	ssyncset.done $0x0  }
0xcb: {  	[sflag:s7] =	ssyncadd.s32 $0xFFFFFFD8  }
0xcc: {  	_ =	swait.ge [sflag:s7], $0x28  }
0xcd: {  	[sflag:s7] =	ssyncset.done $0x0  }
0xce: {  	[sflag:s7] =	ssyncadd.s32 $0xFFFFFFD8  }
0xcf: {  	[tilespmem:s25], [sflag:$0x7] =	stream.indirect.gather [hbm4b:s1+s18], $0x80, s12, s18, $0xb8;
	[tilespmem:$0x1A900] =	vst v63  }
0xd0: {  	_ =	swait.ge [sflag:s6], $0x28  }
0xd1: {  	[sflag:s6] =	ssyncset.done $0x0  }
0xd2: {  	[sflag:s6] =	ssyncadd.s32 $0xFFFFFFD8  }
0xd3: {  	_ =	swait.ge [sflag:s6], $0x28  }
0xd4: {  	[sflag:s6] =	ssyncset.done $0x0  }
0xd5: {  	s12 =	simm.s32 $0x2D00;
	[sflag:s6] =	ssyncadd.s32 $0xFFFFFFD8  }
0xd6: {  	[tilespmem:s12], [sflag:$0x8] =	stream.indirect.gather [hbm4b:s1+s18], $0x80, s15, s18, $0xb8;
	[tilespmem:$0x1A900] =	vst v63  }
0xd7: {  	_ =	swait.ge [sflag:s21], $0x28  }
0xd8: {  	[sflag:s21] =	ssyncset.done $0x0  }
0xd9: {  	[sflag:s21] =	ssyncadd.s32 $0xFFFFFFD8  }
0xda: {  	_ =	swait.ge [sflag:s21], $0x28  }
0xdb: {  	[sflag:s21] =	ssyncset.done $0x0  }
0xdc: {  	s15 =	simm.s32 $0x4100;
	[sflag:s21] =	ssyncadd.s32 $0xFFFFFFD8  }
0xdd: {  	[tilespmem:s15], [sflag:$0x9] =	stream.indirect.gather [hbm4b:s1+s18], $0x80, s5, s18, $0xb8;
	[tilespmem:$0x1A900] =	vst v63  }
0xde: {  	_ =	swait.ge [sflag:s23], $0x28  }
0xdf: {  	[sflag:s23] =	ssyncset.done $0x0  }
0xe0: {  	[sflag:s23] =	ssyncadd.s32 $0xFFFFFFD8  }
0xe1: {  	_ =	swait.ge [sflag:s23], $0x28  }
0xe2: {  	[sflag:s23] =	ssyncset.done $0x0  }
0xe3: {  	s5 =	simm.s32 $0x5500;
	[sflag:s23] =	ssyncadd.s32 $0xFFFFFFD8  }
0xe4: {  	[tilespmem:s5], [sflag:$0xA] =	stream.indirect.gather [hbm4b:s1+s18], $0x80, s22, s18, $0xb8;
	[tilespmem:$0x1A900] =	vst v63  }
0xe5: {  	s22 =	simm.s32 $0x6  }
0xe6: {  	_ =	swait.ge [sflag:s22], $0x1400  }
0xe7: {  	[sflag:s22] =	ssyncset.done $0x0  }
0xe8: {  	[sflag:s22] =	ssyncadd.s32 $0xFFFFEC00  }
0xe9: {  	[spmem:s2] =	stream.indirect.scatter.add.f32 [tilespmem:s19], [sflag:$0xB], $0x80, s13, s18, $0xb8;
	[tilespmem:$0x1A900] =	vst v63  }
0xea: {  	_ =	swait.ge [sflag:s26], $0x1400  }
0xeb: {  	[sflag:s26] =	ssyncset.done $0x0  }
0xec: {  	[sflag:s26] =	ssyncadd.s32 $0xFFFFEC00  }
0xed: {  	[spmem:s2] =	stream.indirect.scatter.add.f32 [tilespmem:s25], [sflag:$0xC], $0x80, s14, s18, $0xb8;
	[tilespmem:$0x1A900] =	vst v63  }
0xee: {  	_ =	swait.ge [sflag:s28], $0x1400  }
0xef: {  	[sflag:s28] =	ssyncset.done $0x0  }
0xf0: {  	[sflag:s28] =	ssyncadd.s32 $0xFFFFEC00  }
0xf1: {  	[spmem:s2] =	stream.indirect.scatter.add.f32 [tilespmem:s12], [sflag:$0xD], $0x80, s16, s18, $0xb8;
	[tilespmem:$0x1A900] =	vst v63  }
0xf2: {  	_ =	swait.ge [sflag:s8], $0x1400  }
0xf3: {  	[sflag:s8] =	ssyncset.done $0x0  }
0xf4: {  	[sflag:s8] =	ssyncadd.s32 $0xFFFFEC00  }
0xf5: {  	[spmem:s2] =	stream.indirect.scatter.add.f32 [tilespmem:s15], [sflag:$0xE], $0x80, s20, s18, $0xb8;
	[tilespmem:$0x1A900] =	vst v63  }
0xf6: {  	_ =	swait.ge [sflag:s9], $0x1400  }
0xf7: {  	p0 =	seq.s32 s10, $0x4C9;
	s22 =	simm.s32 $0x400;
	[sflag:s9] =	ssyncset.done $0x0  }
.Ltmp3:
0xf8: {  	s19 =	simm.s32 $0x480;
	[sflag:s9] =	ssyncadd.s32 $0xFFFFEC00;
	(pc) =	sbr.rel @p0 .LBB2_6-.Ltmp3, $4  }
0xf9: {  	[spmem:s2] =	stream.indirect.scatter.add.f32 [tilespmem:s5], [sflag:$0xF], $0x80, s24, s18, $0xb8;
	[tilespmem:$0x1A900] =	vst v63  }
0xfa: {  	s14 =	simm.s32 $0x80;
	s16 =	simm.s32 $0x100;
	_ =	swait.ge [sflag:s30], $0x1400  }
0xfb: {  	s20 =	simm.s32 $0x180;
	s15 =	simm.s32 $0x300;
	[sflag:s30] =	ssyncset.done $0x0  }
0xfc: {  	s24 =	simm.s32 $0x200;
	s5 =	simm.s32 $0x380;
	[sflag:s30] =	ssyncadd.s32 $0xFFFFEC00  }
0xfd: {  	s12 =	sshrl.u32 s11, $0x3;
	s13 =	rddreg [dreg:$0x4]  }
0xfe: {  	s13 =	sadd.s32 s13, s12  }
0xff: {  	[tilespmem:s4], [sflag:$0x1] =	stream.linear.gather [hbm4b:s13+s4], $0x28, $0x38;
	[tilespmem:$0x1A900] =	vst v63  }
0x100: {  	s13 =	rddreg [dreg:$0x5]  }
0x101: {  	s12 =	sadd.s32 s13, s12;
	s13 =	simm.s32 $0x280  }
0x102: {  	[tilespmem:s13], [sflag:$0x1] =	stream.linear.gather [hbm4b:s12+s4], $0x28, $0x38;
	[tilespmem:$0x1A900] =	vst v63  }
0x103: {  	_ =	swait.ge [sflag:s31], $0x1400  }
0x104: {  	[sflag:s31] =	ssyncset.done $0x0;
	s12 =	rddreg [dreg:$0x1a]  }
0x105: {  	[sflag:s31] =	ssyncadd.s32 $0xFFFFEC00;
	s12 =	sadd.s32 s10, s12  }
0x106: {  	[tilespmem:s14], [sflag:$0x2] =	stream.linear.gather [hbm4b:s12+s4], $0x28, $0x38;
	[tilespmem:$0x1A900] =	vst v63  }
0x107: {  	s14 =	rddreg [dreg:$0x19]  }
0x108: {  	s12 =	sadd.s32 s10, s14  }
0x109: {  	[tilespmem:s15], [sflag:$0x2] =	stream.linear.gather [hbm4b:s12+s4], $0x28, $0x38;
	[tilespmem:$0x1A900] =	vst v63  }
0x10a: {  	_ =	swait.ge [sflag:s0], $0x1400  }
0x10b: {  	[sflag:s0] =	ssyncset.done $0x0;
	s14 =	rddreg [dreg:$0x18]  }
0x10c: {  	s15 =	rddreg [dreg:$0x17];
	[sflag:s0] =	ssyncadd.s32 $0xFFFFEC00;
	s12 =	sadd.s32 s10, s14  }
0x10d: {  	[tilespmem:s16], [sflag:$0x3] =	stream.linear.gather [hbm4b:s12+s4], $0x28, $0x38;
	[tilespmem:$0x1A900] =	vst v63  }
0x10e: {  	s12 =	sadd.s32 s10, s15  }
0x10f: {  	[tilespmem:s5], [sflag:$0x3] =	stream.linear.gather [hbm4b:s12+s4], $0x28, $0x38;
	[tilespmem:$0x1A900] =	vst v63  }
0x110: {  	_ =	swait.ge [sflag:s29], $0x1400  }
0x111: {  	[sflag:s29] =	ssyncset.done $0x0;
	s16 =	rddreg [dreg:$0x16]  }
0x112: {  	[sflag:s29] =	ssyncadd.s32 $0xFFFFEC00;
	s12 =	sadd.s32 s10, s16  }
0x113: {  	[tilespmem:s20], [sflag:$0x4] =	stream.linear.gather [hbm4b:s12+s4], $0x28, $0x38;
	[tilespmem:$0x1A900] =	vst v63  }
0x114: {  	s20 =	rddreg [dreg:$0x15]  }
0x115: {  	s12 =	sadd.s32 s10, s20  }
0x116: {  	[tilespmem:s22], [sflag:$0x4] =	stream.linear.gather [hbm4b:s12+s4], $0x28, $0x38;
	[tilespmem:$0x1A900] =	vst v63  }
0x117: {  	_ =	swait.ge [sflag:s3], $0x1400  }
0x118: {  	[sflag:s3] =	ssyncset.done $0x0;
	s22 =	rddreg [dreg:$0x14]  }
0x119: {  	s11 =	sadd.s32 $0xC8, s11;
	[sflag:s3] =	ssyncadd.s32 $0xFFFFEC00;
	s12 =	sadd.s32 s10, s22  }
0x11a: {  	[tilespmem:s24], [sflag:$0x5] =	stream.linear.gather [hbm4b:s12+s4], $0x28, $0x38;
	[tilespmem:$0x1A900] =	vst v63  }
.Ltmp4:
0x11b: {  	s14 =	simm.s32 $0x300;
	s15 =	simm.s32 $0x100;
	(pc) =	sbr.rel .LBB2_4-.Ltmp4, $4  }
0x11c: {  	s5 =	simm.s32 $0x180;
	s16 =	simm.s32 $0x380;
	s24 =	rddreg [dreg:$0x13]  }
0x11d: {  	s20 =	simm.s32 $0x400;
	s22 =	simm.s32 $0x200;
	s12 =	sadd.s32 s10, s24  }
0x11e: {  	[tilespmem:s19], [sflag:$0x5] =	stream.linear.gather [hbm4b:s12+s4], $0x28, $0x38;
	[tilespmem:$0x1A900] =	vst v63  }
0x11f: {  	s10 =	sadd.s32 $0x19, s10;
	s24 =	simm.s32 $0x480;
	s12 =	simm.s32 $0x80  }
.LBB2_7:
0x120: {  	_ =	sfence.sel $0x180000  }
0x121: {  	[bflag:$0x0] =	sbarrier.arrive $0xFFFF  }
0x122: {  	_ =	strace $0x9000004D  }
0x123: {  	s0 =	stileid.u32;
	[bflag:$0x2] =	sbarrier.arrive $0xFFFF  }
0x124: {  	p0 =	sne.s32 s0, $0x0;
	s0 =	rddreg [dreg:$0x3]  }
0x125: {  	s0 =	sadd.s32 @!p0 $0x100000, s0  }
0x126: {  	[sflag:s0] =	ssyncadd.tile.s32 @!p0 $0x1;
	_ =	shalt  }
.Lfunc_end2:
_tile_overlayer_lowered:
.L_overlay_start_2:
0x127: {  	(tag) =	ssettag $0x2  }
0x128: {  	s0 =	rddreg [dreg:$0x0];
	s2 =	stileid.u32  }
0x129: {  	s1 =	rddreg [dreg:$0x1];
	p0 =	sne.s32 s2, $0x0  }
0x12a: {  	s3 =	rddreg [dreg:$0x2];
	[bflag:$0x3] =	sbarrier.arrive $0xFFFF;
	s2 =	simm.s32 @!p0 $0x1C10  }
0x12b: {  	[timem:s3], [sflag:s2] =	dma.local @!p0 [hbm:s0], s1  }
0x12c: {  	s0 =	simm.s32 @!p0 $0x10  }
0x12d: {  	_ =	swait.ge @!p0 [sflag:s0], s1  }
0x12e: {  	s1 =	ssub.s32 @!p0 $0x0, s1;
	[sflag:s0] =	ssyncset.done @!p0 $0x0  }
0x12f: {  	[sflag:s0] =	ssyncadd.s32 @!p0 s1  }
0x130: {  	[bflag:$0x3] =	sbarrier.arrive $0xFFFF  }
0x131: {  	_ =	shalt  }

// kernel: kernel.20.cloned.1.call-start
scs
__scs_entry_jumppad:
0x0: {  	(pc) =	sbr.rel $0x88, $3  }
0x1: {  	(tag) =	ssettag $0x0;
	lr =	simm.s32 $0x1  }
0x2: {  	[smem:$0x3F99] =	sst lr;
	_ =	strace $0xD0000000  }
0x3: {  	_ = 	snop  }
0x4: {  	_ = 	snop  }
0x5: {  	_ = 	snop  }
0x6: {  	_ = 	snop  }
0x7: {  	_ = 	snop  }
__scs_overlays_trampoline_lowered:
0x8: {  	[smem:$0x3FA8] =	sst s0  }
0x9: {  	[smem:$0x3FA9] =	sst s1  }
0xa: {  	[smem:$0x3FAA] =	sst s2  }
0xb: {  	[smem:$0x3FAB] =	sst s3  }
0xc: {  	[smem:$0x3FAC] =	sst s4  }
0xd: {  	[smem:$0x3FAD] =	sst s5  }
0xe: {  	[smem:$0x3FAE] =	sst s6  }
0xf: {  	[smem:$0x3FAF] =	sst s7  }
0x10: {  	[smem:$0x3FB0] =	sst s8  }
0x11: {  	[smem:$0x3FB1] =	sst s9;
	s0 =	simm.s32 @!p0 $0x0  }
0x12: {  	s1 =	sld [smem:$0x3F97];
	s0 =	simm.s32 @p0 $0x1  }
0x13: {  	[smem:$0x3FB2] =	sst s0;
	s0 =	simm.s32 @!p1 $0x0  }
0x14: {  	s2 =	sld [smem:$0x3F96];
	s0 =	simm.s32 @p1 $0x1  }
0x15: {  	[smem:$0x3FB3] =	sst s0;
	s0 =	simm.s32 @!p2 $0x0  }
0x16: {  	s3 =	sld [smem:$0x3FDB];
	s0 =	simm.s32 @p2 $0x1  }
0x17: {  	s4 =	simm.s32 $0x1BF5;
	[smem:$0x3FB5] =	sst s0  }
0x18: {  	s0 =	sld [smem:$0x3F98];
	_ =	swait.ge [sflag:s4], $0x0  }
0x19: {  	s7 =	sld [smem:$0x3F99]  }
0x1a: {  	s8 =	sadd.s32 $0xFFFFE003, lr  }
0x1b: {  	s9 =	sadd.s32 $0xFFFFFEF7, lr;
	s5 =	simm.s32 $0xFFFFFFFF;
	p2 =	slt.u32 s8, $0xFFFFF086  }
0x1c: {  	p1 =	slt.u32 s9, $0xF7A;
	s5 =	simm.s32 @!p2 $0x0  }
0x1d: {  	s5 =	simm.s32 @p1 $0x1;
	p0 =	seq.s32 s7, s2  }
0x1e: {  	s7 =	smul.u32 @!p0 $0xF7A, s2;
	p2 =	seq.s32 @!p0 s5, $0x0  }
0x1f: {  	s9 =	smul.u32 $0xF7A, s1;
	s8 =	simm.s32 @!p0 $0x1BF5;
	p2 =	por !p2, p0  }
0x20: {  	[sflag:s8] =	ssyncset.s32 @!p0 $0xFFFFF086;
	s6 =	sadd.s32 @!p0 s3, s7;
	s7 =	simm.s32 @!p0 $0x108  }
0x21: {  	s3 =	sadd.s32 s3, s9;
	s6 =	sadd.s32 @!p0 $0x88, s6;
	s7 =	simm.s32 @p2 $0x1082  }
0x22: {  	[simem:s7], [sflag:s8] =	dma.local @!p0 [hbm:s6], $0xF7A  }
0x23: {  	s9 =	sor.u32 $0xD0000000, s2;
	s6 =	simm.s32 $0x108;
	_ =	swait.ge @!p0 [sflag:s8], $0x0  }
0x24: {  	s3 =	sadd.s32 $0x88, s3;
	s6 =	simm.s32 @!p1 $0x1082;
	[sflag:s4] =	ssyncset.s32 $0xFFFFF086  }
0x25: {  	[simem:s6], [sflag:s4] =	dma.local [hbm:s3], $0xF7A  }
0x26: {  	[smem:$0x3F99] =	sst s1;
	(tag) =	ssettag s2;
	_ =	strace s9  }
0x27: {  	s1 =	sld [smem:$0x3FA9]  }
0x28: {  	s2 =	sld [smem:$0x3FAA]  }
0x29: {  	s4 =	sld [smem:$0x3FAC]  }
0x2a: {  	p0 =	seq.s32 s5, $0x0;
	s5 =	sld [smem:$0x3FAD]  }
0x2b: {  	s6 =	sld [smem:$0x3FAE]  }
0x2c: {  	s7 =	sld [smem:$0x3FAF]  }
0x2d: {  	s3 =	simm.s32 $0x108;
	s8 =	sld [smem:$0x3FB0]  }
0x2e: {  	s3 =	simm.s32 @!p0 $0x1082;
	s9 =	sld [smem:$0x3FB1]  }
0x2f: {  	lr =	sadd.s32 s0, s3;
	s0 =	sld [smem:$0x3FA8]  }
0x30: {  	s3 =	sld [smem:$0x3FAB]  }
0x31: {  	[smem:$0x3FB4] =	sst s10  }
0x32: {  	s10 =	sld [smem:$0x3FB2];
	_ =	sdelay $0x3  }
0x33: {  	p0 =	seq.s32 s10, $0x1;
	s10 =	sld [smem:$0x3FB4];
	_ =	sdelay $0x3  }
0x34: {  	[smem:$0x3FB4] =	sst s10  }
0x35: {  	s10 =	sld [smem:$0x3FB3];
	_ =	sdelay $0x3  }
0x36: {  	p1 =	seq.s32 s10, $0x1;
	s10 =	sld [smem:$0x3FB4];
	_ =	sdelay $0x3  }
0x37: {  	[smem:$0x3FB4] =	sst s10  }
0x38: {  	s10 =	sld [smem:$0x3FB5]  }
0x39: {  	_ = 	snop;
	(pc) =	sbr.ind lr, $3  }
0x3a: {  	_ = 	snop  }
0x3b: {  	_ = 	snop  }
0x3c: {  	p2 =	seq.s32 s10, $0x1;
	s10 =	sld [smem:$0x3FB4]  }
0x3d: {  	_ =	shalt  }
0x3e: {  	_ =	shalt  }
0x3f: {  	_ =	shalt  }
0x40: {  	_ =	shalt  }
0x41: {  	_ =	shalt  }
0x42: {  	_ =	shalt  }
0x43: {  	_ =	shalt  }
0x44: {  	_ =	shalt  }
0x45: {  	_ =	shalt  }
0x46: {  	_ =	shalt  }
0x47: {  	_ =	shalt  }
0x48: {  	_ =	shalt  }
0x49: {  	_ =	shalt  }
0x4a: {  	_ =	shalt  }
0x4b: {  	_ =	shalt  }
0x4c: {  	_ =	shalt  }
0x4d: {  	_ =	shalt  }
0x4e: {  	_ =	shalt  }
0x4f: {  	_ =	shalt  }
0x50: {  	_ =	shalt  }
0x51: {  	_ =	shalt  }
0x52: {  	_ =	shalt  }
0x53: {  	_ =	shalt  }
0x54: {  	_ =	shalt  }
0x55: {  	_ =	shalt  }
0x56: {  	_ =	shalt  }
0x57: {  	_ =	shalt  }
0x58: {  	_ =	shalt  }
0x59: {  	_ =	shalt  }
0x5a: {  	_ =	shalt  }
0x5b: {  	_ =	shalt  }
0x5c: {  	_ =	shalt  }
0x5d: {  	_ =	shalt  }
0x5e: {  	_ =	shalt  }
0x5f: {  	_ =	shalt  }
0x60: {  	_ =	shalt  }
0x61: {  	_ =	shalt  }
0x62: {  	_ =	shalt  }
0x63: {  	_ =	shalt  }
0x64: {  	_ =	shalt  }
0x65: {  	_ =	shalt  }
0x66: {  	_ =	shalt  }
0x67: {  	_ =	shalt  }
0x68: {  	_ =	shalt  }
0x69: {  	_ =	shalt  }
0x6a: {  	_ =	shalt  }
0x6b: {  	_ =	shalt  }
0x6c: {  	_ =	shalt  }
0x6d: {  	_ =	shalt  }
0x6e: {  	_ =	shalt  }
0x6f: {  	_ =	shalt  }
0x70: {  	_ =	shalt  }
0x71: {  	_ =	shalt  }
0x72: {  	_ =	shalt  }
0x73: {  	_ =	shalt  }
0x74: {  	_ =	shalt  }
0x75: {  	_ =	shalt  }
0x76: {  	_ =	shalt  }
0x77: {  	_ =	shalt  }
0x78: {  	_ =	shalt  }
0x79: {  	_ =	shalt  }
0x7a: {  	_ =	shalt  }
0x7b: {  	_ =	shalt  }
0x7c: {  	_ =	shalt  }
0x7d: {  	_ =	shalt  }
0x7e: {  	_ =	shalt  }
0x7f: {  	_ =	shalt  }
0x80: {  	_ =	shalt  }
0x81: {  	_ =	shalt  }
0x82: {  	_ =	shalt  }
0x83: {  	_ =	shalt  }
0x84: {  	_ =	shalt  }
0x85: {  	_ =	shalt  }
0x86: {  	_ =	shalt  }
0x87: {  	_ =	shalt  }
.Lfunc_end0:
.L_simem_size_0:
called_computation.3_lowered:
.L_overlay_start_0:
0x88: {  	s2 =	sld [smem:$0x3FD9]  }
0x89: {  	s3 =	sld [smem:$0x3FFE];
	_ =	sdelay $0x1  }
0x8a: {  	s1 =	srdreg.scid  }
0x8b: {  	s0 =	sand.u32 $0x1, s1  }
0x8c: {  	s17 =	sshll.u32 s0, $0xA;
	s2 =	sadd.s32 s3, s2  }
0x8d: {  	s2 =	sadd.s32 s2, s17  }
0x8e: {  	[smem:$0x3FC0] =	sst s2  }
0x8f: {  	_ = 	snop  }
0x90: {  	s2 =	sld [smem:$0x3FD0];
	(tm) =	ssettm $0x1  }
0x91: {  	s18 =	sld [smem:$0x3FFB];
	_ =	sdelay $0x3  }
0x92: {  	_ =	strace s18  }
0x93: {  	s3 =	sld [smem:$0x3FFC];
	_ =	sdelay $0x3  }
0x94: {  	_ =	strace s3  }
0x95: {  	s3 =	sld [smem:$0x3FFD];
	_ =	sdelay $0x3  }
0x96: {  	_ =	strace s3  }
0x97: {  	_ =	strace $0x8FFFFFFF  }
0x98: {  	s19 =	sld [smem:$0x3FDB];
	_ =	sdelay $0x1  }
0x99: {  	s4 =	simm.s32 $_scs_section_size  }
0x9a: {  	s5 =	simm.s32 $_size__tile_overlayer_lowered;
	s6 =	simm.s32 $_tile_overlayer_lowered  }
0x9b: {  	s22 =	simm.s32 $0x1BFF;
	s21 =	sshll.u32 s6, $0x1;
	s3 =	sadd.s32 s4, s19  }
0x9c: {  	s7 =	simm.s32 $0x0;
	s20 =	sshll.u32 s5, $0x1;
	s5 =	sadd.s32 s21, s3  }
0x9d: {  	[timem:s7], [sflag:s22] =	dma.local [hbm:s5], s20  }
0x9e: {  	_ =	swait.ge [sflag:s22], s20  }
0x9f: {  	s4 =	ssub.s32 $0x0, s20;
	[sflag:s22] =	ssyncset.done $0x0  }
0xa0: {  	[sflag:s22] =	ssyncadd.s32 s4;
	_ =	sdelay $0x1  }
0xa1: {  	s23 =	simm.s32 $0x1B8B  }
0xa2: {  	_ =	swait.ge [sflag:s23], $0x1  }
0xa3: {  	[sflag:s23] =	ssyncset.done $0x0  }
0xa4: {  	s25 =	simm.s32 $0x1B8E;
	s24 =	sld [smem:$0x3FFE];
	[sflag:s23] =	ssyncadd.s32 $0xFFFFFFFF  }
0xa5: {  	s26 =	simm.s32 $execute0_lowered;
	[smem:$0x3FD2] =	sst s25  }
0xa6: {  	s5 =	sshll.u32 s26, $0x1;
	_ =	strace $0x8000004F;
	[dreg:$0x1] =	wrdreg $0xFFFFFFFF  }
0xa7: {  	s28 =	simm.s32 $_size_execute0_lowered;
	s3 =	sadd.s32 s3, s5;
	[dreg:$0x0] =	wrdreg $0x0  }
0xa8: {  	s5 =	sshll.u32 s28, $0x1;
	[dreg:$0x2] =	wrdreg s3  }
0xa9: {  	[dreg:$0x3] =	wrdreg s5  }
0xaa: {  	[dreg:$0x4] =	wrdreg $0xC0  }
0xab: {  	_ =	task [dreg:s7], $0x5FFFF  }
0xac: {  	[dreg:$0x1] =	wrdreg $0xFFFFFFFF  }
0xad: {  	[dreg:$0x0] =	wrdreg $0x60  }
0xae: {  	[dreg:$0x2] =	wrdreg s2  }
0xaf: {  	[dreg:$0x3] =	wrdreg s24  }
0xb0: {  	[dreg:$0x4] =	wrdreg $0x69000  }
0xb1: {  	[dreg:$0x5] =	wrdreg $0x9  }
0xb2: {  	_ =	task.clear_ibuf [dreg:s7], $0x6FFFF;
	_ =	strace $0x9000004F  }
0xb3: {  	s29 =	simm.s32 $0x9;
	_ =	strace $0x80000051  }
0xb4: {  	_ =	swait.ge [sflag:s29], $0x1  }
0xb5: {  	[sflag:s29] =	ssyncadd.s32 $0xFFFFFFFF  }
0xb6: {  	_ =	strace $0x90000051  }
0xb7: {  	_ =	sfence  }
0xb8: {  	s30 =	sld [smem:$0x0];
	_ =	sdelay $0x2  }
0xb9: {  	s31 =	sshll.u32 s1, $0xD;
	s1 =	sshrl.u32 s1, $0x2  }
0xba: {  	s3 =	sand.u32 $0x4000, s31;
	s1 =	sadd.s32 s1, s30  }
0xbb: {  	s0 =	sor.u32 s3, s0;
	s1 =	sshll.u32 s1, $0x11  }
0xbc: {  	s0 =	sor.u32 s1, s0  }
0xbd: {  	s0 =	sadd.s32 $0x8F2B, s0  }
0xbe: {  	[sflag:s0] =	ssyncadd.remote.s32 $0x1  }
0xbf: {  	_ =	sfence.sel $0xFFFF  }
0xc0: {  	[dreg:$0x0] =	wrdreg $0xFFFFFFFF;
	(pc) =	sbr.abs _section_cstart, $3  }
0xc1: {  	[dreg:$0x1] =	wrdreg $0xFFFFFFFF  }
0xc2: {  	_ =	task.clear_ibuf [dreg:s7], $0x2FFFF;
	_ =	strace $0x9FFFFFFF  }
0xc3: {  	(tm) =	ssettm $0x7FFFFFFF  }
tec
execute0_lowered:
.L_overlay_start_1:
0x0: {  	(tag) =	ssettag $0x1  }
0x1: {  	s1 =	rddreg [dreg:$0x0]  }
0x2: {  	s0 =	rddreg [dreg:$0x1]  }
0x3: {  	s2 =	rddreg [dreg:$0x2];
	s3 =	srdreg.scid  }
0x4: {  	s4 =	simm.s32 $0x0;
	s10 =	stileid.u32;
	s3 =	sand.u32 $0x1, s3  }
0x5: {  	[smem:$0x7FF] =	sst s4;
	s6 =	smul.u32 $0x14000, s10;
	s11 =	sadd.s32 $0x2C00, s0  }
0x6: {  	s12 =	sadd.s32 $0xCA00, s0;
	s20 =	sshll.u32 s10, $0x1;
	s8 =	smul.u32 $0x50000, s10  }
0x7: {  	s5 =	smul.u32 $0x140000, s3;
	_ =	strace $0x80000050;
	[dreg:$0x5] =	wrdreg s12  }
0x8: {  	s14 =	smul.u32 $0x4E20, s10;
	s7 =	ssub.s32 $0x2, s3;
	[dreg:$0x4] =	wrdreg s11  }
0x9: {  	s9 =	sshrl.u32 s7, $0x1;
	s21 =	sshrl.u32 s8, $0x2;
	s5 =	sadd.s32 s6, s5  }
0xa: {  	s6 =	sor.u32 s3, s20;
	s13 =	sadd.s32 s21, s2;
	s3 =	smul.u32 $0x2710, s3  }
0xb: {  	s5 =	sshrl.u32 s5, $0x3;
	s6 =	smul.u32 $0x2710, s6;
	[dreg:$0x6] =	wrdreg s13  }
0xc: {  	s0 =	sadd.s32 s5, s0;
	s3 =	sadd.s32 s3, s14;
	s14 =	sadd.s32 $0x3C00, s13  }
0xd: {  	s5 =	ssub.s32 s7, s9;
	s0 =	sadd.s32 $0x16800, s0;
	[dreg:$0x1e] =	wrdreg s14  }
0xe: {  	s22 =	sshrl.u32 s6, $0x3;
	s5 =	smax.u32 s5, $0x1;
	[dreg:$0x11] =	wrdreg s0  }
0xf: {  	s23 =	sadd.s32 $0x28, s6;
	s10 =	sadd.s32 $0xC8, s3;
	[dreg:$0x12] =	wrdreg s5  }
0x10: {  	s19 =	sadd.s32 $0x168, s3;
	s24 =	sadd.s32 s11, s22;
	[dreg:$0x1b] =	wrdreg s10  }
0x11: {  	s25 =	sadd.s32 s12, s22;
	s8 =	sshrl.u32 s23, $0x3;
	[dreg:$0x7] =	wrdreg s24  }
0x12: {  	s20 =	sshrl.u32 s19, $0x3;
	s19 =	sadd.s32 $0xA000, s13;
	[dreg:$0x8] =	wrdreg s25  }
0x13: {  	s30 =	simm.s32 $0xB;
	s26 =	sadd.s32 s11, s8;
	[smem:$0x7F6] =	sst s19  }
0x14: {  	s15 =	sadd.s32 $0xA, s22;
	s8 =	sadd.s32 s12, s8;
	[dreg:$0x9] =	wrdreg s26  }
0x15: {  	s6 =	sadd.s32 $0x78, s6;
	s16 =	sadd.s32 s11, s15;
	[dreg:$0xa] =	wrdreg s8  }
0x16: {  	s6 =	sshrl.u32 s6, $0x3;
	s9 =	sadd.s32 s12, s15;
	[dreg:$0xb] =	wrdreg s16  }
0x17: {  	s31 =	simm.s32 $0xC;
	s17 =	sadd.s32 s11, s6;
	[dreg:$0xc] =	wrdreg s9  }
0x18: {  	s7 =	sadd.s32 $0x14, s22;
	s6 =	sadd.s32 s12, s6;
	[dreg:$0xd] =	wrdreg s17  }
0x19: {  	s29 =	simm.s32 $0xE;
	s18 =	sadd.s32 s11, s7;
	[dreg:$0xe] =	wrdreg s6  }
0x1a: {  	s28 =	simm.s32 $0x8;
	s7 =	sadd.s32 s12, s7;
	[dreg:$0xf] =	wrdreg s18  }
0x1b: {  	s14 =	simm.s32 $0x300;
	s21 =	sadd.s32 s20, s12;
	[dreg:$0x10] =	wrdreg s7  }
0x1c: {  	s22 =	sadd.s32 $0x140, s3;
	s0 =	sadd.s32 s20, s11;
	[dreg:$0x13] =	wrdreg s21  }
0x1d: {  	s23 =	sshrl.u32 s22, $0x3;
	s15 =	sadd.s32 $0x5000, s13;
	[dreg:$0x14] =	wrdreg s0  }
0x1e: {  	s24 =	sadd.s32 $0x118, s3;
	s20 =	sadd.s32 $0xB400, s13;
	[dreg:$0x1f] =	wrdreg s15  }
0x1f: {  	s22 =	sadd.s32 $0xDC00, s13;
	s25 =	sadd.s32 s23, s12;
	[smem:$0x7F7] =	sst s20  }
0x20: {  	s5 =	sshrl.u32 s24, $0x3;
	s26 =	sadd.s32 $0xF0, s3;
	[smem:$0x7F9] =	sst s22  }
0x21: {  	s0 =	sadd.s32 s23, s11;
	s16 =	sadd.s32 $0x6400, s13;
	[dreg:$0x15] =	wrdreg s25  }
0x22: {  	s17 =	sadd.s32 $0x7800, s13;
	s18 =	sadd.s32 $0x8C00, s13;
	[dreg:$0x16] =	wrdreg s0  }
0x23: {  	s21 =	sadd.s32 $0xC800, s13;
	s23 =	sadd.s32 $0xF000, s13;
	[smem:$0x7F3] =	sst s16  }
0x24: {  	s24 =	sadd.s32 $0x10400, s13;
	s3 =	simm.s32 $0xF;
	[smem:$0x7F4] =	sst s17  }
0x25: {  	s15 =	simm.s32 $0x100;
	s20 =	simm.s32 $0x400;
	[smem:$0x7F5] =	sst s18  }
0x26: {  	s22 =	simm.s32 $0x200;
	s6 =	simm.s32 $0x3;
	[smem:$0x7F8] =	sst s21  }
0x27: {  	s7 =	sshrl.u32 s26, $0x3;
	s8 =	sadd.s32 s5, s12;
	[smem:$0x7FA] =	sst s23  }
0x28: {  	s5 =	sadd.s32 s5, s11;
	[smem:$0x7FB] =	sst s24;
	s25 =	sadd.s32 $0x11800, s13  }
0x29: {  	s26 =	sadd.s32 $0x12C00, s13;
	s16 =	simm.s32 $0x380;
	s24 =	simm.s32 $0x480  }
0x2a: {  	s17 =	simm.s32 $0x1;
	s18 =	simm.s32 $0x28;
	[dreg:$0x17] =	wrdreg s8  }
0x2b: {  	s21 =	simm.s32 $0x4;
	s23 =	simm.s32 $0x5;
	[dreg:$0x18] =	wrdreg s5  }
0x2c: {  	s9 =	sadd.s32 s7, s12;
	s0 =	sadd.s32 s7, s11;
	[smem:$0x7FC] =	sst s25  }
0x2d: {  	s11 =	sadd.s32 $0x1400, s13;
	s12 =	sadd.s32 $0x2800, s13;
	[smem:$0x7FD] =	sst s26  }
.Ltmp0:
0x2e: {  	s13 =	simm.s32 $0x280;
	[dreg:$0x19] =	wrdreg s9;
	(pc) =	sbr.rel .LBB2_1-.Ltmp0, $4  }
0x2f: {  	s5 =	simm.s32 $0x180;
	s7 =	simm.s32 $0x2;
	[dreg:$0x1a] =	wrdreg s0  }
0x30: {  	s26 =	simm.s32 $0x7;
	s8 =	simm.s32 $0x9;
	[dreg:$0x1c] =	wrdreg s11  }
0x31: {  	s25 =	simm.s32 $0x1900;
	[dreg:$0x1d] =	wrdreg s12;
	s0 =	simm.s32 $0xD  }
0x32: {  	v0 =	vimm.f32 $0.0e+00;
	s12 =	simm.s32 $0x80;
	s9 =	simm.s32 $0xA;
	s11 =	simm.s32 $0x0  }
.LBB2_6:
0x33: {  	_ =	swait.ge [sflag:s31], $0x1400  }
0x34: {  	[sflag:s31] =	ssyncset.done $0x0  }
0x35: {  	[sflag:s31] =	ssyncadd.s32 $0xFFFFEC00  }
0x36: {  	_ =	swait.ge [sflag:s0], $0x1400  }
0x37: {  	[sflag:s0] =	ssyncset.done $0x0  }
0x38: {  	[sflag:s0] =	ssyncadd.s32 $0xFFFFEC00  }
0x39: {  	_ =	swait.ge [sflag:s29], $0x1400  }
0x3a: {  	[sflag:s29] =	ssyncset.done $0x0  }
0x3b: {  	[sflag:s29] =	ssyncadd.s32 $0xFFFFEC00  }
0x3c: {  	_ =	swait.ge [sflag:s3], $0x1400  }
0x3d: {  	[sflag:s3] =	ssyncset.done $0x0  }
0x3e: {  	[sflag:s3] =	ssyncadd.s32 $0xFFFFEC00  }
0x3f: {  	s10 =	stileid.u32;
	[bflag:$0x0] =	sbarrier.arrive $0xFFFF  }
0x40: {  	s5 =	simm.s32 $0x10;
	s10 =	sshll.u32 s10, $0x6;
	s11 =	rddreg [dreg:$0x6]  }
0x41: {  	s10 =	sor.u32 $0x1C10, s10;
	s12 =	rddreg [dreg:$0x11];
	s11 =	sshrl.u32 s11, $0x3  }
0x42: {  	[hbm:s12], [sflag:s10] =	dma.local [spmem:s11], $0x2800  }
0x43: {  	_ =	swait.ge [sflag:s5], $0x2800  }
0x44: {  	s22 =	sld [smem:$0x7F2];
	_ =	sdelay $0x2  }
0x45: {  	s24 =	rddreg [dreg:$0x12];
	s11 =	sadd.s32 $0x1, s22  }
0x46: {  	p0 =	sne.s32 s11, s24  }
.Ltmp1:
0x47: {  	_ = 	snop;
	(pc) =	sbr.rel @!p0 .LBB2_7-.Ltmp1, $4  }
0x48: {  	s14 =	simm.s32 $0x300  }
0x49: {  	s15 =	simm.s32 $0x100;
	s16 =	simm.s32 $0x380;
	[sflag:s5] =	ssyncset.done $0x0  }
0x4a: {  	s20 =	simm.s32 $0x400;
	s12 =	simm.s32 $0x80;
	[sflag:s5] =	ssyncadd.s32 $0xFFFFD800  }
0x4b: {  	s5 =	simm.s32 $0x180;
	s22 =	simm.s32 $0x200;
	s24 =	simm.s32 $0x480  }
.LBB2_1:
0x4c: {  	[smem:$0x7F2] =	sst s11;
	s10 =	simm.s32 $0x0;
	s11 =	simm.s32 $0x200  }
.LBB2_2:
0x4d: {  	p0 =	sne.s32 s11, $0x4E00;
	[tilespmem:s10+$0x570] =	vst v0  }
0x4e: {  	[tilespmem:s10+$0x500] =	vst v0  }
0x4f: {  	[tilespmem:s10+$0x510] =	vst v0  }
.Ltmp2:
0x50: {  	[tilespmem:s10+$0x520] =	vst v0;
	(pc) =	sbr.rel @p0 .LBB2_2-.Ltmp2, $4  }
0x51: {  	[tilespmem:s10+$0x530] =	vst v0  }
0x52: {  	[tilespmem:s10+$0x540] =	vst v0  }
0x53: {  	[tilespmem:s10+$0x550] =	vst v0  }
0x54: {  	[tilespmem:s10+$0x560] =	vst v0;
	s10 =	sshra.s32 s11, $0x2;
	s11 =	sadd.s32 $0x200, s11  }
0x55: {  	[tilespmem:s10+$0x570] =	vst v0  }
0x56: {  	[tilespmem:s10+$0x500] =	vst v0  }
0x57: {  	[tilespmem:s10+$0x510] =	vst v0  }
0x58: {  	[tilespmem:s10+$0x520] =	vst v0  }
0x59: {  	[tilespmem:s10+$0x530] =	vst v0  }
0x5a: {  	[tilespmem:s10+$0x540] =	vst v0  }
0x5b: {  	[tilespmem:s10+$0x550] =	vst v0  }
0x5c: {  	[tilespmem:s10+$0x560] =	vst v0;
	s19 =	rddreg [dreg:$0x6];
	s11 =	simm.s32 $0x500  }
0x5d: {  	[spmem:s19] =	stream.linear.scatter [tilespmem:s11], [sflag:$0xB], $0x1400, $0x38;
	[tilespmem:$0x1A900] =	vst v63  }
0x5e: {  	s19 =	rddreg [dreg:$0x1c]  }
0x5f: {  	[spmem:s19] =	stream.linear.scatter [tilespmem:s11], [sflag:$0xC], $0x1400, $0x38;
	[tilespmem:$0x1A900] =	vst v63  }
0x60: {  	s19 =	rddreg [dreg:$0x1d]  }
0x61: {  	[spmem:s19] =	stream.linear.scatter [tilespmem:s11], [sflag:$0xD], $0x1400, $0x38;
	[tilespmem:$0x1A900] =	vst v63  }
0x62: {  	s19 =	rddreg [dreg:$0x1e]  }
0x63: {  	[spmem:s19] =	stream.linear.scatter [tilespmem:s11], [sflag:$0xE], $0x1400, $0x38;
	[tilespmem:$0x1A900] =	vst v63  }
0x64: {  	s19 =	rddreg [dreg:$0x1f]  }
0x65: {  	[spmem:s19] =	stream.linear.scatter [tilespmem:s11], [sflag:$0xF], $0x1400, $0x38;
	[tilespmem:$0x1A900] =	vst v63  }
0x66: {  	s19 =	sld [smem:$0x7F3];
	_ =	sdelay $0x2  }
0x67: {  	[spmem:s19] =	stream.linear.scatter [tilespmem:s11], [sflag:$0xB], $0x1400, $0x38;
	[tilespmem:$0x1A900] =	vst v63  }
0x68: {  	s19 =	sld [smem:$0x7F4];
	_ =	sdelay $0x2  }
0x69: {  	[spmem:s19] =	stream.linear.scatter [tilespmem:s11], [sflag:$0xC], $0x1400, $0x38;
	[tilespmem:$0x1A900] =	vst v63  }
0x6a: {  	s19 =	sld [smem:$0x7F5];
	_ =	sdelay $0x2  }
0x6b: {  	[spmem:s19] =	stream.linear.scatter [tilespmem:s11], [sflag:$0xD], $0x1400, $0x38;
	[tilespmem:$0x1A900] =	vst v63  }
0x6c: {  	s19 =	sld [smem:$0x7F6];
	_ =	sdelay $0x2  }
0x6d: {  	[spmem:s19] =	stream.linear.scatter [tilespmem:s11], [sflag:$0xE], $0x1400, $0x38;
	[tilespmem:$0x1A900] =	vst v63  }
0x6e: {  	s19 =	sld [smem:$0x7F7];
	_ =	sdelay $0x2  }
0x6f: {  	[spmem:s19] =	stream.linear.scatter [tilespmem:s11], [sflag:$0xF], $0x1400, $0x38;
	[tilespmem:$0x1A900] =	vst v63  }
0x70: {  	s19 =	sld [smem:$0x7F8];
	_ =	sdelay $0x2  }
0x71: {  	[spmem:s19] =	stream.linear.scatter [tilespmem:s11], [sflag:$0xB], $0x1400, $0x38;
	[tilespmem:$0x1A900] =	vst v63  }
0x72: {  	s19 =	sld [smem:$0x7F9];
	_ =	sdelay $0x2  }
0x73: {  	[spmem:s19] =	stream.linear.scatter [tilespmem:s11], [sflag:$0xC], $0x1400, $0x38;
	[tilespmem:$0x1A900] =	vst v63  }
0x74: {  	s19 =	sld [smem:$0x7FA];
	_ =	sdelay $0x2  }
0x75: {  	[spmem:s19] =	stream.linear.scatter [tilespmem:s11], [sflag:$0xD], $0x1400, $0x38;
	[tilespmem:$0x1A900] =	vst v63  }
0x76: {  	s19 =	sld [smem:$0x7FB];
	_ =	sdelay $0x2  }
0x77: {  	[spmem:s19] =	stream.linear.scatter [tilespmem:s11], [sflag:$0xE], $0x1400, $0x38;
	[tilespmem:$0x1A900] =	vst v63  }
0x78: {  	s19 =	sld [smem:$0x7FC];
	_ =	sdelay $0x2  }
0x79: {  	[spmem:s19] =	stream.linear.scatter [tilespmem:s11], [sflag:$0xF], $0x1400, $0x38;
	[tilespmem:$0x1A900] =	vst v63  }
0x7a: {  	s19 =	sld [smem:$0x7FD];
	_ =	sdelay $0x2  }
0x7b: {  	[spmem:s19] =	stream.linear.scatter [tilespmem:s11], [sflag:$0xB], $0x1400, $0x38;
	[tilespmem:$0x1A900] =	vst v63  }
0x7c: {  	_ =	swait.ge [sflag:s30], $0x1400  }
0x7d: {  	[sflag:s30] =	ssyncset.done $0x0  }
0x7e: {  	[sflag:s30] =	ssyncadd.s32 $0xFFFFEC00  }
0x7f: {  	_ =	swait.ge [sflag:s31], $0x1400  }
0x80: {  	[sflag:s31] =	ssyncset.done $0x0  }
0x81: {  	[sflag:s31] =	ssyncadd.s32 $0xFFFFEC00  }
0x82: {  	_ =	swait.ge [sflag:s0], $0x1400  }
0x83: {  	[sflag:s0] =	ssyncset.done $0x0  }
0x84: {  	[sflag:s0] =	ssyncadd.s32 $0xFFFFEC00  }
0x85: {  	_ =	swait.ge [sflag:s29], $0x1400  }
0x86: {  	[sflag:s29] =	ssyncset.done $0x0  }
0x87: {  	[sflag:s29] =	ssyncadd.s32 $0xFFFFEC00  }
0x88: {  	_ =	swait.ge [sflag:s3], $0x1400  }
0x89: {  	[sflag:s3] =	ssyncset.done $0x0  }
0x8a: {  	[sflag:s3] =	ssyncadd.s32 $0xFFFFEC00  }
0x8b: {  	_ =	swait.ge [sflag:s30], $0x1400  }
0x8c: {  	[sflag:s30] =	ssyncset.done $0x0  }
0x8d: {  	[sflag:s30] =	ssyncadd.s32 $0xFFFFEC00  }
0x8e: {  	_ =	swait.ge [sflag:s31], $0x1400  }
0x8f: {  	[sflag:s31] =	ssyncset.done $0x0  }
0x90: {  	[sflag:s31] =	ssyncadd.s32 $0xFFFFEC00  }
0x91: {  	_ =	swait.ge [sflag:s0], $0x1400  }
0x92: {  	[sflag:s0] =	ssyncset.done $0x0  }
0x93: {  	[sflag:s0] =	ssyncadd.s32 $0xFFFFEC00  }
0x94: {  	_ =	swait.ge [sflag:s29], $0x1400  }
0x95: {  	[sflag:s29] =	ssyncset.done $0x0  }
0x96: {  	[sflag:s29] =	ssyncadd.s32 $0xFFFFEC00  }
0x97: {  	_ =	swait.ge [sflag:s3], $0x1400  }
0x98: {  	[sflag:s3] =	ssyncset.done $0x0  }
0x99: {  	[sflag:s3] =	ssyncadd.s32 $0xFFFFEC00  }
0x9a: {  	_ =	swait.ge [sflag:s30], $0x1400  }
0x9b: {  	[sflag:s30] =	ssyncset.done $0x0  }
0x9c: {  	[sflag:s30] =	ssyncadd.s32 $0xFFFFEC00  }
0x9d: {  	_ =	swait.ge [sflag:s31], $0x1400  }
0x9e: {  	[sflag:s31] =	ssyncset.done $0x0  }
0x9f: {  	[sflag:s31] =	ssyncadd.s32 $0xFFFFEC00  }
0xa0: {  	_ =	swait.ge [sflag:s0], $0x1400  }
0xa1: {  	[sflag:s0] =	ssyncset.done $0x0  }
0xa2: {  	[sflag:s0] =	ssyncadd.s32 $0xFFFFEC00  }
0xa3: {  	_ =	swait.ge [sflag:s29], $0x1400  }
0xa4: {  	[sflag:s29] =	ssyncset.done $0x0  }
0xa5: {  	[sflag:s29] =	ssyncadd.s32 $0xFFFFEC00  }
0xa6: {  	_ =	swait.ge [sflag:s3], $0x1400  }
0xa7: {  	[sflag:s3] =	ssyncset.done $0x0  }
0xa8: {  	[sflag:s3] =	ssyncadd.s32 $0xFFFFEC00  }
0xa9: {  	_ =	swait.ge [sflag:s30], $0x1400  }
0xaa: {  	[sflag:s30] =	ssyncset.done $0x0  }
0xab: {  	[sflag:s30] =	ssyncadd.s32 $0xFFFFEC00  }
0xac: {  	[bflag:$0x0] =	sbarrier.arrive $0xFFFF  }
0xad: {  	s19 =	rddreg [dreg:$0x7]  }
0xae: {  	s10 =	simm.s32 $0x0;
	s11 =	rddreg [dreg:$0x1b]  }
0xaf: {  	[tilespmem:s10], [sflag:$0x1] =	stream.linear.gather [hbm4b:s19+s10], $0x28, $0x38;
	[tilespmem:$0x1A900] =	vst v63  }
0xb0: {  	s19 =	rddreg [dreg:$0x8]  }
0xb1: {  	[tilespmem:s13], [sflag:$0x1] =	stream.linear.gather [hbm4b:s19+s10], $0x28, $0x38;
	[tilespmem:$0x1A900] =	vst v63  }
0xb2: {  	s19 =	rddreg [dreg:$0x9]  }
0xb3: {  	[tilespmem:s12], [sflag:$0x2] =	stream.linear.gather [hbm4b:s19+s10], $0x28, $0x38;
	[tilespmem:$0x1A900] =	vst v63  }
0xb4: {  	s19 =	rddreg [dreg:$0xa]  }
0xb5: {  	[tilespmem:s14], [sflag:$0x2] =	stream.linear.gather [hbm4b:s19+s10], $0x28, $0x38;
	[tilespmem:$0x1A900] =	vst v63  }
0xb6: {  	s19 =	rddreg [dreg:$0xb]  }
0xb7: {  	[tilespmem:s15], [sflag:$0x3] =	stream.linear.gather [hbm4b:s19+s10], $0x28, $0x38;
	[tilespmem:$0x1A900] =	vst v63  }
0xb8: {  	s19 =	rddreg [dreg:$0xc]  }
0xb9: {  	[tilespmem:s16], [sflag:$0x3] =	stream.linear.gather [hbm4b:s19+s10], $0x28, $0x38;
	[tilespmem:$0x1A900] =	vst v63  }
0xba: {  	s19 =	rddreg [dreg:$0xd]  }
0xbb: {  	[tilespmem:s5], [sflag:$0x4] =	stream.linear.gather [hbm4b:s19+s10], $0x28, $0x38;
	[tilespmem:$0x1A900] =	vst v63  }
0xbc: {  	s19 =	rddreg [dreg:$0xe]  }
0xbd: {  	[tilespmem:s20], [sflag:$0x4] =	stream.linear.gather [hbm4b:s19+s10], $0x28, $0x38;
	[tilespmem:$0x1A900] =	vst v63  }
0xbe: {  	s19 =	rddreg [dreg:$0xf]  }
0xbf: {  	[tilespmem:s22], [sflag:$0x5] =	stream.linear.gather [hbm4b:s19+s10], $0x28, $0x38;
	[tilespmem:$0x1A900] =	vst v63  }
0xc0: {  	s19 =	rddreg [dreg:$0x10]  }
0xc1: {  	[tilespmem:s24], [sflag:$0x5] =	stream.linear.gather [hbm4b:s19+s10], $0x28, $0x38;
	[tilespmem:$0x1A900] =	vst v63  }
.LBB2_4:
0xc2: {  	_ =	swait.ge [sflag:s17], $0x28  }
0xc3: {  	[sflag:s17] =	ssyncset.done $0x0  }
0xc4: {  	[sflag:s17] =	ssyncadd.s32 $0xFFFFFFD8  }
0xc5: {  	_ =	swait.ge [sflag:s17], $0x28  }
0xc6: {  	[sflag:s17] =	ssyncset.done $0x0  }
0xc7: {  	s19 =	simm.s32 $0x500;
	[sflag:s17] =	ssyncadd.s32 $0xFFFFFFD8  }
0xc8: {  	[tilespmem:s19], [sflag:$0x6] =	stream.indirect.gather [hbm4b:s1+s18], $0x80, s4, s18, $0xb8;
	[tilespmem:$0x1A900] =	vst v63  }
0xc9: {  	_ =	swait.ge [sflag:s7], $0x28  }
0xca: {  	[sflag:s7] =	ssyncset.done $0x0  }
0xcb: {  	[sflag:s7] =	ssyncadd.s32 $0xFFFFFFD8  }
0xcc: {  	_ =	swait.ge [sflag:s7], $0x28  }
0xcd: {  	[sflag:s7] =	ssyncset.done $0x0  }
0xce: {  	[sflag:s7] =	ssyncadd.s32 $0xFFFFFFD8  }
0xcf: {  	[tilespmem:s25], [sflag:$0x7] =	stream.indirect.gather [hbm4b:s1+s18], $0x80, s12, s18, $0xb8;
	[tilespmem:$0x1A900] =	vst v63  }
0xd0: {  	_ =	swait.ge [sflag:s6], $0x28  }
0xd1: {  	[sflag:s6] =	ssyncset.done $0x0  }
0xd2: {  	[sflag:s6] =	ssyncadd.s32 $0xFFFFFFD8  }
0xd3: {  	_ =	swait.ge [sflag:s6], $0x28  }
0xd4: {  	[sflag:s6] =	ssyncset.done $0x0  }
0xd5: {  	s12 =	simm.s32 $0x2D00;
	[sflag:s6] =	ssyncadd.s32 $0xFFFFFFD8  }
0xd6: {  	[tilespmem:s12], [sflag:$0x8] =	stream.indirect.gather [hbm4b:s1+s18], $0x80, s15, s18, $0xb8;
	[tilespmem:$0x1A900] =	vst v63  }
0xd7: {  	_ =	swait.ge [sflag:s21], $0x28  }
0xd8: {  	[sflag:s21] =	ssyncset.done $0x0  }
0xd9: {  	[sflag:s21] =	ssyncadd.s32 $0xFFFFFFD8  }
0xda: {  	_ =	swait.ge [sflag:s21], $0x28  }
0xdb: {  	[sflag:s21] =	ssyncset.done $0x0  }
0xdc: {  	s15 =	simm.s32 $0x4100;
	[sflag:s21] =	ssyncadd.s32 $0xFFFFFFD8  }
0xdd: {  	[tilespmem:s15], [sflag:$0x9] =	stream.indirect.gather [hbm4b:s1+s18], $0x80, s5, s18, $0xb8;
	[tilespmem:$0x1A900] =	vst v63  }
0xde: {  	_ =	swait.ge [sflag:s23], $0x28  }
0xdf: {  	[sflag:s23] =	ssyncset.done $0x0  }
0xe0: {  	[sflag:s23] =	ssyncadd.s32 $0xFFFFFFD8  }
0xe1: {  	_ =	swait.ge [sflag:s23], $0x28  }
0xe2: {  	[sflag:s23] =	ssyncset.done $0x0  }
0xe3: {  	s5 =	simm.s32 $0x5500;
	[sflag:s23] =	ssyncadd.s32 $0xFFFFFFD8  }
0xe4: {  	[tilespmem:s5], [sflag:$0xA] =	stream.indirect.gather [hbm4b:s1+s18], $0x80, s22, s18, $0xb8;
	[tilespmem:$0x1A900] =	vst v63  }
0xe5: {  	s22 =	simm.s32 $0x6  }
0xe6: {  	_ =	swait.ge [sflag:s22], $0x1400  }
0xe7: {  	[sflag:s22] =	ssyncset.done $0x0  }
0xe8: {  	[sflag:s22] =	ssyncadd.s32 $0xFFFFEC00  }
0xe9: {  	[spmem:s2] =	stream.indirect.scatter.add.f32 [tilespmem:s19], [sflag:$0xB], $0x80, s13, s18, $0xb8;
	[tilespmem:$0x1A900] =	vst v63  }
0xea: {  	_ =	swait.ge [sflag:s26], $0x1400  }
0xeb: {  	[sflag:s26] =	ssyncset.done $0x0  }
0xec: {  	[sflag:s26] =	ssyncadd.s32 $0xFFFFEC00  }
0xed: {  	[spmem:s2] =	stream.indirect.scatter.add.f32 [tilespmem:s25], [sflag:$0xC], $0x80, s14, s18, $0xb8;
	[tilespmem:$0x1A900] =	vst v63  }
0xee: {  	_ =	swait.ge [sflag:s28], $0x1400  }
0xef: {  	[sflag:s28] =	ssyncset.done $0x0  }
0xf0: {  	[sflag:s28] =	ssyncadd.s32 $0xFFFFEC00  }
0xf1: {  	[spmem:s2] =	stream.indirect.scatter.add.f32 [tilespmem:s12], [sflag:$0xD], $0x80, s16, s18, $0xb8;
	[tilespmem:$0x1A900] =	vst v63  }
0xf2: {  	_ =	swait.ge [sflag:s8], $0x1400  }
0xf3: {  	[sflag:s8] =	ssyncset.done $0x0  }
0xf4: {  	[sflag:s8] =	ssyncadd.s32 $0xFFFFEC00  }
0xf5: {  	[spmem:s2] =	stream.indirect.scatter.add.f32 [tilespmem:s15], [sflag:$0xE], $0x80, s20, s18, $0xb8;
	[tilespmem:$0x1A900] =	vst v63  }
0xf6: {  	_ =	swait.ge [sflag:s9], $0x1400  }
0xf7: {  	p0 =	seq.s32 s10, $0x4C9;
	s22 =	simm.s32 $0x400;
	[sflag:s9] =	ssyncset.done $0x0  }
.Ltmp3:
0xf8: {  	s19 =	simm.s32 $0x480;
	[sflag:s9] =	ssyncadd.s32 $0xFFFFEC00;
	(pc) =	sbr.rel @p0 .LBB2_6-.Ltmp3, $4  }
0xf9: {  	[spmem:s2] =	stream.indirect.scatter.add.f32 [tilespmem:s5], [sflag:$0xF], $0x80, s24, s18, $0xb8;
	[tilespmem:$0x1A900] =	vst v63  }
0xfa: {  	s14 =	simm.s32 $0x80;
	s16 =	simm.s32 $0x100;
	_ =	swait.ge [sflag:s30], $0x1400  }
0xfb: {  	s20 =	simm.s32 $0x180;
	s15 =	simm.s32 $0x300;
	[sflag:s30] =	ssyncset.done $0x0  }
0xfc: {  	s24 =	simm.s32 $0x200;
	s5 =	simm.s32 $0x380;
	[sflag:s30] =	ssyncadd.s32 $0xFFFFEC00  }
0xfd: {  	s12 =	sshrl.u32 s11, $0x3;
	s13 =	rddreg [dreg:$0x4]  }
0xfe: {  	s13 =	sadd.s32 s13, s12  }
0xff: {  	[tilespmem:s4], [sflag:$0x1] =	stream.linear.gather [hbm4b:s13+s4], $0x28, $0x38;
	[tilespmem:$0x1A900] =	vst v63  }
0x100: {  	s13 =	rddreg [dreg:$0x5]  }
0x101: {  	s12 =	sadd.s32 s13, s12;
	s13 =	simm.s32 $0x280  }
0x102: {  	[tilespmem:s13], [sflag:$0x1] =	stream.linear.gather [hbm4b:s12+s4], $0x28, $0x38;
	[tilespmem:$0x1A900] =	vst v63  }
0x103: {  	_ =	swait.ge [sflag:s31], $0x1400  }
0x104: {  	[sflag:s31] =	ssyncset.done $0x0;
	s12 =	rddreg [dreg:$0x1a]  }
0x105: {  	[sflag:s31] =	ssyncadd.s32 $0xFFFFEC00;
	s12 =	sadd.s32 s10, s12  }
0x106: {  	[tilespmem:s14], [sflag:$0x2] =	stream.linear.gather [hbm4b:s12+s4], $0x28, $0x38;
	[tilespmem:$0x1A900] =	vst v63  }
0x107: {  	s14 =	rddreg [dreg:$0x19]  }
0x108: {  	s12 =	sadd.s32 s10, s14  }
0x109: {  	[tilespmem:s15], [sflag:$0x2] =	stream.linear.gather [hbm4b:s12+s4], $0x28, $0x38;
	[tilespmem:$0x1A900] =	vst v63  }
0x10a: {  	_ =	swait.ge [sflag:s0], $0x1400  }
0x10b: {  	[sflag:s0] =	ssyncset.done $0x0;
	s14 =	rddreg [dreg:$0x18]  }
0x10c: {  	s15 =	rddreg [dreg:$0x17];
	[sflag:s0] =	ssyncadd.s32 $0xFFFFEC00;
	s12 =	sadd.s32 s10, s14  }
0x10d: {  	[tilespmem:s16], [sflag:$0x3] =	stream.linear.gather [hbm4b:s12+s4], $0x28, $0x38;
	[tilespmem:$0x1A900] =	vst v63  }
0x10e: {  	s12 =	sadd.s32 s10, s15  }
0x10f: {  	[tilespmem:s5], [sflag:$0x3] =	stream.linear.gather [hbm4b:s12+s4], $0x28, $0x38;
	[tilespmem:$0x1A900] =	vst v63  }
0x110: {  	_ =	swait.ge [sflag:s29], $0x1400  }
0x111: {  	[sflag:s29] =	ssyncset.done $0x0;
	s16 =	rddreg [dreg:$0x16]  }
0x112: {  	[sflag:s29] =	ssyncadd.s32 $0xFFFFEC00;
	s12 =	sadd.s32 s10, s16  }
0x113: {  	[tilespmem:s20], [sflag:$0x4] =	stream.linear.gather [hbm4b:s12+s4], $0x28, $0x38;
	[tilespmem:$0x1A900] =	vst v63  }
0x114: {  	s20 =	rddreg [dreg:$0x15]  }
0x115: {  	s12 =	sadd.s32 s10, s20  }
0x116: {  	[tilespmem:s22], [sflag:$0x4] =	stream.linear.gather [hbm4b:s12+s4], $0x28, $0x38;
	[tilespmem:$0x1A900] =	vst v63  }
0x117: {  	_ =	swait.ge [sflag:s3], $0x1400  }
0x118: {  	[sflag:s3] =	ssyncset.done $0x0;
	s22 =	rddreg [dreg:$0x14]  }
0x119: {  	s11 =	sadd.s32 $0xC8, s11;
	[sflag:s3] =	ssyncadd.s32 $0xFFFFEC00;
	s12 =	sadd.s32 s10, s22  }
0x11a: {  	[tilespmem:s24], [sflag:$0x5] =	stream.linear.gather [hbm4b:s12+s4], $0x28, $0x38;
	[tilespmem:$0x1A900] =	vst v63  }
.Ltmp4:
0x11b: {  	s14 =	simm.s32 $0x300;
	s15 =	simm.s32 $0x100;
	(pc) =	sbr.rel .LBB2_4-.Ltmp4, $4  }
0x11c: {  	s5 =	simm.s32 $0x180;
	s16 =	simm.s32 $0x380;
	s24 =	rddreg [dreg:$0x13]  }
0x11d: {  	s20 =	simm.s32 $0x400;
	s22 =	simm.s32 $0x200;
	s12 =	sadd.s32 s10, s24  }
0x11e: {  	[tilespmem:s19], [sflag:$0x5] =	stream.linear.gather [hbm4b:s12+s4], $0x28, $0x38;
	[tilespmem:$0x1A900] =	vst v63  }
0x11f: {  	s10 =	sadd.s32 $0x19, s10;
	s24 =	simm.s32 $0x480;
	s12 =	simm.s32 $0x80  }
.LBB2_7:
0x120: {  	_ =	sfence.sel $0x180000  }
0x121: {  	[bflag:$0x0] =	sbarrier.arrive $0xFFFF  }
0x122: {  	_ =	strace $0x90000050  }
0x123: {  	s0 =	stileid.u32;
	[bflag:$0x2] =	sbarrier.arrive $0xFFFF  }
0x124: {  	p0 =	sne.s32 s0, $0x0;
	s0 =	rddreg [dreg:$0x3]  }
0x125: {  	s0 =	sadd.s32 @!p0 $0x100000, s0  }
0x126: {  	[sflag:s0] =	ssyncadd.tile.s32 @!p0 $0x1;
	_ =	shalt  }
.Lfunc_end2:
_tile_overlayer_lowered:
.L_overlay_start_2:
0x127: {  	(tag) =	ssettag $0x2  }
0x128: {  	s0 =	rddreg [dreg:$0x0];
	s2 =	stileid.u32  }
0x129: {  	s1 =	rddreg [dreg:$0x1];
	p0 =	sne.s32 s2, $0x0  }
0x12a: {  	s3 =	rddreg [dreg:$0x2];
	[bflag:$0x3] =	sbarrier.arrive $0xFFFF;
	s2 =	simm.s32 @!p0 $0x1C10  }
0x12b: {  	[timem:s3], [sflag:s2] =	dma.local @!p0 [hbm:s0], s1  }
0x12c: {  	s0 =	simm.s32 @!p0 $0x10  }
0x12d: {  	_ =	swait.ge @!p0 [sflag:s0], s1  }
0x12e: {  	s1 =	ssub.s32 @!p0 $0x0, s1;
	[sflag:s0] =	ssyncset.done @!p0 $0x0  }
0x12f: {  	[sflag:s0] =	ssyncadd.s32 @!p0 s1  }
0x130: {  	[bflag:$0x3] =	sbarrier.arrive $0xFFFF  }
0x131: {  	_ =	shalt  }

</sc_bundles>
